<compile_context>
chip_gen: v7x
topology: tpu7x:2x2x1
jax: 0.10.2.dev20260603
libtpu: 0.0.44.dev20260713+nightly
codegen_flags: <defaults>
</compile_context>

<pallas_src>
import functools

import jax
import jax.numpy as jnp
from jax import lax
from jax.experimental import pallas as pl
from jax.experimental.pallas import tpu as pltpu
from jax.experimental.pallas import tpu_sc as plsc

_LANE = 16


@functools.lru_cache(maxsize=None)
def _make_gather(b, h, d, n_workers, chunk_b):
    rows_per_w = b // n_workers
    nchunk = rows_per_w // chunk_b
    assert nchunk * chunk_b * n_workers == b and nchunk % 2 == 0
    assert d % 8 == 0
    dt = d // 8
    bt = b // 128
    mesh = plsc.VectorSubcoreMesh(core_axis_name="c", subcore_axis_name="s")

    @functools.partial(
        pl.kernel,
        mesh=mesh,
        out_type=jax.ShapeDtypeStruct((h, dt, bt, 8, 128), jnp.float32),
        compiler_params=pltpu.CompilerParams(use_tc_tiling_on_sc=False,
                                             needs_layout_passes=False),
        scratch_types=[
            pltpu.VMEM((2, chunk_b, h), jnp.int32),
            pltpu.VMEM((2, chunk_b, h, d), jnp.float32),
            pltpu.VMEM((2, h, d, chunk_b + 1), jnp.float32),
            pltpu.SemaphoreType.DMA,
            pltpu.SemaphoreType.DMA,
            pltpu.SemaphoreType.DMA,
            pltpu.SemaphoreType.DMA,
            pltpu.SemaphoreType.DMA,
            pltpu.SemaphoreType.DMA,
        ],
    )
    def gather_kernel(idx_hbm, tab_hbm, out_hbm, idx_v, rows_v, t_v,
                      i_sem0, i_sem1, g_sem0, g_sem1, o_sem0, o_sem1):
        i_sems = (i_sem0, i_sem1)
        g_sems = (g_sem0, g_sem1)
        o_sems = (o_sem0, o_sem1)
        wid = lax.axis_index("s") * 2 + lax.axis_index("c")
        base = wid * rows_per_w

        def idx_copy(g, s):
            return pltpu.make_async_copy(
                idx_hbm.at[pl.ds(base + g * chunk_b, chunk_b)],
                idx_v.at[s], i_sems[s])

        def gat_copy(s, j):
            return pltpu.make_async_copy(
                tab_hbm.at[idx_v.at[s, j]],
                rows_v.at[s, j], g_sems[s])

        def out_copy(g, s, k):
            row0 = base + g * chunk_b
            return pltpu.make_async_copy(
                t_v.at[s, :, pl.ds(8 * k, 8), pl.ds(0, chunk_b)],
                out_hbm.at[:, k, row0 // 128,
                           :, pl.ds(row0 % 128, chunk_b)],
                o_sems[s])

        lanes_i = lax.iota(jnp.int32, _LANE)
        s_vecs = tuple(jnp.full((_LANE,), s, jnp.int32) for s in (0, 1))
        d_vecs = tuple(lanes_i + (_LANE * hf) for hf in range(d // _LANE))

        def transpose_chunk(s, hh):
            hh_vec = jnp.full((_LANE,), hh, jnp.int32)
            for b in range(chunk_b):
                b_vec = jnp.full((_LANE,), b, jnp.int32)
                for hf in range(d // _LANE):
                    vals = rows_v[s, b, hh, pl.ds(_LANE * hf, _LANE)]
                    plsc.store_scatter(
                        t_v, [s_vecs[s], hh_vec, d_vecs[hf], b_vec], vals)

        idx_copy(0, 0).start()
        idx_copy(1, 1).start()
        idx_copy(0, 0).wait()
        for j in range(chunk_b):
            gat_copy(0, j).start()

        def step(i, _):
            for s in (0, 1):
                g = 2 * i + s
                for j in range(chunk_b):
                    gat_copy(s, j).wait()

                @pl.when(g + 1 < nchunk)
                def _():
                    idx_copy(g + 1, 1 - s).wait()
                    for j in range(chunk_b):
                        gat_copy(1 - s, j).start()

                @pl.when(g >= 2)
                def _():
                    for k in range(dt):
                        out_copy(g - 2, s, k).wait()

                def tbody(hh, _c):
                    transpose_chunk(s, hh)
                    return _c
                lax.fori_loop(0, h, tbody, None)

                for k in range(dt):
                    out_copy(g, s, k).start()

                @pl.when(g + 2 < nchunk)
                def _():
                    idx_copy(g + 2, s).start()
            return _

        lax.fori_loop(0, nchunk // 2, step, None)
        for k in range(dt):
            out_copy(nchunk - 2, 0, k).wait()
            out_copy(nchunk - 1, 1, k).wait()

    return gather_kernel


def kernel(indices, embeddings):
    b, h = indices.shape
    v, d = embeddings.shape
    info = plsc.get_sparse_core_info()
    n_workers = info.num_cores * info.num_subcores
    out_t = _make_gather(b, h, d, n_workers, 16)(indices.astype(jnp.int32),
                                                 embeddings)
    out = out_t.transpose(0, 1, 3, 2, 4).reshape(h, d, b)
    return out.transpose(2, 0, 1)

# --- scband reference (transcript-rebuilt; emitter-appended) ---
"""Pipeline reference for scband-embedding-28355374088884 (READ-ONLY COPY).

The authoritative reference and input builder live on the scoring server;
editing this copy changes nothing except your own understanding.
"""

import jax, jax.numpy as jnp
import numpy as np

VOCAB = 1000000
EMBED_DIM = 32
BATCH = 16384
HIST = 50

def setup_inputs(seed: int = 0) -> dict:
    key = jax.random.key(seed)
    k_idx, k_tab = jax.random.split(key)
    indices = jax.random.randint(k_idx, (BATCH, HIST), 0, VOCAB, dtype=jnp.int64 if jax.config.read('jax_enable_x64') else jnp.int32)
    # keras 'uniform' initializer default is U(-0.05, 0.05)
    embeddings = jax.random.uniform(k_tab, (VOCAB, EMBED_DIM), dtype=jnp.float32, minval=-0.05, maxval=0.05)
    return {"indices": indices, "embeddings": embeddings}

def reference(indices, embeddings):
    # Faithful to tf.nn.embedding_lookup / keras Embedding.call on dense int input
    return jnp.take(embeddings, indices, axis=0)

if __name__ == "__main__":
    import jax
    _d = setup_inputs()
    print(jax.jit(kernel)(*tuple(_d.values())))

</pallas_src>

<mosaic_0001>
#map = affine_map<(d0, d1) -> (0, 0)>
#map1 = affine_map<(d0, d1) -> (0, 0, 0, 0, 0)>
module attributes {stable_mosaic.version = 14 : i64} {
  func.func @gather_kernel(%arg0: i32, %arg1: i32, %arg2: memref<16384x50xi32, #tpu.memory_space<hbm>>, %arg3: memref<1000000x32xf32, #tpu.memory_space<hbm>>, %arg4: memref<50x4x128x8x128xf32, #tpu.memory_space<hbm>>, %arg5: memref<2x16x50xi32, #tpu.memory_space<vmem>>, %arg6: memref<2x16x50x32xf32, #tpu.memory_space<vmem>>, %arg7: memref<2x50x32x17xf32, #tpu.memory_space<vmem>>, %arg8: memref<!tpu.dma_semaphore, #tpu.memory_space<semaphore_mem>>, %arg9: memref<!tpu.dma_semaphore, #tpu.memory_space<semaphore_mem>>, %arg10: memref<!tpu.dma_semaphore, #tpu.memory_space<semaphore_mem>>, %arg11: memref<!tpu.dma_semaphore, #tpu.memory_space<semaphore_mem>>, %arg12: memref<!tpu.dma_semaphore, #tpu.memory_space<semaphore_mem>>, %arg13: memref<!tpu.dma_semaphore, #tpu.memory_space<semaphore_mem>>) attributes {dimension_semantics = [#tpu.dimension_semantics<core_parallel>, #tpu.dimension_semantics<subcore_parallel>], iteration_bounds = array<i64: 2, 16>, scalar_prefetch = 0 : i64, scratch_operands = 9 : i64, tpu.core_type = #tpu.core_type<sc_vector_subcore>, window_params = [{transform_indices = #map}, {transform_indices = #map}, {transform_indices = #map1}]} {
    %mul3A = arith.constant 2 : i32
    %mul3A_0 = arith.muli %arg1, %mul3A : i32
    %add3A = arith.addi %mul3A_0, %arg0 : i32
    %mul3A_1 = arith.constant 512 : i32
    %mul3A_2 = arith.muli %add3A, %mul3A_1 : i32
    %iota3A = tpu.iota {dimensions = array<i32: 0>} : vector<16xi32>
    %broadcast_in_dim3A = arith.constant 0 : i32
    %broadcast_in_dim3A_3 = vector.broadcast %broadcast_in_dim3A : i32 to vector<16xi32>
    %broadcast_in_dim3A_4 = arith.constant 1 : i32
    %broadcast_in_dim3A_5 = vector.broadcast %broadcast_in_dim3A_4 : i32 to vector<16xi32>
    %add3A_6 = arith.constant 0 : i32
    %add3A_7 = vector.broadcast %add3A_6 : i32 to vector<16xi32>
    %add3A_8 = arith.addi %iota3A, %add3A_7 : vector<16xi32>
    %add3A_9 = arith.constant 16 : i32
    %add3A_10 = vector.broadcast %add3A_9 : i32 to vector<16xi32>
    %add3A_11 = arith.addi %iota3A, %add3A_10 : vector<16xi32>
    %add3A_12 = arith.constant 0 : i32
    %add3A_13 = arith.addi %mul3A_2, %add3A_12 : i32
    %dma_start3A = arith.constant 0 : i32
    %dma_start3A_14 = arith.constant 0 : i32
    %dma_start3A_15 = arith.constant 0 : i32
    %dma_start3A_16 = tpu.memref_slice %arg5[%dma_start3A, %dma_start3A_14, %dma_start3A_15] : memref<2x16x50xi32, #tpu.memory_space<vmem>> -> memref<1x16x50xi32, #tpu.memory_space<vmem>>
    %dma_start3A_17 = tpu.memref_squeeze %dma_start3A_16 : memref<1x16x50xi32, #tpu.memory_space<vmem>> -> memref<16x50xi32, #tpu.memory_space<vmem>>
    %dma_start3A_18 = arith.constant 0 : i32
    %dma_start3A_19 = tpu.memref_slice %arg2[%add3A_13, %dma_start3A_18] : memref<16384x50xi32, #tpu.memory_space<hbm>> -> memref<16x50xi32, #tpu.memory_space<hbm>>
    %dma_start3A_20 = arith.constant 0 : i32
    %dma_start3A_21 = arith.constant 0 : i32
    %dma_start3A_22 = tpu.memref_slice %arg5[%dma_start3A, %dma_start3A_20, %dma_start3A_21] : memref<2x16x50xi32, #tpu.memory_space<vmem>> -> memref<1x16x50xi32, #tpu.memory_space<vmem>>
    %dma_start3A_23 = tpu.memref_squeeze %dma_start3A_22 : memref<1x16x50xi32, #tpu.memory_space<vmem>> -> memref<16x50xi32, #tpu.memory_space<vmem>>
    %dma_start3A_24 = arith.constant 0 : i32
    %dma_start3A_25 = tpu.memref_slice %arg2[%add3A_13, %dma_start3A_24] : memref<16384x50xi32, #tpu.memory_space<hbm>> -> memref<16x50xi32, #tpu.memory_space<hbm>>
    tpu.enqueue_dma source(%dma_start3A_25 : memref<16x50xi32, #tpu.memory_space<hbm>>) target(%dma_start3A_23 : memref<16x50xi32, #tpu.memory_space<vmem>>) target_semaphore(%arg8 : memref<!tpu.dma_semaphore, #tpu.memory_space<semaphore_mem>>)
    %add3A_26 = arith.constant 16 : i32
    %add3A_27 = arith.addi %mul3A_2, %add3A_26 : i32
    %dma_start3A_28 = arith.constant 1 : i32
    %dma_start3A_29 = arith.constant 0 : i32
    %dma_start3A_30 = arith.constant 0 : i32
    %dma_start3A_31 = tpu.memref_slice %arg5[%dma_start3A_28, %dma_start3A_29, %dma_start3A_30] : memref<2x16x50xi32, #tpu.memory_space<vmem>> -> memref<1x16x50xi32, #tpu.memory_space<vmem>>
    %dma_start3A_32 = tpu.memref_squeeze %dma_start3A_31 : memref<1x16x50xi32, #tpu.memory_space<vmem>> -> memref<16x50xi32, #tpu.memory_space<vmem>>
    %dma_start3A_33 = arith.constant 0 : i32
    %dma_start3A_34 = tpu.memref_slice %arg2[%add3A_27, %dma_start3A_33] : memref<16384x50xi32, #tpu.memory_space<hbm>> -> memref<16x50xi32, #tpu.memory_space<hbm>>
    %dma_start3A_35 = arith.constant 0 : i32
    %dma_start3A_36 = arith.constant 0 : i32
    %dma_start3A_37 = tpu.memref_slice %arg5[%dma_start3A_28, %dma_start3A_35, %dma_start3A_36] : memref<2x16x50xi32, #tpu.memory_space<vmem>> -> memref<1x16x50xi32, #tpu.memory_space<vmem>>
    %dma_start3A_38 = tpu.memref_squeeze %dma_start3A_37 : memref<1x16x50xi32, #tpu.memory_space<vmem>> -> memref<16x50xi32, #tpu.memory_space<vmem>>
    %dma_start3A_39 = arith.constant 0 : i32
    %dma_start3A_40 = tpu.memref_slice %arg2[%add3A_27, %dma_start3A_39] : memref<16384x50xi32, #tpu.memory_space<hbm>> -> memref<16x50xi32, #tpu.memory_space<hbm>>
    tpu.enqueue_dma source(%dma_start3A_40 : memref<16x50xi32, #tpu.memory_space<hbm>>) target(%dma_start3A_38 : memref<16x50xi32, #tpu.memory_space<vmem>>) target_semaphore(%arg9 : memref<!tpu.dma_semaphore, #tpu.memory_space<semaphore_mem>>)
    %add3A_41 = arith.constant 0 : i32
    %add3A_42 = arith.addi %mul3A_2, %add3A_41 : i32
    %dma_wait3A = arith.constant 0 : i32
    %dma_wait3A_43 = arith.constant 0 : i32
    %dma_wait3A_44 = arith.constant 0 : i32
    %dma_wait3A_45 = tpu.memref_slice %arg5[%dma_wait3A, %dma_wait3A_43, %dma_wait3A_44] : memref<2x16x50xi32, #tpu.memory_space<vmem>> -> memref<1x16x50xi32, #tpu.memory_space<vmem>>
    %dma_wait3A_46 = tpu.memref_squeeze %dma_wait3A_45 : memref<1x16x50xi32, #tpu.memory_space<vmem>> -> memref<16x50xi32, #tpu.memory_space<vmem>>
    %dma_wait3A_47 = arith.constant 0 : i32
    %dma_wait3A_48 = tpu.memref_slice %arg2[%add3A_42, %dma_wait3A_47] : memref<16384x50xi32, #tpu.memory_space<hbm>> -> memref<16x50xi32, #tpu.memory_space<hbm>>
    %dma_wait3A_49 = arith.constant 0 : i32
    %dma_wait3A_50 = arith.constant 0 : i32
    %dma_wait3A_51 = tpu.memref_slice %arg5[%dma_wait3A, %dma_wait3A_49, %dma_wait3A_50] : memref<2x16x50xi32, #tpu.memory_space<vmem>> -> memref<1x16x50xi32, #tpu.memory_space<vmem>>
    %dma_wait3A_52 = tpu.memref_squeeze %dma_wait3A_51 : memref<1x16x50xi32, #tpu.memory_space<vmem>> -> memref<16x50xi32, #tpu.memory_space<vmem>>
    %dma_wait3A_53 = arith.constant 0 : i32
    %dma_wait3A_54 = tpu.memref_slice %arg2[%add3A_42, %dma_wait3A_53] : memref<16384x50xi32, #tpu.memory_space<hbm>> -> memref<16x50xi32, #tpu.memory_space<hbm>>
    tpu.wait_dma2 semaphore(%arg8 : memref<!tpu.dma_semaphore, #tpu.memory_space<semaphore_mem>>) src(%dma_wait3A_54 : memref<16x50xi32, #tpu.memory_space<hbm>>) dst(%dma_wait3A_52 : memref<16x50xi32, #tpu.memory_space<vmem>>)
    %dma_start3A_55 = arith.constant 0 : i32
    %dma_start3A_56 = arith.constant 0 : i32
    %dma_start3A_57 = arith.constant 0 : i32
    %dma_start3A_58 = arith.constant 0 : i32
    %dma_start3A_59 = arith.constant 0 : i32
    %dma_start3A_60 = arith.constant 0 : i32
    %dma_start3A_61 = tpu.memref_slice %arg6[%dma_start3A_57, %dma_start3A_58, %dma_start3A_59, %dma_start3A_60] : memref<2x16x50x32xf32, #tpu.memory_space<vmem>> -> memref<1x1x50x32xf32, #tpu.memory_space<vmem>>
    %dma_start3A_62 = tpu.memref_squeeze %dma_start3A_61 : memref<1x1x50x32xf32, #tpu.memory_space<vmem>> -> memref<50x32xf32, #tpu.memory_space<vmem>>
    %dma_start3A_63 = arith.constant 0 : i32
    %dma_start3A_64 = tpu.memref_slice %arg5[%dma_start3A_55, %dma_start3A_56, %dma_start3A_63] : memref<2x16x50xi32, #tpu.memory_space<vmem>> -> memref<1x1x50xi32, #tpu.memory_space<vmem>>
    %dma_start3A_65 = tpu.memref_squeeze %dma_start3A_64 : memref<1x1x50xi32, #tpu.memory_space<vmem>> -> memref<50xi32, #tpu.memory_space<vmem>>
    %dma_start3A_66 = arith.constant 0 : i32
    %dma_start3A_67 = arith.constant 0 : i32
    %dma_start3A_68 = tpu.memref_slice %arg3[%dma_start3A_66, %dma_start3A_67] : memref<1000000x32xf32, #tpu.memory_space<hbm>> -> memref<1000000x32xf32, #tpu.memory_space<hbm>>
    tpu.enqueue_indirect_dma source(%dma_start3A_68 : memref<1000000x32xf32, #tpu.memory_space<hbm>>) target(%dma_start3A_62 : memref<50x32xf32, #tpu.memory_space<vmem>>) offsets(%dma_start3A_65 : memref<50xi32, #tpu.memory_space<vmem>>) semaphore(%arg10 : memref<!tpu.dma_semaphore, #tpu.memory_space<semaphore_mem>>)
    %dma_start3A_69 = arith.constant 0 : i32
    %dma_start3A_70 = arith.constant 1 : i32
    %dma_start3A_71 = arith.constant 0 : i32
    %dma_start3A_72 = arith.constant 1 : i32
    %dma_start3A_73 = arith.constant 0 : i32
    %dma_start3A_74 = arith.constant 0 : i32
    %dma_start3A_75 = tpu.memref_slice %arg6[%dma_start3A_71, %dma_start3A_72, %dma_start3A_73, %dma_start3A_74] : memref<2x16x50x32xf32, #tpu.memory_space<vmem>> -> memref<1x1x50x32xf32, #tpu.memory_space<vmem>>
    %dma_start3A_76 = tpu.memref_squeeze %dma_start3A_75 : memref<1x1x50x32xf32, #tpu.memory_space<vmem>> -> memref<50x32xf32, #tpu.memory_space<vmem>>
    %dma_start3A_77 = arith.constant 0 : i32
    %dma_start3A_78 = tpu.memref_slice %arg5[%dma_start3A_69, %dma_start3A_70, %dma_start3A_77] : memref<2x16x50xi32, #tpu.memory_space<vmem>> -> memref<1x1x50xi32, #tpu.memory_space<vmem>>
    %dma_start3A_79 = tpu.memref_squeeze %dma_start3A_78 : memref<1x1x50xi32, #tpu.memory_space<vmem>> -> memref<50xi32, #tpu.memory_space<vmem>>
    %dma_start3A_80 = arith.constant 0 : i32
    %dma_start3A_81 = arith.constant 0 : i32
    %dma_start3A_82 = tpu.memref_slice %arg3[%dma_start3A_80, %dma_start3A_81] : memref<1000000x32xf32, #tpu.memory_space<hbm>> -> memref<1000000x32xf32, #tpu.memory_space<hbm>>
    tpu.enqueue_indirect_dma source(%dma_start3A_82 : memref<1000000x32xf32, #tpu.memory_space<hbm>>) target(%dma_start3A_76 : memref<50x32xf32, #tpu.memory_space<vmem>>) offsets(%dma_start3A_79 : memref<50xi32, #tpu.memory_space<vmem>>) semaphore(%arg10 : memref<!tpu.dma_semaphore, #tpu.memory_space<semaphore_mem>>)
    %dma_start3A_83 = arith.constant 0 : i32
    %dma_start3A_84 = arith.constant 2 : i32
    %dma_start3A_85 = arith.constant 0 : i32
    %dma_start3A_86 = arith.constant 2 : i32
    %dma_start3A_87 = arith.constant 0 : i32
    %dma_start3A_88 = arith.constant 0 : i32
    %dma_start3A_89 = tpu.memref_slice %arg6[%dma_start3A_85, %dma_start3A_86, %dma_start3A_87, %dma_start3A_88] : memref<2x16x50x32xf32, #tpu.memory_space<vmem>> -> memref<1x1x50x32xf32, #tpu.memory_space<vmem>>
    %dma_start3A_90 = tpu.memref_squeeze %dma_start3A_89 : memref<1x1x50x32xf32, #tpu.memory_space<vmem>> -> memref<50x32xf32, #tpu.memory_space<vmem>>
    %dma_start3A_91 = arith.constant 0 : i32
    %dma_start3A_92 = tpu.memref_slice %arg5[%dma_start3A_83, %dma_start3A_84, %dma_start3A_91] : memref<2x16x50xi32, #tpu.memory_space<vmem>> -> memref<1x1x50xi32, #tpu.memory_space<vmem>>
    %dma_start3A_93 = tpu.memref_squeeze %dma_start3A_92 : memref<1x1x50xi32, #tpu.memory_space<vmem>> -> memref<50xi32, #tpu.memory_space<vmem>>
    %dma_start3A_94 = arith.constant 0 : i32
    %dma_start3A_95 = arith.constant 0 : i32
    %dma_start3A_96 = tpu.memref_slice %arg3[%dma_start3A_94, %dma_start3A_95] : memref<1000000x32xf32, #tpu.memory_space<hbm>> -> memref<1000000x32xf32, #tpu.memory_space<hbm>>
    tpu.enqueue_indirect_dma source(%dma_start3A_96 : memref<1000000x32xf32, #tpu.memory_space<hbm>>) target(%dma_start3A_90 : memref<50x32xf32, #tpu.memory_space<vmem>>) offsets(%dma_start3A_93 : memref<50xi32, #tpu.memory_space<vmem>>) semaphore(%arg10 : memref<!tpu.dma_semaphore, #tpu.memory_space<semaphore_mem>>)
    %dma_start3A_97 = arith.constant 0 : i32
    %dma_start3A_98 = arith.constant 3 : i32
    %dma_start3A_99 = arith.constant 0 : i32
    %dma_start3A_100 = arith.constant 3 : i32
    %dma_start3A_101 = arith.constant 0 : i32
    %dma_start3A_102 = arith.constant 0 : i32
    %dma_start3A_103 = tpu.memref_slice %arg6[%dma_start3A_99, %dma_start3A_100, %dma_start3A_101, %dma_start3A_102] : memref<2x16x50x32xf32, #tpu.memory_space<vmem>> -> memref<1x1x50x32xf32, #tpu.memory_space<vmem>>
    %dma_start3A_104 = tpu.memref_squeeze %dma_start3A_103 : memref<1x1x50x32xf32, #tpu.memory_space<vmem>> -> memref<50x32xf32, #tpu.memory_space<vmem>>
    %dma_start3A_105 = arith.constant 0 : i32
    %dma_start3A_106 = tpu.memref_slice %arg5[%dma_start3A_97, %dma_start3A_98, %dma_start3A_105] : memref<2x16x50xi32, #tpu.memory_space<vmem>> -> memref<1x1x50xi32, #tpu.memory_space<vmem>>
    %dma_start3A_107 = tpu.memref_squeeze %dma_start3A_106 : memref<1x1x50xi32, #tpu.memory_space<vmem>> -> memref<50xi32, #tpu.memory_space<vmem>>
    %dma_start3A_108 = arith.constant 0 : i32
    %dma_start3A_109 = arith.constant 0 : i32
    %dma_start3A_110 = tpu.memref_slice %arg3[%dma_start3A_108, %dma_start3A_109] : memref<1000000x32xf32, #tpu.memory_space<hbm>> -> memref<1000000x32xf32, #tpu.memory_space<hbm>>
    tpu.enqueue_indirect_dma source(%dma_start3A_110 : memref<1000000x32xf32, #tpu.memory_space<hbm>>) target(%dma_start3A_104 : memref<50x32xf32, #tpu.memory_space<vmem>>) offsets(%dma_start3A_107 : memref<50xi32, #tpu.memory_space<vmem>>) semaphore(%arg10 : memref<!tpu.dma_semaphore, #tpu.memory_space<semaphore_mem>>)
    %dma_start3A_111 = arith.constant 0 : i32
    %dma_start3A_112 = arith.constant 4 : i32
    %dma_start3A_113 = arith.constant 0 : i32
    %dma_start3A_114 = arith.constant 4 : i32
    %dma_start3A_115 = arith.constant 0 : i32
    %dma_start3A_116 = arith.constant 0 : i32
    %dma_start3A_117 = tpu.memref_slice %arg6[%dma_start3A_113, %dma_start3A_114, %dma_start3A_115, %dma_start3A_116] : memref<2x16x50x32xf32, #tpu.memory_space<vmem>> -> memref<1x1x50x32xf32, #tpu.memory_space<vmem>>
    %dma_start3A_118 = tpu.memref_squeeze %dma_start3A_117 : memref<1x1x50x32xf32, #tpu.memory_space<vmem>> -> memref<50x32xf32, #tpu.memory_space<vmem>>
    %dma_start3A_119 = arith.constant 0 : i32
    %dma_start3A_120 = tpu.memref_slice %arg5[%dma_start3A_111, %dma_start3A_112, %dma_start3A_119] : memref<2x16x50xi32, #tpu.memory_space<vmem>> -> memref<1x1x50xi32, #tpu.memory_space<vmem>>
    %dma_start3A_121 = tpu.memref_squeeze %dma_start3A_120 : memref<1x1x50xi32, #tpu.memory_space<vmem>> -> memref<50xi32, #tpu.memory_space<vmem>>
    %dma_start3A_122 = arith.constant 0 : i32
    %dma_start3A_123 = arith.constant 0 : i32
    %dma_start3A_124 = tpu.memref_slice %arg3[%dma_start3A_122, %dma_start3A_123] : memref<1000000x32xf32, #tpu.memory_space<hbm>> -> memref<1000000x32xf32, #tpu.memory_space<hbm>>
    tpu.enqueue_indirect_dma source(%dma_start3A_124 : memref<1000000x32xf32, #tpu.memory_space<hbm>>) target(%dma_start3A_118 : memref<50x32xf32, #tpu.memory_space<vmem>>) offsets(%dma_start3A_121 : memref<50xi32, #tpu.memory_space<vmem>>) semaphore(%arg10 : memref<!tpu.dma_semaphore, #tpu.memory_space<semaphore_mem>>)
    %dma_start3A_125 = arith.constant 0 : i32
    %dma_start3A_126 = arith.constant 5 : i32
    %dma_start3A_127 = arith.constant 0 : i32
    %dma_start3A_128 = arith.constant 5 : i32
    %dma_start3A_129 = arith.constant 0 : i32
    %dma_start3A_130 = arith.constant 0 : i32
    %dma_start3A_131 = tpu.memref_slice %arg6[%dma_start3A_127, %dma_start3A_128, %dma_start3A_129, %dma_start3A_130] : memref<2x16x50x32xf32, #tpu.memory_space<vmem>> -> memref<1x1x50x32xf32, #tpu.memory_space<vmem>>
    %dma_start3A_132 = tpu.memref_squeeze %dma_start3A_131 : memref<1x1x50x32xf32, #tpu.memory_space<vmem>> -> memref<50x32xf32, #tpu.memory_space<vmem>>
    %dma_start3A_133 = arith.constant 0 : i32
    %dma_start3A_134 = tpu.memref_slice %arg5[%dma_start3A_125, %dma_start3A_126, %dma_start3A_133] : memref<2x16x50xi32, #tpu.memory_space<vmem>> -> memref<1x1x50xi32, #tpu.memory_space<vmem>>
    %dma_start3A_135 = tpu.memref_squeeze %dma_start3A_134 : memref<1x1x50xi32, #tpu.memory_space<vmem>> -> memref<50xi32, #tpu.memory_space<vmem>>
    %dma_start3A_136 = arith.constant 0 : i32
    %dma_start3A_137 = arith.constant 0 : i32
    %dma_start3A_138 = tpu.memref_slice %arg3[%dma_start3A_136, %dma_start3A_137] : memref<1000000x32xf32, #tpu.memory_space<hbm>> -> memref<1000000x32xf32, #tpu.memory_space<hbm>>
    tpu.enqueue_indirect_dma source(%dma_start3A_138 : memref<1000000x32xf32, #tpu.memory_space<hbm>>) target(%dma_start3A_132 : memref<50x32xf32, #tpu.memory_space<vmem>>) offsets(%dma_start3A_135 : memref<50xi32, #tpu.memory_space<vmem>>) semaphore(%arg10 : memref<!tpu.dma_semaphore, #tpu.memory_space<semaphore_mem>>)
    %dma_start3A_139 = arith.constant 0 : i32
    %dma_start3A_140 = arith.constant 6 : i32
    %dma_start3A_141 = arith.constant 0 : i32
    %dma_start3A_142 = arith.constant 6 : i32
    %dma_start3A_143 = arith.constant 0 : i32
    %dma_start3A_144 = arith.constant 0 : i32
    %dma_start3A_145 = tpu.memref_slice %arg6[%dma_start3A_141, %dma_start3A_142, %dma_start3A_143, %dma_start3A_144] : memref<2x16x50x32xf32, #tpu.memory_space<vmem>> -> memref<1x1x50x32xf32, #tpu.memory_space<vmem>>
    %dma_start3A_146 = tpu.memref_squeeze %dma_start3A_145 : memref<1x1x50x32xf32, #tpu.memory_space<vmem>> -> memref<50x32xf32, #tpu.memory_space<vmem>>
    %dma_start3A_147 = arith.constant 0 : i32
    %dma_start3A_148 = tpu.memref_slice %arg5[%dma_start3A_139, %dma_start3A_140, %dma_start3A_147] : memref<2x16x50xi32, #tpu.memory_space<vmem>> -> memref<1x1x50xi32, #tpu.memory_space<vmem>>
    %dma_start3A_149 = tpu.memref_squeeze %dma_start3A_148 : memref<1x1x50xi32, #tpu.memory_space<vmem>> -> memref<50xi32, #tpu.memory_space<vmem>>
    %dma_start3A_150 = arith.constant 0 : i32
    %dma_start3A_151 = arith.constant 0 : i32
    %dma_start3A_152 = tpu.memref_slice %arg3[%dma_start3A_150, %dma_start3A_151] : memref<1000000x32xf32, #tpu.memory_space<hbm>> -> memref<1000000x32xf32, #tpu.memory_space<hbm>>
    tpu.enqueue_indirect_dma source(%dma_start3A_152 : memref<1000000x32xf32, #tpu.memory_space<hbm>>) target(%dma_start3A_146 : memref<50x32xf32, #tpu.memory_space<vmem>>) offsets(%dma_start3A_149 : memref<50xi32, #tpu.memory_space<vmem>>) semaphore(%arg10 : memref<!tpu.dma_semaphore, #tpu.memory_space<semaphore_mem>>)
    %dma_start3A_153 = arith.constant 0 : i32
    %dma_start3A_154 = arith.constant 7 : i32
    %dma_start3A_155 = arith.constant 0 : i32
    %dma_start3A_156 = arith.constant 7 : i32
    %dma_start3A_157 = arith.constant 0 : i32
    %dma_start3A_158 = arith.constant 0 : i32
    %dma_start3A_159 = tpu.memref_slice %arg6[%dma_start3A_155, %dma_start3A_156, %dma_start3A_157, %dma_start3A_158] : memref<2x16x50x32xf32, #tpu.memory_space<vmem>> -> memref<1x1x50x32xf32, #tpu.memory_space<vmem>>
    %dma_start3A_160 = tpu.memref_squeeze %dma_start3A_159 : memref<1x1x50x32xf32, #tpu.memory_space<vmem>> -> memref<50x32xf32, #tpu.memory_space<vmem>>
    %dma_start3A_161 = arith.constant 0 : i32
    %dma_start3A_162 = tpu.memref_slice %arg5[%dma_start3A_153, %dma_start3A_154, %dma_start3A_161] : memref<2x16x50xi32, #tpu.memory_space<vmem>> -> memref<1x1x50xi32, #tpu.memory_space<vmem>>
    %dma_start3A_163 = tpu.memref_squeeze %dma_start3A_162 : memref<1x1x50xi32, #tpu.memory_space<vmem>> -> memref<50xi32, #tpu.memory_space<vmem>>
    %dma_start3A_164 = arith.constant 0 : i32
    %dma_start3A_165 = arith.constant 0 : i32
    %dma_start3A_166 = tpu.memref_slice %arg3[%dma_start3A_164, %dma_start3A_165] : memref<1000000x32xf32, #tpu.memory_space<hbm>> -> memref<1000000x32xf32, #tpu.memory_space<hbm>>
    tpu.enqueue_indirect_dma source(%dma_start3A_166 : memref<1000000x32xf32, #tpu.memory_space<hbm>>) target(%dma_start3A_160 : memref<50x32xf32, #tpu.memory_space<vmem>>) offsets(%dma_start3A_163 : memref<50xi32, #tpu.memory_space<vmem>>) semaphore(%arg10 : memref<!tpu.dma_semaphore, #tpu.memory_space<semaphore_mem>>)
    %dma_start3A_167 = arith.constant 0 : i32
    %dma_start3A_168 = arith.constant 8 : i32
    %dma_start3A_169 = arith.constant 0 : i32
    %dma_start3A_170 = arith.constant 8 : i32
    %dma_start3A_171 = arith.constant 0 : i32
    %dma_start3A_172 = arith.constant 0 : i32
    %dma_start3A_173 = tpu.memref_slice %arg6[%dma_start3A_169, %dma_start3A_170, %dma_start3A_171, %dma_start3A_172] : memref<2x16x50x32xf32, #tpu.memory_space<vmem>> -> memref<1x1x50x32xf32, #tpu.memory_space<vmem>>
    %dma_start3A_174 = tpu.memref_squeeze %dma_start3A_173 : memref<1x1x50x32xf32, #tpu.memory_space<vmem>> -> memref<50x32xf32, #tpu.memory_space<vmem>>
    %dma_start3A_175 = arith.constant 0 : i32
    %dma_start3A_176 = tpu.memref_slice %arg5[%dma_start3A_167, %dma_start3A_168, %dma_start3A_175] : memref<2x16x50xi32, #tpu.memory_space<vmem>> -> memref<1x1x50xi32, #tpu.memory_space<vmem>>
    %dma_start3A_177 = tpu.memref_squeeze %dma_start3A_176 : memref<1x1x50xi32, #tpu.memory_space<vmem>> -> memref<50xi32, #tpu.memory_space<vmem>>
    %dma_start3A_178 = arith.constant 0 : i32
    %dma_start3A_179 = arith.constant 0 : i32
    %dma_start3A_180 = tpu.memref_slice %arg3[%dma_start3A_178, %dma_start3A_179] : memref<1000000x32xf32, #tpu.memory_space<hbm>> -> memref<1000000x32xf32, #tpu.memory_space<hbm>>
    tpu.enqueue_indirect_dma source(%dma_start3A_180 : memref<1000000x32xf32, #tpu.memory_space<hbm>>) target(%dma_start3A_174 : memref<50x32xf32, #tpu.memory_space<vmem>>) offsets(%dma_start3A_177 : memref<50xi32, #tpu.memory_space<vmem>>) semaphore(%arg10 : memref<!tpu.dma_semaphore, #tpu.memory_space<semaphore_mem>>)
    %dma_start3A_181 = arith.constant 0 : i32
    %dma_start3A_182 = arith.constant 9 : i32
    %dma_start3A_183 = arith.constant 0 : i32
    %dma_start3A_184 = arith.constant 9 : i32
    %dma_start3A_185 = arith.constant 0 : i32
    %dma_start3A_186 = arith.constant 0 : i32
    %dma_start3A_187 = tpu.memref_slice %arg6[%dma_start3A_183, %dma_start3A_184, %dma_start3A_185, %dma_start3A_186] : memref<2x16x50x32xf32, #tpu.memory_space<vmem>> -> memref<1x1x50x32xf32, #tpu.memory_space<vmem>>
    %dma_start3A_188 = tpu.memref_squeeze %dma_start3A_187 : memref<1x1x50x32xf32, #tpu.memory_space<vmem>> -> memref<50x32xf32, #tpu.memory_space<vmem>>
    %dma_start3A_189 = arith.constant 0 : i32
    %dma_start3A_190 = tpu.memref_slice %arg5[%dma_start3A_181, %dma_start3A_182, %dma_start3A_189] : memref<2x16x50xi32, #tpu.memory_space<vmem>> -> memref<1x1x50xi32, #tpu.memory_space<vmem>>
    %dma_start3A_191 = tpu.memref_squeeze %dma_start3A_190 : memref<1x1x50xi32, #tpu.memory_space<vmem>> -> memref<50xi32, #tpu.memory_space<vmem>>
    %dma_start3A_192 = arith.constant 0 : i32
    %dma_start3A_193 = arith.constant 0 : i32
    %dma_start3A_194 = tpu.memref_slice %arg3[%dma_start3A_192, %dma_start3A_193] : memref<1000000x32xf32, #tpu.memory_space<hbm>> -> memref<1000000x32xf32, #tpu.memory_space<hbm>>
    tpu.enqueue_indirect_dma source(%dma_start3A_194 : memref<1000000x32xf32, #tpu.memory_space<hbm>>) target(%dma_start3A_188 : memref<50x32xf32, #tpu.memory_space<vmem>>) offsets(%dma_start3A_191 : memref<50xi32, #tpu.memory_space<vmem>>) semaphore(%arg10 : memref<!tpu.dma_semaphore, #tpu.memory_space<semaphore_mem>>)
    %dma_start3A_195 = arith.constant 0 : i32
    %dma_start3A_196 = arith.constant 10 : i32
    %dma_start3A_197 = arith.constant 0 : i32
    %dma_start3A_198 = arith.constant 10 : i32
    %dma_start3A_199 = arith.constant 0 : i32
    %dma_start3A_200 = arith.constant 0 : i32
    %dma_start3A_201 = tpu.memref_slice %arg6[%dma_start3A_197, %dma_start3A_198, %dma_start3A_199, %dma_start3A_200] : memref<2x16x50x32xf32, #tpu.memory_space<vmem>> -> memref<1x1x50x32xf32, #tpu.memory_space<vmem>>
    %dma_start3A_202 = tpu.memref_squeeze %dma_start3A_201 : memref<1x1x50x32xf32, #tpu.memory_space<vmem>> -> memref<50x32xf32, #tpu.memory_space<vmem>>
    %dma_start3A_203 = arith.constant 0 : i32
    %dma_start3A_204 = tpu.memref_slice %arg5[%dma_start3A_195, %dma_start3A_196, %dma_start3A_203] : memref<2x16x50xi32, #tpu.memory_space<vmem>> -> memref<1x1x50xi32, #tpu.memory_space<vmem>>
    %dma_start3A_205 = tpu.memref_squeeze %dma_start3A_204 : memref<1x1x50xi32, #tpu.memory_space<vmem>> -> memref<50xi32, #tpu.memory_space<vmem>>
    %dma_start3A_206 = arith.constant 0 : i32
    %dma_start3A_207 = arith.constant 0 : i32
    %dma_start3A_208 = tpu.memref_slice %arg3[%dma_start3A_206, %dma_start3A_207] : memref<1000000x32xf32, #tpu.memory_space<hbm>> -> memref<1000000x32xf32, #tpu.memory_space<hbm>>
    tpu.enqueue_indirect_dma source(%dma_start3A_208 : memref<1000000x32xf32, #tpu.memory_space<hbm>>) target(%dma_start3A_202 : memref<50x32xf32, #tpu.memory_space<vmem>>) offsets(%dma_start3A_205 : memref<50xi32, #tpu.memory_space<vmem>>) semaphore(%arg10 : memref<!tpu.dma_semaphore, #tpu.memory_space<semaphore_mem>>)
    %dma_start3A_209 = arith.constant 0 : i32
    %dma_start3A_210 = arith.constant 11 : i32
    %dma_start3A_211 = arith.constant 0 : i32
    %dma_start3A_212 = arith.constant 11 : i32
    %dma_start3A_213 = arith.constant 0 : i32
    %dma_start3A_214 = arith.constant 0 : i32
    %dma_start3A_215 = tpu.memref_slice %arg6[%dma_start3A_211, %dma_start3A_212, %dma_start3A_213, %dma_start3A_214] : memref<2x16x50x32xf32, #tpu.memory_space<vmem>> -> memref<1x1x50x32xf32, #tpu.memory_space<vmem>>
    %dma_start3A_216 = tpu.memref_squeeze %dma_start3A_215 : memref<1x1x50x32xf32, #tpu.memory_space<vmem>> -> memref<50x32xf32, #tpu.memory_space<vmem>>
    %dma_start3A_217 = arith.constant 0 : i32
    %dma_start3A_218 = tpu.memref_slice %arg5[%dma_start3A_209, %dma_start3A_210, %dma_start3A_217] : memref<2x16x50xi32, #tpu.memory_space<vmem>> -> memref<1x1x50xi32, #tpu.memory_space<vmem>>
    %dma_start3A_219 = tpu.memref_squeeze %dma_start3A_218 : memref<1x1x50xi32, #tpu.memory_space<vmem>> -> memref<50xi32, #tpu.memory_space<vmem>>
    %dma_start3A_220 = arith.constant 0 : i32
    %dma_start3A_221 = arith.constant 0 : i32
    %dma_start3A_222 = tpu.memref_slice %arg3[%dma_start3A_220, %dma_start3A_221] : memref<1000000x32xf32, #tpu.memory_space<hbm>> -> memref<1000000x32xf32, #tpu.memory_space<hbm>>
    tpu.enqueue_indirect_dma source(%dma_start3A_222 : memref<1000000x32xf32, #tpu.memory_space<hbm>>) target(%dma_start3A_216 : memref<50x32xf32, #tpu.memory_space<vmem>>) offsets(%dma_start3A_219 : memref<50xi32, #tpu.memory_space<vmem>>) semaphore(%arg10 : memref<!tpu.dma_semaphore, #tpu.memory_space<semaphore_mem>>)
    %dma_start3A_223 = arith.constant 0 : i32
    %dma_start3A_224 = arith.constant 12 : i32
    %dma_start3A_225 = arith.constant 0 : i32
    %dma_start3A_226 = arith.constant 12 : i32
    %dma_start3A_227 = arith.constant 0 : i32
    %dma_start3A_228 = arith.constant 0 : i32
    %dma_start3A_229 = tpu.memref_slice %arg6[%dma_start3A_225, %dma_start3A_226, %dma_start3A_227, %dma_start3A_228] : memref<2x16x50x32xf32, #tpu.memory_space<vmem>> -> memref<1x1x50x32xf32, #tpu.memory_space<vmem>>
    %dma_start3A_230 = tpu.memref_squeeze %dma_start3A_229 : memref<1x1x50x32xf32, #tpu.memory_space<vmem>> -> memref<50x32xf32, #tpu.memory_space<vmem>>
    %dma_start3A_231 = arith.constant 0 : i32
    %dma_start3A_232 = tpu.memref_slice %arg5[%dma_start3A_223, %dma_start3A_224, %dma_start3A_231] : memref<2x16x50xi32, #tpu.memory_space<vmem>> -> memref<1x1x50xi32, #tpu.memory_space<vmem>>
    %dma_start3A_233 = tpu.memref_squeeze %dma_start3A_232 : memref<1x1x50xi32, #tpu.memory_space<vmem>> -> memref<50xi32, #tpu.memory_space<vmem>>
    %dma_start3A_234 = arith.constant 0 : i32
    %dma_start3A_235 = arith.constant 0 : i32
    %dma_start3A_236 = tpu.memref_slice %arg3[%dma_start3A_234, %dma_start3A_235] : memref<1000000x32xf32, #tpu.memory_space<hbm>> -> memref<1000000x32xf32, #tpu.memory_space<hbm>>
    tpu.enqueue_indirect_dma source(%dma_start3A_236 : memref<1000000x32xf32, #tpu.memory_space<hbm>>) target(%dma_start3A_230 : memref<50x32xf32, #tpu.memory_space<vmem>>) offsets(%dma_start3A_233 : memref<50xi32, #tpu.memory_space<vmem>>) semaphore(%arg10 : memref<!tpu.dma_semaphore, #tpu.memory_space<semaphore_mem>>)
    %dma_start3A_237 = arith.constant 0 : i32
    %dma_start3A_238 = arith.constant 13 : i32
    %dma_start3A_239 = arith.constant 0 : i32
    %dma_start3A_240 = arith.constant 13 : i32
    %dma_start3A_241 = arith.constant 0 : i32
    %dma_start3A_242 = arith.constant 0 : i32
    %dma_start3A_243 = tpu.memref_slice %arg6[%dma_start3A_239, %dma_start3A_240, %dma_start3A_241, %dma_start3A_242] : memref<2x16x50x32xf32, #tpu.memory_space<vmem>> -> memref<1x1x50x32xf32, #tpu.memory_space<vmem>>
    %dma_start3A_244 = tpu.memref_squeeze %dma_start3A_243 : memref<1x1x50x32xf32, #tpu.memory_space<vmem>> -> memref<50x32xf32, #tpu.memory_space<vmem>>
    %dma_start3A_245 = arith.constant 0 : i32
    %dma_start3A_246 = tpu.memref_slice %arg5[%dma_start3A_237, %dma_start3A_238, %dma_start3A_245] : memref<2x16x50xi32, #tpu.memory_space<vmem>> -> memref<1x1x50xi32, #tpu.memory_space<vmem>>
    %dma_start3A_247 = tpu.memref_squeeze %dma_start3A_246 : memref<1x1x50xi32, #tpu.memory_space<vmem>> -> memref<50xi32, #tpu.memory_space<vmem>>
    %dma_start3A_248 = arith.constant 0 : i32
    %dma_start3A_249 = arith.constant 0 : i32
    %dma_start3A_250 = tpu.memref_slice %arg3[%dma_start3A_248, %dma_start3A_249] : memref<1000000x32xf32, #tpu.memory_space<hbm>> -> memref<1000000x32xf32, #tpu.memory_space<hbm>>
    tpu.enqueue_indirect_dma source(%dma_start3A_250 : memref<1000000x32xf32, #tpu.memory_space<hbm>>) target(%dma_start3A_244 : memref<50x32xf32, #tpu.memory_space<vmem>>) offsets(%dma_start3A_247 : memref<50xi32, #tpu.memory_space<vmem>>) semaphore(%arg10 : memref<!tpu.dma_semaphore, #tpu.memory_space<semaphore_mem>>)
    %dma_start3A_251 = arith.constant 0 : i32
    %dma_start3A_252 = arith.constant 14 : i32
    %dma_start3A_253 = arith.constant 0 : i32
    %dma_start3A_254 = arith.constant 14 : i32
    %dma_start3A_255 = arith.constant 0 : i32
    %dma_start3A_256 = arith.constant 0 : i32
    %dma_start3A_257 = tpu.memref_slice %arg6[%dma_start3A_253, %dma_start3A_254, %dma_start3A_255, %dma_start3A_256] : memref<2x16x50x32xf32, #tpu.memory_space<vmem>> -> memref<1x1x50x32xf32, #tpu.memory_space<vmem>>
    %dma_start3A_258 = tpu.memref_squeeze %dma_start3A_257 : memref<1x1x50x32xf32, #tpu.memory_space<vmem>> -> memref<50x32xf32, #tpu.memory_space<vmem>>
    %dma_start3A_259 = arith.constant 0 : i32
    %dma_start3A_260 = tpu.memref_slice %arg5[%dma_start3A_251, %dma_start3A_252, %dma_start3A_259] : memref<2x16x50xi32, #tpu.memory_space<vmem>> -> memref<1x1x50xi32, #tpu.memory_space<vmem>>
    %dma_start3A_261 = tpu.memref_squeeze %dma_start3A_260 : memref<1x1x50xi32, #tpu.memory_space<vmem>> -> memref<50xi32, #tpu.memory_space<vmem>>
    %dma_start3A_262 = arith.constant 0 : i32
    %dma_start3A_263 = arith.constant 0 : i32
    %dma_start3A_264 = tpu.memref_slice %arg3[%dma_start3A_262, %dma_start3A_263] : memref<1000000x32xf32, #tpu.memory_space<hbm>> -> memref<1000000x32xf32, #tpu.memory_space<hbm>>
    tpu.enqueue_indirect_dma source(%dma_start3A_264 : memref<1000000x32xf32, #tpu.memory_space<hbm>>) target(%dma_start3A_258 : memref<50x32xf32, #tpu.memory_space<vmem>>) offsets(%dma_start3A_261 : memref<50xi32, #tpu.memory_space<vmem>>) semaphore(%arg10 : memref<!tpu.dma_semaphore, #tpu.memory_space<semaphore_mem>>)
    %dma_start3A_265 = arith.constant 0 : i32
    %dma_start3A_266 = arith.constant 15 : i32
    %dma_start3A_267 = arith.constant 0 : i32
    %dma_start3A_268 = arith.constant 15 : i32
    %dma_start3A_269 = arith.constant 0 : i32
    %dma_start3A_270 = arith.constant 0 : i32
    %dma_start3A_271 = tpu.memref_slice %arg6[%dma_start3A_267, %dma_start3A_268, %dma_start3A_269, %dma_start3A_270] : memref<2x16x50x32xf32, #tpu.memory_space<vmem>> -> memref<1x1x50x32xf32, #tpu.memory_space<vmem>>
    %dma_start3A_272 = tpu.memref_squeeze %dma_start3A_271 : memref<1x1x50x32xf32, #tpu.memory_space<vmem>> -> memref<50x32xf32, #tpu.memory_space<vmem>>
    %dma_start3A_273 = arith.constant 0 : i32
    %dma_start3A_274 = tpu.memref_slice %arg5[%dma_start3A_265, %dma_start3A_266, %dma_start3A_273] : memref<2x16x50xi32, #tpu.memory_space<vmem>> -> memref<1x1x50xi32, #tpu.memory_space<vmem>>
    %dma_start3A_275 = tpu.memref_squeeze %dma_start3A_274 : memref<1x1x50xi32, #tpu.memory_space<vmem>> -> memref<50xi32, #tpu.memory_space<vmem>>
    %dma_start3A_276 = arith.constant 0 : i32
    %dma_start3A_277 = arith.constant 0 : i32
    %dma_start3A_278 = tpu.memref_slice %arg3[%dma_start3A_276, %dma_start3A_277] : memref<1000000x32xf32, #tpu.memory_space<hbm>> -> memref<1000000x32xf32, #tpu.memory_space<hbm>>
    tpu.enqueue_indirect_dma source(%dma_start3A_278 : memref<1000000x32xf32, #tpu.memory_space<hbm>>) target(%dma_start3A_272 : memref<50x32xf32, #tpu.memory_space<vmem>>) offsets(%dma_start3A_275 : memref<50xi32, #tpu.memory_space<vmem>>) semaphore(%arg10 : memref<!tpu.dma_semaphore, #tpu.memory_space<semaphore_mem>>)
    %scan3A = arith.constant 0 : i32
    %scan3A_279 = arith.constant 16 : i32
    %scan3A_280 = arith.addi %scan3A, %scan3A_279 : i32
    %scan3A_281 = arith.constant 1 : i32
    scf.for %scan3A_769 = %scan3A to %scan3A_280 step %scan3A_281  : i32 {
      %mul3A_770 = arith.constant 2 : i32
      %mul3A_771 = arith.muli %mul3A_770, %scan3A_769 : i32
      %add3A_772 = arith.constant 0 : i32
      %add3A_773 = arith.addi %mul3A_771, %add3A_772 : i32
      %dma_wait3A_774 = arith.constant 0 : i32
      %dma_wait3A_775 = arith.constant 0 : i32
      %dma_wait3A_776 = arith.constant 0 : i32
      %dma_wait3A_777 = arith.constant 0 : i32
      %dma_wait3A_778 = arith.constant 0 : i32
      %dma_wait3A_779 = arith.constant 0 : i32
      %dma_wait3A_780 = tpu.memref_slice %arg6[%dma_wait3A_776, %dma_wait3A_777, %dma_wait3A_778, %dma_wait3A_779] : memref<2x16x50x32xf32, #tpu.memory_space<vmem>> -> memref<1x1x50x32xf32, #tpu.memory_space<vmem>>
      %dma_wait3A_781 = tpu.memref_squeeze %dma_wait3A_780 : memref<1x1x50x32xf32, #tpu.memory_space<vmem>> -> memref<50x32xf32, #tpu.memory_space<vmem>>
      %dma_wait3A_782 = arith.constant 0 : i32
      %dma_wait3A_783 = tpu.memref_slice %arg5[%dma_wait3A_774, %dma_wait3A_775, %dma_wait3A_782] : memref<2x16x50xi32, #tpu.memory_space<vmem>> -> memref<1x1x50xi32, #tpu.memory_space<vmem>>
      %dma_wait3A_784 = tpu.memref_squeeze %dma_wait3A_783 : memref<1x1x50xi32, #tpu.memory_space<vmem>> -> memref<50xi32, #tpu.memory_space<vmem>>
      %dma_wait3A_785 = arith.constant 0 : i32
      %dma_wait3A_786 = arith.constant 0 : i32
      %dma_wait3A_787 = tpu.memref_slice %arg3[%dma_wait3A_785, %dma_wait3A_786] : memref<1000000x32xf32, #tpu.memory_space<hbm>> -> memref<1000000x32xf32, #tpu.memory_space<hbm>>
      tpu.wait_indirect_dma semaphore(%arg10 : memref<!tpu.dma_semaphore, #tpu.memory_space<semaphore_mem>>) src(%dma_wait3A_787 : memref<1000000x32xf32, #tpu.memory_space<hbm>>) dst(%dma_wait3A_781 : memref<50x32xf32, #tpu.memory_space<vmem>>)
      %dma_wait3A_788 = arith.constant 0 : i32
      %dma_wait3A_789 = arith.constant 1 : i32
      %dma_wait3A_790 = arith.constant 0 : i32
      %dma_wait3A_791 = arith.constant 1 : i32
      %dma_wait3A_792 = arith.constant 0 : i32
      %dma_wait3A_793 = arith.constant 0 : i32
      %dma_wait3A_794 = tpu.memref_slice %arg6[%dma_wait3A_790, %dma_wait3A_791, %dma_wait3A_792, %dma_wait3A_793] : memref<2x16x50x32xf32, #tpu.memory_space<vmem>> -> memref<1x1x50x32xf32, #tpu.memory_space<vmem>>
      %dma_wait3A_795 = tpu.memref_squeeze %dma_wait3A_794 : memref<1x1x50x32xf32, #tpu.memory_space<vmem>> -> memref<50x32xf32, #tpu.memory_space<vmem>>
      %dma_wait3A_796 = arith.constant 0 : i32
      %dma_wait3A_797 = tpu.memref_slice %arg5[%dma_wait3A_788, %dma_wait3A_789, %dma_wait3A_796] : memref<2x16x50xi32, #tpu.memory_space<vmem>> -> memref<1x1x50xi32, #tpu.memory_space<vmem>>
      %dma_wait3A_798 = tpu.memref_squeeze %dma_wait3A_797 : memref<1x1x50xi32, #tpu.memory_space<vmem>> -> memref<50xi32, #tpu.memory_space<vmem>>
      %dma_wait3A_799 = arith.constant 0 : i32
      %dma_wait3A_800 = arith.constant 0 : i32
      %dma_wait3A_801 = tpu.memref_slice %arg3[%dma_wait3A_799, %dma_wait3A_800] : memref<1000000x32xf32, #tpu.memory_space<hbm>> -> memref<1000000x32xf32, #tpu.memory_space<hbm>>
      tpu.wait_indirect_dma semaphore(%arg10 : memref<!tpu.dma_semaphore, #tpu.memory_space<semaphore_mem>>) src(%dma_wait3A_801 : memref<1000000x32xf32, #tpu.memory_space<hbm>>) dst(%dma_wait3A_795 : memref<50x32xf32, #tpu.memory_space<vmem>>)
      %dma_wait3A_802 = arith.constant 0 : i32
      %dma_wait3A_803 = arith.constant 2 : i32
      %dma_wait3A_804 = arith.constant 0 : i32
      %dma_wait3A_805 = arith.constant 2 : i32
      %dma_wait3A_806 = arith.constant 0 : i32
      %dma_wait3A_807 = arith.constant 0 : i32
      %dma_wait3A_808 = tpu.memref_slice %arg6[%dma_wait3A_804, %dma_wait3A_805, %dma_wait3A_806, %dma_wait3A_807] : memref<2x16x50x32xf32, #tpu.memory_space<vmem>> -> memref<1x1x50x32xf32, #tpu.memory_space<vmem>>
      %dma_wait3A_809 = tpu.memref_squeeze %dma_wait3A_808 : memref<1x1x50x32xf32, #tpu.memory_space<vmem>> -> memref<50x32xf32, #tpu.memory_space<vmem>>
      %dma_wait3A_810 = arith.constant 0 : i32
      %dma_wait3A_811 = tpu.memref_slice %arg5[%dma_wait3A_802, %dma_wait3A_803, %dma_wait3A_810] : memref<2x16x50xi32, #tpu.memory_space<vmem>> -> memref<1x1x50xi32, #tpu.memory_space<vmem>>
      %dma_wait3A_812 = tpu.memref_squeeze %dma_wait3A_811 : memref<1x1x50xi32, #tpu.memory_space<vmem>> -> memref<50xi32, #tpu.memory_space<vmem>>
      %dma_wait3A_813 = arith.constant 0 : i32
      %dma_wait3A_814 = arith.constant 0 : i32
      %dma_wait3A_815 = tpu.memref_slice %arg3[%dma_wait3A_813, %dma_wait3A_814] : memref<1000000x32xf32, #tpu.memory_space<hbm>> -> memref<1000000x32xf32, #tpu.memory_space<hbm>>
      tpu.wait_indirect_dma semaphore(%arg10 : memref<!tpu.dma_semaphore, #tpu.memory_space<semaphore_mem>>) src(%dma_wait3A_815 : memref<1000000x32xf32, #tpu.memory_space<hbm>>) dst(%dma_wait3A_809 : memref<50x32xf32, #tpu.memory_space<vmem>>)
      %dma_wait3A_816 = arith.constant 0 : i32
      %dma_wait3A_817 = arith.constant 3 : i32
      %dma_wait3A_818 = arith.constant 0 : i32
      %dma_wait3A_819 = arith.constant 3 : i32
      %dma_wait3A_820 = arith.constant 0 : i32
      %dma_wait3A_821 = arith.constant 0 : i32
      %dma_wait3A_822 = tpu.memref_slice %arg6[%dma_wait3A_818, %dma_wait3A_819, %dma_wait3A_820, %dma_wait3A_821] : memref<2x16x50x32xf32, #tpu.memory_space<vmem>> -> memref<1x1x50x32xf32, #tpu.memory_space<vmem>>
      %dma_wait3A_823 = tpu.memref_squeeze %dma_wait3A_822 : memref<1x1x50x32xf32, #tpu.memory_space<vmem>> -> memref<50x32xf32, #tpu.memory_space<vmem>>
      %dma_wait3A_824 = arith.constant 0 : i32
      %dma_wait3A_825 = tpu.memref_slice %arg5[%dma_wait3A_816, %dma_wait3A_817, %dma_wait3A_824] : memref<2x16x50xi32, #tpu.memory_space<vmem>> -> memref<1x1x50xi32, #tpu.memory_space<vmem>>
      %dma_wait3A_826 = tpu.memref_squeeze %dma_wait3A_825 : memref<1x1x50xi32, #tpu.memory_space<vmem>> -> memref<50xi32, #tpu.memory_space<vmem>>
      %dma_wait3A_827 = arith.constant 0 : i32
      %dma_wait3A_828 = arith.constant 0 : i32
      %dma_wait3A_829 = tpu.memref_slice %arg3[%dma_wait3A_827, %dma_wait3A_828] : memref<1000000x32xf32, #tpu.memory_space<hbm>> -> memref<1000000x32xf32, #tpu.memory_space<hbm>>
      tpu.wait_indirect_dma semaphore(%arg10 : memref<!tpu.dma_semaphore, #tpu.memory_space<semaphore_mem>>) src(%dma_wait3A_829 : memref<1000000x32xf32, #tpu.memory_space<hbm>>) dst(%dma_wait3A_823 : memref<50x32xf32, #tpu.memory_space<vmem>>)
      %dma_wait3A_830 = arith.constant 0 : i32
      %dma_wait3A_831 = arith.constant 4 : i32
      %dma_wait3A_832 = arith.constant 0 : i32
      %dma_wait3A_833 = arith.constant 4 : i32
      %dma_wait3A_834 = arith.constant 0 : i32
      %dma_wait3A_835 = arith.constant 0 : i32
      %dma_wait3A_836 = tpu.memref_slice %arg6[%dma_wait3A_832, %dma_wait3A_833, %dma_wait3A_834, %dma_wait3A_835] : memref<2x16x50x32xf32, #tpu.memory_space<vmem>> -> memref<1x1x50x32xf32, #tpu.memory_space<vmem>>
      %dma_wait3A_837 = tpu.memref_squeeze %dma_wait3A_836 : memref<1x1x50x32xf32, #tpu.memory_space<vmem>> -> memref<50x32xf32, #tpu.memory_space<vmem>>
      %dma_wait3A_838 = arith.constant 0 : i32
      %dma_wait3A_839 = tpu.memref_slice %arg5[%dma_wait3A_830, %dma_wait3A_831, %dma_wait3A_838] : memref<2x16x50xi32, #tpu.memory_space<vmem>> -> memref<1x1x50xi32, #tpu.memory_space<vmem>>
      %dma_wait3A_840 = tpu.memref_squeeze %dma_wait3A_839 : memref<1x1x50xi32, #tpu.memory_space<vmem>> -> memref<50xi32, #tpu.memory_space<vmem>>
      %dma_wait3A_841 = arith.constant 0 : i32
      %dma_wait3A_842 = arith.constant 0 : i32
      %dma_wait3A_843 = tpu.memref_slice %arg3[%dma_wait3A_841, %dma_wait3A_842] : memref<1000000x32xf32, #tpu.memory_space<hbm>> -> memref<1000000x32xf32, #tpu.memory_space<hbm>>
      tpu.wait_indirect_dma semaphore(%arg10 : memref<!tpu.dma_semaphore, #tpu.memory_space<semaphore_mem>>) src(%dma_wait3A_843 : memref<1000000x32xf32, #tpu.memory_space<hbm>>) dst(%dma_wait3A_837 : memref<50x32xf32, #tpu.memory_space<vmem>>)
      %dma_wait3A_844 = arith.constant 0 : i32
      %dma_wait3A_845 = arith.constant 5 : i32
      %dma_wait3A_846 = arith.constant 0 : i32
      %dma_wait3A_847 = arith.constant 5 : i32
      %dma_wait3A_848 = arith.constant 0 : i32
      %dma_wait3A_849 = arith.constant 0 : i32
      %dma_wait3A_850 = tpu.memref_slice %arg6[%dma_wait3A_846, %dma_wait3A_847, %dma_wait3A_848, %dma_wait3A_849] : memref<2x16x50x32xf32, #tpu.memory_space<vmem>> -> memref<1x1x50x32xf32, #tpu.memory_space<vmem>>
      %dma_wait3A_851 = tpu.memref_squeeze %dma_wait3A_850 : memref<1x1x50x32xf32, #tpu.memory_space<vmem>> -> memref<50x32xf32, #tpu.memory_space<vmem>>
      %dma_wait3A_852 = arith.constant 0 : i32
      %dma_wait3A_853 = tpu.memref_slice %arg5[%dma_wait3A_844, %dma_wait3A_845, %dma_wait3A_852] : memref<2x16x50xi32, #tpu.memory_space<vmem>> -> memref<1x1x50xi32, #tpu.memory_space<vmem>>
      %dma_wait3A_854 = tpu.memref_squeeze %dma_wait3A_853 : memref<1x1x50xi32, #tpu.memory_space<vmem>> -> memref<50xi32, #tpu.memory_space<vmem>>
      %dma_wait3A_855 = arith.constant 0 : i32
      %dma_wait3A_856 = arith.constant 0 : i32
      %dma_wait3A_857 = tpu.memref_slice %arg3[%dma_wait3A_855, %dma_wait3A_856] : memref<1000000x32xf32, #tpu.memory_space<hbm>> -> memref<1000000x32xf32, #tpu.memory_space<hbm>>
      tpu.wait_indirect_dma semaphore(%arg10 : memref<!tpu.dma_semaphore, #tpu.memory_space<semaphore_mem>>) src(%dma_wait3A_857 : memref<1000000x32xf32, #tpu.memory_space<hbm>>) dst(%dma_wait3A_851 : memref<50x32xf32, #tpu.memory_space<vmem>>)
      %dma_wait3A_858 = arith.constant 0 : i32
      %dma_wait3A_859 = arith.constant 6 : i32
      %dma_wait3A_860 = arith.constant 0 : i32
      %dma_wait3A_861 = arith.constant 6 : i32
      %dma_wait3A_862 = arith.constant 0 : i32
      %dma_wait3A_863 = arith.constant 0 : i32
      %dma_wait3A_864 = tpu.memref_slice %arg6[%dma_wait3A_860, %dma_wait3A_861, %dma_wait3A_862, %dma_wait3A_863] : memref<2x16x50x32xf32, #tpu.memory_space<vmem>> -> memref<1x1x50x32xf32, #tpu.memory_space<vmem>>
      %dma_wait3A_865 = tpu.memref_squeeze %dma_wait3A_864 : memref<1x1x50x32xf32, #tpu.memory_space<vmem>> -> memref<50x32xf32, #tpu.memory_space<vmem>>
      %dma_wait3A_866 = arith.constant 0 : i32
      %dma_wait3A_867 = tpu.memref_slice %arg5[%dma_wait3A_858, %dma_wait3A_859, %dma_wait3A_866] : memref<2x16x50xi32, #tpu.memory_space<vmem>> -> memref<1x1x50xi32, #tpu.memory_space<vmem>>
      %dma_wait3A_868 = tpu.memref_squeeze %dma_wait3A_867 : memref<1x1x50xi32, #tpu.memory_space<vmem>> -> memref<50xi32, #tpu.memory_space<vmem>>
      %dma_wait3A_869 = arith.constant 0 : i32
      %dma_wait3A_870 = arith.constant 0 : i32
      %dma_wait3A_871 = tpu.memref_slice %arg3[%dma_wait3A_869, %dma_wait3A_870] : memref<1000000x32xf32, #tpu.memory_space<hbm>> -> memref<1000000x32xf32, #tpu.memory_space<hbm>>
      tpu.wait_indirect_dma semaphore(%arg10 : memref<!tpu.dma_semaphore, #tpu.memory_space<semaphore_mem>>) src(%dma_wait3A_871 : memref<1000000x32xf32, #tpu.memory_space<hbm>>) dst(%dma_wait3A_865 : memref<50x32xf32, #tpu.memory_space<vmem>>)
      %dma_wait3A_872 = arith.constant 0 : i32
      %dma_wait3A_873 = arith.constant 7 : i32
      %dma_wait3A_874 = arith.constant 0 : i32
      %dma_wait3A_875 = arith.constant 7 : i32
      %dma_wait3A_876 = arith.constant 0 : i32
      %dma_wait3A_877 = arith.constant 0 : i32
      %dma_wait3A_878 = tpu.memref_slice %arg6[%dma_wait3A_874, %dma_wait3A_875, %dma_wait3A_876, %dma_wait3A_877] : memref<2x16x50x32xf32, #tpu.memory_space<vmem>> -> memref<1x1x50x32xf32, #tpu.memory_space<vmem>>
      %dma_wait3A_879 = tpu.memref_squeeze %dma_wait3A_878 : memref<1x1x50x32xf32, #tpu.memory_space<vmem>> -> memref<50x32xf32, #tpu.memory_space<vmem>>
      %dma_wait3A_880 = arith.constant 0 : i32
      %dma_wait3A_881 = tpu.memref_slice %arg5[%dma_wait3A_872, %dma_wait3A_873, %dma_wait3A_880] : memref<2x16x50xi32, #tpu.memory_space<vmem>> -> memref<1x1x50xi32, #tpu.memory_space<vmem>>
      %dma_wait3A_882 = tpu.memref_squeeze %dma_wait3A_881 : memref<1x1x50xi32, #tpu.memory_space<vmem>> -> memref<50xi32, #tpu.memory_space<vmem>>
      %dma_wait3A_883 = arith.constant 0 : i32
      %dma_wait3A_884 = arith.constant 0 : i32
      %dma_wait3A_885 = tpu.memref_slice %arg3[%dma_wait3A_883, %dma_wait3A_884] : memref<1000000x32xf32, #tpu.memory_space<hbm>> -> memref<1000000x32xf32, #tpu.memory_space<hbm>>
      tpu.wait_indirect_dma semaphore(%arg10 : memref<!tpu.dma_semaphore, #tpu.memory_space<semaphore_mem>>) src(%dma_wait3A_885 : memref<1000000x32xf32, #tpu.memory_space<hbm>>) dst(%dma_wait3A_879 : memref<50x32xf32, #tpu.memory_space<vmem>>)
      %dma_wait3A_886 = arith.constant 0 : i32
      %dma_wait3A_887 = arith.constant 8 : i32
      %dma_wait3A_888 = arith.constant 0 : i32
      %dma_wait3A_889 = arith.constant 8 : i32
      %dma_wait3A_890 = arith.constant 0 : i32
      %dma_wait3A_891 = arith.constant 0 : i32
      %dma_wait3A_892 = tpu.memref_slice %arg6[%dma_wait3A_888, %dma_wait3A_889, %dma_wait3A_890, %dma_wait3A_891] : memref<2x16x50x32xf32, #tpu.memory_space<vmem>> -> memref<1x1x50x32xf32, #tpu.memory_space<vmem>>
      %dma_wait3A_893 = tpu.memref_squeeze %dma_wait3A_892 : memref<1x1x50x32xf32, #tpu.memory_space<vmem>> -> memref<50x32xf32, #tpu.memory_space<vmem>>
      %dma_wait3A_894 = arith.constant 0 : i32
      %dma_wait3A_895 = tpu.memref_slice %arg5[%dma_wait3A_886, %dma_wait3A_887, %dma_wait3A_894] : memref<2x16x50xi32, #tpu.memory_space<vmem>> -> memref<1x1x50xi32, #tpu.memory_space<vmem>>
      %dma_wait3A_896 = tpu.memref_squeeze %dma_wait3A_895 : memref<1x1x50xi32, #tpu.memory_space<vmem>> -> memref<50xi32, #tpu.memory_space<vmem>>
      %dma_wait3A_897 = arith.constant 0 : i32
      %dma_wait3A_898 = arith.constant 0 : i32
      %dma_wait3A_899 = tpu.memref_slice %arg3[%dma_wait3A_897, %dma_wait3A_898] : memref<1000000x32xf32, #tpu.memory_space<hbm>> -> memref<1000000x32xf32, #tpu.memory_space<hbm>>
      tpu.wait_indirect_dma semaphore(%arg10 : memref<!tpu.dma_semaphore, #tpu.memory_space<semaphore_mem>>) src(%dma_wait3A_899 : memref<1000000x32xf32, #tpu.memory_space<hbm>>) dst(%dma_wait3A_893 : memref<50x32xf32, #tpu.memory_space<vmem>>)
      %dma_wait3A_900 = arith.constant 0 : i32
      %dma_wait3A_901 = arith.constant 9 : i32
      %dma_wait3A_902 = arith.constant 0 : i32
      %dma_wait3A_903 = arith.constant 9 : i32
      %dma_wait3A_904 = arith.constant 0 : i32
      %dma_wait3A_905 = arith.constant 0 : i32
      %dma_wait3A_906 = tpu.memref_slice %arg6[%dma_wait3A_902, %dma_wait3A_903, %dma_wait3A_904, %dma_wait3A_905] : memref<2x16x50x32xf32, #tpu.memory_space<vmem>> -> memref<1x1x50x32xf32, #tpu.memory_space<vmem>>
      %dma_wait3A_907 = tpu.memref_squeeze %dma_wait3A_906 : memref<1x1x50x32xf32, #tpu.memory_space<vmem>> -> memref<50x32xf32, #tpu.memory_space<vmem>>
      %dma_wait3A_908 = arith.constant 0 : i32
      %dma_wait3A_909 = tpu.memref_slice %arg5[%dma_wait3A_900, %dma_wait3A_901, %dma_wait3A_908] : memref<2x16x50xi32, #tpu.memory_space<vmem>> -> memref<1x1x50xi32, #tpu.memory_space<vmem>>
      %dma_wait3A_910 = tpu.memref_squeeze %dma_wait3A_909 : memref<1x1x50xi32, #tpu.memory_space<vmem>> -> memref<50xi32, #tpu.memory_space<vmem>>
      %dma_wait3A_911 = arith.constant 0 : i32
      %dma_wait3A_912 = arith.constant 0 : i32
      %dma_wait3A_913 = tpu.memref_slice %arg3[%dma_wait3A_911, %dma_wait3A_912] : memref<1000000x32xf32, #tpu.memory_space<hbm>> -> memref<1000000x32xf32, #tpu.memory_space<hbm>>
      tpu.wait_indirect_dma semaphore(%arg10 : memref<!tpu.dma_semaphore, #tpu.memory_space<semaphore_mem>>) src(%dma_wait3A_913 : memref<1000000x32xf32, #tpu.memory_space<hbm>>) dst(%dma_wait3A_907 : memref<50x32xf32, #tpu.memory_space<vmem>>)
      %dma_wait3A_914 = arith.constant 0 : i32
      %dma_wait3A_915 = arith.constant 10 : i32
      %dma_wait3A_916 = arith.constant 0 : i32
      %dma_wait3A_917 = arith.constant 10 : i32
      %dma_wait3A_918 = arith.constant 0 : i32
      %dma_wait3A_919 = arith.constant 0 : i32
      %dma_wait3A_920 = tpu.memref_slice %arg6[%dma_wait3A_916, %dma_wait3A_917, %dma_wait3A_918, %dma_wait3A_919] : memref<2x16x50x32xf32, #tpu.memory_space<vmem>> -> memref<1x1x50x32xf32, #tpu.memory_space<vmem>>
      %dma_wait3A_921 = tpu.memref_squeeze %dma_wait3A_920 : memref<1x1x50x32xf32, #tpu.memory_space<vmem>> -> memref<50x32xf32, #tpu.memory_space<vmem>>
      %dma_wait3A_922 = arith.constant 0 : i32
      %dma_wait3A_923 = tpu.memref_slice %arg5[%dma_wait3A_914, %dma_wait3A_915, %dma_wait3A_922] : memref<2x16x50xi32, #tpu.memory_space<vmem>> -> memref<1x1x50xi32, #tpu.memory_space<vmem>>
      %dma_wait3A_924 = tpu.memref_squeeze %dma_wait3A_923 : memref<1x1x50xi32, #tpu.memory_space<vmem>> -> memref<50xi32, #tpu.memory_space<vmem>>
      %dma_wait3A_925 = arith.constant 0 : i32
      %dma_wait3A_926 = arith.constant 0 : i32
      %dma_wait3A_927 = tpu.memref_slice %arg3[%dma_wait3A_925, %dma_wait3A_926] : memref<1000000x32xf32, #tpu.memory_space<hbm>> -> memref<1000000x32xf32, #tpu.memory_space<hbm>>
      tpu.wait_indirect_dma semaphore(%arg10 : memref<!tpu.dma_semaphore, #tpu.memory_space<semaphore_mem>>) src(%dma_wait3A_927 : memref<1000000x32xf32, #tpu.memory_space<hbm>>) dst(%dma_wait3A_921 : memref<50x32xf32, #tpu.memory_space<vmem>>)
      %dma_wait3A_928 = arith.constant 0 : i32
      %dma_wait3A_929 = arith.constant 11 : i32
      %dma_wait3A_930 = arith.constant 0 : i32
      %dma_wait3A_931 = arith.constant 11 : i32
      %dma_wait3A_932 = arith.constant 0 : i32
      %dma_wait3A_933 = arith.constant 0 : i32
      %dma_wait3A_934 = tpu.memref_slice %arg6[%dma_wait3A_930, %dma_wait3A_931, %dma_wait3A_932, %dma_wait3A_933] : memref<2x16x50x32xf32, #tpu.memory_space<vmem>> -> memref<1x1x50x32xf32, #tpu.memory_space<vmem>>
      %dma_wait3A_935 = tpu.memref_squeeze %dma_wait3A_934 : memref<1x1x50x32xf32, #tpu.memory_space<vmem>> -> memref<50x32xf32, #tpu.memory_space<vmem>>
      %dma_wait3A_936 = arith.constant 0 : i32
      %dma_wait3A_937 = tpu.memref_slice %arg5[%dma_wait3A_928, %dma_wait3A_929, %dma_wait3A_936] : memref<2x16x50xi32, #tpu.memory_space<vmem>> -> memref<1x1x50xi32, #tpu.memory_space<vmem>>
      %dma_wait3A_938 = tpu.memref_squeeze %dma_wait3A_937 : memref<1x1x50xi32, #tpu.memory_space<vmem>> -> memref<50xi32, #tpu.memory_space<vmem>>
      %dma_wait3A_939 = arith.constant 0 : i32
      %dma_wait3A_940 = arith.constant 0 : i32
      %dma_wait3A_941 = tpu.memref_slice %arg3[%dma_wait3A_939, %dma_wait3A_940] : memref<1000000x32xf32, #tpu.memory_space<hbm>> -> memref<1000000x32xf32, #tpu.memory_space<hbm>>
      tpu.wait_indirect_dma semaphore(%arg10 : memref<!tpu.dma_semaphore, #tpu.memory_space<semaphore_mem>>) src(%dma_wait3A_941 : memref<1000000x32xf32, #tpu.memory_space<hbm>>) dst(%dma_wait3A_935 : memref<50x32xf32, #tpu.memory_space<vmem>>)
      %dma_wait3A_942 = arith.constant 0 : i32
      %dma_wait3A_943 = arith.constant 12 : i32
      %dma_wait3A_944 = arith.constant 0 : i32
      %dma_wait3A_945 = arith.constant 12 : i32
      %dma_wait3A_946 = arith.constant 0 : i32
      %dma_wait3A_947 = arith.constant 0 : i32
      %dma_wait3A_948 = tpu.memref_slice %arg6[%dma_wait3A_944, %dma_wait3A_945, %dma_wait3A_946, %dma_wait3A_947] : memref<2x16x50x32xf32, #tpu.memory_space<vmem>> -> memref<1x1x50x32xf32, #tpu.memory_space<vmem>>
      %dma_wait3A_949 = tpu.memref_squeeze %dma_wait3A_948 : memref<1x1x50x32xf32, #tpu.memory_space<vmem>> -> memref<50x32xf32, #tpu.memory_space<vmem>>
      %dma_wait3A_950 = arith.constant 0 : i32
      %dma_wait3A_951 = tpu.memref_slice %arg5[%dma_wait3A_942, %dma_wait3A_943, %dma_wait3A_950] : memref<2x16x50xi32, #tpu.memory_space<vmem>> -> memref<1x1x50xi32, #tpu.memory_space<vmem>>
      %dma_wait3A_952 = tpu.memref_squeeze %dma_wait3A_951 : memref<1x1x50xi32, #tpu.memory_space<vmem>> -> memref<50xi32, #tpu.memory_space<vmem>>
      %dma_wait3A_953 = arith.constant 0 : i32
      %dma_wait3A_954 = arith.constant 0 : i32
      %dma_wait3A_955 = tpu.memref_slice %arg3[%dma_wait3A_953, %dma_wait3A_954] : memref<1000000x32xf32, #tpu.memory_space<hbm>> -> memref<1000000x32xf32, #tpu.memory_space<hbm>>
      tpu.wait_indirect_dma semaphore(%arg10 : memref<!tpu.dma_semaphore, #tpu.memory_space<semaphore_mem>>) src(%dma_wait3A_955 : memref<1000000x32xf32, #tpu.memory_space<hbm>>) dst(%dma_wait3A_949 : memref<50x32xf32, #tpu.memory_space<vmem>>)
      %dma_wait3A_956 = arith.constant 0 : i32
      %dma_wait3A_957 = arith.constant 13 : i32
      %dma_wait3A_958 = arith.constant 0 : i32
      %dma_wait3A_959 = arith.constant 13 : i32
      %dma_wait3A_960 = arith.constant 0 : i32
      %dma_wait3A_961 = arith.constant 0 : i32
      %dma_wait3A_962 = tpu.memref_slice %arg6[%dma_wait3A_958, %dma_wait3A_959, %dma_wait3A_960, %dma_wait3A_961] : memref<2x16x50x32xf32, #tpu.memory_space<vmem>> -> memref<1x1x50x32xf32, #tpu.memory_space<vmem>>
      %dma_wait3A_963 = tpu.memref_squeeze %dma_wait3A_962 : memref<1x1x50x32xf32, #tpu.memory_space<vmem>> -> memref<50x32xf32, #tpu.memory_space<vmem>>
      %dma_wait3A_964 = arith.constant 0 : i32
      %dma_wait3A_965 = tpu.memref_slice %arg5[%dma_wait3A_956, %dma_wait3A_957, %dma_wait3A_964] : memref<2x16x50xi32, #tpu.memory_space<vmem>> -> memref<1x1x50xi32, #tpu.memory_space<vmem>>
      %dma_wait3A_966 = tpu.memref_squeeze %dma_wait3A_965 : memref<1x1x50xi32, #tpu.memory_space<vmem>> -> memref<50xi32, #tpu.memory_space<vmem>>
      %dma_wait3A_967 = arith.constant 0 : i32
      %dma_wait3A_968 = arith.constant 0 : i32
      %dma_wait3A_969 = tpu.memref_slice %arg3[%dma_wait3A_967, %dma_wait3A_968] : memref<1000000x32xf32, #tpu.memory_space<hbm>> -> memref<1000000x32xf32, #tpu.memory_space<hbm>>
      tpu.wait_indirect_dma semaphore(%arg10 : memref<!tpu.dma_semaphore, #tpu.memory_space<semaphore_mem>>) src(%dma_wait3A_969 : memref<1000000x32xf32, #tpu.memory_space<hbm>>) dst(%dma_wait3A_963 : memref<50x32xf32, #tpu.memory_space<vmem>>)
      %dma_wait3A_970 = arith.constant 0 : i32
      %dma_wait3A_971 = arith.constant 14 : i32
      %dma_wait3A_972 = arith.constant 0 : i32
      %dma_wait3A_973 = arith.constant 14 : i32
      %dma_wait3A_974 = arith.constant 0 : i32
      %dma_wait3A_975 = arith.constant 0 : i32
      %dma_wait3A_976 = tpu.memref_slice %arg6[%dma_wait3A_972, %dma_wait3A_973, %dma_wait3A_974, %dma_wait3A_975] : memref<2x16x50x32xf32, #tpu.memory_space<vmem>> -> memref<1x1x50x32xf32, #tpu.memory_space<vmem>>
      %dma_wait3A_977 = tpu.memref_squeeze %dma_wait3A_976 : memref<1x1x50x32xf32, #tpu.memory_space<vmem>> -> memref<50x32xf32, #tpu.memory_space<vmem>>
      %dma_wait3A_978 = arith.constant 0 : i32
      %dma_wait3A_979 = tpu.memref_slice %arg5[%dma_wait3A_970, %dma_wait3A_971, %dma_wait3A_978] : memref<2x16x50xi32, #tpu.memory_space<vmem>> -> memref<1x1x50xi32, #tpu.memory_space<vmem>>
      %dma_wait3A_980 = tpu.memref_squeeze %dma_wait3A_979 : memref<1x1x50xi32, #tpu.memory_space<vmem>> -> memref<50xi32, #tpu.memory_space<vmem>>
      %dma_wait3A_981 = arith.constant 0 : i32
      %dma_wait3A_982 = arith.constant 0 : i32
      %dma_wait3A_983 = tpu.memref_slice %arg3[%dma_wait3A_981, %dma_wait3A_982] : memref<1000000x32xf32, #tpu.memory_space<hbm>> -> memref<1000000x32xf32, #tpu.memory_space<hbm>>
      tpu.wait_indirect_dma semaphore(%arg10 : memref<!tpu.dma_semaphore, #tpu.memory_space<semaphore_mem>>) src(%dma_wait3A_983 : memref<1000000x32xf32, #tpu.memory_space<hbm>>) dst(%dma_wait3A_977 : memref<50x32xf32, #tpu.memory_space<vmem>>)
      %dma_wait3A_984 = arith.constant 0 : i32
      %dma_wait3A_985 = arith.constant 15 : i32
      %dma_wait3A_986 = arith.constant 0 : i32
      %dma_wait3A_987 = arith.constant 15 : i32
      %dma_wait3A_988 = arith.constant 0 : i32
      %dma_wait3A_989 = arith.constant 0 : i32
      %dma_wait3A_990 = tpu.memref_slice %arg6[%dma_wait3A_986, %dma_wait3A_987, %dma_wait3A_988, %dma_wait3A_989] : memref<2x16x50x32xf32, #tpu.memory_space<vmem>> -> memref<1x1x50x32xf32, #tpu.memory_space<vmem>>
      %dma_wait3A_991 = tpu.memref_squeeze %dma_wait3A_990 : memref<1x1x50x32xf32, #tpu.memory_space<vmem>> -> memref<50x32xf32, #tpu.memory_space<vmem>>
      %dma_wait3A_992 = arith.constant 0 : i32
      %dma_wait3A_993 = tpu.memref_slice %arg5[%dma_wait3A_984, %dma_wait3A_985, %dma_wait3A_992] : memref<2x16x50xi32, #tpu.memory_space<vmem>> -> memref<1x1x50xi32, #tpu.memory_space<vmem>>
      %dma_wait3A_994 = tpu.memref_squeeze %dma_wait3A_993 : memref<1x1x50xi32, #tpu.memory_space<vmem>> -> memref<50xi32, #tpu.memory_space<vmem>>
      %dma_wait3A_995 = arith.constant 0 : i32
      %dma_wait3A_996 = arith.constant 0 : i32
      %dma_wait3A_997 = tpu.memref_slice %arg3[%dma_wait3A_995, %dma_wait3A_996] : memref<1000000x32xf32, #tpu.memory_space<hbm>> -> memref<1000000x32xf32, #tpu.memory_space<hbm>>
      tpu.wait_indirect_dma semaphore(%arg10 : memref<!tpu.dma_semaphore, #tpu.memory_space<semaphore_mem>>) src(%dma_wait3A_997 : memref<1000000x32xf32, #tpu.memory_space<hbm>>) dst(%dma_wait3A_991 : memref<50x32xf32, #tpu.memory_space<vmem>>)
      %add3A_998 = arith.constant 1 : i32
      %add3A_999 = arith.addi %add3A_773, %add3A_998 : i32
      %lt3A_1000 = arith.constant 32 : i32
      %lt3A_1001 = arith.cmpi slt, %add3A_999, %lt3A_1000 : i32
      %convert_element_type3A = arith.extui %lt3A_1001 : i1 to i32
      %cond3A = arith.constant 0 : i32
      %cond3A_1002 = arith.cmpi ne, %convert_element_type3A, %cond3A : i32
      scf.if %cond3A_1002 {
        %add3A_1775 = arith.constant 1 : i32
        %add3A_1776 = arith.addi %add3A_773, %add3A_1775 : i32
        %mul3A_1777 = arith.constant 16 : i32
        %mul3A_1778 = arith.muli %add3A_1776, %mul3A_1777 : i32
        %add3A_1779 = arith.addi %mul3A_2, %mul3A_1778 : i32
        %dma_wait3A_1780 = arith.constant 1 : i32
        %dma_wait3A_1781 = arith.constant 0 : i32
        %dma_wait3A_1782 = arith.constant 0 : i32
        %dma_wait3A_1783 = tpu.memref_slice %arg5[%dma_wait3A_1780, %dma_wait3A_1781, %dma_wait3A_1782] : memref<2x16x50xi32, #tpu.memory_space<vmem>> -> memref<1x16x50xi32, #tpu.memory_space<vmem>>
        %dma_wait3A_1784 = tpu.memref_squeeze %dma_wait3A_1783 : memref<1x16x50xi32, #tpu.memory_space<vmem>> -> memref<16x50xi32, #tpu.memory_space<vmem>>
        %dma_wait3A_1785 = arith.constant 0 : i32
        %dma_wait3A_1786 = tpu.memref_slice %arg2[%add3A_1779, %dma_wait3A_1785] : memref<16384x50xi32, #tpu.memory_space<hbm>> -> memref<16x50xi32, #tpu.memory_space<hbm>>
        %dma_wait3A_1787 = arith.constant 0 : i32
        %dma_wait3A_1788 = arith.constant 0 : i32
        %dma_wait3A_1789 = tpu.memref_slice %arg5[%dma_wait3A_1780, %dma_wait3A_1787, %dma_wait3A_1788] : memref<2x16x50xi32, #tpu.memory_space<vmem>> -> memref<1x16x50xi32, #tpu.memory_space<vmem>>
        %dma_wait3A_1790 = tpu.memref_squeeze %dma_wait3A_1789 : memref<1x16x50xi32, #tpu.memory_space<vmem>> -> memref<16x50xi32, #tpu.memory_space<vmem>>
        %dma_wait3A_1791 = arith.constant 0 : i32
        %dma_wait3A_1792 = tpu.memref_slice %arg2[%add3A_1779, %dma_wait3A_1791] : memref<16384x50xi32, #tpu.memory_space<hbm>> -> memref<16x50xi32, #tpu.memory_space<hbm>>
        tpu.wait_dma2 semaphore(%arg9 : memref<!tpu.dma_semaphore, #tpu.memory_space<semaphore_mem>>) src(%dma_wait3A_1792 : memref<16x50xi32, #tpu.memory_space<hbm>>) dst(%dma_wait3A_1790 : memref<16x50xi32, #tpu.memory_space<vmem>>)
        %dma_start3A_1793 = arith.constant 1 : i32
        %dma_start3A_1794 = arith.constant 0 : i32
        %dma_start3A_1795 = arith.constant 1 : i32
        %dma_start3A_1796 = arith.constant 0 : i32
        %dma_start3A_1797 = arith.constant 0 : i32
        %dma_start3A_1798 = arith.constant 0 : i32
        %dma_start3A_1799 = tpu.memref_slice %arg6[%dma_start3A_1795, %dma_start3A_1796, %dma_start3A_1797, %dma_start3A_1798] : memref<2x16x50x32xf32, #tpu.memory_space<vmem>> -> memref<1x1x50x32xf32, #tpu.memory_space<vmem>>
        %dma_start3A_1800 = tpu.memref_squeeze %dma_start3A_1799 : memref<1x1x50x32xf32, #tpu.memory_space<vmem>> -> memref<50x32xf32, #tpu.memory_space<vmem>>
        %dma_start3A_1801 = arith.constant 0 : i32
        %dma_start3A_1802 = tpu.memref_slice %arg5[%dma_start3A_1793, %dma_start3A_1794, %dma_start3A_1801] : memref<2x16x50xi32, #tpu.memory_space<vmem>> -> memref<1x1x50xi32, #tpu.memory_space<vmem>>
        %dma_start3A_1803 = tpu.memref_squeeze %dma_start3A_1802 : memref<1x1x50xi32, #tpu.memory_space<vmem>> -> memref<50xi32, #tpu.memory_space<vmem>>
        %dma_start3A_1804 = arith.constant 0 : i32
        %dma_start3A_1805 = arith.constant 0 : i32
        %dma_start3A_1806 = tpu.memref_slice %arg3[%dma_start3A_1804, %dma_start3A_1805] : memref<1000000x32xf32, #tpu.memory_space<hbm>> -> memref<1000000x32xf32, #tpu.memory_space<hbm>>
        tpu.enqueue_indirect_dma source(%dma_start3A_1806 : memref<1000000x32xf32, #tpu.memory_space<hbm>>) target(%dma_start3A_1800 : memref<50x32xf32, #tpu.memory_space<vmem>>) offsets(%dma_start3A_1803 : memref<50xi32, #tpu.memory_space<vmem>>) semaphore(%arg11 : memref<!tpu.dma_semaphore, #tpu.memory_space<semaphore_mem>>)
        %dma_start3A_1807 = arith.constant 1 : i32
        %dma_start3A_1808 = arith.constant 1 : i32
        %dma_start3A_1809 = arith.constant 1 : i32
        %dma_start3A_1810 = arith.constant 1 : i32
        %dma_start3A_1811 = arith.constant 0 : i32
        %dma_start3A_1812 = arith.constant 0 : i32
        %dma_start3A_1813 = tpu.memref_slice %arg6[%dma_start3A_1809, %dma_start3A_1810, %dma_start3A_1811, %dma_start3A_1812] : memref<2x16x50x32xf32, #tpu.memory_space<vmem>> -> memref<1x1x50x32xf32, #tpu.memory_space<vmem>>
        %dma_start3A_1814 = tpu.memref_squeeze %dma_start3A_1813 : memref<1x1x50x32xf32, #tpu.memory_space<vmem>> -> memref<50x32xf32, #tpu.memory_space<vmem>>
        %dma_start3A_1815 = arith.constant 0 : i32
        %dma_start3A_1816 = tpu.memref_slice %arg5[%dma_start3A_1807, %dma_start3A_1808, %dma_start3A_1815] : memref<2x16x50xi32, #tpu.memory_space<vmem>> -> memref<1x1x50xi32, #tpu.memory_space<vmem>>
        %dma_start3A_1817 = tpu.memref_squeeze %dma_start3A_1816 : memref<1x1x50xi32, #tpu.memory_space<vmem>> -> memref<50xi32, #tpu.memory_space<vmem>>
        %dma_start3A_1818 = arith.constant 0 : i32
        %dma_start3A_1819 = arith.constant 0 : i32
        %dma_start3A_1820 = tpu.memref_slice %arg3[%dma_start3A_1818, %dma_start3A_1819] : memref<1000000x32xf32, #tpu.memory_space<hbm>> -> memref<1000000x32xf32, #tpu.memory_space<hbm>>
        tpu.enqueue_indirect_dma source(%dma_start3A_1820 : memref<1000000x32xf32, #tpu.memory_space<hbm>>) target(%dma_start3A_1814 : memref<50x32xf32, #tpu.memory_space<vmem>>) offsets(%dma_start3A_1817 : memref<50xi32, #tpu.memory_space<vmem>>) semaphore(%arg11 : memref<!tpu.dma_semaphore, #tpu.memory_space<semaphore_mem>>)
        %dma_start3A_1821 = arith.constant 1 : i32
        %dma_start3A_1822 = arith.constant 2 : i32
        %dma_start3A_1823 = arith.constant 1 : i32
        %dma_start3A_1824 = arith.constant 2 : i32
        %dma_start3A_1825 = arith.constant 0 : i32
        %dma_start3A_1826 = arith.constant 0 : i32
        %dma_start3A_1827 = tpu.memref_slice %arg6[%dma_start3A_1823, %dma_start3A_1824, %dma_start3A_1825, %dma_start3A_1826] : memref<2x16x50x32xf32, #tpu.memory_space<vmem>> -> memref<1x1x50x32xf32, #tpu.memory_space<vmem>>
        %dma_start3A_1828 = tpu.memref_squeeze %dma_start3A_1827 : memref<1x1x50x32xf32, #tpu.memory_space<vmem>> -> memref<50x32xf32, #tpu.memory_space<vmem>>
        %dma_start3A_1829 = arith.constant 0 : i32
        %dma_start3A_1830 = tpu.memref_slice %arg5[%dma_start3A_1821, %dma_start3A_1822, %dma_start3A_1829] : memref<2x16x50xi32, #tpu.memory_space<vmem>> -> memref<1x1x50xi32, #tpu.memory_space<vmem>>
        %dma_start3A_1831 = tpu.memref_squeeze %dma_start3A_1830 : memref<1x1x50xi32, #tpu.memory_space<vmem>> -> memref<50xi32, #tpu.memory_space<vmem>>
        %dma_start3A_1832 = arith.constant 0 : i32
        %dma_start3A_1833 = arith.constant 0 : i32
        %dma_start3A_1834 = tpu.memref_slice %arg3[%dma_start3A_1832, %dma_start3A_1833] : memref<1000000x32xf32, #tpu.memory_space<hbm>> -> memref<1000000x32xf32, #tpu.memory_space<hbm>>
        tpu.enqueue_indirect_dma source(%dma_start3A_1834 : memref<1000000x32xf32, #tpu.memory_space<hbm>>) target(%dma_start3A_1828 : memref<50x32xf32, #tpu.memory_space<vmem>>) offsets(%dma_start3A_1831 : memref<50xi32, #tpu.memory_space<vmem>>) semaphore(%arg11 : memref<!tpu.dma_semaphore, #tpu.memory_space<semaphore_mem>>)
        %dma_start3A_1835 = arith.constant 1 : i32
        %dma_start3A_1836 = arith.constant 3 : i32
        %dma_start3A_1837 = arith.constant 1 : i32
        %dma_start3A_1838 = arith.constant 3 : i32
        %dma_start3A_1839 = arith.constant 0 : i32
        %dma_start3A_1840 = arith.constant 0 : i32
        %dma_start3A_1841 = tpu.memref_slice %arg6[%dma_start3A_1837, %dma_start3A_1838, %dma_start3A_1839, %dma_start3A_1840] : memref<2x16x50x32xf32, #tpu.memory_space<vmem>> -> memref<1x1x50x32xf32, #tpu.memory_space<vmem>>
        %dma_start3A_1842 = tpu.memref_squeeze %dma_start3A_1841 : memref<1x1x50x32xf32, #tpu.memory_space<vmem>> -> memref<50x32xf32, #tpu.memory_space<vmem>>
        %dma_start3A_1843 = arith.constant 0 : i32
        %dma_start3A_1844 = tpu.memref_slice %arg5[%dma_start3A_1835, %dma_start3A_1836, %dma_start3A_1843] : memref<2x16x50xi32, #tpu.memory_space<vmem>> -> memref<1x1x50xi32, #tpu.memory_space<vmem>>
        %dma_start3A_1845 = tpu.memref_squeeze %dma_start3A_1844 : memref<1x1x50xi32, #tpu.memory_space<vmem>> -> memref<50xi32, #tpu.memory_space<vmem>>
        %dma_start3A_1846 = arith.constant 0 : i32
        %dma_start3A_1847 = arith.constant 0 : i32
        %dma_start3A_1848 = tpu.memref_slice %arg3[%dma_start3A_1846, %dma_start3A_1847] : memref<1000000x32xf32, #tpu.memory_space<hbm>> -> memref<1000000x32xf32, #tpu.memory_space<hbm>>
        tpu.enqueue_indirect_dma source(%dma_start3A_1848 : memref<1000000x32xf32, #tpu.memory_space<hbm>>) target(%dma_start3A_1842 : memref<50x32xf32, #tpu.memory_space<vmem>>) offsets(%dma_start3A_1845 : memref<50xi32, #tpu.memory_space<vmem>>) semaphore(%arg11 : memref<!tpu.dma_semaphore, #tpu.memory_space<semaphore_mem>>)
        %dma_start3A_1849 = arith.constant 1 : i32
        %dma_start3A_1850 = arith.constant 4 : i32
        %dma_start3A_1851 = arith.constant 1 : i32
        %dma_start3A_1852 = arith.constant 4 : i32
        %dma_start3A_1853 = arith.constant 0 : i32
        %dma_start3A_1854 = arith.constant 0 : i32
        %dma_start3A_1855 = tpu.memref_slice %arg6[%dma_start3A_1851, %dma_start3A_1852, %dma_start3A_1853, %dma_start3A_1854] : memref<2x16x50x32xf32, #tpu.memory_space<vmem>> -> memref<1x1x50x32xf32, #tpu.memory_space<vmem>>
        %dma_start3A_1856 = tpu.memref_squeeze %dma_start3A_1855 : memref<1x1x50x32xf32, #tpu.memory_space<vmem>> -> memref<50x32xf32, #tpu.memory_space<vmem>>
        %dma_start3A_1857 = arith.constant 0 : i32
        %dma_start3A_1858 = tpu.memref_slice %arg5[%dma_start3A_1849, %dma_start3A_1850, %dma_start3A_1857] : memref<2x16x50xi32, #tpu.memory_space<vmem>> -> memref<1x1x50xi32, #tpu.memory_space<vmem>>
        %dma_start3A_1859 = tpu.memref_squeeze %dma_start3A_1858 : memref<1x1x50xi32, #tpu.memory_space<vmem>> -> memref<50xi32, #tpu.memory_space<vmem>>
        %dma_start3A_1860 = arith.constant 0 : i32
        %dma_start3A_1861 = arith.constant 0 : i32
        %dma_start3A_1862 = tpu.memref_slice %arg3[%dma_start3A_1860, %dma_start3A_1861] : memref<1000000x32xf32, #tpu.memory_space<hbm>> -> memref<1000000x32xf32, #tpu.memory_space<hbm>>
        tpu.enqueue_indirect_dma source(%dma_start3A_1862 : memref<1000000x32xf32, #tpu.memory_space<hbm>>) target(%dma_start3A_1856 : memref<50x32xf32, #tpu.memory_space<vmem>>) offsets(%dma_start3A_1859 : memref<50xi32, #tpu.memory_space<vmem>>) semaphore(%arg11 : memref<!tpu.dma_semaphore, #tpu.memory_space<semaphore_mem>>)
        %dma_start3A_1863 = arith.constant 1 : i32
        %dma_start3A_1864 = arith.constant 5 : i32
        %dma_start3A_1865 = arith.constant 1 : i32
        %dma_start3A_1866 = arith.constant 5 : i32
        %dma_start3A_1867 = arith.constant 0 : i32
        %dma_start3A_1868 = arith.constant 0 : i32
        %dma_start3A_1869 = tpu.memref_slice %arg6[%dma_start3A_1865, %dma_start3A_1866, %dma_start3A_1867, %dma_start3A_1868] : memref<2x16x50x32xf32, #tpu.memory_space<vmem>> -> memref<1x1x50x32xf32, #tpu.memory_space<vmem>>
        %dma_start3A_1870 = tpu.memref_squeeze %dma_start3A_1869 : memref<1x1x50x32xf32, #tpu.memory_space<vmem>> -> memref<50x32xf32, #tpu.memory_space<vmem>>
        %dma_start3A_1871 = arith.constant 0 : i32
        %dma_start3A_1872 = tpu.memref_slice %arg5[%dma_start3A_1863, %dma_start3A_1864, %dma_start3A_1871] : memref<2x16x50xi32, #tpu.memory_space<vmem>> -> memref<1x1x50xi32, #tpu.memory_space<vmem>>
        %dma_start3A_1873 = tpu.memref_squeeze %dma_start3A_1872 : memref<1x1x50xi32, #tpu.memory_space<vmem>> -> memref<50xi32, #tpu.memory_space<vmem>>
        %dma_start3A_1874 = arith.constant 0 : i32
        %dma_start3A_1875 = arith.constant 0 : i32
        %dma_start3A_1876 = tpu.memref_slice %arg3[%dma_start3A_1874, %dma_start3A_1875] : memref<1000000x32xf32, #tpu.memory_space<hbm>> -> memref<1000000x32xf32, #tpu.memory_space<hbm>>
        tpu.enqueue_indirect_dma source(%dma_start3A_1876 : memref<1000000x32xf32, #tpu.memory_space<hbm>>) target(%dma_start3A_1870 : memref<50x32xf32, #tpu.memory_space<vmem>>) offsets(%dma_start3A_1873 : memref<50xi32, #tpu.memory_space<vmem>>) semaphore(%arg11 : memref<!tpu.dma_semaphore, #tpu.memory_space<semaphore_mem>>)
        %dma_start3A_1877 = arith.constant 1 : i32
        %dma_start3A_1878 = arith.constant 6 : i32
        %dma_start3A_1879 = arith.constant 1 : i32
        %dma_start3A_1880 = arith.constant 6 : i32
        %dma_start3A_1881 = arith.constant 0 : i32
        %dma_start3A_1882 = arith.constant 0 : i32
        %dma_start3A_1883 = tpu.memref_slice %arg6[%dma_start3A_1879, %dma_start3A_1880, %dma_start3A_1881, %dma_start3A_1882] : memref<2x16x50x32xf32, #tpu.memory_space<vmem>> -> memref<1x1x50x32xf32, #tpu.memory_space<vmem>>
        %dma_start3A_1884 = tpu.memref_squeeze %dma_start3A_1883 : memref<1x1x50x32xf32, #tpu.memory_space<vmem>> -> memref<50x32xf32, #tpu.memory_space<vmem>>
        %dma_start3A_1885 = arith.constant 0 : i32
        %dma_start3A_1886 = tpu.memref_slice %arg5[%dma_start3A_1877, %dma_start3A_1878, %dma_start3A_1885] : memref<2x16x50xi32, #tpu.memory_space<vmem>> -> memref<1x1x50xi32, #tpu.memory_space<vmem>>
        %dma_start3A_1887 = tpu.memref_squeeze %dma_start3A_1886 : memref<1x1x50xi32, #tpu.memory_space<vmem>> -> memref<50xi32, #tpu.memory_space<vmem>>
        %dma_start3A_1888 = arith.constant 0 : i32
        %dma_start3A_1889 = arith.constant 0 : i32
        %dma_start3A_1890 = tpu.memref_slice %arg3[%dma_start3A_1888, %dma_start3A_1889] : memref<1000000x32xf32, #tpu.memory_space<hbm>> -> memref<1000000x32xf32, #tpu.memory_space<hbm>>
        tpu.enqueue_indirect_dma source(%dma_start3A_1890 : memref<1000000x32xf32, #tpu.memory_space<hbm>>) target(%dma_start3A_1884 : memref<50x32xf32, #tpu.memory_space<vmem>>) offsets(%dma_start3A_1887 : memref<50xi32, #tpu.memory_space<vmem>>) semaphore(%arg11 : memref<!tpu.dma_semaphore, #tpu.memory_space<semaphore_mem>>)
        %dma_start3A_1891 = arith.constant 1 : i32
        %dma_start3A_1892 = arith.constant 7 : i32
        %dma_start3A_1893 = arith.constant 1 : i32
        %dma_start3A_1894 = arith.constant 7 : i32
        %dma_start3A_1895 = arith.constant 0 : i32
        %dma_start3A_1896 = arith.constant 0 : i32
        %dma_start3A_1897 = tpu.memref_slice %arg6[%dma_start3A_1893, %dma_start3A_1894, %dma_start3A_1895, %dma_start3A_1896] : memref<2x16x50x32xf32, #tpu.memory_space<vmem>> -> memref<1x1x50x32xf32, #tpu.memory_space<vmem>>
        %dma_start3A_1898 = tpu.memref_squeeze %dma_start3A_1897 : memref<1x1x50x32xf32, #tpu.memory_space<vmem>> -> memref<50x32xf32, #tpu.memory_space<vmem>>
        %dma_start3A_1899 = arith.constant 0 : i32
        %dma_start3A_1900 = tpu.memref_slice %arg5[%dma_start3A_1891, %dma_start3A_1892, %dma_start3A_1899] : memref<2x16x50xi32, #tpu.memory_space<vmem>> -> memref<1x1x50xi32, #tpu.memory_space<vmem>>
        %dma_start3A_1901 = tpu.memref_squeeze %dma_start3A_1900 : memref<1x1x50xi32, #tpu.memory_space<vmem>> -> memref<50xi32, #tpu.memory_space<vmem>>
        %dma_start3A_1902 = arith.constant 0 : i32
        %dma_start3A_1903 = arith.constant 0 : i32
        %dma_start3A_1904 = tpu.memref_slice %arg3[%dma_start3A_1902, %dma_start3A_1903] : memref<1000000x32xf32, #tpu.memory_space<hbm>> -> memref<1000000x32xf32, #tpu.memory_space<hbm>>
        tpu.enqueue_indirect_dma source(%dma_start3A_1904 : memref<1000000x32xf32, #tpu.memory_space<hbm>>) target(%dma_start3A_1898 : memref<50x32xf32, #tpu.memory_space<vmem>>) offsets(%dma_start3A_1901 : memref<50xi32, #tpu.memory_space<vmem>>) semaphore(%arg11 : memref<!tpu.dma_semaphore, #tpu.memory_space<semaphore_mem>>)
        %dma_start3A_1905 = arith.constant 1 : i32
        %dma_start3A_1906 = arith.constant 8 : i32
        %dma_start3A_1907 = arith.constant 1 : i32
        %dma_start3A_1908 = arith.constant 8 : i32
        %dma_start3A_1909 = arith.constant 0 : i32
        %dma_start3A_1910 = arith.constant 0 : i32
        %dma_start3A_1911 = tpu.memref_slice %arg6[%dma_start3A_1907, %dma_start3A_1908, %dma_start3A_1909, %dma_start3A_1910] : memref<2x16x50x32xf32, #tpu.memory_space<vmem>> -> memref<1x1x50x32xf32, #tpu.memory_space<vmem>>
        %dma_start3A_1912 = tpu.memref_squeeze %dma_start3A_1911 : memref<1x1x50x32xf32, #tpu.memory_space<vmem>> -> memref<50x32xf32, #tpu.memory_space<vmem>>
        %dma_start3A_1913 = arith.constant 0 : i32
        %dma_start3A_1914 = tpu.memref_slice %arg5[%dma_start3A_1905, %dma_start3A_1906, %dma_start3A_1913] : memref<2x16x50xi32, #tpu.memory_space<vmem>> -> memref<1x1x50xi32, #tpu.memory_space<vmem>>
        %dma_start3A_1915 = tpu.memref_squeeze %dma_start3A_1914 : memref<1x1x50xi32, #tpu.memory_space<vmem>> -> memref<50xi32, #tpu.memory_space<vmem>>
        %dma_start3A_1916 = arith.constant 0 : i32
        %dma_start3A_1917 = arith.constant 0 : i32
        %dma_start3A_1918 = tpu.memref_slice %arg3[%dma_start3A_1916, %dma_start3A_1917] : memref<1000000x32xf32, #tpu.memory_space<hbm>> -> memref<1000000x32xf32, #tpu.memory_space<hbm>>
        tpu.enqueue_indirect_dma source(%dma_start3A_1918 : memref<1000000x32xf32, #tpu.memory_space<hbm>>) target(%dma_start3A_1912 : memref<50x32xf32, #tpu.memory_space<vmem>>) offsets(%dma_start3A_1915 : memref<50xi32, #tpu.memory_space<vmem>>) semaphore(%arg11 : memref<!tpu.dma_semaphore, #tpu.memory_space<semaphore_mem>>)
        %dma_start3A_1919 = arith.constant 1 : i32
        %dma_start3A_1920 = arith.constant 9 : i32
        %dma_start3A_1921 = arith.constant 1 : i32
        %dma_start3A_1922 = arith.constant 9 : i32
        %dma_start3A_1923 = arith.constant 0 : i32
        %dma_start3A_1924 = arith.constant 0 : i32
        %dma_start3A_1925 = tpu.memref_slice %arg6[%dma_start3A_1921, %dma_start3A_1922, %dma_start3A_1923, %dma_start3A_1924] : memref<2x16x50x32xf32, #tpu.memory_space<vmem>> -> memref<1x1x50x32xf32, #tpu.memory_space<vmem>>
        %dma_start3A_1926 = tpu.memref_squeeze %dma_start3A_1925 : memref<1x1x50x32xf32, #tpu.memory_space<vmem>> -> memref<50x32xf32, #tpu.memory_space<vmem>>
        %dma_start3A_1927 = arith.constant 0 : i32
        %dma_start3A_1928 = tpu.memref_slice %arg5[%dma_start3A_1919, %dma_start3A_1920, %dma_start3A_1927] : memref<2x16x50xi32, #tpu.memory_space<vmem>> -> memref<1x1x50xi32, #tpu.memory_space<vmem>>
        %dma_start3A_1929 = tpu.memref_squeeze %dma_start3A_1928 : memref<1x1x50xi32, #tpu.memory_space<vmem>> -> memref<50xi32, #tpu.memory_space<vmem>>
        %dma_start3A_1930 = arith.constant 0 : i32
        %dma_start3A_1931 = arith.constant 0 : i32
        %dma_start3A_1932 = tpu.memref_slice %arg3[%dma_start3A_1930, %dma_start3A_1931] : memref<1000000x32xf32, #tpu.memory_space<hbm>> -> memref<1000000x32xf32, #tpu.memory_space<hbm>>
        tpu.enqueue_indirect_dma source(%dma_start3A_1932 : memref<1000000x32xf32, #tpu.memory_space<hbm>>) target(%dma_start3A_1926 : memref<50x32xf32, #tpu.memory_space<vmem>>) offsets(%dma_start3A_1929 : memref<50xi32, #tpu.memory_space<vmem>>) semaphore(%arg11 : memref<!tpu.dma_semaphore, #tpu.memory_space<semaphore_mem>>)
        %dma_start3A_1933 = arith.constant 1 : i32
        %dma_start3A_1934 = arith.constant 10 : i32
        %dma_start3A_1935 = arith.constant 1 : i32
        %dma_start3A_1936 = arith.constant 10 : i32
        %dma_start3A_1937 = arith.constant 0 : i32
        %dma_start3A_1938 = arith.constant 0 : i32
        %dma_start3A_1939 = tpu.memref_slice %arg6[%dma_start3A_1935, %dma_start3A_1936, %dma_start3A_1937, %dma_start3A_1938] : memref<2x16x50x32xf32, #tpu.memory_space<vmem>> -> memref<1x1x50x32xf32, #tpu.memory_space<vmem>>
        %dma_start3A_1940 = tpu.memref_squeeze %dma_start3A_1939 : memref<1x1x50x32xf32, #tpu.memory_space<vmem>> -> memref<50x32xf32, #tpu.memory_space<vmem>>
        %dma_start3A_1941 = arith.constant 0 : i32
        %dma_start3A_1942 = tpu.memref_slice %arg5[%dma_start3A_1933, %dma_start3A_1934, %dma_start3A_1941] : memref<2x16x50xi32, #tpu.memory_space<vmem>> -> memref<1x1x50xi32, #tpu.memory_space<vmem>>
        %dma_start3A_1943 = tpu.memref_squeeze %dma_start3A_1942 : memref<1x1x50xi32, #tpu.memory_space<vmem>> -> memref<50xi32, #tpu.memory_space<vmem>>
        %dma_start3A_1944 = arith.constant 0 : i32
        %dma_start3A_1945 = arith.constant 0 : i32
        %dma_start3A_1946 = tpu.memref_slice %arg3[%dma_start3A_1944, %dma_start3A_1945] : memref<1000000x32xf32, #tpu.memory_space<hbm>> -> memref<1000000x32xf32, #tpu.memory_space<hbm>>
        tpu.enqueue_indirect_dma source(%dma_start3A_1946 : memref<1000000x32xf32, #tpu.memory_space<hbm>>) target(%dma_start3A_1940 : memref<50x32xf32, #tpu.memory_space<vmem>>) offsets(%dma_start3A_1943 : memref<50xi32, #tpu.memory_space<vmem>>) semaphore(%arg11 : memref<!tpu.dma_semaphore, #tpu.memory_space<semaphore_mem>>)
        %dma_start3A_1947 = arith.constant 1 : i32
        %dma_start3A_1948 = arith.constant 11 : i32
        %dma_start3A_1949 = arith.constant 1 : i32
        %dma_start3A_1950 = arith.constant 11 : i32
        %dma_start3A_1951 = arith.constant 0 : i32
        %dma_start3A_1952 = arith.constant 0 : i32
        %dma_start3A_1953 = tpu.memref_slice %arg6[%dma_start3A_1949, %dma_start3A_1950, %dma_start3A_1951, %dma_start3A_1952] : memref<2x16x50x32xf32, #tpu.memory_space<vmem>> -> memref<1x1x50x32xf32, #tpu.memory_space<vmem>>
        %dma_start3A_1954 = tpu.memref_squeeze %dma_start3A_1953 : memref<1x1x50x32xf32, #tpu.memory_space<vmem>> -> memref<50x32xf32, #tpu.memory_space<vmem>>
        %dma_start3A_1955 = arith.constant 0 : i32
        %dma_start3A_1956 = tpu.memref_slice %arg5[%dma_start3A_1947, %dma_start3A_1948, %dma_start3A_1955] : memref<2x16x50xi32, #tpu.memory_space<vmem>> -> memref<1x1x50xi32, #tpu.memory_space<vmem>>
        %dma_start3A_1957 = tpu.memref_squeeze %dma_start3A_1956 : memref<1x1x50xi32, #tpu.memory_space<vmem>> -> memref<50xi32, #tpu.memory_space<vmem>>
        %dma_start3A_1958 = arith.constant 0 : i32
        %dma_start3A_1959 = arith.constant 0 : i32
        %dma_start3A_1960 = tpu.memref_slice %arg3[%dma_start3A_1958, %dma_start3A_1959] : memref<1000000x32xf32, #tpu.memory_space<hbm>> -> memref<1000000x32xf32, #tpu.memory_space<hbm>>
        tpu.enqueue_indirect_dma source(%dma_start3A_1960 : memref<1000000x32xf32, #tpu.memory_space<hbm>>) target(%dma_start3A_1954 : memref<50x32xf32, #tpu.memory_space<vmem>>) offsets(%dma_start3A_1957 : memref<50xi32, #tpu.memory_space<vmem>>) semaphore(%arg11 : memref<!tpu.dma_semaphore, #tpu.memory_space<semaphore_mem>>)
        %dma_start3A_1961 = arith.constant 1 : i32
        %dma_start3A_1962 = arith.constant 12 : i32
        %dma_start3A_1963 = arith.constant 1 : i32
        %dma_start3A_1964 = arith.constant 12 : i32
        %dma_start3A_1965 = arith.constant 0 : i32
        %dma_start3A_1966 = arith.constant 0 : i32
        %dma_start3A_1967 = tpu.memref_slice %arg6[%dma_start3A_1963, %dma_start3A_1964, %dma_start3A_1965, %dma_start3A_1966] : memref<2x16x50x32xf32, #tpu.memory_space<vmem>> -> memref<1x1x50x32xf32, #tpu.memory_space<vmem>>
        %dma_start3A_1968 = tpu.memref_squeeze %dma_start3A_1967 : memref<1x1x50x32xf32, #tpu.memory_space<vmem>> -> memref<50x32xf32, #tpu.memory_space<vmem>>
        %dma_start3A_1969 = arith.constant 0 : i32
        %dma_start3A_1970 = tpu.memref_slice %arg5[%dma_start3A_1961, %dma_start3A_1962, %dma_start3A_1969] : memref<2x16x50xi32, #tpu.memory_space<vmem>> -> memref<1x1x50xi32, #tpu.memory_space<vmem>>
        %dma_start3A_1971 = tpu.memref_squeeze %dma_start3A_1970 : memref<1x1x50xi32, #tpu.memory_space<vmem>> -> memref<50xi32, #tpu.memory_space<vmem>>
        %dma_start3A_1972 = arith.constant 0 : i32
        %dma_start3A_1973 = arith.constant 0 : i32
        %dma_start3A_1974 = tpu.memref_slice %arg3[%dma_start3A_1972, %dma_start3A_1973] : memref<1000000x32xf32, #tpu.memory_space<hbm>> -> memref<1000000x32xf32, #tpu.memory_space<hbm>>
        tpu.enqueue_indirect_dma source(%dma_start3A_1974 : memref<1000000x32xf32, #tpu.memory_space<hbm>>) target(%dma_start3A_1968 : memref<50x32xf32, #tpu.memory_space<vmem>>) offsets(%dma_start3A_1971 : memref<50xi32, #tpu.memory_space<vmem>>) semaphore(%arg11 : memref<!tpu.dma_semaphore, #tpu.memory_space<semaphore_mem>>)
        %dma_start3A_1975 = arith.constant 1 : i32
        %dma_start3A_1976 = arith.constant 13 : i32
        %dma_start3A_1977 = arith.constant 1 : i32
        %dma_start3A_1978 = arith.constant 13 : i32
        %dma_start3A_1979 = arith.constant 0 : i32
        %dma_start3A_1980 = arith.constant 0 : i32
        %dma_start3A_1981 = tpu.memref_slice %arg6[%dma_start3A_1977, %dma_start3A_1978, %dma_start3A_1979, %dma_start3A_1980] : memref<2x16x50x32xf32, #tpu.memory_space<vmem>> -> memref<1x1x50x32xf32, #tpu.memory_space<vmem>>
        %dma_start3A_1982 = tpu.memref_squeeze %dma_start3A_1981 : memref<1x1x50x32xf32, #tpu.memory_space<vmem>> -> memref<50x32xf32, #tpu.memory_space<vmem>>
        %dma_start3A_1983 = arith.constant 0 : i32
        %dma_start3A_1984 = tpu.memref_slice %arg5[%dma_start3A_1975, %dma_start3A_1976, %dma_start3A_1983] : memref<2x16x50xi32, #tpu.memory_space<vmem>> -> memref<1x1x50xi32, #tpu.memory_space<vmem>>
        %dma_start3A_1985 = tpu.memref_squeeze %dma_start3A_1984 : memref<1x1x50xi32, #tpu.memory_space<vmem>> -> memref<50xi32, #tpu.memory_space<vmem>>
        %dma_start3A_1986 = arith.constant 0 : i32
        %dma_start3A_1987 = arith.constant 0 : i32
        %dma_start3A_1988 = tpu.memref_slice %arg3[%dma_start3A_1986, %dma_start3A_1987] : memref<1000000x32xf32, #tpu.memory_space<hbm>> -> memref<1000000x32xf32, #tpu.memory_space<hbm>>
        tpu.enqueue_indirect_dma source(%dma_start3A_1988 : memref<1000000x32xf32, #tpu.memory_space<hbm>>) target(%dma_start3A_1982 : memref<50x32xf32, #tpu.memory_space<vmem>>) offsets(%dma_start3A_1985 : memref<50xi32, #tpu.memory_space<vmem>>) semaphore(%arg11 : memref<!tpu.dma_semaphore, #tpu.memory_space<semaphore_mem>>)
        %dma_start3A_1989 = arith.constant 1 : i32
        %dma_start3A_1990 = arith.constant 14 : i32
        %dma_start3A_1991 = arith.constant 1 : i32
        %dma_start3A_1992 = arith.constant 14 : i32
        %dma_start3A_1993 = arith.constant 0 : i32
        %dma_start3A_1994 = arith.constant 0 : i32
        %dma_start3A_1995 = tpu.memref_slice %arg6[%dma_start3A_1991, %dma_start3A_1992, %dma_start3A_1993, %dma_start3A_1994] : memref<2x16x50x32xf32, #tpu.memory_space<vmem>> -> memref<1x1x50x32xf32, #tpu.memory_space<vmem>>
        %dma_start3A_1996 = tpu.memref_squeeze %dma_start3A_1995 : memref<1x1x50x32xf32, #tpu.memory_space<vmem>> -> memref<50x32xf32, #tpu.memory_space<vmem>>
        %dma_start3A_1997 = arith.constant 0 : i32
        %dma_start3A_1998 = tpu.memref_slice %arg5[%dma_start3A_1989, %dma_start3A_1990, %dma_start3A_1997] : memref<2x16x50xi32, #tpu.memory_space<vmem>> -> memref<1x1x50xi32, #tpu.memory_space<vmem>>
        %dma_start3A_1999 = tpu.memref_squeeze %dma_start3A_1998 : memref<1x1x50xi32, #tpu.memory_space<vmem>> -> memref<50xi32, #tpu.memory_space<vmem>>
        %dma_start3A_2000 = arith.constant 0 : i32
        %dma_start3A_2001 = arith.constant 0 : i32
        %dma_start3A_2002 = tpu.memref_slice %arg3[%dma_start3A_2000, %dma_start3A_2001] : memref<1000000x32xf32, #tpu.memory_space<hbm>> -> memref<1000000x32xf32, #tpu.memory_space<hbm>>
        tpu.enqueue_indirect_dma source(%dma_start3A_2002 : memref<1000000x32xf32, #tpu.memory_space<hbm>>) target(%dma_start3A_1996 : memref<50x32xf32, #tpu.memory_space<vmem>>) offsets(%dma_start3A_1999 : memref<50xi32, #tpu.memory_space<vmem>>) semaphore(%arg11 : memref<!tpu.dma_semaphore, #tpu.memory_space<semaphore_mem>>)
        %dma_start3A_2003 = arith.constant 1 : i32
        %dma_start3A_2004 = arith.constant 15 : i32
        %dma_start3A_2005 = arith.constant 1 : i32
        %dma_start3A_2006 = arith.constant 15 : i32
        %dma_start3A_2007 = arith.constant 0 : i32
        %dma_start3A_2008 = arith.constant 0 : i32
        %dma_start3A_2009 = tpu.memref_slice %arg6[%dma_start3A_2005, %dma_start3A_2006, %dma_start3A_2007, %dma_start3A_2008] : memref<2x16x50x32xf32, #tpu.memory_space<vmem>> -> memref<1x1x50x32xf32, #tpu.memory_space<vmem>>
        %dma_start3A_2010 = tpu.memref_squeeze %dma_start3A_2009 : memref<1x1x50x32xf32, #tpu.memory_space<vmem>> -> memref<50x32xf32, #tpu.memory_space<vmem>>
        %dma_start3A_2011 = arith.constant 0 : i32
        %dma_start3A_2012 = tpu.memref_slice %arg5[%dma_start3A_2003, %dma_start3A_2004, %dma_start3A_2011] : memref<2x16x50xi32, #tpu.memory_space<vmem>> -> memref<1x1x50xi32, #tpu.memory_space<vmem>>
        %dma_start3A_2013 = tpu.memref_squeeze %dma_start3A_2012 : memref<1x1x50xi32, #tpu.memory_space<vmem>> -> memref<50xi32, #tpu.memory_space<vmem>>
        %dma_start3A_2014 = arith.constant 0 : i32
        %dma_start3A_2015 = arith.constant 0 : i32
        %dma_start3A_2016 = tpu.memref_slice %arg3[%dma_start3A_2014, %dma_start3A_2015] : memref<1000000x32xf32, #tpu.memory_space<hbm>> -> memref<1000000x32xf32, #tpu.memory_space<hbm>>
        tpu.enqueue_indirect_dma source(%dma_start3A_2016 : memref<1000000x32xf32, #tpu.memory_space<hbm>>) target(%dma_start3A_2010 : memref<50x32xf32, #tpu.memory_space<vmem>>) offsets(%dma_start3A_2013 : memref<50xi32, #tpu.memory_space<vmem>>) semaphore(%arg11 : memref<!tpu.dma_semaphore, #tpu.memory_space<semaphore_mem>>)
      } else {
      }
      %ge3A = arith.constant 2 : i32
      %ge3A_1003 = arith.cmpi sge, %add3A_773, %ge3A : i32
      %convert_element_type3A_1004 = arith.extui %ge3A_1003 : i1 to i32
      %cond3A_1005 = arith.constant 0 : i32
      %cond3A_1006 = arith.cmpi ne, %convert_element_type3A_1004, %cond3A_1005 : i32
      scf.if %cond3A_1006 {
        %sub3A_1775 = arith.constant 2 : i32
        %sub3A_1776 = arith.subi %add3A_773, %sub3A_1775 : i32
        %mul3A_1777 = arith.constant 16 : i32
        %mul3A_1778 = arith.muli %sub3A_1776, %mul3A_1777 : i32
        %add3A_1779 = arith.addi %mul3A_2, %mul3A_1778 : i32
        %jit3A_1780 = arith.constant 128 : i32
        %div3A_1781 = arith.divsi %add3A_1779, %jit3A_1780 : i32
        %sign3A_1782 = arith.constant 0 : i32
        %sign3A_1783 = arith.cmpi sgt, %add3A_1779, %sign3A_1782 : i32
        %sign3A_1784 = arith.extui %sign3A_1783 : i1 to i32
        %sign3A_1785 = arith.constant 0 : i32
        %sign3A_1786 = arith.cmpi slt, %add3A_1779, %sign3A_1785 : i32
        %sign3A_1787 = arith.extui %sign3A_1786 : i1 to i32
        %sign3A_1788 = arith.subi %sign3A_1784, %sign3A_1787 : i32
        %sign3A_1789 = arith.constant 0 : i32
        %sign3A_1790 = arith.cmpi sgt, %jit3A_1780, %sign3A_1789 : i32
        %sign3A_1791 = arith.extui %sign3A_1790 : i1 to i32
        %sign3A_1792 = arith.constant 0 : i32
        %sign3A_1793 = arith.cmpi slt, %jit3A_1780, %sign3A_1792 : i32
        %sign3A_1794 = arith.extui %sign3A_1793 : i1 to i32
        %sign3A_1795 = arith.subi %sign3A_1791, %sign3A_1794 : i32
        %ne3A_1796 = arith.cmpi ne, %sign3A_1788, %sign3A_1795 : i32
        %rem3A_1797 = arith.remsi %add3A_1779, %jit3A_1780 : i32
        %ne3A_1798 = arith.constant 0 : i32
        %ne3A_1799 = arith.cmpi ne, %rem3A_1797, %ne3A_1798 : i32
        %and3A_1800 = arith.andi %ne3A_1796, %ne3A_1799 : i1
        %sub3A_1801 = arith.constant 1 : i32
        %sub3A_1802 = arith.subi %div3A_1781, %sub3A_1801 : i32
        %select_n3A_1803 = arith.select %and3A_1800, %sub3A_1802, %div3A_1781 : i32
        %jit3A_1804 = arith.constant 128 : i32
        %eq3A_1805 = arith.constant 0 : i32
        %eq3A_1806 = arith.cmpi eq, %jit3A_1804, %eq3A_1805 : i32
        %jit3A_1807 = arith.constant 1 : i32
        %select_n3A_1808 = arith.select %eq3A_1806, %jit3A_1807, %jit3A_1804 : i32
        %rem3A_1809 = arith.remsi %add3A_1779, %select_n3A_1808 : i32
        %ne3A_1810 = arith.constant 0 : i32
        %ne3A_1811 = arith.cmpi ne, %rem3A_1809, %ne3A_1810 : i32
        %lt3A_1812 = arith.constant 0 : i32
        %lt3A_1813 = arith.cmpi slt, %rem3A_1809, %lt3A_1812 : i32
        %lt3A_1814 = arith.constant 0 : i32
        %lt3A_1815 = arith.cmpi slt, %select_n3A_1808, %lt3A_1814 : i32
        %ne3A_1816 = arith.xori %lt3A_1813, %lt3A_1815 : i1
        %and3A_1817 = arith.andi %ne3A_1816, %ne3A_1811 : i1
        %add3A_1818 = arith.addi %rem3A_1809, %select_n3A_1808 : i32
        %select_n3A_1819 = arith.select %and3A_1817, %add3A_1818, %rem3A_1809 : i32
        %dma_wait3A_1820 = arith.constant 0 : i32
        %dma_wait3A_1821 = arith.constant 0 : i32
        %dma_wait3A_1822 = arith.constant 0 : i32
        %dma_wait3A_1823 = arith.constant 0 : i32
        %dma_wait3A_1824 = arith.constant 0 : i32
        %dma_wait3A_1825 = tpu.memref_slice %arg7[%dma_wait3A_1820, %dma_wait3A_1822, %dma_wait3A_1823, %dma_wait3A_1824] : memref<2x50x32x17xf32, #tpu.memory_space<vmem>> -> memref<1x50x8x16xf32, #tpu.memory_space<vmem>>
        %dma_wait3A_1826 = tpu.memref_squeeze %dma_wait3A_1825 : memref<1x50x8x16xf32, #tpu.memory_space<vmem>> -> memref<50x8x16xf32, #tpu.memory_space<vmem>>
        %dma_wait3A_1827 = arith.constant 0 : i32
        %dma_wait3A_1828 = arith.constant 0 : i32
        %dma_wait3A_1829 = tpu.memref_slice %arg4[%dma_wait3A_1827, %dma_wait3A_1821, %select_n3A_1803, %dma_wait3A_1828, %select_n3A_1819] : memref<50x4x128x8x128xf32, #tpu.memory_space<hbm>> -> memref<50x1x1x8x16xf32, #tpu.memory_space<hbm>>
        %dma_wait3A_1830 = tpu.memref_squeeze %dma_wait3A_1829 : memref<50x1x1x8x16xf32, #tpu.memory_space<hbm>> -> memref<50x8x16xf32, #tpu.memory_space<hbm>>
        %dma_wait3A_1831 = arith.constant 0 : i32
        %dma_wait3A_1832 = arith.constant 0 : i32
        %dma_wait3A_1833 = tpu.memref_slice %arg4[%dma_wait3A_1831, %dma_wait3A_1821, %select_n3A_1803, %dma_wait3A_1832, %select_n3A_1819] : memref<50x4x128x8x128xf32, #tpu.memory_space<hbm>> -> memref<50x1x1x8x16xf32, #tpu.memory_space<hbm>>
        %dma_wait3A_1834 = tpu.memref_squeeze %dma_wait3A_1833 : memref<50x1x1x8x16xf32, #tpu.memory_space<hbm>> -> memref<50x8x16xf32, #tpu.memory_space<hbm>>
        %dma_wait3A_1835 = arith.constant 0 : i32
        %dma_wait3A_1836 = arith.constant 0 : i32
        %dma_wait3A_1837 = arith.constant 0 : i32
        %dma_wait3A_1838 = tpu.memref_slice %arg7[%dma_wait3A_1820, %dma_wait3A_1835, %dma_wait3A_1836, %dma_wait3A_1837] : memref<2x50x32x17xf32, #tpu.memory_space<vmem>> -> memref<1x50x8x16xf32, #tpu.memory_space<vmem>>
        %dma_wait3A_1839 = tpu.memref_squeeze %dma_wait3A_1838 : memref<1x50x8x16xf32, #tpu.memory_space<vmem>> -> memref<50x8x16xf32, #tpu.memory_space<vmem>>
        tpu.wait_dma2 semaphore(%arg12 : memref<!tpu.dma_semaphore, #tpu.memory_space<semaphore_mem>>) src(%dma_wait3A_1839 : memref<50x8x16xf32, #tpu.memory_space<vmem>>) dst(%dma_wait3A_1834 : memref<50x8x16xf32, #tpu.memory_space<hbm>>)
        %sub3A_1840 = arith.constant 2 : i32
        %sub3A_1841 = arith.subi %add3A_773, %sub3A_1840 : i32
        %mul3A_1842 = arith.constant 16 : i32
        %mul3A_1843 = arith.muli %sub3A_1841, %mul3A_1842 : i32
        %add3A_1844 = arith.addi %mul3A_2, %mul3A_1843 : i32
        %jit3A_1845 = arith.constant 128 : i32
        %div3A_1846 = arith.divsi %add3A_1844, %jit3A_1845 : i32
        %sign3A_1847 = arith.constant 0 : i32
        %sign3A_1848 = arith.cmpi sgt, %add3A_1844, %sign3A_1847 : i32
        %sign3A_1849 = arith.extui %sign3A_1848 : i1 to i32
        %sign3A_1850 = arith.constant 0 : i32
        %sign3A_1851 = arith.cmpi slt, %add3A_1844, %sign3A_1850 : i32
        %sign3A_1852 = arith.extui %sign3A_1851 : i1 to i32
        %sign3A_1853 = arith.subi %sign3A_1849, %sign3A_1852 : i32
        %sign3A_1854 = arith.constant 0 : i32
        %sign3A_1855 = arith.cmpi sgt, %jit3A_1845, %sign3A_1854 : i32
        %sign3A_1856 = arith.extui %sign3A_1855 : i1 to i32
        %sign3A_1857 = arith.constant 0 : i32
        %sign3A_1858 = arith.cmpi slt, %jit3A_1845, %sign3A_1857 : i32
        %sign3A_1859 = arith.extui %sign3A_1858 : i1 to i32
        %sign3A_1860 = arith.subi %sign3A_1856, %sign3A_1859 : i32
        %ne3A_1861 = arith.cmpi ne, %sign3A_1853, %sign3A_1860 : i32
        %rem3A_1862 = arith.remsi %add3A_1844, %jit3A_1845 : i32
        %ne3A_1863 = arith.constant 0 : i32
        %ne3A_1864 = arith.cmpi ne, %rem3A_1862, %ne3A_1863 : i32
        %and3A_1865 = arith.andi %ne3A_1861, %ne3A_1864 : i1
        %sub3A_1866 = arith.constant 1 : i32
        %sub3A_1867 = arith.subi %div3A_1846, %sub3A_1866 : i32
        %select_n3A_1868 = arith.select %and3A_1865, %sub3A_1867, %div3A_1846 : i32
        %jit3A_1869 = arith.constant 128 : i32
        %eq3A_1870 = arith.constant 0 : i32
        %eq3A_1871 = arith.cmpi eq, %jit3A_1869, %eq3A_1870 : i32
        %jit3A_1872 = arith.constant 1 : i32
        %select_n3A_1873 = arith.select %eq3A_1871, %jit3A_1872, %jit3A_1869 : i32
        %rem3A_1874 = arith.remsi %add3A_1844, %select_n3A_1873 : i32
        %ne3A_1875 = arith.constant 0 : i32
        %ne3A_1876 = arith.cmpi ne, %rem3A_1874, %ne3A_1875 : i32
        %lt3A_1877 = arith.constant 0 : i32
        %lt3A_1878 = arith.cmpi slt, %rem3A_1874, %lt3A_1877 : i32
        %lt3A_1879 = arith.constant 0 : i32
        %lt3A_1880 = arith.cmpi slt, %select_n3A_1873, %lt3A_1879 : i32
        %ne3A_1881 = arith.xori %lt3A_1878, %lt3A_1880 : i1
        %and3A_1882 = arith.andi %ne3A_1881, %ne3A_1876 : i1
        %add3A_1883 = arith.addi %rem3A_1874, %select_n3A_1873 : i32
        %select_n3A_1884 = arith.select %and3A_1882, %add3A_1883, %rem3A_1874 : i32
        %dma_wait3A_1885 = arith.constant 0 : i32
        %dma_wait3A_1886 = arith.constant 1 : i32
        %dma_wait3A_1887 = arith.constant 0 : i32
        %dma_wait3A_1888 = arith.constant 8 : i32
        %dma_wait3A_1889 = arith.constant 0 : i32
        %dma_wait3A_1890 = tpu.memref_slice %arg7[%dma_wait3A_1885, %dma_wait3A_1887, %dma_wait3A_1888, %dma_wait3A_1889] : memref<2x50x32x17xf32, #tpu.memory_space<vmem>> -> memref<1x50x8x16xf32, #tpu.memory_space<vmem>>
        %dma_wait3A_1891 = tpu.memref_squeeze %dma_wait3A_1890 : memref<1x50x8x16xf32, #tpu.memory_space<vmem>> -> memref<50x8x16xf32, #tpu.memory_space<vmem>>
        %dma_wait3A_1892 = arith.constant 0 : i32
        %dma_wait3A_1893 = arith.constant 0 : i32
        %dma_wait3A_1894 = tpu.memref_slice %arg4[%dma_wait3A_1892, %dma_wait3A_1886, %select_n3A_1868, %dma_wait3A_1893, %select_n3A_1884] : memref<50x4x128x8x128xf32, #tpu.memory_space<hbm>> -> memref<50x1x1x8x16xf32, #tpu.memory_space<hbm>>
        %dma_wait3A_1895 = tpu.memref_squeeze %dma_wait3A_1894 : memref<50x1x1x8x16xf32, #tpu.memory_space<hbm>> -> memref<50x8x16xf32, #tpu.memory_space<hbm>>
        %dma_wait3A_1896 = arith.constant 0 : i32
        %dma_wait3A_1897 = arith.constant 0 : i32
        %dma_wait3A_1898 = tpu.memref_slice %arg4[%dma_wait3A_1896, %dma_wait3A_1886, %select_n3A_1868, %dma_wait3A_1897, %select_n3A_1884] : memref<50x4x128x8x128xf32, #tpu.memory_space<hbm>> -> memref<50x1x1x8x16xf32, #tpu.memory_space<hbm>>
        %dma_wait3A_1899 = tpu.memref_squeeze %dma_wait3A_1898 : memref<50x1x1x8x16xf32, #tpu.memory_space<hbm>> -> memref<50x8x16xf32, #tpu.memory_space<hbm>>
        %dma_wait3A_1900 = arith.constant 0 : i32
        %dma_wait3A_1901 = arith.constant 8 : i32
        %dma_wait3A_1902 = arith.constant 0 : i32
        %dma_wait3A_1903 = tpu.memref_slice %arg7[%dma_wait3A_1885, %dma_wait3A_1900, %dma_wait3A_1901, %dma_wait3A_1902] : memref<2x50x32x17xf32, #tpu.memory_space<vmem>> -> memref<1x50x8x16xf32, #tpu.memory_space<vmem>>
        %dma_wait3A_1904 = tpu.memref_squeeze %dma_wait3A_1903 : memref<1x50x8x16xf32, #tpu.memory_space<vmem>> -> memref<50x8x16xf32, #tpu.memory_space<vmem>>
        tpu.wait_dma2 semaphore(%arg12 : memref<!tpu.dma_semaphore, #tpu.memory_space<semaphore_mem>>) src(%dma_wait3A_1904 : memref<50x8x16xf32, #tpu.memory_space<vmem>>) dst(%dma_wait3A_1899 : memref<50x8x16xf32, #tpu.memory_space<hbm>>)
        %sub3A_1905 = arith.constant 2 : i32
        %sub3A_1906 = arith.subi %add3A_773, %sub3A_1905 : i32
        %mul3A_1907 = arith.constant 16 : i32
        %mul3A_1908 = arith.muli %sub3A_1906, %mul3A_1907 : i32
        %add3A_1909 = arith.addi %mul3A_2, %mul3A_1908 : i32
        %jit3A_1910 = arith.constant 128 : i32
        %div3A_1911 = arith.divsi %add3A_1909, %jit3A_1910 : i32
        %sign3A_1912 = arith.constant 0 : i32
        %sign3A_1913 = arith.cmpi sgt, %add3A_1909, %sign3A_1912 : i32
        %sign3A_1914 = arith.extui %sign3A_1913 : i1 to i32
        %sign3A_1915 = arith.constant 0 : i32
        %sign3A_1916 = arith.cmpi slt, %add3A_1909, %sign3A_1915 : i32
        %sign3A_1917 = arith.extui %sign3A_1916 : i1 to i32
        %sign3A_1918 = arith.subi %sign3A_1914, %sign3A_1917 : i32
        %sign3A_1919 = arith.constant 0 : i32
        %sign3A_1920 = arith.cmpi sgt, %jit3A_1910, %sign3A_1919 : i32
        %sign3A_1921 = arith.extui %sign3A_1920 : i1 to i32
        %sign3A_1922 = arith.constant 0 : i32
        %sign3A_1923 = arith.cmpi slt, %jit3A_1910, %sign3A_1922 : i32
        %sign3A_1924 = arith.extui %sign3A_1923 : i1 to i32
        %sign3A_1925 = arith.subi %sign3A_1921, %sign3A_1924 : i32
        %ne3A_1926 = arith.cmpi ne, %sign3A_1918, %sign3A_1925 : i32
        %rem3A_1927 = arith.remsi %add3A_1909, %jit3A_1910 : i32
        %ne3A_1928 = arith.constant 0 : i32
        %ne3A_1929 = arith.cmpi ne, %rem3A_1927, %ne3A_1928 : i32
        %and3A_1930 = arith.andi %ne3A_1926, %ne3A_1929 : i1
        %sub3A_1931 = arith.constant 1 : i32
        %sub3A_1932 = arith.subi %div3A_1911, %sub3A_1931 : i32
        %select_n3A_1933 = arith.select %and3A_1930, %sub3A_1932, %div3A_1911 : i32
        %jit3A_1934 = arith.constant 128 : i32
        %eq3A_1935 = arith.constant 0 : i32
        %eq3A_1936 = arith.cmpi eq, %jit3A_1934, %eq3A_1935 : i32
        %jit3A_1937 = arith.constant 1 : i32
        %select_n3A_1938 = arith.select %eq3A_1936, %jit3A_1937, %jit3A_1934 : i32
        %rem3A_1939 = arith.remsi %add3A_1909, %select_n3A_1938 : i32
        %ne3A_1940 = arith.constant 0 : i32
        %ne3A_1941 = arith.cmpi ne, %rem3A_1939, %ne3A_1940 : i32
        %lt3A_1942 = arith.constant 0 : i32
        %lt3A_1943 = arith.cmpi slt, %rem3A_1939, %lt3A_1942 : i32
        %lt3A_1944 = arith.constant 0 : i32
        %lt3A_1945 = arith.cmpi slt, %select_n3A_1938, %lt3A_1944 : i32
        %ne3A_1946 = arith.xori %lt3A_1943, %lt3A_1945 : i1
        %and3A_1947 = arith.andi %ne3A_1946, %ne3A_1941 : i1
        %add3A_1948 = arith.addi %rem3A_1939, %select_n3A_1938 : i32
        %select_n3A_1949 = arith.select %and3A_1947, %add3A_1948, %rem3A_1939 : i32
        %dma_wait3A_1950 = arith.constant 0 : i32
        %dma_wait3A_1951 = arith.constant 2 : i32
        %dma_wait3A_1952 = arith.constant 0 : i32
        %dma_wait3A_1953 = arith.constant 16 : i32
        %dma_wait3A_1954 = arith.constant 0 : i32
        %dma_wait3A_1955 = tpu.memref_slice %arg7[%dma_wait3A_1950, %dma_wait3A_1952, %dma_wait3A_1953, %dma_wait3A_1954] : memref<2x50x32x17xf32, #tpu.memory_space<vmem>> -> memref<1x50x8x16xf32, #tpu.memory_space<vmem>>
        %dma_wait3A_1956 = tpu.memref_squeeze %dma_wait3A_1955 : memref<1x50x8x16xf32, #tpu.memory_space<vmem>> -> memref<50x8x16xf32, #tpu.memory_space<vmem>>
        %dma_wait3A_1957 = arith.constant 0 : i32
        %dma_wait3A_1958 = arith.constant 0 : i32
        %dma_wait3A_1959 = tpu.memref_slice %arg4[%dma_wait3A_1957, %dma_wait3A_1951, %select_n3A_1933, %dma_wait3A_1958, %select_n3A_1949] : memref<50x4x128x8x128xf32, #tpu.memory_space<hbm>> -> memref<50x1x1x8x16xf32, #tpu.memory_space<hbm>>
        %dma_wait3A_1960 = tpu.memref_squeeze %dma_wait3A_1959 : memref<50x1x1x8x16xf32, #tpu.memory_space<hbm>> -> memref<50x8x16xf32, #tpu.memory_space<hbm>>
        %dma_wait3A_1961 = arith.constant 0 : i32
        %dma_wait3A_1962 = arith.constant 0 : i32
        %dma_wait3A_1963 = tpu.memref_slice %arg4[%dma_wait3A_1961, %dma_wait3A_1951, %select_n3A_1933, %dma_wait3A_1962, %select_n3A_1949] : memref<50x4x128x8x128xf32, #tpu.memory_space<hbm>> -> memref<50x1x1x8x16xf32, #tpu.memory_space<hbm>>
        %dma_wait3A_1964 = tpu.memref_squeeze %dma_wait3A_1963 : memref<50x1x1x8x16xf32, #tpu.memory_space<hbm>> -> memref<50x8x16xf32, #tpu.memory_space<hbm>>
        %dma_wait3A_1965 = arith.constant 0 : i32
        %dma_wait3A_1966 = arith.constant 16 : i32
        %dma_wait3A_1967 = arith.constant 0 : i32
        %dma_wait3A_1968 = tpu.memref_slice %arg7[%dma_wait3A_1950, %dma_wait3A_1965, %dma_wait3A_1966, %dma_wait3A_1967] : memref<2x50x32x17xf32, #tpu.memory_space<vmem>> -> memref<1x50x8x16xf32, #tpu.memory_space<vmem>>
        %dma_wait3A_1969 = tpu.memref_squeeze %dma_wait3A_1968 : memref<1x50x8x16xf32, #tpu.memory_space<vmem>> -> memref<50x8x16xf32, #tpu.memory_space<vmem>>
        tpu.wait_dma2 semaphore(%arg12 : memref<!tpu.dma_semaphore, #tpu.memory_space<semaphore_mem>>) src(%dma_wait3A_1969 : memref<50x8x16xf32, #tpu.memory_space<vmem>>) dst(%dma_wait3A_1964 : memref<50x8x16xf32, #tpu.memory_space<hbm>>)
        %sub3A_1970 = arith.constant 2 : i32
        %sub3A_1971 = arith.subi %add3A_773, %sub3A_1970 : i32
        %mul3A_1972 = arith.constant 16 : i32
        %mul3A_1973 = arith.muli %sub3A_1971, %mul3A_1972 : i32
        %add3A_1974 = arith.addi %mul3A_2, %mul3A_1973 : i32
        %jit3A_1975 = arith.constant 128 : i32
        %div3A_1976 = arith.divsi %add3A_1974, %jit3A_1975 : i32
        %sign3A_1977 = arith.constant 0 : i32
        %sign3A_1978 = arith.cmpi sgt, %add3A_1974, %sign3A_1977 : i32
        %sign3A_1979 = arith.extui %sign3A_1978 : i1 to i32
        %sign3A_1980 = arith.constant 0 : i32
        %sign3A_1981 = arith.cmpi slt, %add3A_1974, %sign3A_1980 : i32
        %sign3A_1982 = arith.extui %sign3A_1981 : i1 to i32
        %sign3A_1983 = arith.subi %sign3A_1979, %sign3A_1982 : i32
        %sign3A_1984 = arith.constant 0 : i32
        %sign3A_1985 = arith.cmpi sgt, %jit3A_1975, %sign3A_1984 : i32
        %sign3A_1986 = arith.extui %sign3A_1985 : i1 to i32
        %sign3A_1987 = arith.constant 0 : i32
        %sign3A_1988 = arith.cmpi slt, %jit3A_1975, %sign3A_1987 : i32
        %sign3A_1989 = arith.extui %sign3A_1988 : i1 to i32
        %sign3A_1990 = arith.subi %sign3A_1986, %sign3A_1989 : i32
        %ne3A_1991 = arith.cmpi ne, %sign3A_1983, %sign3A_1990 : i32
        %rem3A_1992 = arith.remsi %add3A_1974, %jit3A_1975 : i32
        %ne3A_1993 = arith.constant 0 : i32
        %ne3A_1994 = arith.cmpi ne, %rem3A_1992, %ne3A_1993 : i32
        %and3A_1995 = arith.andi %ne3A_1991, %ne3A_1994 : i1
        %sub3A_1996 = arith.constant 1 : i32
        %sub3A_1997 = arith.subi %div3A_1976, %sub3A_1996 : i32
        %select_n3A_1998 = arith.select %and3A_1995, %sub3A_1997, %div3A_1976 : i32
        %jit3A_1999 = arith.constant 128 : i32
        %eq3A_2000 = arith.constant 0 : i32
        %eq3A_2001 = arith.cmpi eq, %jit3A_1999, %eq3A_2000 : i32
        %jit3A_2002 = arith.constant 1 : i32
        %select_n3A_2003 = arith.select %eq3A_2001, %jit3A_2002, %jit3A_1999 : i32
        %rem3A_2004 = arith.remsi %add3A_1974, %select_n3A_2003 : i32
        %ne3A_2005 = arith.constant 0 : i32
        %ne3A_2006 = arith.cmpi ne, %rem3A_2004, %ne3A_2005 : i32
        %lt3A_2007 = arith.constant 0 : i32
        %lt3A_2008 = arith.cmpi slt, %rem3A_2004, %lt3A_2007 : i32
        %lt3A_2009 = arith.constant 0 : i32
        %lt3A_2010 = arith.cmpi slt, %select_n3A_2003, %lt3A_2009 : i32
        %ne3A_2011 = arith.xori %lt3A_2008, %lt3A_2010 : i1
        %and3A_2012 = arith.andi %ne3A_2011, %ne3A_2006 : i1
        %add3A_2013 = arith.addi %rem3A_2004, %select_n3A_2003 : i32
        %select_n3A_2014 = arith.select %and3A_2012, %add3A_2013, %rem3A_2004 : i32
        %dma_wait3A_2015 = arith.constant 0 : i32
        %dma_wait3A_2016 = arith.constant 3 : i32
        %dma_wait3A_2017 = arith.constant 0 : i32
        %dma_wait3A_2018 = arith.constant 24 : i32
        %dma_wait3A_2019 = arith.constant 0 : i32
        %dma_wait3A_2020 = tpu.memref_slice %arg7[%dma_wait3A_2015, %dma_wait3A_2017, %dma_wait3A_2018, %dma_wait3A_2019] : memref<2x50x32x17xf32, #tpu.memory_space<vmem>> -> memref<1x50x8x16xf32, #tpu.memory_space<vmem>>
        %dma_wait3A_2021 = tpu.memref_squeeze %dma_wait3A_2020 : memref<1x50x8x16xf32, #tpu.memory_space<vmem>> -> memref<50x8x16xf32, #tpu.memory_space<vmem>>
        %dma_wait3A_2022 = arith.constant 0 : i32
        %dma_wait3A_2023 = arith.constant 0 : i32
        %dma_wait3A_2024 = tpu.memref_slice %arg4[%dma_wait3A_2022, %dma_wait3A_2016, %select_n3A_1998, %dma_wait3A_2023, %select_n3A_2014] : memref<50x4x128x8x128xf32, #tpu.memory_space<hbm>> -> memref<50x1x1x8x16xf32, #tpu.memory_space<hbm>>
        %dma_wait3A_2025 = tpu.memref_squeeze %dma_wait3A_2024 : memref<50x1x1x8x16xf32, #tpu.memory_space<hbm>> -> memref<50x8x16xf32, #tpu.memory_space<hbm>>
        %dma_wait3A_2026 = arith.constant 0 : i32
        %dma_wait3A_2027 = arith.constant 0 : i32
        %dma_wait3A_2028 = tpu.memref_slice %arg4[%dma_wait3A_2026, %dma_wait3A_2016, %select_n3A_1998, %dma_wait3A_2027, %select_n3A_2014] : memref<50x4x128x8x128xf32, #tpu.memory_space<hbm>> -> memref<50x1x1x8x16xf32, #tpu.memory_space<hbm>>
        %dma_wait3A_2029 = tpu.memref_squeeze %dma_wait3A_2028 : memref<50x1x1x8x16xf32, #tpu.memory_space<hbm>> -> memref<50x8x16xf32, #tpu.memory_space<hbm>>
        %dma_wait3A_2030 = arith.constant 0 : i32
        %dma_wait3A_2031 = arith.constant 24 : i32
        %dma_wait3A_2032 = arith.constant 0 : i32
        %dma_wait3A_2033 = tpu.memref_slice %arg7[%dma_wait3A_2015, %dma_wait3A_2030, %dma_wait3A_2031, %dma_wait3A_2032] : memref<2x50x32x17xf32, #tpu.memory_space<vmem>> -> memref<1x50x8x16xf32, #tpu.memory_space<vmem>>
        %dma_wait3A_2034 = tpu.memref_squeeze %dma_wait3A_2033 : memref<1x50x8x16xf32, #tpu.memory_space<vmem>> -> memref<50x8x16xf32, #tpu.memory_space<vmem>>
        tpu.wait_dma2 semaphore(%arg12 : memref<!tpu.dma_semaphore, #tpu.memory_space<semaphore_mem>>) src(%dma_wait3A_2034 : memref<50x8x16xf32, #tpu.memory_space<vmem>>) dst(%dma_wait3A_2029 : memref<50x8x16xf32, #tpu.memory_space<hbm>>)
      } else {
      }
      %scan3A_1007 = arith.constant 0 : i32
      %scan3A_1008 = arith.constant 50 : i32
      %scan3A_1009 = arith.addi %scan3A_1007, %scan3A_1008 : i32
      %scan3A_1010 = arith.constant 1 : i32
      scf.for %scan3A_1775 = %scan3A_1007 to %scan3A_1009 step %scan3A_1010  : i32 {
        %broadcast_in_dim3A_1776 = vector.broadcast %scan3A_1775 : i32 to vector<16xi32>
        %broadcast_in_dim3A_1777 = arith.constant 0 : i32
        %broadcast_in_dim3A_1778 = vector.broadcast %broadcast_in_dim3A_1777 : i32 to vector<16xi32>
        %get3A = arith.constant 0 : i32
        %get3A_1779 = arith.constant 0 : i32
        %get3A_1780 = arith.index_cast %get3A : i32 to index
        %get3A_1781 = arith.index_cast %get3A_1779 : i32 to index
        %get3A_1782 = arith.index_cast %scan3A_1775 : i32 to index
        %get3A_1783 = arith.constant 0 : index
        %get3A_1784 = tpu.vector_load %arg6[%get3A_1780, %get3A_1781, %get3A_1782, %get3A_1783] {strides = array<i32>} : memref<2x16x50x32xf32, #tpu.memory_space<vmem>>, vector<16xf32>,
        tpu.vector_store_idx %arg7[%broadcast_in_dim3A_3, %broadcast_in_dim3A_1776, %add3A_8, %broadcast_in_dim3A_1778], %get3A_1784 : memref<2x50x32x17xf32, #tpu.memory_space<vmem>>[vector<16xi32>, vector<16xi32>, vector<16xi32>, vector<16xi32>], vector<16xf32>,
        %get3A_1785 = arith.constant 0 : i32
        %get3A_1786 = arith.constant 0 : i32
        %get3A_1787 = arith.index_cast %get3A_1785 : i32 to index
        %get3A_1788 = arith.index_cast %get3A_1786 : i32 to index
        %get3A_1789 = arith.index_cast %scan3A_1775 : i32 to index
        %get3A_1790 = arith.constant 16 : index
        %get3A_1791 = tpu.vector_load %arg6[%get3A_1787, %get3A_1788, %get3A_1789, %get3A_1790] {strides = array<i32>} : memref<2x16x50x32xf32, #tpu.memory_space<vmem>>, vector<16xf32>,
        tpu.vector_store_idx %arg7[%broadcast_in_dim3A_3, %broadcast_in_dim3A_1776, %add3A_11, %broadcast_in_dim3A_1778], %get3A_1791 : memref<2x50x32x17xf32, #tpu.memory_space<vmem>>[vector<16xi32>, vector<16xi32>, vector<16xi32>, vector<16xi32>], vector<16xf32>,
        %broadcast_in_dim3A_1792 = arith.constant 1 : i32
        %broadcast_in_dim3A_1793 = vector.broadcast %broadcast_in_dim3A_1792 : i32 to vector<16xi32>
        %get3A_1794 = arith.constant 0 : i32
        %get3A_1795 = arith.constant 1 : i32
        %get3A_1796 = arith.index_cast %get3A_1794 : i32 to index
        %get3A_1797 = arith.index_cast %get3A_1795 : i32 to index
        %get3A_1798 = arith.index_cast %scan3A_1775 : i32 to index
        %get3A_1799 = arith.constant 0 : index
        %get3A_1800 = tpu.vector_load %arg6[%get3A_1796, %get3A_1797, %get3A_1798, %get3A_1799] {strides = array<i32>} : memref<2x16x50x32xf32, #tpu.memory_space<vmem>>, vector<16xf32>,
        tpu.vector_store_idx %arg7[%broadcast_in_dim3A_3, %broadcast_in_dim3A_1776, %add3A_8, %broadcast_in_dim3A_1793], %get3A_1800 : memref<2x50x32x17xf32, #tpu.memory_space<vmem>>[vector<16xi32>, vector<16xi32>, vector<16xi32>, vector<16xi32>], vector<16xf32>,
        %get3A_1801 = arith.constant 0 : i32
        %get3A_1802 = arith.constant 1 : i32
        %get3A_1803 = arith.index_cast %get3A_1801 : i32 to index
        %get3A_1804 = arith.index_cast %get3A_1802 : i32 to index
        %get3A_1805 = arith.index_cast %scan3A_1775 : i32 to index
        %get3A_1806 = arith.constant 16 : index
        %get3A_1807 = tpu.vector_load %arg6[%get3A_1803, %get3A_1804, %get3A_1805, %get3A_1806] {strides = array<i32>} : memref<2x16x50x32xf32, #tpu.memory_space<vmem>>, vector<16xf32>,
        tpu.vector_store_idx %arg7[%broadcast_in_dim3A_3, %broadcast_in_dim3A_1776, %add3A_11, %broadcast_in_dim3A_1793], %get3A_1807 : memref<2x50x32x17xf32, #tpu.memory_space<vmem>>[vector<16xi32>, vector<16xi32>, vector<16xi32>, vector<16xi32>], vector<16xf32>,
        %broadcast_in_dim3A_1808 = arith.constant 2 : i32
        %broadcast_in_dim3A_1809 = vector.broadcast %broadcast_in_dim3A_1808 : i32 to vector<16xi32>
        %get3A_1810 = arith.constant 0 : i32
        %get3A_1811 = arith.constant 2 : i32
        %get3A_1812 = arith.index_cast %get3A_1810 : i32 to index
        %get3A_1813 = arith.index_cast %get3A_1811 : i32 to index
        %get3A_1814 = arith.index_cast %scan3A_1775 : i32 to index
        %get3A_1815 = arith.constant 0 : index
        %get3A_1816 = tpu.vector_load %arg6[%get3A_1812, %get3A_1813, %get3A_1814, %get3A_1815] {strides = array<i32>} : memref<2x16x50x32xf32, #tpu.memory_space<vmem>>, vector<16xf32>,
        tpu.vector_store_idx %arg7[%broadcast_in_dim3A_3, %broadcast_in_dim3A_1776, %add3A_8, %broadcast_in_dim3A_1809], %get3A_1816 : memref<2x50x32x17xf32, #tpu.memory_space<vmem>>[vector<16xi32>, vector<16xi32>, vector<16xi32>, vector<16xi32>], vector<16xf32>,
        %get3A_1817 = arith.constant 0 : i32
        %get3A_1818 = arith.constant 2 : i32
        %get3A_1819 = arith.index_cast %get3A_1817 : i32 to index
        %get3A_1820 = arith.index_cast %get3A_1818 : i32 to index
        %get3A_1821 = arith.index_cast %scan3A_1775 : i32 to index
        %get3A_1822 = arith.constant 16 : index
        %get3A_1823 = tpu.vector_load %arg6[%get3A_1819, %get3A_1820, %get3A_1821, %get3A_1822] {strides = array<i32>} : memref<2x16x50x32xf32, #tpu.memory_space<vmem>>, vector<16xf32>,
        tpu.vector_store_idx %arg7[%broadcast_in_dim3A_3, %broadcast_in_dim3A_1776, %add3A_11, %broadcast_in_dim3A_1809], %get3A_1823 : memref<2x50x32x17xf32, #tpu.memory_space<vmem>>[vector<16xi32>, vector<16xi32>, vector<16xi32>, vector<16xi32>], vector<16xf32>,
        %broadcast_in_dim3A_1824 = arith.constant 3 : i32
        %broadcast_in_dim3A_1825 = vector.broadcast %broadcast_in_dim3A_1824 : i32 to vector<16xi32>
        %get3A_1826 = arith.constant 0 : i32
        %get3A_1827 = arith.constant 3 : i32
        %get3A_1828 = arith.index_cast %get3A_1826 : i32 to index
        %get3A_1829 = arith.index_cast %get3A_1827 : i32 to index
        %get3A_1830 = arith.index_cast %scan3A_1775 : i32 to index
        %get3A_1831 = arith.constant 0 : index
        %get3A_1832 = tpu.vector_load %arg6[%get3A_1828, %get3A_1829, %get3A_1830, %get3A_1831] {strides = array<i32>} : memref<2x16x50x32xf32, #tpu.memory_space<vmem>>, vector<16xf32>,
        tpu.vector_store_idx %arg7[%broadcast_in_dim3A_3, %broadcast_in_dim3A_1776, %add3A_8, %broadcast_in_dim3A_1825], %get3A_1832 : memref<2x50x32x17xf32, #tpu.memory_space<vmem>>[vector<16xi32>, vector<16xi32>, vector<16xi32>, vector<16xi32>], vector<16xf32>,
        %get3A_1833 = arith.constant 0 : i32
        %get3A_1834 = arith.constant 3 : i32
        %get3A_1835 = arith.index_cast %get3A_1833 : i32 to index
        %get3A_1836 = arith.index_cast %get3A_1834 : i32 to index
        %get3A_1837 = arith.index_cast %scan3A_1775 : i32 to index
        %get3A_1838 = arith.constant 16 : index
        %get3A_1839 = tpu.vector_load %arg6[%get3A_1835, %get3A_1836, %get3A_1837, %get3A_1838] {strides = array<i32>} : memref<2x16x50x32xf32, #tpu.memory_space<vmem>>, vector<16xf32>,
        tpu.vector_store_idx %arg7[%broadcast_in_dim3A_3, %broadcast_in_dim3A_1776, %add3A_11, %broadcast_in_dim3A_1825], %get3A_1839 : memref<2x50x32x17xf32, #tpu.memory_space<vmem>>[vector<16xi32>, vector<16xi32>, vector<16xi32>, vector<16xi32>], vector<16xf32>,
        %broadcast_in_dim3A_1840 = arith.constant 4 : i32
        %broadcast_in_dim3A_1841 = vector.broadcast %broadcast_in_dim3A_1840 : i32 to vector<16xi32>
        %get3A_1842 = arith.constant 0 : i32
        %get3A_1843 = arith.constant 4 : i32
        %get3A_1844 = arith.index_cast %get3A_1842 : i32 to index
        %get3A_1845 = arith.index_cast %get3A_1843 : i32 to index
        %get3A_1846 = arith.index_cast %scan3A_1775 : i32 to index
        %get3A_1847 = arith.constant 0 : index
        %get3A_1848 = tpu.vector_load %arg6[%get3A_1844, %get3A_1845, %get3A_1846, %get3A_1847] {strides = array<i32>} : memref<2x16x50x32xf32, #tpu.memory_space<vmem>>, vector<16xf32>,
        tpu.vector_store_idx %arg7[%broadcast_in_dim3A_3, %broadcast_in_dim3A_1776, %add3A_8, %broadcast_in_dim3A_1841], %get3A_1848 : memref<2x50x32x17xf32, #tpu.memory_space<vmem>>[vector<16xi32>, vector<16xi32>, vector<16xi32>, vector<16xi32>], vector<16xf32>,
        %get3A_1849 = arith.constant 0 : i32
        %get3A_1850 = arith.constant 4 : i32
        %get3A_1851 = arith.index_cast %get3A_1849 : i32 to index
        %get3A_1852 = arith.index_cast %get3A_1850 : i32 to index
        %get3A_1853 = arith.index_cast %scan3A_1775 : i32 to index
        %get3A_1854 = arith.constant 16 : index
        %get3A_1855 = tpu.vector_load %arg6[%get3A_1851, %get3A_1852, %get3A_1853, %get3A_1854] {strides = array<i32>} : memref<2x16x50x32xf32, #tpu.memory_space<vmem>>, vector<16xf32>,
        tpu.vector_store_idx %arg7[%broadcast_in_dim3A_3, %broadcast_in_dim3A_1776, %add3A_11, %broadcast_in_dim3A_1841], %get3A_1855 : memref<2x50x32x17xf32, #tpu.memory_space<vmem>>[vector<16xi32>, vector<16xi32>, vector<16xi32>, vector<16xi32>], vector<16xf32>,
        %broadcast_in_dim3A_1856 = arith.constant 5 : i32
        %broadcast_in_dim3A_1857 = vector.broadcast %broadcast_in_dim3A_1856 : i32 to vector<16xi32>
        %get3A_1858 = arith.constant 0 : i32
        %get3A_1859 = arith.constant 5 : i32
        %get3A_1860 = arith.index_cast %get3A_1858 : i32 to index
        %get3A_1861 = arith.index_cast %get3A_1859 : i32 to index
        %get3A_1862 = arith.index_cast %scan3A_1775 : i32 to index
        %get3A_1863 = arith.constant 0 : index
        %get3A_1864 = tpu.vector_load %arg6[%get3A_1860, %get3A_1861, %get3A_1862, %get3A_1863] {strides = array<i32>} : memref<2x16x50x32xf32, #tpu.memory_space<vmem>>, vector<16xf32>,
        tpu.vector_store_idx %arg7[%broadcast_in_dim3A_3, %broadcast_in_dim3A_1776, %add3A_8, %broadcast_in_dim3A_1857], %get3A_1864 : memref<2x50x32x17xf32, #tpu.memory_space<vmem>>[vector<16xi32>, vector<16xi32>, vector<16xi32>, vector<16xi32>], vector<16xf32>,
        %get3A_1865 = arith.constant 0 : i32
        %get3A_1866 = arith.constant 5 : i32
        %get3A_1867 = arith.index_cast %get3A_1865 : i32 to index
        %get3A_1868 = arith.index_cast %get3A_1866 : i32 to index
        %get3A_1869 = arith.index_cast %scan3A_1775 : i32 to index
        %get3A_1870 = arith.constant 16 : index
        %get3A_1871 = tpu.vector_load %arg6[%get3A_1867, %get3A_1868, %get3A_1869, %get3A_1870] {strides = array<i32>} : memref<2x16x50x32xf32, #tpu.memory_space<vmem>>, vector<16xf32>,
        tpu.vector_store_idx %arg7[%broadcast_in_dim3A_3, %broadcast_in_dim3A_1776, %add3A_11, %broadcast_in_dim3A_1857], %get3A_1871 : memref<2x50x32x17xf32, #tpu.memory_space<vmem>>[vector<16xi32>, vector<16xi32>, vector<16xi32>, vector<16xi32>], vector<16xf32>,
        %broadcast_in_dim3A_1872 = arith.constant 6 : i32
        %broadcast_in_dim3A_1873 = vector.broadcast %broadcast_in_dim3A_1872 : i32 to vector<16xi32>
        %get3A_1874 = arith.constant 0 : i32
        %get3A_1875 = arith.constant 6 : i32
        %get3A_1876 = arith.index_cast %get3A_1874 : i32 to index
        %get3A_1877 = arith.index_cast %get3A_1875 : i32 to index
        %get3A_1878 = arith.index_cast %scan3A_1775 : i32 to index
        %get3A_1879 = arith.constant 0 : index
        %get3A_1880 = tpu.vector_load %arg6[%get3A_1876, %get3A_1877, %get3A_1878, %get3A_1879] {strides = array<i32>} : memref<2x16x50x32xf32, #tpu.memory_space<vmem>>, vector<16xf32>,
        tpu.vector_store_idx %arg7[%broadcast_in_dim3A_3, %broadcast_in_dim3A_1776, %add3A_8, %broadcast_in_dim3A_1873], %get3A_1880 : memref<2x50x32x17xf32, #tpu.memory_space<vmem>>[vector<16xi32>, vector<16xi32>, vector<16xi32>, vector<16xi32>], vector<16xf32>,
        %get3A_1881 = arith.constant 0 : i32
        %get3A_1882 = arith.constant 6 : i32
        %get3A_1883 = arith.index_cast %get3A_1881 : i32 to index
        %get3A_1884 = arith.index_cast %get3A_1882 : i32 to index
        %get3A_1885 = arith.index_cast %scan3A_1775 : i32 to index
        %get3A_1886 = arith.constant 16 : index
        %get3A_1887 = tpu.vector_load %arg6[%get3A_1883, %get3A_1884, %get3A_1885, %get3A_1886] {strides = array<i32>} : memref<2x16x50x32xf32, #tpu.memory_space<vmem>>, vector<16xf32>,
        tpu.vector_store_idx %arg7[%broadcast_in_dim3A_3, %broadcast_in_dim3A_1776, %add3A_11, %broadcast_in_dim3A_1873], %get3A_1887 : memref<2x50x32x17xf32, #tpu.memory_space<vmem>>[vector<16xi32>, vector<16xi32>, vector<16xi32>, vector<16xi32>], vector<16xf32>,
        %broadcast_in_dim3A_1888 = arith.constant 7 : i32
        %broadcast_in_dim3A_1889 = vector.broadcast %broadcast_in_dim3A_1888 : i32 to vector<16xi32>
        %get3A_1890 = arith.constant 0 : i32
        %get3A_1891 = arith.constant 7 : i32
        %get3A_1892 = arith.index_cast %get3A_1890 : i32 to index
        %get3A_1893 = arith.index_cast %get3A_1891 : i32 to index
        %get3A_1894 = arith.index_cast %scan3A_1775 : i32 to index
        %get3A_1895 = arith.constant 0 : index
        %get3A_1896 = tpu.vector_load %arg6[%get3A_1892, %get3A_1893, %get3A_1894, %get3A_1895] {strides = array<i32>} : memref<2x16x50x32xf32, #tpu.memory_space<vmem>>, vector<16xf32>,
        tpu.vector_store_idx %arg7[%broadcast_in_dim3A_3, %broadcast_in_dim3A_1776, %add3A_8, %broadcast_in_dim3A_1889], %get3A_1896 : memref<2x50x32x17xf32, #tpu.memory_space<vmem>>[vector<16xi32>, vector<16xi32>, vector<16xi32>, vector<16xi32>], vector<16xf32>,
        %get3A_1897 = arith.constant 0 : i32
        %get3A_1898 = arith.constant 7 : i32
        %get3A_1899 = arith.index_cast %get3A_1897 : i32 to index
        %get3A_1900 = arith.index_cast %get3A_1898 : i32 to index
        %get3A_1901 = arith.index_cast %scan3A_1775 : i32 to index
        %get3A_1902 = arith.constant 16 : index
        %get3A_1903 = tpu.vector_load %arg6[%get3A_1899, %get3A_1900, %get3A_1901, %get3A_1902] {strides = array<i32>} : memref<2x16x50x32xf32, #tpu.memory_space<vmem>>, vector<16xf32>,
        tpu.vector_store_idx %arg7[%broadcast_in_dim3A_3, %broadcast_in_dim3A_1776, %add3A_11, %broadcast_in_dim3A_1889], %get3A_1903 : memref<2x50x32x17xf32, #tpu.memory_space<vmem>>[vector<16xi32>, vector<16xi32>, vector<16xi32>, vector<16xi32>], vector<16xf32>,
        %broadcast_in_dim3A_1904 = arith.constant 8 : i32
        %broadcast_in_dim3A_1905 = vector.broadcast %broadcast_in_dim3A_1904 : i32 to vector<16xi32>
        %get3A_1906 = arith.constant 0 : i32
        %get3A_1907 = arith.constant 8 : i32
        %get3A_1908 = arith.index_cast %get3A_1906 : i32 to index
        %get3A_1909 = arith.index_cast %get3A_1907 : i32 to index
        %get3A_1910 = arith.index_cast %scan3A_1775 : i32 to index
        %get3A_1911 = arith.constant 0 : index
        %get3A_1912 = tpu.vector_load %arg6[%get3A_1908, %get3A_1909, %get3A_1910, %get3A_1911] {strides = array<i32>} : memref<2x16x50x32xf32, #tpu.memory_space<vmem>>, vector<16xf32>,
        tpu.vector_store_idx %arg7[%broadcast_in_dim3A_3, %broadcast_in_dim3A_1776, %add3A_8, %broadcast_in_dim3A_1905], %get3A_1912 : memref<2x50x32x17xf32, #tpu.memory_space<vmem>>[vector<16xi32>, vector<16xi32>, vector<16xi32>, vector<16xi32>], vector<16xf32>,
        %get3A_1913 = arith.constant 0 : i32
        %get3A_1914 = arith.constant 8 : i32
        %get3A_1915 = arith.index_cast %get3A_1913 : i32 to index
        %get3A_1916 = arith.index_cast %get3A_1914 : i32 to index
        %get3A_1917 = arith.index_cast %scan3A_1775 : i32 to index
        %get3A_1918 = arith.constant 16 : index
        %get3A_1919 = tpu.vector_load %arg6[%get3A_1915, %get3A_1916, %get3A_1917, %get3A_1918] {strides = array<i32>} : memref<2x16x50x32xf32, #tpu.memory_space<vmem>>, vector<16xf32>,
        tpu.vector_store_idx %arg7[%broadcast_in_dim3A_3, %broadcast_in_dim3A_1776, %add3A_11, %broadcast_in_dim3A_1905], %get3A_1919 : memref<2x50x32x17xf32, #tpu.memory_space<vmem>>[vector<16xi32>, vector<16xi32>, vector<16xi32>, vector<16xi32>], vector<16xf32>,
        %broadcast_in_dim3A_1920 = arith.constant 9 : i32
        %broadcast_in_dim3A_1921 = vector.broadcast %broadcast_in_dim3A_1920 : i32 to vector<16xi32>
        %get3A_1922 = arith.constant 0 : i32
        %get3A_1923 = arith.constant 9 : i32
        %get3A_1924 = arith.index_cast %get3A_1922 : i32 to index
        %get3A_1925 = arith.index_cast %get3A_1923 : i32 to index
        %get3A_1926 = arith.index_cast %scan3A_1775 : i32 to index
        %get3A_1927 = arith.constant 0 : index
        %get3A_1928 = tpu.vector_load %arg6[%get3A_1924, %get3A_1925, %get3A_1926, %get3A_1927] {strides = array<i32>} : memref<2x16x50x32xf32, #tpu.memory_space<vmem>>, vector<16xf32>,
        tpu.vector_store_idx %arg7[%broadcast_in_dim3A_3, %broadcast_in_dim3A_1776, %add3A_8, %broadcast_in_dim3A_1921], %get3A_1928 : memref<2x50x32x17xf32, #tpu.memory_space<vmem>>[vector<16xi32>, vector<16xi32>, vector<16xi32>, vector<16xi32>], vector<16xf32>,
        %get3A_1929 = arith.constant 0 : i32
        %get3A_1930 = arith.constant 9 : i32
        %get3A_1931 = arith.index_cast %get3A_1929 : i32 to index
        %get3A_1932 = arith.index_cast %get3A_1930 : i32 to index
        %get3A_1933 = arith.index_cast %scan3A_1775 : i32 to index
        %get3A_1934 = arith.constant 16 : index
        %get3A_1935 = tpu.vector_load %arg6[%get3A_1931, %get3A_1932, %get3A_1933, %get3A_1934] {strides = array<i32>} : memref<2x16x50x32xf32, #tpu.memory_space<vmem>>, vector<16xf32>,
        tpu.vector_store_idx %arg7[%broadcast_in_dim3A_3, %broadcast_in_dim3A_1776, %add3A_11, %broadcast_in_dim3A_1921], %get3A_1935 : memref<2x50x32x17xf32, #tpu.memory_space<vmem>>[vector<16xi32>, vector<16xi32>, vector<16xi32>, vector<16xi32>], vector<16xf32>,
        %broadcast_in_dim3A_1936 = arith.constant 10 : i32
        %broadcast_in_dim3A_1937 = vector.broadcast %broadcast_in_dim3A_1936 : i32 to vector<16xi32>
        %get3A_1938 = arith.constant 0 : i32
        %get3A_1939 = arith.constant 10 : i32
        %get3A_1940 = arith.index_cast %get3A_1938 : i32 to index
        %get3A_1941 = arith.index_cast %get3A_1939 : i32 to index
        %get3A_1942 = arith.index_cast %scan3A_1775 : i32 to index
        %get3A_1943 = arith.constant 0 : index
        %get3A_1944 = tpu.vector_load %arg6[%get3A_1940, %get3A_1941, %get3A_1942, %get3A_1943] {strides = array<i32>} : memref<2x16x50x32xf32, #tpu.memory_space<vmem>>, vector<16xf32>,
        tpu.vector_store_idx %arg7[%broadcast_in_dim3A_3, %broadcast_in_dim3A_1776, %add3A_8, %broadcast_in_dim3A_1937], %get3A_1944 : memref<2x50x32x17xf32, #tpu.memory_space<vmem>>[vector<16xi32>, vector<16xi32>, vector<16xi32>, vector<16xi32>], vector<16xf32>,
        %get3A_1945 = arith.constant 0 : i32
        %get3A_1946 = arith.constant 10 : i32
        %get3A_1947 = arith.index_cast %get3A_1945 : i32 to index
        %get3A_1948 = arith.index_cast %get3A_1946 : i32 to index
        %get3A_1949 = arith.index_cast %scan3A_1775 : i32 to index
        %get3A_1950 = arith.constant 16 : index
        %get3A_1951 = tpu.vector_load %arg6[%get3A_1947, %get3A_1948, %get3A_1949, %get3A_1950] {strides = array<i32>} : memref<2x16x50x32xf32, #tpu.memory_space<vmem>>, vector<16xf32>,
        tpu.vector_store_idx %arg7[%broadcast_in_dim3A_3, %broadcast_in_dim3A_1776, %add3A_11, %broadcast_in_dim3A_1937], %get3A_1951 : memref<2x50x32x17xf32, #tpu.memory_space<vmem>>[vector<16xi32>, vector<16xi32>, vector<16xi32>, vector<16xi32>], vector<16xf32>,
        %broadcast_in_dim3A_1952 = arith.constant 11 : i32
        %broadcast_in_dim3A_1953 = vector.broadcast %broadcast_in_dim3A_1952 : i32 to vector<16xi32>
        %get3A_1954 = arith.constant 0 : i32
        %get3A_1955 = arith.constant 11 : i32
        %get3A_1956 = arith.index_cast %get3A_1954 : i32 to index
        %get3A_1957 = arith.index_cast %get3A_1955 : i32 to index
        %get3A_1958 = arith.index_cast %scan3A_1775 : i32 to index
        %get3A_1959 = arith.constant 0 : index
        %get3A_1960 = tpu.vector_load %arg6[%get3A_1956, %get3A_1957, %get3A_1958, %get3A_1959] {strides = array<i32>} : memref<2x16x50x32xf32, #tpu.memory_space<vmem>>, vector<16xf32>,
        tpu.vector_store_idx %arg7[%broadcast_in_dim3A_3, %broadcast_in_dim3A_1776, %add3A_8, %broadcast_in_dim3A_1953], %get3A_1960 : memref<2x50x32x17xf32, #tpu.memory_space<vmem>>[vector<16xi32>, vector<16xi32>, vector<16xi32>, vector<16xi32>], vector<16xf32>,
        %get3A_1961 = arith.constant 0 : i32
        %get3A_1962 = arith.constant 11 : i32
        %get3A_1963 = arith.index_cast %get3A_1961 : i32 to index
        %get3A_1964 = arith.index_cast %get3A_1962 : i32 to index
        %get3A_1965 = arith.index_cast %scan3A_1775 : i32 to index
        %get3A_1966 = arith.constant 16 : index
        %get3A_1967 = tpu.vector_load %arg6[%get3A_1963, %get3A_1964, %get3A_1965, %get3A_1966] {strides = array<i32>} : memref<2x16x50x32xf32, #tpu.memory_space<vmem>>, vector<16xf32>,
        tpu.vector_store_idx %arg7[%broadcast_in_dim3A_3, %broadcast_in_dim3A_1776, %add3A_11, %broadcast_in_dim3A_1953], %get3A_1967 : memref<2x50x32x17xf32, #tpu.memory_space<vmem>>[vector<16xi32>, vector<16xi32>, vector<16xi32>, vector<16xi32>], vector<16xf32>,
        %broadcast_in_dim3A_1968 = arith.constant 12 : i32
        %broadcast_in_dim3A_1969 = vector.broadcast %broadcast_in_dim3A_1968 : i32 to vector<16xi32>
        %get3A_1970 = arith.constant 0 : i32
        %get3A_1971 = arith.constant 12 : i32
        %get3A_1972 = arith.index_cast %get3A_1970 : i32 to index
        %get3A_1973 = arith.index_cast %get3A_1971 : i32 to index
        %get3A_1974 = arith.index_cast %scan3A_1775 : i32 to index
        %get3A_1975 = arith.constant 0 : index
        %get3A_1976 = tpu.vector_load %arg6[%get3A_1972, %get3A_1973, %get3A_1974, %get3A_1975] {strides = array<i32>} : memref<2x16x50x32xf32, #tpu.memory_space<vmem>>, vector<16xf32>,
        tpu.vector_store_idx %arg7[%broadcast_in_dim3A_3, %broadcast_in_dim3A_1776, %add3A_8, %broadcast_in_dim3A_1969], %get3A_1976 : memref<2x50x32x17xf32, #tpu.memory_space<vmem>>[vector<16xi32>, vector<16xi32>, vector<16xi32>, vector<16xi32>], vector<16xf32>,
        %get3A_1977 = arith.constant 0 : i32
        %get3A_1978 = arith.constant 12 : i32
        %get3A_1979 = arith.index_cast %get3A_1977 : i32 to index
        %get3A_1980 = arith.index_cast %get3A_1978 : i32 to index
        %get3A_1981 = arith.index_cast %scan3A_1775 : i32 to index
        %get3A_1982 = arith.constant 16 : index
        %get3A_1983 = tpu.vector_load %arg6[%get3A_1979, %get3A_1980, %get3A_1981, %get3A_1982] {strides = array<i32>} : memref<2x16x50x32xf32, #tpu.memory_space<vmem>>, vector<16xf32>,
        tpu.vector_store_idx %arg7[%broadcast_in_dim3A_3, %broadcast_in_dim3A_1776, %add3A_11, %broadcast_in_dim3A_1969], %get3A_1983 : memref<2x50x32x17xf32, #tpu.memory_space<vmem>>[vector<16xi32>, vector<16xi32>, vector<16xi32>, vector<16xi32>], vector<16xf32>,
        %broadcast_in_dim3A_1984 = arith.constant 13 : i32
        %broadcast_in_dim3A_1985 = vector.broadcast %broadcast_in_dim3A_1984 : i32 to vector<16xi32>
        %get3A_1986 = arith.constant 0 : i32
        %get3A_1987 = arith.constant 13 : i32
        %get3A_1988 = arith.index_cast %get3A_1986 : i32 to index
        %get3A_1989 = arith.index_cast %get3A_1987 : i32 to index
        %get3A_1990 = arith.index_cast %scan3A_1775 : i32 to index
        %get3A_1991 = arith.constant 0 : index
        %get3A_1992 = tpu.vector_load %arg6[%get3A_1988, %get3A_1989, %get3A_1990, %get3A_1991] {strides = array<i32>} : memref<2x16x50x32xf32, #tpu.memory_space<vmem>>, vector<16xf32>,
        tpu.vector_store_idx %arg7[%broadcast_in_dim3A_3, %broadcast_in_dim3A_1776, %add3A_8, %broadcast_in_dim3A_1985], %get3A_1992 : memref<2x50x32x17xf32, #tpu.memory_space<vmem>>[vector<16xi32>, vector<16xi32>, vector<16xi32>, vector<16xi32>], vector<16xf32>,
        %get3A_1993 = arith.constant 0 : i32
        %get3A_1994 = arith.constant 13 : i32
        %get3A_1995 = arith.index_cast %get3A_1993 : i32 to index
        %get3A_1996 = arith.index_cast %get3A_1994 : i32 to index
        %get3A_1997 = arith.index_cast %scan3A_1775 : i32 to index
        %get3A_1998 = arith.constant 16 : index
        %get3A_1999 = tpu.vector_load %arg6[%get3A_1995, %get3A_1996, %get3A_1997, %get3A_1998] {strides = array<i32>} : memref<2x16x50x32xf32, #tpu.memory_space<vmem>>, vector<16xf32>,
        tpu.vector_store_idx %arg7[%broadcast_in_dim3A_3, %broadcast_in_dim3A_1776, %add3A_11, %broadcast_in_dim3A_1985], %get3A_1999 : memref<2x50x32x17xf32, #tpu.memory_space<vmem>>[vector<16xi32>, vector<16xi32>, vector<16xi32>, vector<16xi32>], vector<16xf32>,
        %broadcast_in_dim3A_2000 = arith.constant 14 : i32
        %broadcast_in_dim3A_2001 = vector.broadcast %broadcast_in_dim3A_2000 : i32 to vector<16xi32>
        %get3A_2002 = arith.constant 0 : i32
        %get3A_2003 = arith.constant 14 : i32
        %get3A_2004 = arith.index_cast %get3A_2002 : i32 to index
        %get3A_2005 = arith.index_cast %get3A_2003 : i32 to index
        %get3A_2006 = arith.index_cast %scan3A_1775 : i32 to index
        %get3A_2007 = arith.constant 0 : index
        %get3A_2008 = tpu.vector_load %arg6[%get3A_2004, %get3A_2005, %get3A_2006, %get3A_2007] {strides = array<i32>} : memref<2x16x50x32xf32, #tpu.memory_space<vmem>>, vector<16xf32>,
        tpu.vector_store_idx %arg7[%broadcast_in_dim3A_3, %broadcast_in_dim3A_1776, %add3A_8, %broadcast_in_dim3A_2001], %get3A_2008 : memref<2x50x32x17xf32, #tpu.memory_space<vmem>>[vector<16xi32>, vector<16xi32>, vector<16xi32>, vector<16xi32>], vector<16xf32>,
        %get3A_2009 = arith.constant 0 : i32
        %get3A_2010 = arith.constant 14 : i32
        %get3A_2011 = arith.index_cast %get3A_2009 : i32 to index
        %get3A_2012 = arith.index_cast %get3A_2010 : i32 to index
        %get3A_2013 = arith.index_cast %scan3A_1775 : i32 to index
        %get3A_2014 = arith.constant 16 : index
        %get3A_2015 = tpu.vector_load %arg6[%get3A_2011, %get3A_2012, %get3A_2013, %get3A_2014] {strides = array<i32>} : memref<2x16x50x32xf32, #tpu.memory_space<vmem>>, vector<16xf32>,
        tpu.vector_store_idx %arg7[%broadcast_in_dim3A_3, %broadcast_in_dim3A_1776, %add3A_11, %broadcast_in_dim3A_2001], %get3A_2015 : memref<2x50x32x17xf32, #tpu.memory_space<vmem>>[vector<16xi32>, vector<16xi32>, vector<16xi32>, vector<16xi32>], vector<16xf32>,
        %broadcast_in_dim3A_2016 = arith.constant 15 : i32
        %broadcast_in_dim3A_2017 = vector.broadcast %broadcast_in_dim3A_2016 : i32 to vector<16xi32>
        %get3A_2018 = arith.constant 0 : i32
        %get3A_2019 = arith.constant 15 : i32
        %get3A_2020 = arith.index_cast %get3A_2018 : i32 to index
        %get3A_2021 = arith.index_cast %get3A_2019 : i32 to index
        %get3A_2022 = arith.index_cast %scan3A_1775 : i32 to index
        %get3A_2023 = arith.constant 0 : index
        %get3A_2024 = tpu.vector_load %arg6[%get3A_2020, %get3A_2021, %get3A_2022, %get3A_2023] {strides = array<i32>} : memref<2x16x50x32xf32, #tpu.memory_space<vmem>>, vector<16xf32>,
        tpu.vector_store_idx %arg7[%broadcast_in_dim3A_3, %broadcast_in_dim3A_1776, %add3A_8, %broadcast_in_dim3A_2017], %get3A_2024 : memref<2x50x32x17xf32, #tpu.memory_space<vmem>>[vector<16xi32>, vector<16xi32>, vector<16xi32>, vector<16xi32>], vector<16xf32>,
        %get3A_2025 = arith.constant 0 : i32
        %get3A_2026 = arith.constant 15 : i32
        %get3A_2027 = arith.index_cast %get3A_2025 : i32 to index
        %get3A_2028 = arith.index_cast %get3A_2026 : i32 to index
        %get3A_2029 = arith.index_cast %scan3A_1775 : i32 to index
        %get3A_2030 = arith.constant 16 : index
        %get3A_2031 = tpu.vector_load %arg6[%get3A_2027, %get3A_2028, %get3A_2029, %get3A_2030] {strides = array<i32>} : memref<2x16x50x32xf32, #tpu.memory_space<vmem>>, vector<16xf32>,
        tpu.vector_store_idx %arg7[%broadcast_in_dim3A_3, %broadcast_in_dim3A_1776, %add3A_11, %broadcast_in_dim3A_2017], %get3A_2031 : memref<2x50x32x17xf32, #tpu.memory_space<vmem>>[vector<16xi32>, vector<16xi32>, vector<16xi32>, vector<16xi32>], vector<16xf32>,
      }
      %scan3A_1011 = arith.constant 50 : i32
      %mul3A_1012 = arith.constant 16 : i32
      %mul3A_1013 = arith.muli %add3A_773, %mul3A_1012 : i32
      %add3A_1014 = arith.addi %mul3A_2, %mul3A_1013 : i32
      %jit3A_1015 = arith.constant 128 : i32
      %div3A_1016 = arith.divsi %add3A_1014, %jit3A_1015 : i32
      %sign3A_1017 = arith.constant 0 : i32
      %sign3A_1018 = arith.cmpi sgt, %add3A_1014, %sign3A_1017 : i32
      %sign3A_1019 = arith.extui %sign3A_1018 : i1 to i32
      %sign3A_1020 = arith.constant 0 : i32
      %sign3A_1021 = arith.cmpi slt, %add3A_1014, %sign3A_1020 : i32
      %sign3A_1022 = arith.extui %sign3A_1021 : i1 to i32
      %sign3A_1023 = arith.subi %sign3A_1019, %sign3A_1022 : i32
      %sign3A_1024 = arith.constant 0 : i32
      %sign3A_1025 = arith.cmpi sgt, %jit3A_1015, %sign3A_1024 : i32
      %sign3A_1026 = arith.extui %sign3A_1025 : i1 to i32
      %sign3A_1027 = arith.constant 0 : i32
      %sign3A_1028 = arith.cmpi slt, %jit3A_1015, %sign3A_1027 : i32
      %sign3A_1029 = arith.extui %sign3A_1028 : i1 to i32
      %sign3A_1030 = arith.subi %sign3A_1026, %sign3A_1029 : i32
      %ne3A_1031 = arith.cmpi ne, %sign3A_1023, %sign3A_1030 : i32
      %rem3A_1032 = arith.remsi %add3A_1014, %jit3A_1015 : i32
      %ne3A_1033 = arith.constant 0 : i32
      %ne3A_1034 = arith.cmpi ne, %rem3A_1032, %ne3A_1033 : i32
      %and3A_1035 = arith.andi %ne3A_1031, %ne3A_1034 : i1
      %sub3A_1036 = arith.constant 1 : i32
      %sub3A_1037 = arith.subi %div3A_1016, %sub3A_1036 : i32
      %select_n3A_1038 = arith.select %and3A_1035, %sub3A_1037, %div3A_1016 : i32
      %jit3A_1039 = arith.constant 128 : i32
      %eq3A_1040 = arith.constant 0 : i32
      %eq3A_1041 = arith.cmpi eq, %jit3A_1039, %eq3A_1040 : i32
      %jit3A_1042 = arith.constant 1 : i32
      %select_n3A_1043 = arith.select %eq3A_1041, %jit3A_1042, %jit3A_1039 : i32
      %rem3A_1044 = arith.remsi %add3A_1014, %select_n3A_1043 : i32
      %ne3A_1045 = arith.constant 0 : i32
      %ne3A_1046 = arith.cmpi ne, %rem3A_1044, %ne3A_1045 : i32
      %lt3A_1047 = arith.constant 0 : i32
      %lt3A_1048 = arith.cmpi slt, %rem3A_1044, %lt3A_1047 : i32
      %lt3A_1049 = arith.constant 0 : i32
      %lt3A_1050 = arith.cmpi slt, %select_n3A_1043, %lt3A_1049 : i32
      %ne3A_1051 = arith.xori %lt3A_1048, %lt3A_1050 : i1
      %and3A_1052 = arith.andi %ne3A_1051, %ne3A_1046 : i1
      %add3A_1053 = arith.addi %rem3A_1044, %select_n3A_1043 : i32
      %select_n3A_1054 = arith.select %and3A_1052, %add3A_1053, %rem3A_1044 : i32
      %dma_start3A_1055 = arith.constant 0 : i32
      %dma_start3A_1056 = arith.constant 0 : i32
      %dma_start3A_1057 = arith.constant 0 : i32
      %dma_start3A_1058 = arith.constant 0 : i32
      %dma_start3A_1059 = arith.constant 0 : i32
      %dma_start3A_1060 = tpu.memref_slice %arg7[%dma_start3A_1055, %dma_start3A_1057, %dma_start3A_1058, %dma_start3A_1059] : memref<2x50x32x17xf32, #tpu.memory_space<vmem>> -> memref<1x50x8x16xf32, #tpu.memory_space<vmem>>
      %dma_start3A_1061 = tpu.memref_squeeze %dma_start3A_1060 : memref<1x50x8x16xf32, #tpu.memory_space<vmem>> -> memref<50x8x16xf32, #tpu.memory_space<vmem>>
      %dma_start3A_1062 = arith.constant 0 : i32
      %dma_start3A_1063 = arith.constant 0 : i32
      %dma_start3A_1064 = tpu.memref_slice %arg4[%dma_start3A_1062, %dma_start3A_1056, %select_n3A_1038, %dma_start3A_1063, %select_n3A_1054] : memref<50x4x128x8x128xf32, #tpu.memory_space<hbm>> -> memref<50x1x1x8x16xf32, #tpu.memory_space<hbm>>
      %dma_start3A_1065 = tpu.memref_squeeze %dma_start3A_1064 : memref<50x1x1x8x16xf32, #tpu.memory_space<hbm>> -> memref<50x8x16xf32, #tpu.memory_space<hbm>>
      %dma_start3A_1066 = arith.constant 0 : i32
      %dma_start3A_1067 = arith.constant 0 : i32
      %dma_start3A_1068 = tpu.memref_slice %arg4[%dma_start3A_1066, %dma_start3A_1056, %select_n3A_1038, %dma_start3A_1067, %select_n3A_1054] : memref<50x4x128x8x128xf32, #tpu.memory_space<hbm>> -> memref<50x1x1x8x16xf32, #tpu.memory_space<hbm>>
      %dma_start3A_1069 = tpu.memref_squeeze %dma_start3A_1068 : memref<50x1x1x8x16xf32, #tpu.memory_space<hbm>> -> memref<50x8x16xf32, #tpu.memory_space<hbm>>
      %dma_start3A_1070 = arith.constant 0 : i32
      %dma_start3A_1071 = arith.constant 0 : i32
      %dma_start3A_1072 = arith.constant 0 : i32
      %dma_start3A_1073 = tpu.memref_slice %arg7[%dma_start3A_1055, %dma_start3A_1070, %dma_start3A_1071, %dma_start3A_1072] : memref<2x50x32x17xf32, #tpu.memory_space<vmem>> -> memref<1x50x8x16xf32, #tpu.memory_space<vmem>>
      %dma_start3A_1074 = tpu.memref_squeeze %dma_start3A_1073 : memref<1x50x8x16xf32, #tpu.memory_space<vmem>> -> memref<50x8x16xf32, #tpu.memory_space<vmem>>
      tpu.enqueue_dma source(%dma_start3A_1074 : memref<50x8x16xf32, #tpu.memory_space<vmem>>) target(%dma_start3A_1069 : memref<50x8x16xf32, #tpu.memory_space<hbm>>) target_semaphore(%arg12 : memref<!tpu.dma_semaphore, #tpu.memory_space<semaphore_mem>>)
      %mul3A_1075 = arith.constant 16 : i32
      %mul3A_1076 = arith.muli %add3A_773, %mul3A_1075 : i32
      %add3A_1077 = arith.addi %mul3A_2, %mul3A_1076 : i32
      %jit3A_1078 = arith.constant 128 : i32
      %div3A_1079 = arith.divsi %add3A_1077, %jit3A_1078 : i32
      %sign3A_1080 = arith.constant 0 : i32
      %sign3A_1081 = arith.cmpi sgt, %add3A_1077, %sign3A_1080 : i32
      %sign3A_1082 = arith.extui %sign3A_1081 : i1 to i32
      %sign3A_1083 = arith.constant 0 : i32
      %sign3A_1084 = arith.cmpi slt, %add3A_1077, %sign3A_1083 : i32
      %sign3A_1085 = arith.extui %sign3A_1084 : i1 to i32
      %sign3A_1086 = arith.subi %sign3A_1082, %sign3A_1085 : i32
      %sign3A_1087 = arith.constant 0 : i32
      %sign3A_1088 = arith.cmpi sgt, %jit3A_1078, %sign3A_1087 : i32
      %sign3A_1089 = arith.extui %sign3A_1088 : i1 to i32
      %sign3A_1090 = arith.constant 0 : i32
      %sign3A_1091 = arith.cmpi slt, %jit3A_1078, %sign3A_1090 : i32
      %sign3A_1092 = arith.extui %sign3A_1091 : i1 to i32
      %sign3A_1093 = arith.subi %sign3A_1089, %sign3A_1092 : i32
      %ne3A_1094 = arith.cmpi ne, %sign3A_1086, %sign3A_1093 : i32
      %rem3A_1095 = arith.remsi %add3A_1077, %jit3A_1078 : i32
      %ne3A_1096 = arith.constant 0 : i32
      %ne3A_1097 = arith.cmpi ne, %rem3A_1095, %ne3A_1096 : i32
      %and3A_1098 = arith.andi %ne3A_1094, %ne3A_1097 : i1
      %sub3A_1099 = arith.constant 1 : i32
      %sub3A_1100 = arith.subi %div3A_1079, %sub3A_1099 : i32
      %select_n3A_1101 = arith.select %and3A_1098, %sub3A_1100, %div3A_1079 : i32
      %jit3A_1102 = arith.constant 128 : i32
      %eq3A_1103 = arith.constant 0 : i32
      %eq3A_1104 = arith.cmpi eq, %jit3A_1102, %eq3A_1103 : i32
      %jit3A_1105 = arith.constant 1 : i32
      %select_n3A_1106 = arith.select %eq3A_1104, %jit3A_1105, %jit3A_1102 : i32
      %rem3A_1107 = arith.remsi %add3A_1077, %select_n3A_1106 : i32
      %ne3A_1108 = arith.constant 0 : i32
      %ne3A_1109 = arith.cmpi ne, %rem3A_1107, %ne3A_1108 : i32
      %lt3A_1110 = arith.constant 0 : i32
      %lt3A_1111 = arith.cmpi slt, %rem3A_1107, %lt3A_1110 : i32
      %lt3A_1112 = arith.constant 0 : i32
      %lt3A_1113 = arith.cmpi slt, %select_n3A_1106, %lt3A_1112 : i32
      %ne3A_1114 = arith.xori %lt3A_1111, %lt3A_1113 : i1
      %and3A_1115 = arith.andi %ne3A_1114, %ne3A_1109 : i1
      %add3A_1116 = arith.addi %rem3A_1107, %select_n3A_1106 : i32
      %select_n3A_1117 = arith.select %and3A_1115, %add3A_1116, %rem3A_1107 : i32
      %dma_start3A_1118 = arith.constant 0 : i32
      %dma_start3A_1119 = arith.constant 1 : i32
      %dma_start3A_1120 = arith.constant 0 : i32
      %dma_start3A_1121 = arith.constant 8 : i32
      %dma_start3A_1122 = arith.constant 0 : i32
      %dma_start3A_1123 = tpu.memref_slice %arg7[%dma_start3A_1118, %dma_start3A_1120, %dma_start3A_1121, %dma_start3A_1122] : memref<2x50x32x17xf32, #tpu.memory_space<vmem>> -> memref<1x50x8x16xf32, #tpu.memory_space<vmem>>
      %dma_start3A_1124 = tpu.memref_squeeze %dma_start3A_1123 : memref<1x50x8x16xf32, #tpu.memory_space<vmem>> -> memref<50x8x16xf32, #tpu.memory_space<vmem>>
      %dma_start3A_1125 = arith.constant 0 : i32
      %dma_start3A_1126 = arith.constant 0 : i32
      %dma_start3A_1127 = tpu.memref_slice %arg4[%dma_start3A_1125, %dma_start3A_1119, %select_n3A_1101, %dma_start3A_1126, %select_n3A_1117] : memref<50x4x128x8x128xf32, #tpu.memory_space<hbm>> -> memref<50x1x1x8x16xf32, #tpu.memory_space<hbm>>
      %dma_start3A_1128 = tpu.memref_squeeze %dma_start3A_1127 : memref<50x1x1x8x16xf32, #tpu.memory_space<hbm>> -> memref<50x8x16xf32, #tpu.memory_space<hbm>>
      %dma_start3A_1129 = arith.constant 0 : i32
      %dma_start3A_1130 = arith.constant 0 : i32
      %dma_start3A_1131 = tpu.memref_slice %arg4[%dma_start3A_1129, %dma_start3A_1119, %select_n3A_1101, %dma_start3A_1130, %select_n3A_1117] : memref<50x4x128x8x128xf32, #tpu.memory_space<hbm>> -> memref<50x1x1x8x16xf32, #tpu.memory_space<hbm>>
      %dma_start3A_1132 = tpu.memref_squeeze %dma_start3A_1131 : memref<50x1x1x8x16xf32, #tpu.memory_space<hbm>> -> memref<50x8x16xf32, #tpu.memory_space<hbm>>
      %dma_start3A_1133 = arith.constant 0 : i32
      %dma_start3A_1134 = arith.constant 8 : i32
      %dma_start3A_1135 = arith.constant 0 : i32
      %dma_start3A_1136 = tpu.memref_slice %arg7[%dma_start3A_1118, %dma_start3A_1133, %dma_start3A_1134, %dma_start3A_1135] : memref<2x50x32x17xf32, #tpu.memory_space<vmem>> -> memref<1x50x8x16xf32, #tpu.memory_space<vmem>>
      %dma_start3A_1137 = tpu.memref_squeeze %dma_start3A_1136 : memref<1x50x8x16xf32, #tpu.memory_space<vmem>> -> memref<50x8x16xf32, #tpu.memory_space<vmem>>
      tpu.enqueue_dma source(%dma_start3A_1137 : memref<50x8x16xf32, #tpu.memory_space<vmem>>) target(%dma_start3A_1132 : memref<50x8x16xf32, #tpu.memory_space<hbm>>) target_semaphore(%arg12 : memref<!tpu.dma_semaphore, #tpu.memory_space<semaphore_mem>>)
      %mul3A_1138 = arith.constant 16 : i32
      %mul3A_1139 = arith.muli %add3A_773, %mul3A_1138 : i32
      %add3A_1140 = arith.addi %mul3A_2, %mul3A_1139 : i32
      %jit3A_1141 = arith.constant 128 : i32
      %div3A_1142 = arith.divsi %add3A_1140, %jit3A_1141 : i32
      %sign3A_1143 = arith.constant 0 : i32
      %sign3A_1144 = arith.cmpi sgt, %add3A_1140, %sign3A_1143 : i32
      %sign3A_1145 = arith.extui %sign3A_1144 : i1 to i32
      %sign3A_1146 = arith.constant 0 : i32
      %sign3A_1147 = arith.cmpi slt, %add3A_1140, %sign3A_1146 : i32
      %sign3A_1148 = arith.extui %sign3A_1147 : i1 to i32
      %sign3A_1149 = arith.subi %sign3A_1145, %sign3A_1148 : i32
      %sign3A_1150 = arith.constant 0 : i32
      %sign3A_1151 = arith.cmpi sgt, %jit3A_1141, %sign3A_1150 : i32
      %sign3A_1152 = arith.extui %sign3A_1151 : i1 to i32
      %sign3A_1153 = arith.constant 0 : i32
      %sign3A_1154 = arith.cmpi slt, %jit3A_1141, %sign3A_1153 : i32
      %sign3A_1155 = arith.extui %sign3A_1154 : i1 to i32
      %sign3A_1156 = arith.subi %sign3A_1152, %sign3A_1155 : i32
      %ne3A_1157 = arith.cmpi ne, %sign3A_1149, %sign3A_1156 : i32
      %rem3A_1158 = arith.remsi %add3A_1140, %jit3A_1141 : i32
      %ne3A_1159 = arith.constant 0 : i32
      %ne3A_1160 = arith.cmpi ne, %rem3A_1158, %ne3A_1159 : i32
      %and3A_1161 = arith.andi %ne3A_1157, %ne3A_1160 : i1
      %sub3A_1162 = arith.constant 1 : i32
      %sub3A_1163 = arith.subi %div3A_1142, %sub3A_1162 : i32
      %select_n3A_1164 = arith.select %and3A_1161, %sub3A_1163, %div3A_1142 : i32
      %jit3A_1165 = arith.constant 128 : i32
      %eq3A_1166 = arith.constant 0 : i32
      %eq3A_1167 = arith.cmpi eq, %jit3A_1165, %eq3A_1166 : i32
      %jit3A_1168 = arith.constant 1 : i32
      %select_n3A_1169 = arith.select %eq3A_1167, %jit3A_1168, %jit3A_1165 : i32
      %rem3A_1170 = arith.remsi %add3A_1140, %select_n3A_1169 : i32
      %ne3A_1171 = arith.constant 0 : i32
      %ne3A_1172 = arith.cmpi ne, %rem3A_1170, %ne3A_1171 : i32
      %lt3A_1173 = arith.constant 0 : i32
      %lt3A_1174 = arith.cmpi slt, %rem3A_1170, %lt3A_1173 : i32
      %lt3A_1175 = arith.constant 0 : i32
      %lt3A_1176 = arith.cmpi slt, %select_n3A_1169, %lt3A_1175 : i32
      %ne3A_1177 = arith.xori %lt3A_1174, %lt3A_1176 : i1
      %and3A_1178 = arith.andi %ne3A_1177, %ne3A_1172 : i1
      %add3A_1179 = arith.addi %rem3A_1170, %select_n3A_1169 : i32
      %select_n3A_1180 = arith.select %and3A_1178, %add3A_1179, %rem3A_1170 : i32
      %dma_start3A_1181 = arith.constant 0 : i32
      %dma_start3A_1182 = arith.constant 2 : i32
      %dma_start3A_1183 = arith.constant 0 : i32
      %dma_start3A_1184 = arith.constant 16 : i32
      %dma_start3A_1185 = arith.constant 0 : i32
      %dma_start3A_1186 = tpu.memref_slice %arg7[%dma_start3A_1181, %dma_start3A_1183, %dma_start3A_1184, %dma_start3A_1185] : memref<2x50x32x17xf32, #tpu.memory_space<vmem>> -> memref<1x50x8x16xf32, #tpu.memory_space<vmem>>
      %dma_start3A_1187 = tpu.memref_squeeze %dma_start3A_1186 : memref<1x50x8x16xf32, #tpu.memory_space<vmem>> -> memref<50x8x16xf32, #tpu.memory_space<vmem>>
      %dma_start3A_1188 = arith.constant 0 : i32
      %dma_start3A_1189 = arith.constant 0 : i32
      %dma_start3A_1190 = tpu.memref_slice %arg4[%dma_start3A_1188, %dma_start3A_1182, %select_n3A_1164, %dma_start3A_1189, %select_n3A_1180] : memref<50x4x128x8x128xf32, #tpu.memory_space<hbm>> -> memref<50x1x1x8x16xf32, #tpu.memory_space<hbm>>
      %dma_start3A_1191 = tpu.memref_squeeze %dma_start3A_1190 : memref<50x1x1x8x16xf32, #tpu.memory_space<hbm>> -> memref<50x8x16xf32, #tpu.memory_space<hbm>>
      %dma_start3A_1192 = arith.constant 0 : i32
      %dma_start3A_1193 = arith.constant 0 : i32
      %dma_start3A_1194 = tpu.memref_slice %arg4[%dma_start3A_1192, %dma_start3A_1182, %select_n3A_1164, %dma_start3A_1193, %select_n3A_1180] : memref<50x4x128x8x128xf32, #tpu.memory_space<hbm>> -> memref<50x1x1x8x16xf32, #tpu.memory_space<hbm>>
      %dma_start3A_1195 = tpu.memref_squeeze %dma_start3A_1194 : memref<50x1x1x8x16xf32, #tpu.memory_space<hbm>> -> memref<50x8x16xf32, #tpu.memory_space<hbm>>
      %dma_start3A_1196 = arith.constant 0 : i32
      %dma_start3A_1197 = arith.constant 16 : i32
      %dma_start3A_1198 = arith.constant 0 : i32
      %dma_start3A_1199 = tpu.memref_slice %arg7[%dma_start3A_1181, %dma_start3A_1196, %dma_start3A_1197, %dma_start3A_1198] : memref<2x50x32x17xf32, #tpu.memory_space<vmem>> -> memref<1x50x8x16xf32, #tpu.memory_space<vmem>>
      %dma_start3A_1200 = tpu.memref_squeeze %dma_start3A_1199 : memref<1x50x8x16xf32, #tpu.memory_space<vmem>> -> memref<50x8x16xf32, #tpu.memory_space<vmem>>
      tpu.enqueue_dma source(%dma_start3A_1200 : memref<50x8x16xf32, #tpu.memory_space<vmem>>) target(%dma_start3A_1195 : memref<50x8x16xf32, #tpu.memory_space<hbm>>) target_semaphore(%arg12 : memref<!tpu.dma_semaphore, #tpu.memory_space<semaphore_mem>>)
      %mul3A_1201 = arith.constant 16 : i32
      %mul3A_1202 = arith.muli %add3A_773, %mul3A_1201 : i32
      %add3A_1203 = arith.addi %mul3A_2, %mul3A_1202 : i32
      %jit3A_1204 = arith.constant 128 : i32
      %div3A_1205 = arith.divsi %add3A_1203, %jit3A_1204 : i32
      %sign3A_1206 = arith.constant 0 : i32
      %sign3A_1207 = arith.cmpi sgt, %add3A_1203, %sign3A_1206 : i32
      %sign3A_1208 = arith.extui %sign3A_1207 : i1 to i32
      %sign3A_1209 = arith.constant 0 : i32
      %sign3A_1210 = arith.cmpi slt, %add3A_1203, %sign3A_1209 : i32
      %sign3A_1211 = arith.extui %sign3A_1210 : i1 to i32
      %sign3A_1212 = arith.subi %sign3A_1208, %sign3A_1211 : i32
      %sign3A_1213 = arith.constant 0 : i32
      %sign3A_1214 = arith.cmpi sgt, %jit3A_1204, %sign3A_1213 : i32
      %sign3A_1215 = arith.extui %sign3A_1214 : i1 to i32
      %sign3A_1216 = arith.constant 0 : i32
      %sign3A_1217 = arith.cmpi slt, %jit3A_1204, %sign3A_1216 : i32
      %sign3A_1218 = arith.extui %sign3A_1217 : i1 to i32
      %sign3A_1219 = arith.subi %sign3A_1215, %sign3A_1218 : i32
      %ne3A_1220 = arith.cmpi ne, %sign3A_1212, %sign3A_1219 : i32
      %rem3A_1221 = arith.remsi %add3A_1203, %jit3A_1204 : i32
      %ne3A_1222 = arith.constant 0 : i32
      %ne3A_1223 = arith.cmpi ne, %rem3A_1221, %ne3A_1222 : i32
      %and3A_1224 = arith.andi %ne3A_1220, %ne3A_1223 : i1
      %sub3A_1225 = arith.constant 1 : i32
      %sub3A_1226 = arith.subi %div3A_1205, %sub3A_1225 : i32
      %select_n3A_1227 = arith.select %and3A_1224, %sub3A_1226, %div3A_1205 : i32
      %jit3A_1228 = arith.constant 128 : i32
      %eq3A_1229 = arith.constant 0 : i32
      %eq3A_1230 = arith.cmpi eq, %jit3A_1228, %eq3A_1229 : i32
      %jit3A_1231 = arith.constant 1 : i32
      %select_n3A_1232 = arith.select %eq3A_1230, %jit3A_1231, %jit3A_1228 : i32
      %rem3A_1233 = arith.remsi %add3A_1203, %select_n3A_1232 : i32
      %ne3A_1234 = arith.constant 0 : i32
      %ne3A_1235 = arith.cmpi ne, %rem3A_1233, %ne3A_1234 : i32
      %lt3A_1236 = arith.constant 0 : i32
      %lt3A_1237 = arith.cmpi slt, %rem3A_1233, %lt3A_1236 : i32
      %lt3A_1238 = arith.constant 0 : i32
      %lt3A_1239 = arith.cmpi slt, %select_n3A_1232, %lt3A_1238 : i32
      %ne3A_1240 = arith.xori %lt3A_1237, %lt3A_1239 : i1
      %and3A_1241 = arith.andi %ne3A_1240, %ne3A_1235 : i1
      %add3A_1242 = arith.addi %rem3A_1233, %select_n3A_1232 : i32
      %select_n3A_1243 = arith.select %and3A_1241, %add3A_1242, %rem3A_1233 : i32
      %dma_start3A_1244 = arith.constant 0 : i32
      %dma_start3A_1245 = arith.constant 3 : i32
      %dma_start3A_1246 = arith.constant 0 : i32
      %dma_start3A_1247 = arith.constant 24 : i32
      %dma_start3A_1248 = arith.constant 0 : i32
      %dma_start3A_1249 = tpu.memref_slice %arg7[%dma_start3A_1244, %dma_start3A_1246, %dma_start3A_1247, %dma_start3A_1248] : memref<2x50x32x17xf32, #tpu.memory_space<vmem>> -> memref<1x50x8x16xf32, #tpu.memory_space<vmem>>
      %dma_start3A_1250 = tpu.memref_squeeze %dma_start3A_1249 : memref<1x50x8x16xf32, #tpu.memory_space<vmem>> -> memref<50x8x16xf32, #tpu.memory_space<vmem>>
      %dma_start3A_1251 = arith.constant 0 : i32
      %dma_start3A_1252 = arith.constant 0 : i32
      %dma_start3A_1253 = tpu.memref_slice %arg4[%dma_start3A_1251, %dma_start3A_1245, %select_n3A_1227, %dma_start3A_1252, %select_n3A_1243] : memref<50x4x128x8x128xf32, #tpu.memory_space<hbm>> -> memref<50x1x1x8x16xf32, #tpu.memory_space<hbm>>
      %dma_start3A_1254 = tpu.memref_squeeze %dma_start3A_1253 : memref<50x1x1x8x16xf32, #tpu.memory_space<hbm>> -> memref<50x8x16xf32, #tpu.memory_space<hbm>>
      %dma_start3A_1255 = arith.constant 0 : i32
      %dma_start3A_1256 = arith.constant 0 : i32
      %dma_start3A_1257 = tpu.memref_slice %arg4[%dma_start3A_1255, %dma_start3A_1245, %select_n3A_1227, %dma_start3A_1256, %select_n3A_1243] : memref<50x4x128x8x128xf32, #tpu.memory_space<hbm>> -> memref<50x1x1x8x16xf32, #tpu.memory_space<hbm>>
      %dma_start3A_1258 = tpu.memref_squeeze %dma_start3A_1257 : memref<50x1x1x8x16xf32, #tpu.memory_space<hbm>> -> memref<50x8x16xf32, #tpu.memory_space<hbm>>
      %dma_start3A_1259 = arith.constant 0 : i32
      %dma_start3A_1260 = arith.constant 24 : i32
      %dma_start3A_1261 = arith.constant 0 : i32
      %dma_start3A_1262 = tpu.memref_slice %arg7[%dma_start3A_1244, %dma_start3A_1259, %dma_start3A_1260, %dma_start3A_1261] : memref<2x50x32x17xf32, #tpu.memory_space<vmem>> -> memref<1x50x8x16xf32, #tpu.memory_space<vmem>>
      %dma_start3A_1263 = tpu.memref_squeeze %dma_start3A_1262 : memref<1x50x8x16xf32, #tpu.memory_space<vmem>> -> memref<50x8x16xf32, #tpu.memory_space<vmem>>
      tpu.enqueue_dma source(%dma_start3A_1263 : memref<50x8x16xf32, #tpu.memory_space<vmem>>) target(%dma_start3A_1258 : memref<50x8x16xf32, #tpu.memory_space<hbm>>) target_semaphore(%arg12 : memref<!tpu.dma_semaphore, #tpu.memory_space<semaphore_mem>>)
      %add3A_1264 = arith.constant 2 : i32
      %add3A_1265 = arith.addi %add3A_773, %add3A_1264 : i32
      %lt3A_1266 = arith.constant 32 : i32
      %lt3A_1267 = arith.cmpi slt, %add3A_1265, %lt3A_1266 : i32
      %convert_element_type3A_1268 = arith.extui %lt3A_1267 : i1 to i32
      %cond3A_1269 = arith.constant 0 : i32
      %cond3A_1270 = arith.cmpi ne, %convert_element_type3A_1268, %cond3A_1269 : i32
      scf.if %cond3A_1270 {
        %add3A_1775 = arith.constant 2 : i32
        %add3A_1776 = arith.addi %add3A_773, %add3A_1775 : i32
        %mul3A_1777 = arith.constant 16 : i32
        %mul3A_1778 = arith.muli %add3A_1776, %mul3A_1777 : i32
        %add3A_1779 = arith.addi %mul3A_2, %mul3A_1778 : i32
        %dma_start3A_1780 = arith.constant 0 : i32
        %dma_start3A_1781 = arith.constant 0 : i32
        %dma_start3A_1782 = arith.constant 0 : i32
        %dma_start3A_1783 = tpu.memref_slice %arg5[%dma_start3A_1780, %dma_start3A_1781, %dma_start3A_1782] : memref<2x16x50xi32, #tpu.memory_space<vmem>> -> memref<1x16x50xi32, #tpu.memory_space<vmem>>
        %dma_start3A_1784 = tpu.memref_squeeze %dma_start3A_1783 : memref<1x16x50xi32, #tpu.memory_space<vmem>> -> memref<16x50xi32, #tpu.memory_space<vmem>>
        %dma_start3A_1785 = arith.constant 0 : i32
        %dma_start3A_1786 = tpu.memref_slice %arg2[%add3A_1779, %dma_start3A_1785] : memref<16384x50xi32, #tpu.memory_space<hbm>> -> memref<16x50xi32, #tpu.memory_space<hbm>>
        %dma_start3A_1787 = arith.constant 0 : i32
        %dma_start3A_1788 = arith.constant 0 : i32
        %dma_start3A_1789 = tpu.memref_slice %arg5[%dma_start3A_1780, %dma_start3A_1787, %dma_start3A_1788] : memref<2x16x50xi32, #tpu.memory_space<vmem>> -> memref<1x16x50xi32, #tpu.memory_space<vmem>>
        %dma_start3A_1790 = tpu.memref_squeeze %dma_start3A_1789 : memref<1x16x50xi32, #tpu.memory_space<vmem>> -> memref<16x50xi32, #tpu.memory_space<vmem>>
        %dma_start3A_1791 = arith.constant 0 : i32
        %dma_start3A_1792 = tpu.memref_slice %arg2[%add3A_1779, %dma_start3A_1791] : memref<16384x50xi32, #tpu.memory_space<hbm>> -> memref<16x50xi32, #tpu.memory_space<hbm>>
        tpu.enqueue_dma source(%dma_start3A_1792 : memref<16x50xi32, #tpu.memory_space<hbm>>) target(%dma_start3A_1790 : memref<16x50xi32, #tpu.memory_space<vmem>>) target_semaphore(%arg8 : memref<!tpu.dma_semaphore, #tpu.memory_space<semaphore_mem>>)
      } else {
      }
      %mul3A_1271 = arith.constant 2 : i32
      %mul3A_1272 = arith.muli %mul3A_1271, %scan3A_769 : i32
      %add3A_1273 = arith.constant 1 : i32
      %add3A_1274 = arith.addi %mul3A_1272, %add3A_1273 : i32
      %dma_wait3A_1275 = arith.constant 1 : i32
      %dma_wait3A_1276 = arith.constant 0 : i32
      %dma_wait3A_1277 = arith.constant 1 : i32
      %dma_wait3A_1278 = arith.constant 0 : i32
      %dma_wait3A_1279 = arith.constant 0 : i32
      %dma_wait3A_1280 = arith.constant 0 : i32
      %dma_wait3A_1281 = tpu.memref_slice %arg6[%dma_wait3A_1277, %dma_wait3A_1278, %dma_wait3A_1279, %dma_wait3A_1280] : memref<2x16x50x32xf32, #tpu.memory_space<vmem>> -> memref<1x1x50x32xf32, #tpu.memory_space<vmem>>
      %dma_wait3A_1282 = tpu.memref_squeeze %dma_wait3A_1281 : memref<1x1x50x32xf32, #tpu.memory_space<vmem>> -> memref<50x32xf32, #tpu.memory_space<vmem>>
      %dma_wait3A_1283 = arith.constant 0 : i32
      %dma_wait3A_1284 = tpu.memref_slice %arg5[%dma_wait3A_1275, %dma_wait3A_1276, %dma_wait3A_1283] : memref<2x16x50xi32, #tpu.memory_space<vmem>> -> memref<1x1x50xi32, #tpu.memory_space<vmem>>
      %dma_wait3A_1285 = tpu.memref_squeeze %dma_wait3A_1284 : memref<1x1x50xi32, #tpu.memory_space<vmem>> -> memref<50xi32, #tpu.memory_space<vmem>>
      %dma_wait3A_1286 = arith.constant 0 : i32
      %dma_wait3A_1287 = arith.constant 0 : i32
      %dma_wait3A_1288 = tpu.memref_slice %arg3[%dma_wait3A_1286, %dma_wait3A_1287] : memref<1000000x32xf32, #tpu.memory_space<hbm>> -> memref<1000000x32xf32, #tpu.memory_space<hbm>>
      tpu.wait_indirect_dma semaphore(%arg11 : memref<!tpu.dma_semaphore, #tpu.memory_space<semaphore_mem>>) src(%dma_wait3A_1288 : memref<1000000x32xf32, #tpu.memory_space<hbm>>) dst(%dma_wait3A_1282 : memref<50x32xf32, #tpu.memory_space<vmem>>)
      %dma_wait3A_1289 = arith.constant 1 : i32
      %dma_wait3A_1290 = arith.constant 1 : i32
      %dma_wait3A_1291 = arith.constant 1 : i32
      %dma_wait3A_1292 = arith.constant 1 : i32
      %dma_wait3A_1293 = arith.constant 0 : i32
      %dma_wait3A_1294 = arith.constant 0 : i32
      %dma_wait3A_1295 = tpu.memref_slice %arg6[%dma_wait3A_1291, %dma_wait3A_1292, %dma_wait3A_1293, %dma_wait3A_1294] : memref<2x16x50x32xf32, #tpu.memory_space<vmem>> -> memref<1x1x50x32xf32, #tpu.memory_space<vmem>>
      %dma_wait3A_1296 = tpu.memref_squeeze %dma_wait3A_1295 : memref<1x1x50x32xf32, #tpu.memory_space<vmem>> -> memref<50x32xf32, #tpu.memory_space<vmem>>
      %dma_wait3A_1297 = arith.constant 0 : i32
      %dma_wait3A_1298 = tpu.memref_slice %arg5[%dma_wait3A_1289, %dma_wait3A_1290, %dma_wait3A_1297] : memref<2x16x50xi32, #tpu.memory_space<vmem>> -> memref<1x1x50xi32, #tpu.memory_space<vmem>>
      %dma_wait3A_1299 = tpu.memref_squeeze %dma_wait3A_1298 : memref<1x1x50xi32, #tpu.memory_space<vmem>> -> memref<50xi32, #tpu.memory_space<vmem>>
      %dma_wait3A_1300 = arith.constant 0 : i32
      %dma_wait3A_1301 = arith.constant 0 : i32
      %dma_wait3A_1302 = tpu.memref_slice %arg3[%dma_wait3A_1300, %dma_wait3A_1301] : memref<1000000x32xf32, #tpu.memory_space<hbm>> -> memref<1000000x32xf32, #tpu.memory_space<hbm>>
      tpu.wait_indirect_dma semaphore(%arg11 : memref<!tpu.dma_semaphore, #tpu.memory_space<semaphore_mem>>) src(%dma_wait3A_1302 : memref<1000000x32xf32, #tpu.memory_space<hbm>>) dst(%dma_wait3A_1296 : memref<50x32xf32, #tpu.memory_space<vmem>>)
      %dma_wait3A_1303 = arith.constant 1 : i32
      %dma_wait3A_1304 = arith.constant 2 : i32
      %dma_wait3A_1305 = arith.constant 1 : i32
      %dma_wait3A_1306 = arith.constant 2 : i32
      %dma_wait3A_1307 = arith.constant 0 : i32
      %dma_wait3A_1308 = arith.constant 0 : i32
      %dma_wait3A_1309 = tpu.memref_slice %arg6[%dma_wait3A_1305, %dma_wait3A_1306, %dma_wait3A_1307, %dma_wait3A_1308] : memref<2x16x50x32xf32, #tpu.memory_space<vmem>> -> memref<1x1x50x32xf32, #tpu.memory_space<vmem>>
      %dma_wait3A_1310 = tpu.memref_squeeze %dma_wait3A_1309 : memref<1x1x50x32xf32, #tpu.memory_space<vmem>> -> memref<50x32xf32, #tpu.memory_space<vmem>>
      %dma_wait3A_1311 = arith.constant 0 : i32
      %dma_wait3A_1312 = tpu.memref_slice %arg5[%dma_wait3A_1303, %dma_wait3A_1304, %dma_wait3A_1311] : memref<2x16x50xi32, #tpu.memory_space<vmem>> -> memref<1x1x50xi32, #tpu.memory_space<vmem>>
      %dma_wait3A_1313 = tpu.memref_squeeze %dma_wait3A_1312 : memref<1x1x50xi32, #tpu.memory_space<vmem>> -> memref<50xi32, #tpu.memory_space<vmem>>
      %dma_wait3A_1314 = arith.constant 0 : i32
      %dma_wait3A_1315 = arith.constant 0 : i32
      %dma_wait3A_1316 = tpu.memref_slice %arg3[%dma_wait3A_1314, %dma_wait3A_1315] : memref<1000000x32xf32, #tpu.memory_space<hbm>> -> memref<1000000x32xf32, #tpu.memory_space<hbm>>
      tpu.wait_indirect_dma semaphore(%arg11 : memref<!tpu.dma_semaphore, #tpu.memory_space<semaphore_mem>>) src(%dma_wait3A_1316 : memref<1000000x32xf32, #tpu.memory_space<hbm>>) dst(%dma_wait3A_1310 : memref<50x32xf32, #tpu.memory_space<vmem>>)
      %dma_wait3A_1317 = arith.constant 1 : i32
      %dma_wait3A_1318 = arith.constant 3 : i32
      %dma_wait3A_1319 = arith.constant 1 : i32
      %dma_wait3A_1320 = arith.constant 3 : i32
      %dma_wait3A_1321 = arith.constant 0 : i32
      %dma_wait3A_1322 = arith.constant 0 : i32
      %dma_wait3A_1323 = tpu.memref_slice %arg6[%dma_wait3A_1319, %dma_wait3A_1320, %dma_wait3A_1321, %dma_wait3A_1322] : memref<2x16x50x32xf32, #tpu.memory_space<vmem>> -> memref<1x1x50x32xf32, #tpu.memory_space<vmem>>
      %dma_wait3A_1324 = tpu.memref_squeeze %dma_wait3A_1323 : memref<1x1x50x32xf32, #tpu.memory_space<vmem>> -> memref<50x32xf32, #tpu.memory_space<vmem>>
      %dma_wait3A_1325 = arith.constant 0 : i32
      %dma_wait3A_1326 = tpu.memref_slice %arg5[%dma_wait3A_1317, %dma_wait3A_1318, %dma_wait3A_1325] : memref<2x16x50xi32, #tpu.memory_space<vmem>> -> memref<1x1x50xi32, #tpu.memory_space<vmem>>
      %dma_wait3A_1327 = tpu.memref_squeeze %dma_wait3A_1326 : memref<1x1x50xi32, #tpu.memory_space<vmem>> -> memref<50xi32, #tpu.memory_space<vmem>>
      %dma_wait3A_1328 = arith.constant 0 : i32
      %dma_wait3A_1329 = arith.constant 0 : i32
      %dma_wait3A_1330 = tpu.memref_slice %arg3[%dma_wait3A_1328, %dma_wait3A_1329] : memref<1000000x32xf32, #tpu.memory_space<hbm>> -> memref<1000000x32xf32, #tpu.memory_space<hbm>>
      tpu.wait_indirect_dma semaphore(%arg11 : memref<!tpu.dma_semaphore, #tpu.memory_space<semaphore_mem>>) src(%dma_wait3A_1330 : memref<1000000x32xf32, #tpu.memory_space<hbm>>) dst(%dma_wait3A_1324 : memref<50x32xf32, #tpu.memory_space<vmem>>)
      %dma_wait3A_1331 = arith.constant 1 : i32
      %dma_wait3A_1332 = arith.constant 4 : i32
      %dma_wait3A_1333 = arith.constant 1 : i32
      %dma_wait3A_1334 = arith.constant 4 : i32
      %dma_wait3A_1335 = arith.constant 0 : i32
      %dma_wait3A_1336 = arith.constant 0 : i32
      %dma_wait3A_1337 = tpu.memref_slice %arg6[%dma_wait3A_1333, %dma_wait3A_1334, %dma_wait3A_1335, %dma_wait3A_1336] : memref<2x16x50x32xf32, #tpu.memory_space<vmem>> -> memref<1x1x50x32xf32, #tpu.memory_space<vmem>>
      %dma_wait3A_1338 = tpu.memref_squeeze %dma_wait3A_1337 : memref<1x1x50x32xf32, #tpu.memory_space<vmem>> -> memref<50x32xf32, #tpu.memory_space<vmem>>
      %dma_wait3A_1339 = arith.constant 0 : i32
      %dma_wait3A_1340 = tpu.memref_slice %arg5[%dma_wait3A_1331, %dma_wait3A_1332, %dma_wait3A_1339] : memref<2x16x50xi32, #tpu.memory_space<vmem>> -> memref<1x1x50xi32, #tpu.memory_space<vmem>>
      %dma_wait3A_1341 = tpu.memref_squeeze %dma_wait3A_1340 : memref<1x1x50xi32, #tpu.memory_space<vmem>> -> memref<50xi32, #tpu.memory_space<vmem>>
      %dma_wait3A_1342 = arith.constant 0 : i32
      %dma_wait3A_1343 = arith.constant 0 : i32
      %dma_wait3A_1344 = tpu.memref_slice %arg3[%dma_wait3A_1342, %dma_wait3A_1343] : memref<1000000x32xf32, #tpu.memory_space<hbm>> -> memref<1000000x32xf32, #tpu.memory_space<hbm>>
      tpu.wait_indirect_dma semaphore(%arg11 : memref<!tpu.dma_semaphore, #tpu.memory_space<semaphore_mem>>) src(%dma_wait3A_1344 : memref<1000000x32xf32, #tpu.memory_space<hbm>>) dst(%dma_wait3A_1338 : memref<50x32xf32, #tpu.memory_space<vmem>>)
      %dma_wait3A_1345 = arith.constant 1 : i32
      %dma_wait3A_1346 = arith.constant 5 : i32
      %dma_wait3A_1347 = arith.constant 1 : i32
      %dma_wait3A_1348 = arith.constant 5 : i32
      %dma_wait3A_1349 = arith.constant 0 : i32
      %dma_wait3A_1350 = arith.constant 0 : i32
      %dma_wait3A_1351 = tpu.memref_slice %arg6[%dma_wait3A_1347, %dma_wait3A_1348, %dma_wait3A_1349, %dma_wait3A_1350] : memref<2x16x50x32xf32, #tpu.memory_space<vmem>> -> memref<1x1x50x32xf32, #tpu.memory_space<vmem>>
      %dma_wait3A_1352 = tpu.memref_squeeze %dma_wait3A_1351 : memref<1x1x50x32xf32, #tpu.memory_space<vmem>> -> memref<50x32xf32, #tpu.memory_space<vmem>>
      %dma_wait3A_1353 = arith.constant 0 : i32
      %dma_wait3A_1354 = tpu.memref_slice %arg5[%dma_wait3A_1345, %dma_wait3A_1346, %dma_wait3A_1353] : memref<2x16x50xi32, #tpu.memory_space<vmem>> -> memref<1x1x50xi32, #tpu.memory_space<vmem>>
      %dma_wait3A_1355 = tpu.memref_squeeze %dma_wait3A_1354 : memref<1x1x50xi32, #tpu.memory_space<vmem>> -> memref<50xi32, #tpu.memory_space<vmem>>
      %dma_wait3A_1356 = arith.constant 0 : i32
      %dma_wait3A_1357 = arith.constant 0 : i32
      %dma_wait3A_1358 = tpu.memref_slice %arg3[%dma_wait3A_1356, %dma_wait3A_1357] : memref<1000000x32xf32, #tpu.memory_space<hbm>> -> memref<1000000x32xf32, #tpu.memory_space<hbm>>
      tpu.wait_indirect_dma semaphore(%arg11 : memref<!tpu.dma_semaphore, #tpu.memory_space<semaphore_mem>>) src(%dma_wait3A_1358 : memref<1000000x32xf32, #tpu.memory_space<hbm>>) dst(%dma_wait3A_1352 : memref<50x32xf32, #tpu.memory_space<vmem>>)
      %dma_wait3A_1359 = arith.constant 1 : i32
      %dma_wait3A_1360 = arith.constant 6 : i32
      %dma_wait3A_1361 = arith.constant 1 : i32
      %dma_wait3A_1362 = arith.constant 6 : i32
      %dma_wait3A_1363 = arith.constant 0 : i32
      %dma_wait3A_1364 = arith.constant 0 : i32
      %dma_wait3A_1365 = tpu.memref_slice %arg6[%dma_wait3A_1361, %dma_wait3A_1362, %dma_wait3A_1363, %dma_wait3A_1364] : memref<2x16x50x32xf32, #tpu.memory_space<vmem>> -> memref<1x1x50x32xf32, #tpu.memory_space<vmem>>
      %dma_wait3A_1366 = tpu.memref_squeeze %dma_wait3A_1365 : memref<1x1x50x32xf32, #tpu.memory_space<vmem>> -> memref<50x32xf32, #tpu.memory_space<vmem>>
      %dma_wait3A_1367 = arith.constant 0 : i32
      %dma_wait3A_1368 = tpu.memref_slice %arg5[%dma_wait3A_1359, %dma_wait3A_1360, %dma_wait3A_1367] : memref<2x16x50xi32, #tpu.memory_space<vmem>> -> memref<1x1x50xi32, #tpu.memory_space<vmem>>
      %dma_wait3A_1369 = tpu.memref_squeeze %dma_wait3A_1368 : memref<1x1x50xi32, #tpu.memory_space<vmem>> -> memref<50xi32, #tpu.memory_space<vmem>>
      %dma_wait3A_1370 = arith.constant 0 : i32
      %dma_wait3A_1371 = arith.constant 0 : i32
      %dma_wait3A_1372 = tpu.memref_slice %arg3[%dma_wait3A_1370, %dma_wait3A_1371] : memref<1000000x32xf32, #tpu.memory_space<hbm>> -> memref<1000000x32xf32, #tpu.memory_space<hbm>>
      tpu.wait_indirect_dma semaphore(%arg11 : memref<!tpu.dma_semaphore, #tpu.memory_space<semaphore_mem>>) src(%dma_wait3A_1372 : memref<1000000x32xf32, #tpu.memory_space<hbm>>) dst(%dma_wait3A_1366 : memref<50x32xf32, #tpu.memory_space<vmem>>)
      %dma_wait3A_1373 = arith.constant 1 : i32
      %dma_wait3A_1374 = arith.constant 7 : i32
      %dma_wait3A_1375 = arith.constant 1 : i32
      %dma_wait3A_1376 = arith.constant 7 : i32
      %dma_wait3A_1377 = arith.constant 0 : i32
      %dma_wait3A_1378 = arith.constant 0 : i32
      %dma_wait3A_1379 = tpu.memref_slice %arg6[%dma_wait3A_1375, %dma_wait3A_1376, %dma_wait3A_1377, %dma_wait3A_1378] : memref<2x16x50x32xf32, #tpu.memory_space<vmem>> -> memref<1x1x50x32xf32, #tpu.memory_space<vmem>>
      %dma_wait3A_1380 = tpu.memref_squeeze %dma_wait3A_1379 : memref<1x1x50x32xf32, #tpu.memory_space<vmem>> -> memref<50x32xf32, #tpu.memory_space<vmem>>
      %dma_wait3A_1381 = arith.constant 0 : i32
      %dma_wait3A_1382 = tpu.memref_slice %arg5[%dma_wait3A_1373, %dma_wait3A_1374, %dma_wait3A_1381] : memref<2x16x50xi32, #tpu.memory_space<vmem>> -> memref<1x1x50xi32, #tpu.memory_space<vmem>>
      %dma_wait3A_1383 = tpu.memref_squeeze %dma_wait3A_1382 : memref<1x1x50xi32, #tpu.memory_space<vmem>> -> memref<50xi32, #tpu.memory_space<vmem>>
      %dma_wait3A_1384 = arith.constant 0 : i32
      %dma_wait3A_1385 = arith.constant 0 : i32
      %dma_wait3A_1386 = tpu.memref_slice %arg3[%dma_wait3A_1384, %dma_wait3A_1385] : memref<1000000x32xf32, #tpu.memory_space<hbm>> -> memref<1000000x32xf32, #tpu.memory_space<hbm>>
      tpu.wait_indirect_dma semaphore(%arg11 : memref<!tpu.dma_semaphore, #tpu.memory_space<semaphore_mem>>) src(%dma_wait3A_1386 : memref<1000000x32xf32, #tpu.memory_space<hbm>>) dst(%dma_wait3A_1380 : memref<50x32xf32, #tpu.memory_space<vmem>>)
      %dma_wait3A_1387 = arith.constant 1 : i32
      %dma_wait3A_1388 = arith.constant 8 : i32
      %dma_wait3A_1389 = arith.constant 1 : i32
      %dma_wait3A_1390 = arith.constant 8 : i32
      %dma_wait3A_1391 = arith.constant 0 : i32
      %dma_wait3A_1392 = arith.constant 0 : i32
      %dma_wait3A_1393 = tpu.memref_slice %arg6[%dma_wait3A_1389, %dma_wait3A_1390, %dma_wait3A_1391, %dma_wait3A_1392] : memref<2x16x50x32xf32, #tpu.memory_space<vmem>> -> memref<1x1x50x32xf32, #tpu.memory_space<vmem>>
      %dma_wait3A_1394 = tpu.memref_squeeze %dma_wait3A_1393 : memref<1x1x50x32xf32, #tpu.memory_space<vmem>> -> memref<50x32xf32, #tpu.memory_space<vmem>>
      %dma_wait3A_1395 = arith.constant 0 : i32
      %dma_wait3A_1396 = tpu.memref_slice %arg5[%dma_wait3A_1387, %dma_wait3A_1388, %dma_wait3A_1395] : memref<2x16x50xi32, #tpu.memory_space<vmem>> -> memref<1x1x50xi32, #tpu.memory_space<vmem>>
      %dma_wait3A_1397 = tpu.memref_squeeze %dma_wait3A_1396 : memref<1x1x50xi32, #tpu.memory_space<vmem>> -> memref<50xi32, #tpu.memory_space<vmem>>
      %dma_wait3A_1398 = arith.constant 0 : i32
      %dma_wait3A_1399 = arith.constant 0 : i32
      %dma_wait3A_1400 = tpu.memref_slice %arg3[%dma_wait3A_1398, %dma_wait3A_1399] : memref<1000000x32xf32, #tpu.memory_space<hbm>> -> memref<1000000x32xf32, #tpu.memory_space<hbm>>
      tpu.wait_indirect_dma semaphore(%arg11 : memref<!tpu.dma_semaphore, #tpu.memory_space<semaphore_mem>>) src(%dma_wait3A_1400 : memref<1000000x32xf32, #tpu.memory_space<hbm>>) dst(%dma_wait3A_1394 : memref<50x32xf32, #tpu.memory_space<vmem>>)
      %dma_wait3A_1401 = arith.constant 1 : i32
      %dma_wait3A_1402 = arith.constant 9 : i32
      %dma_wait3A_1403 = arith.constant 1 : i32
      %dma_wait3A_1404 = arith.constant 9 : i32
      %dma_wait3A_1405 = arith.constant 0 : i32
      %dma_wait3A_1406 = arith.constant 0 : i32
      %dma_wait3A_1407 = tpu.memref_slice %arg6[%dma_wait3A_1403, %dma_wait3A_1404, %dma_wait3A_1405, %dma_wait3A_1406] : memref<2x16x50x32xf32, #tpu.memory_space<vmem>> -> memref<1x1x50x32xf32, #tpu.memory_space<vmem>>
      %dma_wait3A_1408 = tpu.memref_squeeze %dma_wait3A_1407 : memref<1x1x50x32xf32, #tpu.memory_space<vmem>> -> memref<50x32xf32, #tpu.memory_space<vmem>>
      %dma_wait3A_1409 = arith.constant 0 : i32
      %dma_wait3A_1410 = tpu.memref_slice %arg5[%dma_wait3A_1401, %dma_wait3A_1402, %dma_wait3A_1409] : memref<2x16x50xi32, #tpu.memory_space<vmem>> -> memref<1x1x50xi32, #tpu.memory_space<vmem>>
      %dma_wait3A_1411 = tpu.memref_squeeze %dma_wait3A_1410 : memref<1x1x50xi32, #tpu.memory_space<vmem>> -> memref<50xi32, #tpu.memory_space<vmem>>
      %dma_wait3A_1412 = arith.constant 0 : i32
      %dma_wait3A_1413 = arith.constant 0 : i32
      %dma_wait3A_1414 = tpu.memref_slice %arg3[%dma_wait3A_1412, %dma_wait3A_1413] : memref<1000000x32xf32, #tpu.memory_space<hbm>> -> memref<1000000x32xf32, #tpu.memory_space<hbm>>
      tpu.wait_indirect_dma semaphore(%arg11 : memref<!tpu.dma_semaphore, #tpu.memory_space<semaphore_mem>>) src(%dma_wait3A_1414 : memref<1000000x32xf32, #tpu.memory_space<hbm>>) dst(%dma_wait3A_1408 : memref<50x32xf32, #tpu.memory_space<vmem>>)
      %dma_wait3A_1415 = arith.constant 1 : i32
      %dma_wait3A_1416 = arith.constant 10 : i32
      %dma_wait3A_1417 = arith.constant 1 : i32
      %dma_wait3A_1418 = arith.constant 10 : i32
      %dma_wait3A_1419 = arith.constant 0 : i32
      %dma_wait3A_1420 = arith.constant 0 : i32
      %dma_wait3A_1421 = tpu.memref_slice %arg6[%dma_wait3A_1417, %dma_wait3A_1418, %dma_wait3A_1419, %dma_wait3A_1420] : memref<2x16x50x32xf32, #tpu.memory_space<vmem>> -> memref<1x1x50x32xf32, #tpu.memory_space<vmem>>
      %dma_wait3A_1422 = tpu.memref_squeeze %dma_wait3A_1421 : memref<1x1x50x32xf32, #tpu.memory_space<vmem>> -> memref<50x32xf32, #tpu.memory_space<vmem>>
      %dma_wait3A_1423 = arith.constant 0 : i32
      %dma_wait3A_1424 = tpu.memref_slice %arg5[%dma_wait3A_1415, %dma_wait3A_1416, %dma_wait3A_1423] : memref<2x16x50xi32, #tpu.memory_space<vmem>> -> memref<1x1x50xi32, #tpu.memory_space<vmem>>
      %dma_wait3A_1425 = tpu.memref_squeeze %dma_wait3A_1424 : memref<1x1x50xi32, #tpu.memory_space<vmem>> -> memref<50xi32, #tpu.memory_space<vmem>>
      %dma_wait3A_1426 = arith.constant 0 : i32
      %dma_wait3A_1427 = arith.constant 0 : i32
      %dma_wait3A_1428 = tpu.memref_slice %arg3[%dma_wait3A_1426, %dma_wait3A_1427] : memref<1000000x32xf32, #tpu.memory_space<hbm>> -> memref<1000000x32xf32, #tpu.memory_space<hbm>>
      tpu.wait_indirect_dma semaphore(%arg11 : memref<!tpu.dma_semaphore, #tpu.memory_space<semaphore_mem>>) src(%dma_wait3A_1428 : memref<1000000x32xf32, #tpu.memory_space<hbm>>) dst(%dma_wait3A_1422 : memref<50x32xf32, #tpu.memory_space<vmem>>)
      %dma_wait3A_1429 = arith.constant 1 : i32
      %dma_wait3A_1430 = arith.constant 11 : i32
      %dma_wait3A_1431 = arith.constant 1 : i32
      %dma_wait3A_1432 = arith.constant 11 : i32
      %dma_wait3A_1433 = arith.constant 0 : i32
      %dma_wait3A_1434 = arith.constant 0 : i32
      %dma_wait3A_1435 = tpu.memref_slice %arg6[%dma_wait3A_1431, %dma_wait3A_1432, %dma_wait3A_1433, %dma_wait3A_1434] : memref<2x16x50x32xf32, #tpu.memory_space<vmem>> -> memref<1x1x50x32xf32, #tpu.memory_space<vmem>>
      %dma_wait3A_1436 = tpu.memref_squeeze %dma_wait3A_1435 : memref<1x1x50x32xf32, #tpu.memory_space<vmem>> -> memref<50x32xf32, #tpu.memory_space<vmem>>
      %dma_wait3A_1437 = arith.constant 0 : i32
      %dma_wait3A_1438 = tpu.memref_slice %arg5[%dma_wait3A_1429, %dma_wait3A_1430, %dma_wait3A_1437] : memref<2x16x50xi32, #tpu.memory_space<vmem>> -> memref<1x1x50xi32, #tpu.memory_space<vmem>>
      %dma_wait3A_1439 = tpu.memref_squeeze %dma_wait3A_1438 : memref<1x1x50xi32, #tpu.memory_space<vmem>> -> memref<50xi32, #tpu.memory_space<vmem>>
      %dma_wait3A_1440 = arith.constant 0 : i32
      %dma_wait3A_1441 = arith.constant 0 : i32
      %dma_wait3A_1442 = tpu.memref_slice %arg3[%dma_wait3A_1440, %dma_wait3A_1441] : memref<1000000x32xf32, #tpu.memory_space<hbm>> -> memref<1000000x32xf32, #tpu.memory_space<hbm>>
      tpu.wait_indirect_dma semaphore(%arg11 : memref<!tpu.dma_semaphore, #tpu.memory_space<semaphore_mem>>) src(%dma_wait3A_1442 : memref<1000000x32xf32, #tpu.memory_space<hbm>>) dst(%dma_wait3A_1436 : memref<50x32xf32, #tpu.memory_space<vmem>>)
      %dma_wait3A_1443 = arith.constant 1 : i32
      %dma_wait3A_1444 = arith.constant 12 : i32
      %dma_wait3A_1445 = arith.constant 1 : i32
      %dma_wait3A_1446 = arith.constant 12 : i32
      %dma_wait3A_1447 = arith.constant 0 : i32
      %dma_wait3A_1448 = arith.constant 0 : i32
      %dma_wait3A_1449 = tpu.memref_slice %arg6[%dma_wait3A_1445, %dma_wait3A_1446, %dma_wait3A_1447, %dma_wait3A_1448] : memref<2x16x50x32xf32, #tpu.memory_space<vmem>> -> memref<1x1x50x32xf32, #tpu.memory_space<vmem>>
      %dma_wait3A_1450 = tpu.memref_squeeze %dma_wait3A_1449 : memref<1x1x50x32xf32, #tpu.memory_space<vmem>> -> memref<50x32xf32, #tpu.memory_space<vmem>>
      %dma_wait3A_1451 = arith.constant 0 : i32
      %dma_wait3A_1452 = tpu.memref_slice %arg5[%dma_wait3A_1443, %dma_wait3A_1444, %dma_wait3A_1451] : memref<2x16x50xi32, #tpu.memory_space<vmem>> -> memref<1x1x50xi32, #tpu.memory_space<vmem>>
      %dma_wait3A_1453 = tpu.memref_squeeze %dma_wait3A_1452 : memref<1x1x50xi32, #tpu.memory_space<vmem>> -> memref<50xi32, #tpu.memory_space<vmem>>
      %dma_wait3A_1454 = arith.constant 0 : i32
      %dma_wait3A_1455 = arith.constant 0 : i32
      %dma_wait3A_1456 = tpu.memref_slice %arg3[%dma_wait3A_1454, %dma_wait3A_1455] : memref<1000000x32xf32, #tpu.memory_space<hbm>> -> memref<1000000x32xf32, #tpu.memory_space<hbm>>
      tpu.wait_indirect_dma semaphore(%arg11 : memref<!tpu.dma_semaphore, #tpu.memory_space<semaphore_mem>>) src(%dma_wait3A_1456 : memref<1000000x32xf32, #tpu.memory_space<hbm>>) dst(%dma_wait3A_1450 : memref<50x32xf32, #tpu.memory_space<vmem>>)
      %dma_wait3A_1457 = arith.constant 1 : i32
      %dma_wait3A_1458 = arith.constant 13 : i32
      %dma_wait3A_1459 = arith.constant 1 : i32
      %dma_wait3A_1460 = arith.constant 13 : i32
      %dma_wait3A_1461 = arith.constant 0 : i32
      %dma_wait3A_1462 = arith.constant 0 : i32
      %dma_wait3A_1463 = tpu.memref_slice %arg6[%dma_wait3A_1459, %dma_wait3A_1460, %dma_wait3A_1461, %dma_wait3A_1462] : memref<2x16x50x32xf32, #tpu.memory_space<vmem>> -> memref<1x1x50x32xf32, #tpu.memory_space<vmem>>
      %dma_wait3A_1464 = tpu.memref_squeeze %dma_wait3A_1463 : memref<1x1x50x32xf32, #tpu.memory_space<vmem>> -> memref<50x32xf32, #tpu.memory_space<vmem>>
      %dma_wait3A_1465 = arith.constant 0 : i32
      %dma_wait3A_1466 = tpu.memref_slice %arg5[%dma_wait3A_1457, %dma_wait3A_1458, %dma_wait3A_1465] : memref<2x16x50xi32, #tpu.memory_space<vmem>> -> memref<1x1x50xi32, #tpu.memory_space<vmem>>
      %dma_wait3A_1467 = tpu.memref_squeeze %dma_wait3A_1466 : memref<1x1x50xi32, #tpu.memory_space<vmem>> -> memref<50xi32, #tpu.memory_space<vmem>>
      %dma_wait3A_1468 = arith.constant 0 : i32
      %dma_wait3A_1469 = arith.constant 0 : i32
      %dma_wait3A_1470 = tpu.memref_slice %arg3[%dma_wait3A_1468, %dma_wait3A_1469] : memref<1000000x32xf32, #tpu.memory_space<hbm>> -> memref<1000000x32xf32, #tpu.memory_space<hbm>>
      tpu.wait_indirect_dma semaphore(%arg11 : memref<!tpu.dma_semaphore, #tpu.memory_space<semaphore_mem>>) src(%dma_wait3A_1470 : memref<1000000x32xf32, #tpu.memory_space<hbm>>) dst(%dma_wait3A_1464 : memref<50x32xf32, #tpu.memory_space<vmem>>)
      %dma_wait3A_1471 = arith.constant 1 : i32
      %dma_wait3A_1472 = arith.constant 14 : i32
      %dma_wait3A_1473 = arith.constant 1 : i32
      %dma_wait3A_1474 = arith.constant 14 : i32
      %dma_wait3A_1475 = arith.constant 0 : i32
      %dma_wait3A_1476 = arith.constant 0 : i32
      %dma_wait3A_1477 = tpu.memref_slice %arg6[%dma_wait3A_1473, %dma_wait3A_1474, %dma_wait3A_1475, %dma_wait3A_1476] : memref<2x16x50x32xf32, #tpu.memory_space<vmem>> -> memref<1x1x50x32xf32, #tpu.memory_space<vmem>>
      %dma_wait3A_1478 = tpu.memref_squeeze %dma_wait3A_1477 : memref<1x1x50x32xf32, #tpu.memory_space<vmem>> -> memref<50x32xf32, #tpu.memory_space<vmem>>
      %dma_wait3A_1479 = arith.constant 0 : i32
      %dma_wait3A_1480 = tpu.memref_slice %arg5[%dma_wait3A_1471, %dma_wait3A_1472, %dma_wait3A_1479] : memref<2x16x50xi32, #tpu.memory_space<vmem>> -> memref<1x1x50xi32, #tpu.memory_space<vmem>>
      %dma_wait3A_1481 = tpu.memref_squeeze %dma_wait3A_1480 : memref<1x1x50xi32, #tpu.memory_space<vmem>> -> memref<50xi32, #tpu.memory_space<vmem>>
      %dma_wait3A_1482 = arith.constant 0 : i32
      %dma_wait3A_1483 = arith.constant 0 : i32
      %dma_wait3A_1484 = tpu.memref_slice %arg3[%dma_wait3A_1482, %dma_wait3A_1483] : memref<1000000x32xf32, #tpu.memory_space<hbm>> -> memref<1000000x32xf32, #tpu.memory_space<hbm>>
      tpu.wait_indirect_dma semaphore(%arg11 : memref<!tpu.dma_semaphore, #tpu.memory_space<semaphore_mem>>) src(%dma_wait3A_1484 : memref<1000000x32xf32, #tpu.memory_space<hbm>>) dst(%dma_wait3A_1478 : memref<50x32xf32, #tpu.memory_space<vmem>>)
      %dma_wait3A_1485 = arith.constant 1 : i32
      %dma_wait3A_1486 = arith.constant 15 : i32
      %dma_wait3A_1487 = arith.constant 1 : i32
      %dma_wait3A_1488 = arith.constant 15 : i32
      %dma_wait3A_1489 = arith.constant 0 : i32
      %dma_wait3A_1490 = arith.constant 0 : i32
      %dma_wait3A_1491 = tpu.memref_slice %arg6[%dma_wait3A_1487, %dma_wait3A_1488, %dma_wait3A_1489, %dma_wait3A_1490] : memref<2x16x50x32xf32, #tpu.memory_space<vmem>> -> memref<1x1x50x32xf32, #tpu.memory_space<vmem>>
      %dma_wait3A_1492 = tpu.memref_squeeze %dma_wait3A_1491 : memref<1x1x50x32xf32, #tpu.memory_space<vmem>> -> memref<50x32xf32, #tpu.memory_space<vmem>>
      %dma_wait3A_1493 = arith.constant 0 : i32
      %dma_wait3A_1494 = tpu.memref_slice %arg5[%dma_wait3A_1485, %dma_wait3A_1486, %dma_wait3A_1493] : memref<2x16x50xi32, #tpu.memory_space<vmem>> -> memref<1x1x50xi32, #tpu.memory_space<vmem>>
      %dma_wait3A_1495 = tpu.memref_squeeze %dma_wait3A_1494 : memref<1x1x50xi32, #tpu.memory_space<vmem>> -> memref<50xi32, #tpu.memory_space<vmem>>
      %dma_wait3A_1496 = arith.constant 0 : i32
      %dma_wait3A_1497 = arith.constant 0 : i32
      %dma_wait3A_1498 = tpu.memref_slice %arg3[%dma_wait3A_1496, %dma_wait3A_1497] : memref<1000000x32xf32, #tpu.memory_space<hbm>> -> memref<1000000x32xf32, #tpu.memory_space<hbm>>
      tpu.wait_indirect_dma semaphore(%arg11 : memref<!tpu.dma_semaphore, #tpu.memory_space<semaphore_mem>>) src(%dma_wait3A_1498 : memref<1000000x32xf32, #tpu.memory_space<hbm>>) dst(%dma_wait3A_1492 : memref<50x32xf32, #tpu.memory_space<vmem>>)
      %add3A_1499 = arith.constant 1 : i32
      %add3A_1500 = arith.addi %add3A_1274, %add3A_1499 : i32
      %lt3A_1501 = arith.constant 32 : i32
      %lt3A_1502 = arith.cmpi slt, %add3A_1500, %lt3A_1501 : i32
      %convert_element_type3A_1503 = arith.extui %lt3A_1502 : i1 to i32
      %cond3A_1504 = arith.constant 0 : i32
      %cond3A_1505 = arith.cmpi ne, %convert_element_type3A_1503, %cond3A_1504 : i32
      scf.if %cond3A_1505 {
        %add3A_1775 = arith.constant 1 : i32
        %add3A_1776 = arith.addi %add3A_1274, %add3A_1775 : i32
        %mul3A_1777 = arith.constant 16 : i32
        %mul3A_1778 = arith.muli %add3A_1776, %mul3A_1777 : i32
        %add3A_1779 = arith.addi %mul3A_2, %mul3A_1778 : i32
        %dma_wait3A_1780 = arith.constant 0 : i32
        %dma_wait3A_1781 = arith.constant 0 : i32
        %dma_wait3A_1782 = arith.constant 0 : i32
        %dma_wait3A_1783 = tpu.memref_slice %arg5[%dma_wait3A_1780, %dma_wait3A_1781, %dma_wait3A_1782] : memref<2x16x50xi32, #tpu.memory_space<vmem>> -> memref<1x16x50xi32, #tpu.memory_space<vmem>>
        %dma_wait3A_1784 = tpu.memref_squeeze %dma_wait3A_1783 : memref<1x16x50xi32, #tpu.memory_space<vmem>> -> memref<16x50xi32, #tpu.memory_space<vmem>>
        %dma_wait3A_1785 = arith.constant 0 : i32
        %dma_wait3A_1786 = tpu.memref_slice %arg2[%add3A_1779, %dma_wait3A_1785] : memref<16384x50xi32, #tpu.memory_space<hbm>> -> memref<16x50xi32, #tpu.memory_space<hbm>>
        %dma_wait3A_1787 = arith.constant 0 : i32
        %dma_wait3A_1788 = arith.constant 0 : i32
        %dma_wait3A_1789 = tpu.memref_slice %arg5[%dma_wait3A_1780, %dma_wait3A_1787, %dma_wait3A_1788] : memref<2x16x50xi32, #tpu.memory_space<vmem>> -> memref<1x16x50xi32, #tpu.memory_space<vmem>>
        %dma_wait3A_1790 = tpu.memref_squeeze %dma_wait3A_1789 : memref<1x16x50xi32, #tpu.memory_space<vmem>> -> memref<16x50xi32, #tpu.memory_space<vmem>>
        %dma_wait3A_1791 = arith.constant 0 : i32
        %dma_wait3A_1792 = tpu.memref_slice %arg2[%add3A_1779, %dma_wait3A_1791] : memref<16384x50xi32, #tpu.memory_space<hbm>> -> memref<16x50xi32, #tpu.memory_space<hbm>>
        tpu.wait_dma2 semaphore(%arg8 : memref<!tpu.dma_semaphore, #tpu.memory_space<semaphore_mem>>) src(%dma_wait3A_1792 : memref<16x50xi32, #tpu.memory_space<hbm>>) dst(%dma_wait3A_1790 : memref<16x50xi32, #tpu.memory_space<vmem>>)
        %dma_start3A_1793 = arith.constant 0 : i32
        %dma_start3A_1794 = arith.constant 0 : i32
        %dma_start3A_1795 = arith.constant 0 : i32
        %dma_start3A_1796 = arith.constant 0 : i32
        %dma_start3A_1797 = arith.constant 0 : i32
        %dma_start3A_1798 = arith.constant 0 : i32
        %dma_start3A_1799 = tpu.memref_slice %arg6[%dma_start3A_1795, %dma_start3A_1796, %dma_start3A_1797, %dma_start3A_1798] : memref<2x16x50x32xf32, #tpu.memory_space<vmem>> -> memref<1x1x50x32xf32, #tpu.memory_space<vmem>>
        %dma_start3A_1800 = tpu.memref_squeeze %dma_start3A_1799 : memref<1x1x50x32xf32, #tpu.memory_space<vmem>> -> memref<50x32xf32, #tpu.memory_space<vmem>>
        %dma_start3A_1801 = arith.constant 0 : i32
        %dma_start3A_1802 = tpu.memref_slice %arg5[%dma_start3A_1793, %dma_start3A_1794, %dma_start3A_1801] : memref<2x16x50xi32, #tpu.memory_space<vmem>> -> memref<1x1x50xi32, #tpu.memory_space<vmem>>
        %dma_start3A_1803 = tpu.memref_squeeze %dma_start3A_1802 : memref<1x1x50xi32, #tpu.memory_space<vmem>> -> memref<50xi32, #tpu.memory_space<vmem>>
        %dma_start3A_1804 = arith.constant 0 : i32
        %dma_start3A_1805 = arith.constant 0 : i32
        %dma_start3A_1806 = tpu.memref_slice %arg3[%dma_start3A_1804, %dma_start3A_1805] : memref<1000000x32xf32, #tpu.memory_space<hbm>> -> memref<1000000x32xf32, #tpu.memory_space<hbm>>
        tpu.enqueue_indirect_dma source(%dma_start3A_1806 : memref<1000000x32xf32, #tpu.memory_space<hbm>>) target(%dma_start3A_1800 : memref<50x32xf32, #tpu.memory_space<vmem>>) offsets(%dma_start3A_1803 : memref<50xi32, #tpu.memory_space<vmem>>) semaphore(%arg10 : memref<!tpu.dma_semaphore, #tpu.memory_space<semaphore_mem>>)
        %dma_start3A_1807 = arith.constant 0 : i32
        %dma_start3A_1808 = arith.constant 1 : i32
        %dma_start3A_1809 = arith.constant 0 : i32
        %dma_start3A_1810 = arith.constant 1 : i32
        %dma_start3A_1811 = arith.constant 0 : i32
        %dma_start3A_1812 = arith.constant 0 : i32
        %dma_start3A_1813 = tpu.memref_slice %arg6[%dma_start3A_1809, %dma_start3A_1810, %dma_start3A_1811, %dma_start3A_1812] : memref<2x16x50x32xf32, #tpu.memory_space<vmem>> -> memref<1x1x50x32xf32, #tpu.memory_space<vmem>>
        %dma_start3A_1814 = tpu.memref_squeeze %dma_start3A_1813 : memref<1x1x50x32xf32, #tpu.memory_space<vmem>> -> memref<50x32xf32, #tpu.memory_space<vmem>>
        %dma_start3A_1815 = arith.constant 0 : i32
        %dma_start3A_1816 = tpu.memref_slice %arg5[%dma_start3A_1807, %dma_start3A_1808, %dma_start3A_1815] : memref<2x16x50xi32, #tpu.memory_space<vmem>> -> memref<1x1x50xi32, #tpu.memory_space<vmem>>
        %dma_start3A_1817 = tpu.memref_squeeze %dma_start3A_1816 : memref<1x1x50xi32, #tpu.memory_space<vmem>> -> memref<50xi32, #tpu.memory_space<vmem>>
        %dma_start3A_1818 = arith.constant 0 : i32
        %dma_start3A_1819 = arith.constant 0 : i32
        %dma_start3A_1820 = tpu.memref_slice %arg3[%dma_start3A_1818, %dma_start3A_1819] : memref<1000000x32xf32, #tpu.memory_space<hbm>> -> memref<1000000x32xf32, #tpu.memory_space<hbm>>
        tpu.enqueue_indirect_dma source(%dma_start3A_1820 : memref<1000000x32xf32, #tpu.memory_space<hbm>>) target(%dma_start3A_1814 : memref<50x32xf32, #tpu.memory_space<vmem>>) offsets(%dma_start3A_1817 : memref<50xi32, #tpu.memory_space<vmem>>) semaphore(%arg10 : memref<!tpu.dma_semaphore, #tpu.memory_space<semaphore_mem>>)
        %dma_start3A_1821 = arith.constant 0 : i32
        %dma_start3A_1822 = arith.constant 2 : i32
        %dma_start3A_1823 = arith.constant 0 : i32
        %dma_start3A_1824 = arith.constant 2 : i32
        %dma_start3A_1825 = arith.constant 0 : i32
        %dma_start3A_1826 = arith.constant 0 : i32
        %dma_start3A_1827 = tpu.memref_slice %arg6[%dma_start3A_1823, %dma_start3A_1824, %dma_start3A_1825, %dma_start3A_1826] : memref<2x16x50x32xf32, #tpu.memory_space<vmem>> -> memref<1x1x50x32xf32, #tpu.memory_space<vmem>>
        %dma_start3A_1828 = tpu.memref_squeeze %dma_start3A_1827 : memref<1x1x50x32xf32, #tpu.memory_space<vmem>> -> memref<50x32xf32, #tpu.memory_space<vmem>>
        %dma_start3A_1829 = arith.constant 0 : i32
        %dma_start3A_1830 = tpu.memref_slice %arg5[%dma_start3A_1821, %dma_start3A_1822, %dma_start3A_1829] : memref<2x16x50xi32, #tpu.memory_space<vmem>> -> memref<1x1x50xi32, #tpu.memory_space<vmem>>
        %dma_start3A_1831 = tpu.memref_squeeze %dma_start3A_1830 : memref<1x1x50xi32, #tpu.memory_space<vmem>> -> memref<50xi32, #tpu.memory_space<vmem>>
        %dma_start3A_1832 = arith.constant 0 : i32
        %dma_start3A_1833 = arith.constant 0 : i32
        %dma_start3A_1834 = tpu.memref_slice %arg3[%dma_start3A_1832, %dma_start3A_1833] : memref<1000000x32xf32, #tpu.memory_space<hbm>> -> memref<1000000x32xf32, #tpu.memory_space<hbm>>
        tpu.enqueue_indirect_dma source(%dma_start3A_1834 : memref<1000000x32xf32, #tpu.memory_space<hbm>>) target(%dma_start3A_1828 : memref<50x32xf32, #tpu.memory_space<vmem>>) offsets(%dma_start3A_1831 : memref<50xi32, #tpu.memory_space<vmem>>) semaphore(%arg10 : memref<!tpu.dma_semaphore, #tpu.memory_space<semaphore_mem>>)
        %dma_start3A_1835 = arith.constant 0 : i32
        %dma_start3A_1836 = arith.constant 3 : i32
        %dma_start3A_1837 = arith.constant 0 : i32
        %dma_start3A_1838 = arith.constant 3 : i32
        %dma_start3A_1839 = arith.constant 0 : i32
        %dma_start3A_1840 = arith.constant 0 : i32
        %dma_start3A_1841 = tpu.memref_slice %arg6[%dma_start3A_1837, %dma_start3A_1838, %dma_start3A_1839, %dma_start3A_1840] : memref<2x16x50x32xf32, #tpu.memory_space<vmem>> -> memref<1x1x50x32xf32, #tpu.memory_space<vmem>>
        %dma_start3A_1842 = tpu.memref_squeeze %dma_start3A_1841 : memref<1x1x50x32xf32, #tpu.memory_space<vmem>> -> memref<50x32xf32, #tpu.memory_space<vmem>>
        %dma_start3A_1843 = arith.constant 0 : i32
        %dma_start3A_1844 = tpu.memref_slice %arg5[%dma_start3A_1835, %dma_start3A_1836, %dma_start3A_1843] : memref<2x16x50xi32, #tpu.memory_space<vmem>> -> memref<1x1x50xi32, #tpu.memory_space<vmem>>
        %dma_start3A_1845 = tpu.memref_squeeze %dma_start3A_1844 : memref<1x1x50xi32, #tpu.memory_space<vmem>> -> memref<50xi32, #tpu.memory_space<vmem>>
        %dma_start3A_1846 = arith.constant 0 : i32
        %dma_start3A_1847 = arith.constant 0 : i32
        %dma_start3A_1848 = tpu.memref_slice %arg3[%dma_start3A_1846, %dma_start3A_1847] : memref<1000000x32xf32, #tpu.memory_space<hbm>> -> memref<1000000x32xf32, #tpu.memory_space<hbm>>
        tpu.enqueue_indirect_dma source(%dma_start3A_1848 : memref<1000000x32xf32, #tpu.memory_space<hbm>>) target(%dma_start3A_1842 : memref<50x32xf32, #tpu.memory_space<vmem>>) offsets(%dma_start3A_1845 : memref<50xi32, #tpu.memory_space<vmem>>) semaphore(%arg10 : memref<!tpu.dma_semaphore, #tpu.memory_space<semaphore_mem>>)
        %dma_start3A_1849 = arith.constant 0 : i32
        %dma_start3A_1850 = arith.constant 4 : i32
        %dma_start3A_1851 = arith.constant 0 : i32
        %dma_start3A_1852 = arith.constant 4 : i32
        %dma_start3A_1853 = arith.constant 0 : i32
        %dma_start3A_1854 = arith.constant 0 : i32
        %dma_start3A_1855 = tpu.memref_slice %arg6[%dma_start3A_1851, %dma_start3A_1852, %dma_start3A_1853, %dma_start3A_1854] : memref<2x16x50x32xf32, #tpu.memory_space<vmem>> -> memref<1x1x50x32xf32, #tpu.memory_space<vmem>>
        %dma_start3A_1856 = tpu.memref_squeeze %dma_start3A_1855 : memref<1x1x50x32xf32, #tpu.memory_space<vmem>> -> memref<50x32xf32, #tpu.memory_space<vmem>>
        %dma_start3A_1857 = arith.constant 0 : i32
        %dma_start3A_1858 = tpu.memref_slice %arg5[%dma_start3A_1849, %dma_start3A_1850, %dma_start3A_1857] : memref<2x16x50xi32, #tpu.memory_space<vmem>> -> memref<1x1x50xi32, #tpu.memory_space<vmem>>
        %dma_start3A_1859 = tpu.memref_squeeze %dma_start3A_1858 : memref<1x1x50xi32, #tpu.memory_space<vmem>> -> memref<50xi32, #tpu.memory_space<vmem>>
        %dma_start3A_1860 = arith.constant 0 : i32
        %dma_start3A_1861 = arith.constant 0 : i32
        %dma_start3A_1862 = tpu.memref_slice %arg3[%dma_start3A_1860, %dma_start3A_1861] : memref<1000000x32xf32, #tpu.memory_space<hbm>> -> memref<1000000x32xf32, #tpu.memory_space<hbm>>
        tpu.enqueue_indirect_dma source(%dma_start3A_1862 : memref<1000000x32xf32, #tpu.memory_space<hbm>>) target(%dma_start3A_1856 : memref<50x32xf32, #tpu.memory_space<vmem>>) offsets(%dma_start3A_1859 : memref<50xi32, #tpu.memory_space<vmem>>) semaphore(%arg10 : memref<!tpu.dma_semaphore, #tpu.memory_space<semaphore_mem>>)
        %dma_start3A_1863 = arith.constant 0 : i32
        %dma_start3A_1864 = arith.constant 5 : i32
        %dma_start3A_1865 = arith.constant 0 : i32
        %dma_start3A_1866 = arith.constant 5 : i32
        %dma_start3A_1867 = arith.constant 0 : i32
        %dma_start3A_1868 = arith.constant 0 : i32
        %dma_start3A_1869 = tpu.memref_slice %arg6[%dma_start3A_1865, %dma_start3A_1866, %dma_start3A_1867, %dma_start3A_1868] : memref<2x16x50x32xf32, #tpu.memory_space<vmem>> -> memref<1x1x50x32xf32, #tpu.memory_space<vmem>>
        %dma_start3A_1870 = tpu.memref_squeeze %dma_start3A_1869 : memref<1x1x50x32xf32, #tpu.memory_space<vmem>> -> memref<50x32xf32, #tpu.memory_space<vmem>>
        %dma_start3A_1871 = arith.constant 0 : i32
        %dma_start3A_1872 = tpu.memref_slice %arg5[%dma_start3A_1863, %dma_start3A_1864, %dma_start3A_1871] : memref<2x16x50xi32, #tpu.memory_space<vmem>> -> memref<1x1x50xi32, #tpu.memory_space<vmem>>
        %dma_start3A_1873 = tpu.memref_squeeze %dma_start3A_1872 : memref<1x1x50xi32, #tpu.memory_space<vmem>> -> memref<50xi32, #tpu.memory_space<vmem>>
        %dma_start3A_1874 = arith.constant 0 : i32
        %dma_start3A_1875 = arith.constant 0 : i32
        %dma_start3A_1876 = tpu.memref_slice %arg3[%dma_start3A_1874, %dma_start3A_1875] : memref<1000000x32xf32, #tpu.memory_space<hbm>> -> memref<1000000x32xf32, #tpu.memory_space<hbm>>
        tpu.enqueue_indirect_dma source(%dma_start3A_1876 : memref<1000000x32xf32, #tpu.memory_space<hbm>>) target(%dma_start3A_1870 : memref<50x32xf32, #tpu.memory_space<vmem>>) offsets(%dma_start3A_1873 : memref<50xi32, #tpu.memory_space<vmem>>) semaphore(%arg10 : memref<!tpu.dma_semaphore, #tpu.memory_space<semaphore_mem>>)
        %dma_start3A_1877 = arith.constant 0 : i32
        %dma_start3A_1878 = arith.constant 6 : i32
        %dma_start3A_1879 = arith.constant 0 : i32
        %dma_start3A_1880 = arith.constant 6 : i32
        %dma_start3A_1881 = arith.constant 0 : i32
        %dma_start3A_1882 = arith.constant 0 : i32
        %dma_start3A_1883 = tpu.memref_slice %arg6[%dma_start3A_1879, %dma_start3A_1880, %dma_start3A_1881, %dma_start3A_1882] : memref<2x16x50x32xf32, #tpu.memory_space<vmem>> -> memref<1x1x50x32xf32, #tpu.memory_space<vmem>>
        %dma_start3A_1884 = tpu.memref_squeeze %dma_start3A_1883 : memref<1x1x50x32xf32, #tpu.memory_space<vmem>> -> memref<50x32xf32, #tpu.memory_space<vmem>>
        %dma_start3A_1885 = arith.constant 0 : i32
        %dma_start3A_1886 = tpu.memref_slice %arg5[%dma_start3A_1877, %dma_start3A_1878, %dma_start3A_1885] : memref<2x16x50xi32, #tpu.memory_space<vmem>> -> memref<1x1x50xi32, #tpu.memory_space<vmem>>
        %dma_start3A_1887 = tpu.memref_squeeze %dma_start3A_1886 : memref<1x1x50xi32, #tpu.memory_space<vmem>> -> memref<50xi32, #tpu.memory_space<vmem>>
        %dma_start3A_1888 = arith.constant 0 : i32
        %dma_start3A_1889 = arith.constant 0 : i32
        %dma_start3A_1890 = tpu.memref_slice %arg3[%dma_start3A_1888, %dma_start3A_1889] : memref<1000000x32xf32, #tpu.memory_space<hbm>> -> memref<1000000x32xf32, #tpu.memory_space<hbm>>
        tpu.enqueue_indirect_dma source(%dma_start3A_1890 : memref<1000000x32xf32, #tpu.memory_space<hbm>>) target(%dma_start3A_1884 : memref<50x32xf32, #tpu.memory_space<vmem>>) offsets(%dma_start3A_1887 : memref<50xi32, #tpu.memory_space<vmem>>) semaphore(%arg10 : memref<!tpu.dma_semaphore, #tpu.memory_space<semaphore_mem>>)
        %dma_start3A_1891 = arith.constant 0 : i32
        %dma_start3A_1892 = arith.constant 7 : i32
        %dma_start3A_1893 = arith.constant 0 : i32
        %dma_start3A_1894 = arith.constant 7 : i32
        %dma_start3A_1895 = arith.constant 0 : i32
        %dma_start3A_1896 = arith.constant 0 : i32
        %dma_start3A_1897 = tpu.memref_slice %arg6[%dma_start3A_1893, %dma_start3A_1894, %dma_start3A_1895, %dma_start3A_1896] : memref<2x16x50x32xf32, #tpu.memory_space<vmem>> -> memref<1x1x50x32xf32, #tpu.memory_space<vmem>>
        %dma_start3A_1898 = tpu.memref_squeeze %dma_start3A_1897 : memref<1x1x50x32xf32, #tpu.memory_space<vmem>> -> memref<50x32xf32, #tpu.memory_space<vmem>>
        %dma_start3A_1899 = arith.constant 0 : i32
        %dma_start3A_1900 = tpu.memref_slice %arg5[%dma_start3A_1891, %dma_start3A_1892, %dma_start3A_1899] : memref<2x16x50xi32, #tpu.memory_space<vmem>> -> memref<1x1x50xi32, #tpu.memory_space<vmem>>
        %dma_start3A_1901 = tpu.memref_squeeze %dma_start3A_1900 : memref<1x1x50xi32, #tpu.memory_space<vmem>> -> memref<50xi32, #tpu.memory_space<vmem>>
        %dma_start3A_1902 = arith.constant 0 : i32
        %dma_start3A_1903 = arith.constant 0 : i32
        %dma_start3A_1904 = tpu.memref_slice %arg3[%dma_start3A_1902, %dma_start3A_1903] : memref<1000000x32xf32, #tpu.memory_space<hbm>> -> memref<1000000x32xf32, #tpu.memory_space<hbm>>
        tpu.enqueue_indirect_dma source(%dma_start3A_1904 : memref<1000000x32xf32, #tpu.memory_space<hbm>>) target(%dma_start3A_1898 : memref<50x32xf32, #tpu.memory_space<vmem>>) offsets(%dma_start3A_1901 : memref<50xi32, #tpu.memory_space<vmem>>) semaphore(%arg10 : memref<!tpu.dma_semaphore, #tpu.memory_space<semaphore_mem>>)
        %dma_start3A_1905 = arith.constant 0 : i32
        %dma_start3A_1906 = arith.constant 8 : i32
        %dma_start3A_1907 = arith.constant 0 : i32
        %dma_start3A_1908 = arith.constant 8 : i32
        %dma_start3A_1909 = arith.constant 0 : i32
        %dma_start3A_1910 = arith.constant 0 : i32
        %dma_start3A_1911 = tpu.memref_slice %arg6[%dma_start3A_1907, %dma_start3A_1908, %dma_start3A_1909, %dma_start3A_1910] : memref<2x16x50x32xf32, #tpu.memory_space<vmem>> -> memref<1x1x50x32xf32, #tpu.memory_space<vmem>>
        %dma_start3A_1912 = tpu.memref_squeeze %dma_start3A_1911 : memref<1x1x50x32xf32, #tpu.memory_space<vmem>> -> memref<50x32xf32, #tpu.memory_space<vmem>>
        %dma_start3A_1913 = arith.constant 0 : i32
        %dma_start3A_1914 = tpu.memref_slice %arg5[%dma_start3A_1905, %dma_start3A_1906, %dma_start3A_1913] : memref<2x16x50xi32, #tpu.memory_space<vmem>> -> memref<1x1x50xi32, #tpu.memory_space<vmem>>
        %dma_start3A_1915 = tpu.memref_squeeze %dma_start3A_1914 : memref<1x1x50xi32, #tpu.memory_space<vmem>> -> memref<50xi32, #tpu.memory_space<vmem>>
        %dma_start3A_1916 = arith.constant 0 : i32
        %dma_start3A_1917 = arith.constant 0 : i32
        %dma_start3A_1918 = tpu.memref_slice %arg3[%dma_start3A_1916, %dma_start3A_1917] : memref<1000000x32xf32, #tpu.memory_space<hbm>> -> memref<1000000x32xf32, #tpu.memory_space<hbm>>
        tpu.enqueue_indirect_dma source(%dma_start3A_1918 : memref<1000000x32xf32, #tpu.memory_space<hbm>>) target(%dma_start3A_1912 : memref<50x32xf32, #tpu.memory_space<vmem>>) offsets(%dma_start3A_1915 : memref<50xi32, #tpu.memory_space<vmem>>) semaphore(%arg10 : memref<!tpu.dma_semaphore, #tpu.memory_space<semaphore_mem>>)
        %dma_start3A_1919 = arith.constant 0 : i32
        %dma_start3A_1920 = arith.constant 9 : i32
        %dma_start3A_1921 = arith.constant 0 : i32
        %dma_start3A_1922 = arith.constant 9 : i32
        %dma_start3A_1923 = arith.constant 0 : i32
        %dma_start3A_1924 = arith.constant 0 : i32
        %dma_start3A_1925 = tpu.memref_slice %arg6[%dma_start3A_1921, %dma_start3A_1922, %dma_start3A_1923, %dma_start3A_1924] : memref<2x16x50x32xf32, #tpu.memory_space<vmem>> -> memref<1x1x50x32xf32, #tpu.memory_space<vmem>>
        %dma_start3A_1926 = tpu.memref_squeeze %dma_start3A_1925 : memref<1x1x50x32xf32, #tpu.memory_space<vmem>> -> memref<50x32xf32, #tpu.memory_space<vmem>>
        %dma_start3A_1927 = arith.constant 0 : i32
        %dma_start3A_1928 = tpu.memref_slice %arg5[%dma_start3A_1919, %dma_start3A_1920, %dma_start3A_1927] : memref<2x16x50xi32, #tpu.memory_space<vmem>> -> memref<1x1x50xi32, #tpu.memory_space<vmem>>
        %dma_start3A_1929 = tpu.memref_squeeze %dma_start3A_1928 : memref<1x1x50xi32, #tpu.memory_space<vmem>> -> memref<50xi32, #tpu.memory_space<vmem>>
        %dma_start3A_1930 = arith.constant 0 : i32
        %dma_start3A_1931 = arith.constant 0 : i32
        %dma_start3A_1932 = tpu.memref_slice %arg3[%dma_start3A_1930, %dma_start3A_1931] : memref<1000000x32xf32, #tpu.memory_space<hbm>> -> memref<1000000x32xf32, #tpu.memory_space<hbm>>
        tpu.enqueue_indirect_dma source(%dma_start3A_1932 : memref<1000000x32xf32, #tpu.memory_space<hbm>>) target(%dma_start3A_1926 : memref<50x32xf32, #tpu.memory_space<vmem>>) offsets(%dma_start3A_1929 : memref<50xi32, #tpu.memory_space<vmem>>) semaphore(%arg10 : memref<!tpu.dma_semaphore, #tpu.memory_space<semaphore_mem>>)
        %dma_start3A_1933 = arith.constant 0 : i32
        %dma_start3A_1934 = arith.constant 10 : i32
        %dma_start3A_1935 = arith.constant 0 : i32
        %dma_start3A_1936 = arith.constant 10 : i32
        %dma_start3A_1937 = arith.constant 0 : i32
        %dma_start3A_1938 = arith.constant 0 : i32
        %dma_start3A_1939 = tpu.memref_slice %arg6[%dma_start3A_1935, %dma_start3A_1936, %dma_start3A_1937, %dma_start3A_1938] : memref<2x16x50x32xf32, #tpu.memory_space<vmem>> -> memref<1x1x50x32xf32, #tpu.memory_space<vmem>>
        %dma_start3A_1940 = tpu.memref_squeeze %dma_start3A_1939 : memref<1x1x50x32xf32, #tpu.memory_space<vmem>> -> memref<50x32xf32, #tpu.memory_space<vmem>>
        %dma_start3A_1941 = arith.constant 0 : i32
        %dma_start3A_1942 = tpu.memref_slice %arg5[%dma_start3A_1933, %dma_start3A_1934, %dma_start3A_1941] : memref<2x16x50xi32, #tpu.memory_space<vmem>> -> memref<1x1x50xi32, #tpu.memory_space<vmem>>
        %dma_start3A_1943 = tpu.memref_squeeze %dma_start3A_1942 : memref<1x1x50xi32, #tpu.memory_space<vmem>> -> memref<50xi32, #tpu.memory_space<vmem>>
        %dma_start3A_1944 = arith.constant 0 : i32
        %dma_start3A_1945 = arith.constant 0 : i32
        %dma_start3A_1946 = tpu.memref_slice %arg3[%dma_start3A_1944, %dma_start3A_1945] : memref<1000000x32xf32, #tpu.memory_space<hbm>> -> memref<1000000x32xf32, #tpu.memory_space<hbm>>
        tpu.enqueue_indirect_dma source(%dma_start3A_1946 : memref<1000000x32xf32, #tpu.memory_space<hbm>>) target(%dma_start3A_1940 : memref<50x32xf32, #tpu.memory_space<vmem>>) offsets(%dma_start3A_1943 : memref<50xi32, #tpu.memory_space<vmem>>) semaphore(%arg10 : memref<!tpu.dma_semaphore, #tpu.memory_space<semaphore_mem>>)
        %dma_start3A_1947 = arith.constant 0 : i32
        %dma_start3A_1948 = arith.constant 11 : i32
        %dma_start3A_1949 = arith.constant 0 : i32
        %dma_start3A_1950 = arith.constant 11 : i32
        %dma_start3A_1951 = arith.constant 0 : i32
        %dma_start3A_1952 = arith.constant 0 : i32
        %dma_start3A_1953 = tpu.memref_slice %arg6[%dma_start3A_1949, %dma_start3A_1950, %dma_start3A_1951, %dma_start3A_1952] : memref<2x16x50x32xf32, #tpu.memory_space<vmem>> -> memref<1x1x50x32xf32, #tpu.memory_space<vmem>>
        %dma_start3A_1954 = tpu.memref_squeeze %dma_start3A_1953 : memref<1x1x50x32xf32, #tpu.memory_space<vmem>> -> memref<50x32xf32, #tpu.memory_space<vmem>>
        %dma_start3A_1955 = arith.constant 0 : i32
        %dma_start3A_1956 = tpu.memref_slice %arg5[%dma_start3A_1947, %dma_start3A_1948, %dma_start3A_1955] : memref<2x16x50xi32, #tpu.memory_space<vmem>> -> memref<1x1x50xi32, #tpu.memory_space<vmem>>
        %dma_start3A_1957 = tpu.memref_squeeze %dma_start3A_1956 : memref<1x1x50xi32, #tpu.memory_space<vmem>> -> memref<50xi32, #tpu.memory_space<vmem>>
        %dma_start3A_1958 = arith.constant 0 : i32
        %dma_start3A_1959 = arith.constant 0 : i32
        %dma_start3A_1960 = tpu.memref_slice %arg3[%dma_start3A_1958, %dma_start3A_1959] : memref<1000000x32xf32, #tpu.memory_space<hbm>> -> memref<1000000x32xf32, #tpu.memory_space<hbm>>
        tpu.enqueue_indirect_dma source(%dma_start3A_1960 : memref<1000000x32xf32, #tpu.memory_space<hbm>>) target(%dma_start3A_1954 : memref<50x32xf32, #tpu.memory_space<vmem>>) offsets(%dma_start3A_1957 : memref<50xi32, #tpu.memory_space<vmem>>) semaphore(%arg10 : memref<!tpu.dma_semaphore, #tpu.memory_space<semaphore_mem>>)
        %dma_start3A_1961 = arith.constant 0 : i32
        %dma_start3A_1962 = arith.constant 12 : i32
        %dma_start3A_1963 = arith.constant 0 : i32
        %dma_start3A_1964 = arith.constant 12 : i32
        %dma_start3A_1965 = arith.constant 0 : i32
        %dma_start3A_1966 = arith.constant 0 : i32
        %dma_start3A_1967 = tpu.memref_slice %arg6[%dma_start3A_1963, %dma_start3A_1964, %dma_start3A_1965, %dma_start3A_1966] : memref<2x16x50x32xf32, #tpu.memory_space<vmem>> -> memref<1x1x50x32xf32, #tpu.memory_space<vmem>>
        %dma_start3A_1968 = tpu.memref_squeeze %dma_start3A_1967 : memref<1x1x50x32xf32, #tpu.memory_space<vmem>> -> memref<50x32xf32, #tpu.memory_space<vmem>>
        %dma_start3A_1969 = arith.constant 0 : i32
        %dma_start3A_1970 = tpu.memref_slice %arg5[%dma_start3A_1961, %dma_start3A_1962, %dma_start3A_1969] : memref<2x16x50xi32, #tpu.memory_space<vmem>> -> memref<1x1x50xi32, #tpu.memory_space<vmem>>
        %dma_start3A_1971 = tpu.memref_squeeze %dma_start3A_1970 : memref<1x1x50xi32, #tpu.memory_space<vmem>> -> memref<50xi32, #tpu.memory_space<vmem>>
        %dma_start3A_1972 = arith.constant 0 : i32
        %dma_start3A_1973 = arith.constant 0 : i32
        %dma_start3A_1974 = tpu.memref_slice %arg3[%dma_start3A_1972, %dma_start3A_1973] : memref<1000000x32xf32, #tpu.memory_space<hbm>> -> memref<1000000x32xf32, #tpu.memory_space<hbm>>
        tpu.enqueue_indirect_dma source(%dma_start3A_1974 : memref<1000000x32xf32, #tpu.memory_space<hbm>>) target(%dma_start3A_1968 : memref<50x32xf32, #tpu.memory_space<vmem>>) offsets(%dma_start3A_1971 : memref<50xi32, #tpu.memory_space<vmem>>) semaphore(%arg10 : memref<!tpu.dma_semaphore, #tpu.memory_space<semaphore_mem>>)
        %dma_start3A_1975 = arith.constant 0 : i32
        %dma_start3A_1976 = arith.constant 13 : i32
        %dma_start3A_1977 = arith.constant 0 : i32
        %dma_start3A_1978 = arith.constant 13 : i32
        %dma_start3A_1979 = arith.constant 0 : i32
        %dma_start3A_1980 = arith.constant 0 : i32
        %dma_start3A_1981 = tpu.memref_slice %arg6[%dma_start3A_1977, %dma_start3A_1978, %dma_start3A_1979, %dma_start3A_1980] : memref<2x16x50x32xf32, #tpu.memory_space<vmem>> -> memref<1x1x50x32xf32, #tpu.memory_space<vmem>>
        %dma_start3A_1982 = tpu.memref_squeeze %dma_start3A_1981 : memref<1x1x50x32xf32, #tpu.memory_space<vmem>> -> memref<50x32xf32, #tpu.memory_space<vmem>>
        %dma_start3A_1983 = arith.constant 0 : i32
        %dma_start3A_1984 = tpu.memref_slice %arg5[%dma_start3A_1975, %dma_start3A_1976, %dma_start3A_1983] : memref<2x16x50xi32, #tpu.memory_space<vmem>> -> memref<1x1x50xi32, #tpu.memory_space<vmem>>
        %dma_start3A_1985 = tpu.memref_squeeze %dma_start3A_1984 : memref<1x1x50xi32, #tpu.memory_space<vmem>> -> memref<50xi32, #tpu.memory_space<vmem>>
        %dma_start3A_1986 = arith.constant 0 : i32
        %dma_start3A_1987 = arith.constant 0 : i32
        %dma_start3A_1988 = tpu.memref_slice %arg3[%dma_start3A_1986, %dma_start3A_1987] : memref<1000000x32xf32, #tpu.memory_space<hbm>> -> memref<1000000x32xf32, #tpu.memory_space<hbm>>
        tpu.enqueue_indirect_dma source(%dma_start3A_1988 : memref<1000000x32xf32, #tpu.memory_space<hbm>>) target(%dma_start3A_1982 : memref<50x32xf32, #tpu.memory_space<vmem>>) offsets(%dma_start3A_1985 : memref<50xi32, #tpu.memory_space<vmem>>) semaphore(%arg10 : memref<!tpu.dma_semaphore, #tpu.memory_space<semaphore_mem>>)
        %dma_start3A_1989 = arith.constant 0 : i32
        %dma_start3A_1990 = arith.constant 14 : i32
        %dma_start3A_1991 = arith.constant 0 : i32
        %dma_start3A_1992 = arith.constant 14 : i32
        %dma_start3A_1993 = arith.constant 0 : i32
        %dma_start3A_1994 = arith.constant 0 : i32
        %dma_start3A_1995 = tpu.memref_slice %arg6[%dma_start3A_1991, %dma_start3A_1992, %dma_start3A_1993, %dma_start3A_1994] : memref<2x16x50x32xf32, #tpu.memory_space<vmem>> -> memref<1x1x50x32xf32, #tpu.memory_space<vmem>>
        %dma_start3A_1996 = tpu.memref_squeeze %dma_start3A_1995 : memref<1x1x50x32xf32, #tpu.memory_space<vmem>> -> memref<50x32xf32, #tpu.memory_space<vmem>>
        %dma_start3A_1997 = arith.constant 0 : i32
        %dma_start3A_1998 = tpu.memref_slice %arg5[%dma_start3A_1989, %dma_start3A_1990, %dma_start3A_1997] : memref<2x16x50xi32, #tpu.memory_space<vmem>> -> memref<1x1x50xi32, #tpu.memory_space<vmem>>
        %dma_start3A_1999 = tpu.memref_squeeze %dma_start3A_1998 : memref<1x1x50xi32, #tpu.memory_space<vmem>> -> memref<50xi32, #tpu.memory_space<vmem>>
        %dma_start3A_2000 = arith.constant 0 : i32
        %dma_start3A_2001 = arith.constant 0 : i32
        %dma_start3A_2002 = tpu.memref_slice %arg3[%dma_start3A_2000, %dma_start3A_2001] : memref<1000000x32xf32, #tpu.memory_space<hbm>> -> memref<1000000x32xf32, #tpu.memory_space<hbm>>
        tpu.enqueue_indirect_dma source(%dma_start3A_2002 : memref<1000000x32xf32, #tpu.memory_space<hbm>>) target(%dma_start3A_1996 : memref<50x32xf32, #tpu.memory_space<vmem>>) offsets(%dma_start3A_1999 : memref<50xi32, #tpu.memory_space<vmem>>) semaphore(%arg10 : memref<!tpu.dma_semaphore, #tpu.memory_space<semaphore_mem>>)
        %dma_start3A_2003 = arith.constant 0 : i32
        %dma_start3A_2004 = arith.constant 15 : i32
        %dma_start3A_2005 = arith.constant 0 : i32
        %dma_start3A_2006 = arith.constant 15 : i32
        %dma_start3A_2007 = arith.constant 0 : i32
        %dma_start3A_2008 = arith.constant 0 : i32
        %dma_start3A_2009 = tpu.memref_slice %arg6[%dma_start3A_2005, %dma_start3A_2006, %dma_start3A_2007, %dma_start3A_2008] : memref<2x16x50x32xf32, #tpu.memory_space<vmem>> -> memref<1x1x50x32xf32, #tpu.memory_space<vmem>>
        %dma_start3A_2010 = tpu.memref_squeeze %dma_start3A_2009 : memref<1x1x50x32xf32, #tpu.memory_space<vmem>> -> memref<50x32xf32, #tpu.memory_space<vmem>>
        %dma_start3A_2011 = arith.constant 0 : i32
        %dma_start3A_2012 = tpu.memref_slice %arg5[%dma_start3A_2003, %dma_start3A_2004, %dma_start3A_2011] : memref<2x16x50xi32, #tpu.memory_space<vmem>> -> memref<1x1x50xi32, #tpu.memory_space<vmem>>
        %dma_start3A_2013 = tpu.memref_squeeze %dma_start3A_2012 : memref<1x1x50xi32, #tpu.memory_space<vmem>> -> memref<50xi32, #tpu.memory_space<vmem>>
        %dma_start3A_2014 = arith.constant 0 : i32
        %dma_start3A_2015 = arith.constant 0 : i32
        %dma_start3A_2016 = tpu.memref_slice %arg3[%dma_start3A_2014, %dma_start3A_2015] : memref<1000000x32xf32, #tpu.memory_space<hbm>> -> memref<1000000x32xf32, #tpu.memory_space<hbm>>
        tpu.enqueue_indirect_dma source(%dma_start3A_2016 : memref<1000000x32xf32, #tpu.memory_space<hbm>>) target(%dma_start3A_2010 : memref<50x32xf32, #tpu.memory_space<vmem>>) offsets(%dma_start3A_2013 : memref<50xi32, #tpu.memory_space<vmem>>) semaphore(%arg10 : memref<!tpu.dma_semaphore, #tpu.memory_space<semaphore_mem>>)
      } else {
      }
      %ge3A_1506 = arith.constant 2 : i32
      %ge3A_1507 = arith.cmpi sge, %add3A_1274, %ge3A_1506 : i32
      %convert_element_type3A_1508 = arith.extui %ge3A_1507 : i1 to i32
      %cond3A_1509 = arith.constant 0 : i32
      %cond3A_1510 = arith.cmpi ne, %convert_element_type3A_1508, %cond3A_1509 : i32
      scf.if %cond3A_1510 {
        %sub3A_1775 = arith.constant 2 : i32
        %sub3A_1776 = arith.subi %add3A_1274, %sub3A_1775 : i32
        %mul3A_1777 = arith.constant 16 : i32
        %mul3A_1778 = arith.muli %sub3A_1776, %mul3A_1777 : i32
        %add3A_1779 = arith.addi %mul3A_2, %mul3A_1778 : i32
        %jit3A_1780 = arith.constant 128 : i32
        %div3A_1781 = arith.divsi %add3A_1779, %jit3A_1780 : i32
        %sign3A_1782 = arith.constant 0 : i32
        %sign3A_1783 = arith.cmpi sgt, %add3A_1779, %sign3A_1782 : i32
        %sign3A_1784 = arith.extui %sign3A_1783 : i1 to i32
        %sign3A_1785 = arith.constant 0 : i32
        %sign3A_1786 = arith.cmpi slt, %add3A_1779, %sign3A_1785 : i32
        %sign3A_1787 = arith.extui %sign3A_1786 : i1 to i32
        %sign3A_1788 = arith.subi %sign3A_1784, %sign3A_1787 : i32
        %sign3A_1789 = arith.constant 0 : i32
        %sign3A_1790 = arith.cmpi sgt, %jit3A_1780, %sign3A_1789 : i32
        %sign3A_1791 = arith.extui %sign3A_1790 : i1 to i32
        %sign3A_1792 = arith.constant 0 : i32
        %sign3A_1793 = arith.cmpi slt, %jit3A_1780, %sign3A_1792 : i32
        %sign3A_1794 = arith.extui %sign3A_1793 : i1 to i32
        %sign3A_1795 = arith.subi %sign3A_1791, %sign3A_1794 : i32
        %ne3A_1796 = arith.cmpi ne, %sign3A_1788, %sign3A_1795 : i32
        %rem3A_1797 = arith.remsi %add3A_1779, %jit3A_1780 : i32
        %ne3A_1798 = arith.constant 0 : i32
        %ne3A_1799 = arith.cmpi ne, %rem3A_1797, %ne3A_1798 : i32
        %and3A_1800 = arith.andi %ne3A_1796, %ne3A_1799 : i1
        %sub3A_1801 = arith.constant 1 : i32
        %sub3A_1802 = arith.subi %div3A_1781, %sub3A_1801 : i32
        %select_n3A_1803 = arith.select %and3A_1800, %sub3A_1802, %div3A_1781 : i32
        %jit3A_1804 = arith.constant 128 : i32
        %eq3A_1805 = arith.constant 0 : i32
        %eq3A_1806 = arith.cmpi eq, %jit3A_1804, %eq3A_1805 : i32
        %jit3A_1807 = arith.constant 1 : i32
        %select_n3A_1808 = arith.select %eq3A_1806, %jit3A_1807, %jit3A_1804 : i32
        %rem3A_1809 = arith.remsi %add3A_1779, %select_n3A_1808 : i32
        %ne3A_1810 = arith.constant 0 : i32
        %ne3A_1811 = arith.cmpi ne, %rem3A_1809, %ne3A_1810 : i32
        %lt3A_1812 = arith.constant 0 : i32
        %lt3A_1813 = arith.cmpi slt, %rem3A_1809, %lt3A_1812 : i32
        %lt3A_1814 = arith.constant 0 : i32
        %lt3A_1815 = arith.cmpi slt, %select_n3A_1808, %lt3A_1814 : i32
        %ne3A_1816 = arith.xori %lt3A_1813, %lt3A_1815 : i1
        %and3A_1817 = arith.andi %ne3A_1816, %ne3A_1811 : i1
        %add3A_1818 = arith.addi %rem3A_1809, %select_n3A_1808 : i32
        %select_n3A_1819 = arith.select %and3A_1817, %add3A_1818, %rem3A_1809 : i32
        %dma_wait3A_1820 = arith.constant 1 : i32
        %dma_wait3A_1821 = arith.constant 0 : i32
        %dma_wait3A_1822 = arith.constant 0 : i32
        %dma_wait3A_1823 = arith.constant 0 : i32
        %dma_wait3A_1824 = arith.constant 0 : i32
        %dma_wait3A_1825 = tpu.memref_slice %arg7[%dma_wait3A_1820, %dma_wait3A_1822, %dma_wait3A_1823, %dma_wait3A_1824] : memref<2x50x32x17xf32, #tpu.memory_space<vmem>> -> memref<1x50x8x16xf32, #tpu.memory_space<vmem>>
        %dma_wait3A_1826 = tpu.memref_squeeze %dma_wait3A_1825 : memref<1x50x8x16xf32, #tpu.memory_space<vmem>> -> memref<50x8x16xf32, #tpu.memory_space<vmem>>
        %dma_wait3A_1827 = arith.constant 0 : i32
        %dma_wait3A_1828 = arith.constant 0 : i32
        %dma_wait3A_1829 = tpu.memref_slice %arg4[%dma_wait3A_1827, %dma_wait3A_1821, %select_n3A_1803, %dma_wait3A_1828, %select_n3A_1819] : memref<50x4x128x8x128xf32, #tpu.memory_space<hbm>> -> memref<50x1x1x8x16xf32, #tpu.memory_space<hbm>>
        %dma_wait3A_1830 = tpu.memref_squeeze %dma_wait3A_1829 : memref<50x1x1x8x16xf32, #tpu.memory_space<hbm>> -> memref<50x8x16xf32, #tpu.memory_space<hbm>>
        %dma_wait3A_1831 = arith.constant 0 : i32
        %dma_wait3A_1832 = arith.constant 0 : i32
        %dma_wait3A_1833 = tpu.memref_slice %arg4[%dma_wait3A_1831, %dma_wait3A_1821, %select_n3A_1803, %dma_wait3A_1832, %select_n3A_1819] : memref<50x4x128x8x128xf32, #tpu.memory_space<hbm>> -> memref<50x1x1x8x16xf32, #tpu.memory_space<hbm>>
        %dma_wait3A_1834 = tpu.memref_squeeze %dma_wait3A_1833 : memref<50x1x1x8x16xf32, #tpu.memory_space<hbm>> -> memref<50x8x16xf32, #tpu.memory_space<hbm>>
        %dma_wait3A_1835 = arith.constant 0 : i32
        %dma_wait3A_1836 = arith.constant 0 : i32
        %dma_wait3A_1837 = arith.constant 0 : i32
        %dma_wait3A_1838 = tpu.memref_slice %arg7[%dma_wait3A_1820, %dma_wait3A_1835, %dma_wait3A_1836, %dma_wait3A_1837] : memref<2x50x32x17xf32, #tpu.memory_space<vmem>> -> memref<1x50x8x16xf32, #tpu.memory_space<vmem>>
        %dma_wait3A_1839 = tpu.memref_squeeze %dma_wait3A_1838 : memref<1x50x8x16xf32, #tpu.memory_space<vmem>> -> memref<50x8x16xf32, #tpu.memory_space<vmem>>
        tpu.wait_dma2 semaphore(%arg13 : memref<!tpu.dma_semaphore, #tpu.memory_space<semaphore_mem>>) src(%dma_wait3A_1839 : memref<50x8x16xf32, #tpu.memory_space<vmem>>) dst(%dma_wait3A_1834 : memref<50x8x16xf32, #tpu.memory_space<hbm>>)
        %sub3A_1840 = arith.constant 2 : i32
        %sub3A_1841 = arith.subi %add3A_1274, %sub3A_1840 : i32
        %mul3A_1842 = arith.constant 16 : i32
        %mul3A_1843 = arith.muli %sub3A_1841, %mul3A_1842 : i32
        %add3A_1844 = arith.addi %mul3A_2, %mul3A_1843 : i32
        %jit3A_1845 = arith.constant 128 : i32
        %div3A_1846 = arith.divsi %add3A_1844, %jit3A_1845 : i32
        %sign3A_1847 = arith.constant 0 : i32
        %sign3A_1848 = arith.cmpi sgt, %add3A_1844, %sign3A_1847 : i32
        %sign3A_1849 = arith.extui %sign3A_1848 : i1 to i32
        %sign3A_1850 = arith.constant 0 : i32
        %sign3A_1851 = arith.cmpi slt, %add3A_1844, %sign3A_1850 : i32
        %sign3A_1852 = arith.extui %sign3A_1851 : i1 to i32
        %sign3A_1853 = arith.subi %sign3A_1849, %sign3A_1852 : i32
        %sign3A_1854 = arith.constant 0 : i32
        %sign3A_1855 = arith.cmpi sgt, %jit3A_1845, %sign3A_1854 : i32
        %sign3A_1856 = arith.extui %sign3A_1855 : i1 to i32
        %sign3A_1857 = arith.constant 0 : i32
        %sign3A_1858 = arith.cmpi slt, %jit3A_1845, %sign3A_1857 : i32
        %sign3A_1859 = arith.extui %sign3A_1858 : i1 to i32
        %sign3A_1860 = arith.subi %sign3A_1856, %sign3A_1859 : i32
        %ne3A_1861 = arith.cmpi ne, %sign3A_1853, %sign3A_1860 : i32
        %rem3A_1862 = arith.remsi %add3A_1844, %jit3A_1845 : i32
        %ne3A_1863 = arith.constant 0 : i32
        %ne3A_1864 = arith.cmpi ne, %rem3A_1862, %ne3A_1863 : i32
        %and3A_1865 = arith.andi %ne3A_1861, %ne3A_1864 : i1
        %sub3A_1866 = arith.constant 1 : i32
        %sub3A_1867 = arith.subi %div3A_1846, %sub3A_1866 : i32
        %select_n3A_1868 = arith.select %and3A_1865, %sub3A_1867, %div3A_1846 : i32
        %jit3A_1869 = arith.constant 128 : i32
        %eq3A_1870 = arith.constant 0 : i32
        %eq3A_1871 = arith.cmpi eq, %jit3A_1869, %eq3A_1870 : i32
        %jit3A_1872 = arith.constant 1 : i32
        %select_n3A_1873 = arith.select %eq3A_1871, %jit3A_1872, %jit3A_1869 : i32
        %rem3A_1874 = arith.remsi %add3A_1844, %select_n3A_1873 : i32
        %ne3A_1875 = arith.constant 0 : i32
        %ne3A_1876 = arith.cmpi ne, %rem3A_1874, %ne3A_1875 : i32
        %lt3A_1877 = arith.constant 0 : i32
        %lt3A_1878 = arith.cmpi slt, %rem3A_1874, %lt3A_1877 : i32
        %lt3A_1879 = arith.constant 0 : i32
        %lt3A_1880 = arith.cmpi slt, %select_n3A_1873, %lt3A_1879 : i32
        %ne3A_1881 = arith.xori %lt3A_1878, %lt3A_1880 : i1
        %and3A_1882 = arith.andi %ne3A_1881, %ne3A_1876 : i1
        %add3A_1883 = arith.addi %rem3A_1874, %select_n3A_1873 : i32
        %select_n3A_1884 = arith.select %and3A_1882, %add3A_1883, %rem3A_1874 : i32
        %dma_wait3A_1885 = arith.constant 1 : i32
        %dma_wait3A_1886 = arith.constant 1 : i32
        %dma_wait3A_1887 = arith.constant 0 : i32
        %dma_wait3A_1888 = arith.constant 8 : i32
        %dma_wait3A_1889 = arith.constant 0 : i32
        %dma_wait3A_1890 = tpu.memref_slice %arg7[%dma_wait3A_1885, %dma_wait3A_1887, %dma_wait3A_1888, %dma_wait3A_1889] : memref<2x50x32x17xf32, #tpu.memory_space<vmem>> -> memref<1x50x8x16xf32, #tpu.memory_space<vmem>>
        %dma_wait3A_1891 = tpu.memref_squeeze %dma_wait3A_1890 : memref<1x50x8x16xf32, #tpu.memory_space<vmem>> -> memref<50x8x16xf32, #tpu.memory_space<vmem>>
        %dma_wait3A_1892 = arith.constant 0 : i32
        %dma_wait3A_1893 = arith.constant 0 : i32
        %dma_wait3A_1894 = tpu.memref_slice %arg4[%dma_wait3A_1892, %dma_wait3A_1886, %select_n3A_1868, %dma_wait3A_1893, %select_n3A_1884] : memref<50x4x128x8x128xf32, #tpu.memory_space<hbm>> -> memref<50x1x1x8x16xf32, #tpu.memory_space<hbm>>
        %dma_wait3A_1895 = tpu.memref_squeeze %dma_wait3A_1894 : memref<50x1x1x8x16xf32, #tpu.memory_space<hbm>> -> memref<50x8x16xf32, #tpu.memory_space<hbm>>
        %dma_wait3A_1896 = arith.constant 0 : i32
        %dma_wait3A_1897 = arith.constant 0 : i32
        %dma_wait3A_1898 = tpu.memref_slice %arg4[%dma_wait3A_1896, %dma_wait3A_1886, %select_n3A_1868, %dma_wait3A_1897, %select_n3A_1884] : memref<50x4x128x8x128xf32, #tpu.memory_space<hbm>> -> memref<50x1x1x8x16xf32, #tpu.memory_space<hbm>>
        %dma_wait3A_1899 = tpu.memref_squeeze %dma_wait3A_1898 : memref<50x1x1x8x16xf32, #tpu.memory_space<hbm>> -> memref<50x8x16xf32, #tpu.memory_space<hbm>>
        %dma_wait3A_1900 = arith.constant 0 : i32
        %dma_wait3A_1901 = arith.constant 8 : i32
        %dma_wait3A_1902 = arith.constant 0 : i32
        %dma_wait3A_1903 = tpu.memref_slice %arg7[%dma_wait3A_1885, %dma_wait3A_1900, %dma_wait3A_1901, %dma_wait3A_1902] : memref<2x50x32x17xf32, #tpu.memory_space<vmem>> -> memref<1x50x8x16xf32, #tpu.memory_space<vmem>>
        %dma_wait3A_1904 = tpu.memref_squeeze %dma_wait3A_1903 : memref<1x50x8x16xf32, #tpu.memory_space<vmem>> -> memref<50x8x16xf32, #tpu.memory_space<vmem>>
        tpu.wait_dma2 semaphore(%arg13 : memref<!tpu.dma_semaphore, #tpu.memory_space<semaphore_mem>>) src(%dma_wait3A_1904 : memref<50x8x16xf32, #tpu.memory_space<vmem>>) dst(%dma_wait3A_1899 : memref<50x8x16xf32, #tpu.memory_space<hbm>>)
        %sub3A_1905 = arith.constant 2 : i32
        %sub3A_1906 = arith.subi %add3A_1274, %sub3A_1905 : i32
        %mul3A_1907 = arith.constant 16 : i32
        %mul3A_1908 = arith.muli %sub3A_1906, %mul3A_1907 : i32
        %add3A_1909 = arith.addi %mul3A_2, %mul3A_1908 : i32
        %jit3A_1910 = arith.constant 128 : i32
        %div3A_1911 = arith.divsi %add3A_1909, %jit3A_1910 : i32
        %sign3A_1912 = arith.constant 0 : i32
        %sign3A_1913 = arith.cmpi sgt, %add3A_1909, %sign3A_1912 : i32
        %sign3A_1914 = arith.extui %sign3A_1913 : i1 to i32
        %sign3A_1915 = arith.constant 0 : i32
        %sign3A_1916 = arith.cmpi slt, %add3A_1909, %sign3A_1915 : i32
        %sign3A_1917 = arith.extui %sign3A_1916 : i1 to i32
        %sign3A_1918 = arith.subi %sign3A_1914, %sign3A_1917 : i32
        %sign3A_1919 = arith.constant 0 : i32
        %sign3A_1920 = arith.cmpi sgt, %jit3A_1910, %sign3A_1919 : i32
        %sign3A_1921 = arith.extui %sign3A_1920 : i1 to i32
        %sign3A_1922 = arith.constant 0 : i32
        %sign3A_1923 = arith.cmpi slt, %jit3A_1910, %sign3A_1922 : i32
        %sign3A_1924 = arith.extui %sign3A_1923 : i1 to i32
        %sign3A_1925 = arith.subi %sign3A_1921, %sign3A_1924 : i32
        %ne3A_1926 = arith.cmpi ne, %sign3A_1918, %sign3A_1925 : i32
        %rem3A_1927 = arith.remsi %add3A_1909, %jit3A_1910 : i32
        %ne3A_1928 = arith.constant 0 : i32
        %ne3A_1929 = arith.cmpi ne, %rem3A_1927, %ne3A_1928 : i32
        %and3A_1930 = arith.andi %ne3A_1926, %ne3A_1929 : i1
        %sub3A_1931 = arith.constant 1 : i32
        %sub3A_1932 = arith.subi %div3A_1911, %sub3A_1931 : i32
        %select_n3A_1933 = arith.select %and3A_1930, %sub3A_1932, %div3A_1911 : i32
        %jit3A_1934 = arith.constant 128 : i32
        %eq3A_1935 = arith.constant 0 : i32
        %eq3A_1936 = arith.cmpi eq, %jit3A_1934, %eq3A_1935 : i32
        %jit3A_1937 = arith.constant 1 : i32
        %select_n3A_1938 = arith.select %eq3A_1936, %jit3A_1937, %jit3A_1934 : i32
        %rem3A_1939 = arith.remsi %add3A_1909, %select_n3A_1938 : i32
        %ne3A_1940 = arith.constant 0 : i32
        %ne3A_1941 = arith.cmpi ne, %rem3A_1939, %ne3A_1940 : i32
        %lt3A_1942 = arith.constant 0 : i32
        %lt3A_1943 = arith.cmpi slt, %rem3A_1939, %lt3A_1942 : i32
        %lt3A_1944 = arith.constant 0 : i32
        %lt3A_1945 = arith.cmpi slt, %select_n3A_1938, %lt3A_1944 : i32
        %ne3A_1946 = arith.xori %lt3A_1943, %lt3A_1945 : i1
        %and3A_1947 = arith.andi %ne3A_1946, %ne3A_1941 : i1
        %add3A_1948 = arith.addi %rem3A_1939, %select_n3A_1938 : i32
        %select_n3A_1949 = arith.select %and3A_1947, %add3A_1948, %rem3A_1939 : i32
        %dma_wait3A_1950 = arith.constant 1 : i32
        %dma_wait3A_1951 = arith.constant 2 : i32
        %dma_wait3A_1952 = arith.constant 0 : i32
        %dma_wait3A_1953 = arith.constant 16 : i32
        %dma_wait3A_1954 = arith.constant 0 : i32
        %dma_wait3A_1955 = tpu.memref_slice %arg7[%dma_wait3A_1950, %dma_wait3A_1952, %dma_wait3A_1953, %dma_wait3A_1954] : memref<2x50x32x17xf32, #tpu.memory_space<vmem>> -> memref<1x50x8x16xf32, #tpu.memory_space<vmem>>
        %dma_wait3A_1956 = tpu.memref_squeeze %dma_wait3A_1955 : memref<1x50x8x16xf32, #tpu.memory_space<vmem>> -> memref<50x8x16xf32, #tpu.memory_space<vmem>>
        %dma_wait3A_1957 = arith.constant 0 : i32
        %dma_wait3A_1958 = arith.constant 0 : i32
        %dma_wait3A_1959 = tpu.memref_slice %arg4[%dma_wait3A_1957, %dma_wait3A_1951, %select_n3A_1933, %dma_wait3A_1958, %select_n3A_1949] : memref<50x4x128x8x128xf32, #tpu.memory_space<hbm>> -> memref<50x1x1x8x16xf32, #tpu.memory_space<hbm>>
        %dma_wait3A_1960 = tpu.memref_squeeze %dma_wait3A_1959 : memref<50x1x1x8x16xf32, #tpu.memory_space<hbm>> -> memref<50x8x16xf32, #tpu.memory_space<hbm>>
        %dma_wait3A_1961 = arith.constant 0 : i32
        %dma_wait3A_1962 = arith.constant 0 : i32
        %dma_wait3A_1963 = tpu.memref_slice %arg4[%dma_wait3A_1961, %dma_wait3A_1951, %select_n3A_1933, %dma_wait3A_1962, %select_n3A_1949] : memref<50x4x128x8x128xf32, #tpu.memory_space<hbm>> -> memref<50x1x1x8x16xf32, #tpu.memory_space<hbm>>
        %dma_wait3A_1964 = tpu.memref_squeeze %dma_wait3A_1963 : memref<50x1x1x8x16xf32, #tpu.memory_space<hbm>> -> memref<50x8x16xf32, #tpu.memory_space<hbm>>
        %dma_wait3A_1965 = arith.constant 0 : i32
        %dma_wait3A_1966 = arith.constant 16 : i32
        %dma_wait3A_1967 = arith.constant 0 : i32
        %dma_wait3A_1968 = tpu.memref_slice %arg7[%dma_wait3A_1950, %dma_wait3A_1965, %dma_wait3A_1966, %dma_wait3A_1967] : memref<2x50x32x17xf32, #tpu.memory_space<vmem>> -> memref<1x50x8x16xf32, #tpu.memory_space<vmem>>
        %dma_wait3A_1969 = tpu.memref_squeeze %dma_wait3A_1968 : memref<1x50x8x16xf32, #tpu.memory_space<vmem>> -> memref<50x8x16xf32, #tpu.memory_space<vmem>>
        tpu.wait_dma2 semaphore(%arg13 : memref<!tpu.dma_semaphore, #tpu.memory_space<semaphore_mem>>) src(%dma_wait3A_1969 : memref<50x8x16xf32, #tpu.memory_space<vmem>>) dst(%dma_wait3A_1964 : memref<50x8x16xf32, #tpu.memory_space<hbm>>)
        %sub3A_1970 = arith.constant 2 : i32
        %sub3A_1971 = arith.subi %add3A_1274, %sub3A_1970 : i32
        %mul3A_1972 = arith.constant 16 : i32
        %mul3A_1973 = arith.muli %sub3A_1971, %mul3A_1972 : i32
        %add3A_1974 = arith.addi %mul3A_2, %mul3A_1973 : i32
        %jit3A_1975 = arith.constant 128 : i32
        %div3A_1976 = arith.divsi %add3A_1974, %jit3A_1975 : i32
        %sign3A_1977 = arith.constant 0 : i32
        %sign3A_1978 = arith.cmpi sgt, %add3A_1974, %sign3A_1977 : i32
        %sign3A_1979 = arith.extui %sign3A_1978 : i1 to i32
        %sign3A_1980 = arith.constant 0 : i32
        %sign3A_1981 = arith.cmpi slt, %add3A_1974, %sign3A_1980 : i32
        %sign3A_1982 = arith.extui %sign3A_1981 : i1 to i32
        %sign3A_1983 = arith.subi %sign3A_1979, %sign3A_1982 : i32
        %sign3A_1984 = arith.constant 0 : i32
        %sign3A_1985 = arith.cmpi sgt, %jit3A_1975, %sign3A_1984 : i32
        %sign3A_1986 = arith.extui %sign3A_1985 : i1 to i32
        %sign3A_1987 = arith.constant 0 : i32
        %sign3A_1988 = arith.cmpi slt, %jit3A_1975, %sign3A_1987 : i32
        %sign3A_1989 = arith.extui %sign3A_1988 : i1 to i32
        %sign3A_1990 = arith.subi %sign3A_1986, %sign3A_1989 : i32
        %ne3A_1991 = arith.cmpi ne, %sign3A_1983, %sign3A_1990 : i32
        %rem3A_1992 = arith.remsi %add3A_1974, %jit3A_1975 : i32
        %ne3A_1993 = arith.constant 0 : i32
        %ne3A_1994 = arith.cmpi ne, %rem3A_1992, %ne3A_1993 : i32
        %and3A_1995 = arith.andi %ne3A_1991, %ne3A_1994 : i1
        %sub3A_1996 = arith.constant 1 : i32
        %sub3A_1997 = arith.subi %div3A_1976, %sub3A_1996 : i32
        %select_n3A_1998 = arith.select %and3A_1995, %sub3A_1997, %div3A_1976 : i32
        %jit3A_1999 = arith.constant 128 : i32
        %eq3A_2000 = arith.constant 0 : i32
        %eq3A_2001 = arith.cmpi eq, %jit3A_1999, %eq3A_2000 : i32
        %jit3A_2002 = arith.constant 1 : i32
        %select_n3A_2003 = arith.select %eq3A_2001, %jit3A_2002, %jit3A_1999 : i32
        %rem3A_2004 = arith.remsi %add3A_1974, %select_n3A_2003 : i32
        %ne3A_2005 = arith.constant 0 : i32
        %ne3A_2006 = arith.cmpi ne, %rem3A_2004, %ne3A_2005 : i32
        %lt3A_2007 = arith.constant 0 : i32
        %lt3A_2008 = arith.cmpi slt, %rem3A_2004, %lt3A_2007 : i32
        %lt3A_2009 = arith.constant 0 : i32
        %lt3A_2010 = arith.cmpi slt, %select_n3A_2003, %lt3A_2009 : i32
        %ne3A_2011 = arith.xori %lt3A_2008, %lt3A_2010 : i1
        %and3A_2012 = arith.andi %ne3A_2011, %ne3A_2006 : i1
        %add3A_2013 = arith.addi %rem3A_2004, %select_n3A_2003 : i32
        %select_n3A_2014 = arith.select %and3A_2012, %add3A_2013, %rem3A_2004 : i32
        %dma_wait3A_2015 = arith.constant 1 : i32
        %dma_wait3A_2016 = arith.constant 3 : i32
        %dma_wait3A_2017 = arith.constant 0 : i32
        %dma_wait3A_2018 = arith.constant 24 : i32
        %dma_wait3A_2019 = arith.constant 0 : i32
        %dma_wait3A_2020 = tpu.memref_slice %arg7[%dma_wait3A_2015, %dma_wait3A_2017, %dma_wait3A_2018, %dma_wait3A_2019] : memref<2x50x32x17xf32, #tpu.memory_space<vmem>> -> memref<1x50x8x16xf32, #tpu.memory_space<vmem>>
        %dma_wait3A_2021 = tpu.memref_squeeze %dma_wait3A_2020 : memref<1x50x8x16xf32, #tpu.memory_space<vmem>> -> memref<50x8x16xf32, #tpu.memory_space<vmem>>
        %dma_wait3A_2022 = arith.constant 0 : i32
        %dma_wait3A_2023 = arith.constant 0 : i32
        %dma_wait3A_2024 = tpu.memref_slice %arg4[%dma_wait3A_2022, %dma_wait3A_2016, %select_n3A_1998, %dma_wait3A_2023, %select_n3A_2014] : memref<50x4x128x8x128xf32, #tpu.memory_space<hbm>> -> memref<50x1x1x8x16xf32, #tpu.memory_space<hbm>>
        %dma_wait3A_2025 = tpu.memref_squeeze %dma_wait3A_2024 : memref<50x1x1x8x16xf32, #tpu.memory_space<hbm>> -> memref<50x8x16xf32, #tpu.memory_space<hbm>>
        %dma_wait3A_2026 = arith.constant 0 : i32
        %dma_wait3A_2027 = arith.constant 0 : i32
        %dma_wait3A_2028 = tpu.memref_slice %arg4[%dma_wait3A_2026, %dma_wait3A_2016, %select_n3A_1998, %dma_wait3A_2027, %select_n3A_2014] : memref<50x4x128x8x128xf32, #tpu.memory_space<hbm>> -> memref<50x1x1x8x16xf32, #tpu.memory_space<hbm>>
        %dma_wait3A_2029 = tpu.memref_squeeze %dma_wait3A_2028 : memref<50x1x1x8x16xf32, #tpu.memory_space<hbm>> -> memref<50x8x16xf32, #tpu.memory_space<hbm>>
        %dma_wait3A_2030 = arith.constant 0 : i32
        %dma_wait3A_2031 = arith.constant 24 : i32
        %dma_wait3A_2032 = arith.constant 0 : i32
        %dma_wait3A_2033 = tpu.memref_slice %arg7[%dma_wait3A_2015, %dma_wait3A_2030, %dma_wait3A_2031, %dma_wait3A_2032] : memref<2x50x32x17xf32, #tpu.memory_space<vmem>> -> memref<1x50x8x16xf32, #tpu.memory_space<vmem>>
        %dma_wait3A_2034 = tpu.memref_squeeze %dma_wait3A_2033 : memref<1x50x8x16xf32, #tpu.memory_space<vmem>> -> memref<50x8x16xf32, #tpu.memory_space<vmem>>
        tpu.wait_dma2 semaphore(%arg13 : memref<!tpu.dma_semaphore, #tpu.memory_space<semaphore_mem>>) src(%dma_wait3A_2034 : memref<50x8x16xf32, #tpu.memory_space<vmem>>) dst(%dma_wait3A_2029 : memref<50x8x16xf32, #tpu.memory_space<hbm>>)
      } else {
      }
      %scan3A_1511 = arith.constant 0 : i32
      %scan3A_1512 = arith.constant 50 : i32
      %scan3A_1513 = arith.addi %scan3A_1511, %scan3A_1512 : i32
      %scan3A_1514 = arith.constant 1 : i32
      scf.for %scan3A_1775 = %scan3A_1511 to %scan3A_1513 step %scan3A_1514  : i32 {
        %broadcast_in_dim3A_1776 = vector.broadcast %scan3A_1775 : i32 to vector<16xi32>
        %broadcast_in_dim3A_1777 = arith.constant 0 : i32
        %broadcast_in_dim3A_1778 = vector.broadcast %broadcast_in_dim3A_1777 : i32 to vector<16xi32>
        %get3A = arith.constant 1 : i32
        %get3A_1779 = arith.constant 0 : i32
        %get3A_1780 = arith.index_cast %get3A : i32 to index
        %get3A_1781 = arith.index_cast %get3A_1779 : i32 to index
        %get3A_1782 = arith.index_cast %scan3A_1775 : i32 to index
        %get3A_1783 = arith.constant 0 : index
        %get3A_1784 = tpu.vector_load %arg6[%get3A_1780, %get3A_1781, %get3A_1782, %get3A_1783] {strides = array<i32>} : memref<2x16x50x32xf32, #tpu.memory_space<vmem>>, vector<16xf32>,
        tpu.vector_store_idx %arg7[%broadcast_in_dim3A_5, %broadcast_in_dim3A_1776, %add3A_8, %broadcast_in_dim3A_1778], %get3A_1784 : memref<2x50x32x17xf32, #tpu.memory_space<vmem>>[vector<16xi32>, vector<16xi32>, vector<16xi32>, vector<16xi32>], vector<16xf32>,
        %get3A_1785 = arith.constant 1 : i32
        %get3A_1786 = arith.constant 0 : i32
        %get3A_1787 = arith.index_cast %get3A_1785 : i32 to index
        %get3A_1788 = arith.index_cast %get3A_1786 : i32 to index
        %get3A_1789 = arith.index_cast %scan3A_1775 : i32 to index
        %get3A_1790 = arith.constant 16 : index
        %get3A_1791 = tpu.vector_load %arg6[%get3A_1787, %get3A_1788, %get3A_1789, %get3A_1790] {strides = array<i32>} : memref<2x16x50x32xf32, #tpu.memory_space<vmem>>, vector<16xf32>,
        tpu.vector_store_idx %arg7[%broadcast_in_dim3A_5, %broadcast_in_dim3A_1776, %add3A_11, %broadcast_in_dim3A_1778], %get3A_1791 : memref<2x50x32x17xf32, #tpu.memory_space<vmem>>[vector<16xi32>, vector<16xi32>, vector<16xi32>, vector<16xi32>], vector<16xf32>,
        %broadcast_in_dim3A_1792 = arith.constant 1 : i32
        %broadcast_in_dim3A_1793 = vector.broadcast %broadcast_in_dim3A_1792 : i32 to vector<16xi32>
        %get3A_1794 = arith.constant 1 : i32
        %get3A_1795 = arith.constant 1 : i32
        %get3A_1796 = arith.index_cast %get3A_1794 : i32 to index
        %get3A_1797 = arith.index_cast %get3A_1795 : i32 to index
        %get3A_1798 = arith.index_cast %scan3A_1775 : i32 to index
        %get3A_1799 = arith.constant 0 : index
        %get3A_1800 = tpu.vector_load %arg6[%get3A_1796, %get3A_1797, %get3A_1798, %get3A_1799] {strides = array<i32>} : memref<2x16x50x32xf32, #tpu.memory_space<vmem>>, vector<16xf32>,
        tpu.vector_store_idx %arg7[%broadcast_in_dim3A_5, %broadcast_in_dim3A_1776, %add3A_8, %broadcast_in_dim3A_1793], %get3A_1800 : memref<2x50x32x17xf32, #tpu.memory_space<vmem>>[vector<16xi32>, vector<16xi32>, vector<16xi32>, vector<16xi32>], vector<16xf32>,
        %get3A_1801 = arith.constant 1 : i32
        %get3A_1802 = arith.constant 1 : i32
        %get3A_1803 = arith.index_cast %get3A_1801 : i32 to index
        %get3A_1804 = arith.index_cast %get3A_1802 : i32 to index
        %get3A_1805 = arith.index_cast %scan3A_1775 : i32 to index
        %get3A_1806 = arith.constant 16 : index
        %get3A_1807 = tpu.vector_load %arg6[%get3A_1803, %get3A_1804, %get3A_1805, %get3A_1806] {strides = array<i32>} : memref<2x16x50x32xf32, #tpu.memory_space<vmem>>, vector<16xf32>,
        tpu.vector_store_idx %arg7[%broadcast_in_dim3A_5, %broadcast_in_dim3A_1776, %add3A_11, %broadcast_in_dim3A_1793], %get3A_1807 : memref<2x50x32x17xf32, #tpu.memory_space<vmem>>[vector<16xi32>, vector<16xi32>, vector<16xi32>, vector<16xi32>], vector<16xf32>,
        %broadcast_in_dim3A_1808 = arith.constant 2 : i32
        %broadcast_in_dim3A_1809 = vector.broadcast %broadcast_in_dim3A_1808 : i32 to vector<16xi32>
        %get3A_1810 = arith.constant 1 : i32
        %get3A_1811 = arith.constant 2 : i32
        %get3A_1812 = arith.index_cast %get3A_1810 : i32 to index
        %get3A_1813 = arith.index_cast %get3A_1811 : i32 to index
        %get3A_1814 = arith.index_cast %scan3A_1775 : i32 to index
        %get3A_1815 = arith.constant 0 : index
        %get3A_1816 = tpu.vector_load %arg6[%get3A_1812, %get3A_1813, %get3A_1814, %get3A_1815] {strides = array<i32>} : memref<2x16x50x32xf32, #tpu.memory_space<vmem>>, vector<16xf32>,
        tpu.vector_store_idx %arg7[%broadcast_in_dim3A_5, %broadcast_in_dim3A_1776, %add3A_8, %broadcast_in_dim3A_1809], %get3A_1816 : memref<2x50x32x17xf32, #tpu.memory_space<vmem>>[vector<16xi32>, vector<16xi32>, vector<16xi32>, vector<16xi32>], vector<16xf32>,
        %get3A_1817 = arith.constant 1 : i32
        %get3A_1818 = arith.constant 2 : i32
        %get3A_1819 = arith.index_cast %get3A_1817 : i32 to index
        %get3A_1820 = arith.index_cast %get3A_1818 : i32 to index
        %get3A_1821 = arith.index_cast %scan3A_1775 : i32 to index
        %get3A_1822 = arith.constant 16 : index
        %get3A_1823 = tpu.vector_load %arg6[%get3A_1819, %get3A_1820, %get3A_1821, %get3A_1822] {strides = array<i32>} : memref<2x16x50x32xf32, #tpu.memory_space<vmem>>, vector<16xf32>,
        tpu.vector_store_idx %arg7[%broadcast_in_dim3A_5, %broadcast_in_dim3A_1776, %add3A_11, %broadcast_in_dim3A_1809], %get3A_1823 : memref<2x50x32x17xf32, #tpu.memory_space<vmem>>[vector<16xi32>, vector<16xi32>, vector<16xi32>, vector<16xi32>], vector<16xf32>,
        %broadcast_in_dim3A_1824 = arith.constant 3 : i32
        %broadcast_in_dim3A_1825 = vector.broadcast %broadcast_in_dim3A_1824 : i32 to vector<16xi32>
        %get3A_1826 = arith.constant 1 : i32
        %get3A_1827 = arith.constant 3 : i32
        %get3A_1828 = arith.index_cast %get3A_1826 : i32 to index
        %get3A_1829 = arith.index_cast %get3A_1827 : i32 to index
        %get3A_1830 = arith.index_cast %scan3A_1775 : i32 to index
        %get3A_1831 = arith.constant 0 : index
        %get3A_1832 = tpu.vector_load %arg6[%get3A_1828, %get3A_1829, %get3A_1830, %get3A_1831] {strides = array<i32>} : memref<2x16x50x32xf32, #tpu.memory_space<vmem>>, vector<16xf32>,
        tpu.vector_store_idx %arg7[%broadcast_in_dim3A_5, %broadcast_in_dim3A_1776, %add3A_8, %broadcast_in_dim3A_1825], %get3A_1832 : memref<2x50x32x17xf32, #tpu.memory_space<vmem>>[vector<16xi32>, vector<16xi32>, vector<16xi32>, vector<16xi32>], vector<16xf32>,
        %get3A_1833 = arith.constant 1 : i32
        %get3A_1834 = arith.constant 3 : i32
        %get3A_1835 = arith.index_cast %get3A_1833 : i32 to index
        %get3A_1836 = arith.index_cast %get3A_1834 : i32 to index
        %get3A_1837 = arith.index_cast %scan3A_1775 : i32 to index
        %get3A_1838 = arith.constant 16 : index
        %get3A_1839 = tpu.vector_load %arg6[%get3A_1835, %get3A_1836, %get3A_1837, %get3A_1838] {strides = array<i32>} : memref<2x16x50x32xf32, #tpu.memory_space<vmem>>, vector<16xf32>,
        tpu.vector_store_idx %arg7[%broadcast_in_dim3A_5, %broadcast_in_dim3A_1776, %add3A_11, %broadcast_in_dim3A_1825], %get3A_1839 : memref<2x50x32x17xf32, #tpu.memory_space<vmem>>[vector<16xi32>, vector<16xi32>, vector<16xi32>, vector<16xi32>], vector<16xf32>,
        %broadcast_in_dim3A_1840 = arith.constant 4 : i32
        %broadcast_in_dim3A_1841 = vector.broadcast %broadcast_in_dim3A_1840 : i32 to vector<16xi32>
        %get3A_1842 = arith.constant 1 : i32
        %get3A_1843 = arith.constant 4 : i32
        %get3A_1844 = arith.index_cast %get3A_1842 : i32 to index
        %get3A_1845 = arith.index_cast %get3A_1843 : i32 to index
        %get3A_1846 = arith.index_cast %scan3A_1775 : i32 to index
        %get3A_1847 = arith.constant 0 : index
        %get3A_1848 = tpu.vector_load %arg6[%get3A_1844, %get3A_1845, %get3A_1846, %get3A_1847] {strides = array<i32>} : memref<2x16x50x32xf32, #tpu.memory_space<vmem>>, vector<16xf32>,
        tpu.vector_store_idx %arg7[%broadcast_in_dim3A_5, %broadcast_in_dim3A_1776, %add3A_8, %broadcast_in_dim3A_1841], %get3A_1848 : memref<2x50x32x17xf32, #tpu.memory_space<vmem>>[vector<16xi32>, vector<16xi32>, vector<16xi32>, vector<16xi32>], vector<16xf32>,
        %get3A_1849 = arith.constant 1 : i32
        %get3A_1850 = arith.constant 4 : i32
        %get3A_1851 = arith.index_cast %get3A_1849 : i32 to index
        %get3A_1852 = arith.index_cast %get3A_1850 : i32 to index
        %get3A_1853 = arith.index_cast %scan3A_1775 : i32 to index
        %get3A_1854 = arith.constant 16 : index
        %get3A_1855 = tpu.vector_load %arg6[%get3A_1851, %get3A_1852, %get3A_1853, %get3A_1854] {strides = array<i32>} : memref<2x16x50x32xf32, #tpu.memory_space<vmem>>, vector<16xf32>,
        tpu.vector_store_idx %arg7[%broadcast_in_dim3A_5, %broadcast_in_dim3A_1776, %add3A_11, %broadcast_in_dim3A_1841], %get3A_1855 : memref<2x50x32x17xf32, #tpu.memory_space<vmem>>[vector<16xi32>, vector<16xi32>, vector<16xi32>, vector<16xi32>], vector<16xf32>,
        %broadcast_in_dim3A_1856 = arith.constant 5 : i32
        %broadcast_in_dim3A_1857 = vector.broadcast %broadcast_in_dim3A_1856 : i32 to vector<16xi32>
        %get3A_1858 = arith.constant 1 : i32
        %get3A_1859 = arith.constant 5 : i32
        %get3A_1860 = arith.index_cast %get3A_1858 : i32 to index
        %get3A_1861 = arith.index_cast %get3A_1859 : i32 to index
        %get3A_1862 = arith.index_cast %scan3A_1775 : i32 to index
        %get3A_1863 = arith.constant 0 : index
        %get3A_1864 = tpu.vector_load %arg6[%get3A_1860, %get3A_1861, %get3A_1862, %get3A_1863] {strides = array<i32>} : memref<2x16x50x32xf32, #tpu.memory_space<vmem>>, vector<16xf32>,
        tpu.vector_store_idx %arg7[%broadcast_in_dim3A_5, %broadcast_in_dim3A_1776, %add3A_8, %broadcast_in_dim3A_1857], %get3A_1864 : memref<2x50x32x17xf32, #tpu.memory_space<vmem>>[vector<16xi32>, vector<16xi32>, vector<16xi32>, vector<16xi32>], vector<16xf32>,
        %get3A_1865 = arith.constant 1 : i32
        %get3A_1866 = arith.constant 5 : i32
        %get3A_1867 = arith.index_cast %get3A_1865 : i32 to index
        %get3A_1868 = arith.index_cast %get3A_1866 : i32 to index
        %get3A_1869 = arith.index_cast %scan3A_1775 : i32 to index
        %get3A_1870 = arith.constant 16 : index
        %get3A_1871 = tpu.vector_load %arg6[%get3A_1867, %get3A_1868, %get3A_1869, %get3A_1870] {strides = array<i32>} : memref<2x16x50x32xf32, #tpu.memory_space<vmem>>, vector<16xf32>,
        tpu.vector_store_idx %arg7[%broadcast_in_dim3A_5, %broadcast_in_dim3A_1776, %add3A_11, %broadcast_in_dim3A_1857], %get3A_1871 : memref<2x50x32x17xf32, #tpu.memory_space<vmem>>[vector<16xi32>, vector<16xi32>, vector<16xi32>, vector<16xi32>], vector<16xf32>,
        %broadcast_in_dim3A_1872 = arith.constant 6 : i32
        %broadcast_in_dim3A_1873 = vector.broadcast %broadcast_in_dim3A_1872 : i32 to vector<16xi32>
        %get3A_1874 = arith.constant 1 : i32
        %get3A_1875 = arith.constant 6 : i32
        %get3A_1876 = arith.index_cast %get3A_1874 : i32 to index
        %get3A_1877 = arith.index_cast %get3A_1875 : i32 to index
        %get3A_1878 = arith.index_cast %scan3A_1775 : i32 to index
        %get3A_1879 = arith.constant 0 : index
        %get3A_1880 = tpu.vector_load %arg6[%get3A_1876, %get3A_1877, %get3A_1878, %get3A_1879] {strides = array<i32>} : memref<2x16x50x32xf32, #tpu.memory_space<vmem>>, vector<16xf32>,
        tpu.vector_store_idx %arg7[%broadcast_in_dim3A_5, %broadcast_in_dim3A_1776, %add3A_8, %broadcast_in_dim3A_1873], %get3A_1880 : memref<2x50x32x17xf32, #tpu.memory_space<vmem>>[vector<16xi32>, vector<16xi32>, vector<16xi32>, vector<16xi32>], vector<16xf32>,
        %get3A_1881 = arith.constant 1 : i32
        %get3A_1882 = arith.constant 6 : i32
        %get3A_1883 = arith.index_cast %get3A_1881 : i32 to index
        %get3A_1884 = arith.index_cast %get3A_1882 : i32 to index
        %get3A_1885 = arith.index_cast %scan3A_1775 : i32 to index
        %get3A_1886 = arith.constant 16 : index
        %get3A_1887 = tpu.vector_load %arg6[%get3A_1883, %get3A_1884, %get3A_1885, %get3A_1886] {strides = array<i32>} : memref<2x16x50x32xf32, #tpu.memory_space<vmem>>, vector<16xf32>,
        tpu.vector_store_idx %arg7[%broadcast_in_dim3A_5, %broadcast_in_dim3A_1776, %add3A_11, %broadcast_in_dim3A_1873], %get3A_1887 : memref<2x50x32x17xf32, #tpu.memory_space<vmem>>[vector<16xi32>, vector<16xi32>, vector<16xi32>, vector<16xi32>], vector<16xf32>,
        %broadcast_in_dim3A_1888 = arith.constant 7 : i32
        %broadcast_in_dim3A_1889 = vector.broadcast %broadcast_in_dim3A_1888 : i32 to vector<16xi32>
        %get3A_1890 = arith.constant 1 : i32
        %get3A_1891 = arith.constant 7 : i32
        %get3A_1892 = arith.index_cast %get3A_1890 : i32 to index
        %get3A_1893 = arith.index_cast %get3A_1891 : i32 to index
        %get3A_1894 = arith.index_cast %scan3A_1775 : i32 to index
        %get3A_1895 = arith.constant 0 : index
        %get3A_1896 = tpu.vector_load %arg6[%get3A_1892, %get3A_1893, %get3A_1894, %get3A_1895] {strides = array<i32>} : memref<2x16x50x32xf32, #tpu.memory_space<vmem>>, vector<16xf32>,
        tpu.vector_store_idx %arg7[%broadcast_in_dim3A_5, %broadcast_in_dim3A_1776, %add3A_8, %broadcast_in_dim3A_1889], %get3A_1896 : memref<2x50x32x17xf32, #tpu.memory_space<vmem>>[vector<16xi32>, vector<16xi32>, vector<16xi32>, vector<16xi32>], vector<16xf32>,
        %get3A_1897 = arith.constant 1 : i32
        %get3A_1898 = arith.constant 7 : i32
        %get3A_1899 = arith.index_cast %get3A_1897 : i32 to index
        %get3A_1900 = arith.index_cast %get3A_1898 : i32 to index
        %get3A_1901 = arith.index_cast %scan3A_1775 : i32 to index
        %get3A_1902 = arith.constant 16 : index
        %get3A_1903 = tpu.vector_load %arg6[%get3A_1899, %get3A_1900, %get3A_1901, %get3A_1902] {strides = array<i32>} : memref<2x16x50x32xf32, #tpu.memory_space<vmem>>, vector<16xf32>,
        tpu.vector_store_idx %arg7[%broadcast_in_dim3A_5, %broadcast_in_dim3A_1776, %add3A_11, %broadcast_in_dim3A_1889], %get3A_1903 : memref<2x50x32x17xf32, #tpu.memory_space<vmem>>[vector<16xi32>, vector<16xi32>, vector<16xi32>, vector<16xi32>], vector<16xf32>,
        %broadcast_in_dim3A_1904 = arith.constant 8 : i32
        %broadcast_in_dim3A_1905 = vector.broadcast %broadcast_in_dim3A_1904 : i32 to vector<16xi32>
        %get3A_1906 = arith.constant 1 : i32
        %get3A_1907 = arith.constant 8 : i32
        %get3A_1908 = arith.index_cast %get3A_1906 : i32 to index
        %get3A_1909 = arith.index_cast %get3A_1907 : i32 to index
        %get3A_1910 = arith.index_cast %scan3A_1775 : i32 to index
        %get3A_1911 = arith.constant 0 : index
        %get3A_1912 = tpu.vector_load %arg6[%get3A_1908, %get3A_1909, %get3A_1910, %get3A_1911] {strides = array<i32>} : memref<2x16x50x32xf32, #tpu.memory_space<vmem>>, vector<16xf32>,
        tpu.vector_store_idx %arg7[%broadcast_in_dim3A_5, %broadcast_in_dim3A_1776, %add3A_8, %broadcast_in_dim3A_1905], %get3A_1912 : memref<2x50x32x17xf32, #tpu.memory_space<vmem>>[vector<16xi32>, vector<16xi32>, vector<16xi32>, vector<16xi32>], vector<16xf32>,
        %get3A_1913 = arith.constant 1 : i32
        %get3A_1914 = arith.constant 8 : i32
        %get3A_1915 = arith.index_cast %get3A_1913 : i32 to index
        %get3A_1916 = arith.index_cast %get3A_1914 : i32 to index
        %get3A_1917 = arith.index_cast %scan3A_1775 : i32 to index
        %get3A_1918 = arith.constant 16 : index
        %get3A_1919 = tpu.vector_load %arg6[%get3A_1915, %get3A_1916, %get3A_1917, %get3A_1918] {strides = array<i32>} : memref<2x16x50x32xf32, #tpu.memory_space<vmem>>, vector<16xf32>,
        tpu.vector_store_idx %arg7[%broadcast_in_dim3A_5, %broadcast_in_dim3A_1776, %add3A_11, %broadcast_in_dim3A_1905], %get3A_1919 : memref<2x50x32x17xf32, #tpu.memory_space<vmem>>[vector<16xi32>, vector<16xi32>, vector<16xi32>, vector<16xi32>], vector<16xf32>,
        %broadcast_in_dim3A_1920 = arith.constant 9 : i32
        %broadcast_in_dim3A_1921 = vector.broadcast %broadcast_in_dim3A_1920 : i32 to vector<16xi32>
        %get3A_1922 = arith.constant 1 : i32
        %get3A_1923 = arith.constant 9 : i32
        %get3A_1924 = arith.index_cast %get3A_1922 : i32 to index
        %get3A_1925 = arith.index_cast %get3A_1923 : i32 to index
        %get3A_1926 = arith.index_cast %scan3A_1775 : i32 to index
        %get3A_1927 = arith.constant 0 : index
        %get3A_1928 = tpu.vector_load %arg6[%get3A_1924, %get3A_1925, %get3A_1926, %get3A_1927] {strides = array<i32>} : memref<2x16x50x32xf32, #tpu.memory_space<vmem>>, vector<16xf32>,
        tpu.vector_store_idx %arg7[%broadcast_in_dim3A_5, %broadcast_in_dim3A_1776, %add3A_8, %broadcast_in_dim3A_1921], %get3A_1928 : memref<2x50x32x17xf32, #tpu.memory_space<vmem>>[vector<16xi32>, vector<16xi32>, vector<16xi32>, vector<16xi32>], vector<16xf32>,
        %get3A_1929 = arith.constant 1 : i32
        %get3A_1930 = arith.constant 9 : i32
        %get3A_1931 = arith.index_cast %get3A_1929 : i32 to index
        %get3A_1932 = arith.index_cast %get3A_1930 : i32 to index
        %get3A_1933 = arith.index_cast %scan3A_1775 : i32 to index
        %get3A_1934 = arith.constant 16 : index
        %get3A_1935 = tpu.vector_load %arg6[%get3A_1931, %get3A_1932, %get3A_1933, %get3A_1934] {strides = array<i32>} : memref<2x16x50x32xf32, #tpu.memory_space<vmem>>, vector<16xf32>,
        tpu.vector_store_idx %arg7[%broadcast_in_dim3A_5, %broadcast_in_dim3A_1776, %add3A_11, %broadcast_in_dim3A_1921], %get3A_1935 : memref<2x50x32x17xf32, #tpu.memory_space<vmem>>[vector<16xi32>, vector<16xi32>, vector<16xi32>, vector<16xi32>], vector<16xf32>,
        %broadcast_in_dim3A_1936 = arith.constant 10 : i32
        %broadcast_in_dim3A_1937 = vector.broadcast %broadcast_in_dim3A_1936 : i32 to vector<16xi32>
        %get3A_1938 = arith.constant 1 : i32
        %get3A_1939 = arith.constant 10 : i32
        %get3A_1940 = arith.index_cast %get3A_1938 : i32 to index
        %get3A_1941 = arith.index_cast %get3A_1939 : i32 to index
        %get3A_1942 = arith.index_cast %scan3A_1775 : i32 to index
        %get3A_1943 = arith.constant 0 : index
        %get3A_1944 = tpu.vector_load %arg6[%get3A_1940, %get3A_1941, %get3A_1942, %get3A_1943] {strides = array<i32>} : memref<2x16x50x32xf32, #tpu.memory_space<vmem>>, vector<16xf32>,
        tpu.vector_store_idx %arg7[%broadcast_in_dim3A_5, %broadcast_in_dim3A_1776, %add3A_8, %broadcast_in_dim3A_1937], %get3A_1944 : memref<2x50x32x17xf32, #tpu.memory_space<vmem>>[vector<16xi32>, vector<16xi32>, vector<16xi32>, vector<16xi32>], vector<16xf32>,
        %get3A_1945 = arith.constant 1 : i32
        %get3A_1946 = arith.constant 10 : i32
        %get3A_1947 = arith.index_cast %get3A_1945 : i32 to index
        %get3A_1948 = arith.index_cast %get3A_1946 : i32 to index
        %get3A_1949 = arith.index_cast %scan3A_1775 : i32 to index
        %get3A_1950 = arith.constant 16 : index
        %get3A_1951 = tpu.vector_load %arg6[%get3A_1947, %get3A_1948, %get3A_1949, %get3A_1950] {strides = array<i32>} : memref<2x16x50x32xf32, #tpu.memory_space<vmem>>, vector<16xf32>,
        tpu.vector_store_idx %arg7[%broadcast_in_dim3A_5, %broadcast_in_dim3A_1776, %add3A_11, %broadcast_in_dim3A_1937], %get3A_1951 : memref<2x50x32x17xf32, #tpu.memory_space<vmem>>[vector<16xi32>, vector<16xi32>, vector<16xi32>, vector<16xi32>], vector<16xf32>,
        %broadcast_in_dim3A_1952 = arith.constant 11 : i32
        %broadcast_in_dim3A_1953 = vector.broadcast %broadcast_in_dim3A_1952 : i32 to vector<16xi32>
        %get3A_1954 = arith.constant 1 : i32
        %get3A_1955 = arith.constant 11 : i32
        %get3A_1956 = arith.index_cast %get3A_1954 : i32 to index
        %get3A_1957 = arith.index_cast %get3A_1955 : i32 to index
        %get3A_1958 = arith.index_cast %scan3A_1775 : i32 to index
        %get3A_1959 = arith.constant 0 : index
        %get3A_1960 = tpu.vector_load %arg6[%get3A_1956, %get3A_1957, %get3A_1958, %get3A_1959] {strides = array<i32>} : memref<2x16x50x32xf32, #tpu.memory_space<vmem>>, vector<16xf32>,
        tpu.vector_store_idx %arg7[%broadcast_in_dim3A_5, %broadcast_in_dim3A_1776, %add3A_8, %broadcast_in_dim3A_1953], %get3A_1960 : memref<2x50x32x17xf32, #tpu.memory_space<vmem>>[vector<16xi32>, vector<16xi32>, vector<16xi32>, vector<16xi32>], vector<16xf32>,
        %get3A_1961 = arith.constant 1 : i32
        %get3A_1962 = arith.constant 11 : i32
        %get3A_1963 = arith.index_cast %get3A_1961 : i32 to index
        %get3A_1964 = arith.index_cast %get3A_1962 : i32 to index
        %get3A_1965 = arith.index_cast %scan3A_1775 : i32 to index
        %get3A_1966 = arith.constant 16 : index
        %get3A_1967 = tpu.vector_load %arg6[%get3A_1963, %get3A_1964, %get3A_1965, %get3A_1966] {strides = array<i32>} : memref<2x16x50x32xf32, #tpu.memory_space<vmem>>, vector<16xf32>,
        tpu.vector_store_idx %arg7[%broadcast_in_dim3A_5, %broadcast_in_dim3A_1776, %add3A_11, %broadcast_in_dim3A_1953], %get3A_1967 : memref<2x50x32x17xf32, #tpu.memory_space<vmem>>[vector<16xi32>, vector<16xi32>, vector<16xi32>, vector<16xi32>], vector<16xf32>,
        %broadcast_in_dim3A_1968 = arith.constant 12 : i32
        %broadcast_in_dim3A_1969 = vector.broadcast %broadcast_in_dim3A_1968 : i32 to vector<16xi32>
        %get3A_1970 = arith.constant 1 : i32
        %get3A_1971 = arith.constant 12 : i32
        %get3A_1972 = arith.index_cast %get3A_1970 : i32 to index
        %get3A_1973 = arith.index_cast %get3A_1971 : i32 to index
        %get3A_1974 = arith.index_cast %scan3A_1775 : i32 to index
        %get3A_1975 = arith.constant 0 : index
        %get3A_1976 = tpu.vector_load %arg6[%get3A_1972, %get3A_1973, %get3A_1974, %get3A_1975] {strides = array<i32>} : memref<2x16x50x32xf32, #tpu.memory_space<vmem>>, vector<16xf32>,
        tpu.vector_store_idx %arg7[%broadcast_in_dim3A_5, %broadcast_in_dim3A_1776, %add3A_8, %broadcast_in_dim3A_1969], %get3A_1976 : memref<2x50x32x17xf32, #tpu.memory_space<vmem>>[vector<16xi32>, vector<16xi32>, vector<16xi32>, vector<16xi32>], vector<16xf32>,
        %get3A_1977 = arith.constant 1 : i32
        %get3A_1978 = arith.constant 12 : i32
        %get3A_1979 = arith.index_cast %get3A_1977 : i32 to index
        %get3A_1980 = arith.index_cast %get3A_1978 : i32 to index
        %get3A_1981 = arith.index_cast %scan3A_1775 : i32 to index
        %get3A_1982 = arith.constant 16 : index
        %get3A_1983 = tpu.vector_load %arg6[%get3A_1979, %get3A_1980, %get3A_1981, %get3A_1982] {strides = array<i32>} : memref<2x16x50x32xf32, #tpu.memory_space<vmem>>, vector<16xf32>,
        tpu.vector_store_idx %arg7[%broadcast_in_dim3A_5, %broadcast_in_dim3A_1776, %add3A_11, %broadcast_in_dim3A_1969], %get3A_1983 : memref<2x50x32x17xf32, #tpu.memory_space<vmem>>[vector<16xi32>, vector<16xi32>, vector<16xi32>, vector<16xi32>], vector<16xf32>,
        %broadcast_in_dim3A_1984 = arith.constant 13 : i32
        %broadcast_in_dim3A_1985 = vector.broadcast %broadcast_in_dim3A_1984 : i32 to vector<16xi32>
        %get3A_1986 = arith.constant 1 : i32
        %get3A_1987 = arith.constant 13 : i32
        %get3A_1988 = arith.index_cast %get3A_1986 : i32 to index
        %get3A_1989 = arith.index_cast %get3A_1987 : i32 to index
        %get3A_1990 = arith.index_cast %scan3A_1775 : i32 to index
        %get3A_1991 = arith.constant 0 : index
        %get3A_1992 = tpu.vector_load %arg6[%get3A_1988, %get3A_1989, %get3A_1990, %get3A_1991] {strides = array<i32>} : memref<2x16x50x32xf32, #tpu.memory_space<vmem>>, vector<16xf32>,
        tpu.vector_store_idx %arg7[%broadcast_in_dim3A_5, %broadcast_in_dim3A_1776, %add3A_8, %broadcast_in_dim3A_1985], %get3A_1992 : memref<2x50x32x17xf32, #tpu.memory_space<vmem>>[vector<16xi32>, vector<16xi32>, vector<16xi32>, vector<16xi32>], vector<16xf32>,
        %get3A_1993 = arith.constant 1 : i32
        %get3A_1994 = arith.constant 13 : i32
        %get3A_1995 = arith.index_cast %get3A_1993 : i32 to index
        %get3A_1996 = arith.index_cast %get3A_1994 : i32 to index
        %get3A_1997 = arith.index_cast %scan3A_1775 : i32 to index
        %get3A_1998 = arith.constant 16 : index
        %get3A_1999 = tpu.vector_load %arg6[%get3A_1995, %get3A_1996, %get3A_1997, %get3A_1998] {strides = array<i32>} : memref<2x16x50x32xf32, #tpu.memory_space<vmem>>, vector<16xf32>,
        tpu.vector_store_idx %arg7[%broadcast_in_dim3A_5, %broadcast_in_dim3A_1776, %add3A_11, %broadcast_in_dim3A_1985], %get3A_1999 : memref<2x50x32x17xf32, #tpu.memory_space<vmem>>[vector<16xi32>, vector<16xi32>, vector<16xi32>, vector<16xi32>], vector<16xf32>,
        %broadcast_in_dim3A_2000 = arith.constant 14 : i32
        %broadcast_in_dim3A_2001 = vector.broadcast %broadcast_in_dim3A_2000 : i32 to vector<16xi32>
        %get3A_2002 = arith.constant 1 : i32
        %get3A_2003 = arith.constant 14 : i32
        %get3A_2004 = arith.index_cast %get3A_2002 : i32 to index
        %get3A_2005 = arith.index_cast %get3A_2003 : i32 to index
        %get3A_2006 = arith.index_cast %scan3A_1775 : i32 to index
        %get3A_2007 = arith.constant 0 : index
        %get3A_2008 = tpu.vector_load %arg6[%get3A_2004, %get3A_2005, %get3A_2006, %get3A_2007] {strides = array<i32>} : memref<2x16x50x32xf32, #tpu.memory_space<vmem>>, vector<16xf32>,
        tpu.vector_store_idx %arg7[%broadcast_in_dim3A_5, %broadcast_in_dim3A_1776, %add3A_8, %broadcast_in_dim3A_2001], %get3A_2008 : memref<2x50x32x17xf32, #tpu.memory_space<vmem>>[vector<16xi32>, vector<16xi32>, vector<16xi32>, vector<16xi32>], vector<16xf32>,
        %get3A_2009 = arith.constant 1 : i32
        %get3A_2010 = arith.constant 14 : i32
        %get3A_2011 = arith.index_cast %get3A_2009 : i32 to index
        %get3A_2012 = arith.index_cast %get3A_2010 : i32 to index
        %get3A_2013 = arith.index_cast %scan3A_1775 : i32 to index
        %get3A_2014 = arith.constant 16 : index
        %get3A_2015 = tpu.vector_load %arg6[%get3A_2011, %get3A_2012, %get3A_2013, %get3A_2014] {strides = array<i32>} : memref<2x16x50x32xf32, #tpu.memory_space<vmem>>, vector<16xf32>,
        tpu.vector_store_idx %arg7[%broadcast_in_dim3A_5, %broadcast_in_dim3A_1776, %add3A_11, %broadcast_in_dim3A_2001], %get3A_2015 : memref<2x50x32x17xf32, #tpu.memory_space<vmem>>[vector<16xi32>, vector<16xi32>, vector<16xi32>, vector<16xi32>], vector<16xf32>,
        %broadcast_in_dim3A_2016 = arith.constant 15 : i32
        %broadcast_in_dim3A_2017 = vector.broadcast %broadcast_in_dim3A_2016 : i32 to vector<16xi32>
        %get3A_2018 = arith.constant 1 : i32
        %get3A_2019 = arith.constant 15 : i32
        %get3A_2020 = arith.index_cast %get3A_2018 : i32 to index
        %get3A_2021 = arith.index_cast %get3A_2019 : i32 to index
        %get3A_2022 = arith.index_cast %scan3A_1775 : i32 to index
        %get3A_2023 = arith.constant 0 : index
        %get3A_2024 = tpu.vector_load %arg6[%get3A_2020, %get3A_2021, %get3A_2022, %get3A_2023] {strides = array<i32>} : memref<2x16x50x32xf32, #tpu.memory_space<vmem>>, vector<16xf32>,
        tpu.vector_store_idx %arg7[%broadcast_in_dim3A_5, %broadcast_in_dim3A_1776, %add3A_8, %broadcast_in_dim3A_2017], %get3A_2024 : memref<2x50x32x17xf32, #tpu.memory_space<vmem>>[vector<16xi32>, vector<16xi32>, vector<16xi32>, vector<16xi32>], vector<16xf32>,
        %get3A_2025 = arith.constant 1 : i32
        %get3A_2026 = arith.constant 15 : i32
        %get3A_2027 = arith.index_cast %get3A_2025 : i32 to index
        %get3A_2028 = arith.index_cast %get3A_2026 : i32 to index
        %get3A_2029 = arith.index_cast %scan3A_1775 : i32 to index
        %get3A_2030 = arith.constant 16 : index
        %get3A_2031 = tpu.vector_load %arg6[%get3A_2027, %get3A_2028, %get3A_2029, %get3A_2030] {strides = array<i32>} : memref<2x16x50x32xf32, #tpu.memory_space<vmem>>, vector<16xf32>,
        tpu.vector_store_idx %arg7[%broadcast_in_dim3A_5, %broadcast_in_dim3A_1776, %add3A_11, %broadcast_in_dim3A_2017], %get3A_2031 : memref<2x50x32x17xf32, #tpu.memory_space<vmem>>[vector<16xi32>, vector<16xi32>, vector<16xi32>, vector<16xi32>], vector<16xf32>,
      }
      %scan3A_1515 = arith.constant 50 : i32
      %mul3A_1516 = arith.constant 16 : i32
      %mul3A_1517 = arith.muli %add3A_1274, %mul3A_1516 : i32
      %add3A_1518 = arith.addi %mul3A_2, %mul3A_1517 : i32
      %jit3A_1519 = arith.constant 128 : i32
      %div3A_1520 = arith.divsi %add3A_1518, %jit3A_1519 : i32
      %sign3A_1521 = arith.constant 0 : i32
      %sign3A_1522 = arith.cmpi sgt, %add3A_1518, %sign3A_1521 : i32
      %sign3A_1523 = arith.extui %sign3A_1522 : i1 to i32
      %sign3A_1524 = arith.constant 0 : i32
      %sign3A_1525 = arith.cmpi slt, %add3A_1518, %sign3A_1524 : i32
      %sign3A_1526 = arith.extui %sign3A_1525 : i1 to i32
      %sign3A_1527 = arith.subi %sign3A_1523, %sign3A_1526 : i32
      %sign3A_1528 = arith.constant 0 : i32
      %sign3A_1529 = arith.cmpi sgt, %jit3A_1519, %sign3A_1528 : i32
      %sign3A_1530 = arith.extui %sign3A_1529 : i1 to i32
      %sign3A_1531 = arith.constant 0 : i32
      %sign3A_1532 = arith.cmpi slt, %jit3A_1519, %sign3A_1531 : i32
      %sign3A_1533 = arith.extui %sign3A_1532 : i1 to i32
      %sign3A_1534 = arith.subi %sign3A_1530, %sign3A_1533 : i32
      %ne3A_1535 = arith.cmpi ne, %sign3A_1527, %sign3A_1534 : i32
      %rem3A_1536 = arith.remsi %add3A_1518, %jit3A_1519 : i32
      %ne3A_1537 = arith.constant 0 : i32
      %ne3A_1538 = arith.cmpi ne, %rem3A_1536, %ne3A_1537 : i32
      %and3A_1539 = arith.andi %ne3A_1535, %ne3A_1538 : i1
      %sub3A_1540 = arith.constant 1 : i32
      %sub3A_1541 = arith.subi %div3A_1520, %sub3A_1540 : i32
      %select_n3A_1542 = arith.select %and3A_1539, %sub3A_1541, %div3A_1520 : i32
      %jit3A_1543 = arith.constant 128 : i32
      %eq3A_1544 = arith.constant 0 : i32
      %eq3A_1545 = arith.cmpi eq, %jit3A_1543, %eq3A_1544 : i32
      %jit3A_1546 = arith.constant 1 : i32
      %select_n3A_1547 = arith.select %eq3A_1545, %jit3A_1546, %jit3A_1543 : i32
      %rem3A_1548 = arith.remsi %add3A_1518, %select_n3A_1547 : i32
      %ne3A_1549 = arith.constant 0 : i32
      %ne3A_1550 = arith.cmpi ne, %rem3A_1548, %ne3A_1549 : i32
      %lt3A_1551 = arith.constant 0 : i32
      %lt3A_1552 = arith.cmpi slt, %rem3A_1548, %lt3A_1551 : i32
      %lt3A_1553 = arith.constant 0 : i32
      %lt3A_1554 = arith.cmpi slt, %select_n3A_1547, %lt3A_1553 : i32
      %ne3A_1555 = arith.xori %lt3A_1552, %lt3A_1554 : i1
      %and3A_1556 = arith.andi %ne3A_1555, %ne3A_1550 : i1
      %add3A_1557 = arith.addi %rem3A_1548, %select_n3A_1547 : i32
      %select_n3A_1558 = arith.select %and3A_1556, %add3A_1557, %rem3A_1548 : i32
      %dma_start3A_1559 = arith.constant 1 : i32
      %dma_start3A_1560 = arith.constant 0 : i32
      %dma_start3A_1561 = arith.constant 0 : i32
      %dma_start3A_1562 = arith.constant 0 : i32
      %dma_start3A_1563 = arith.constant 0 : i32
      %dma_start3A_1564 = tpu.memref_slice %arg7[%dma_start3A_1559, %dma_start3A_1561, %dma_start3A_1562, %dma_start3A_1563] : memref<2x50x32x17xf32, #tpu.memory_space<vmem>> -> memref<1x50x8x16xf32, #tpu.memory_space<vmem>>
      %dma_start3A_1565 = tpu.memref_squeeze %dma_start3A_1564 : memref<1x50x8x16xf32, #tpu.memory_space<vmem>> -> memref<50x8x16xf32, #tpu.memory_space<vmem>>
      %dma_start3A_1566 = arith.constant 0 : i32
      %dma_start3A_1567 = arith.constant 0 : i32
      %dma_start3A_1568 = tpu.memref_slice %arg4[%dma_start3A_1566, %dma_start3A_1560, %select_n3A_1542, %dma_start3A_1567, %select_n3A_1558] : memref<50x4x128x8x128xf32, #tpu.memory_space<hbm>> -> memref<50x1x1x8x16xf32, #tpu.memory_space<hbm>>
      %dma_start3A_1569 = tpu.memref_squeeze %dma_start3A_1568 : memref<50x1x1x8x16xf32, #tpu.memory_space<hbm>> -> memref<50x8x16xf32, #tpu.memory_space<hbm>>
      %dma_start3A_1570 = arith.constant 0 : i32
      %dma_start3A_1571 = arith.constant 0 : i32
      %dma_start3A_1572 = tpu.memref_slice %arg4[%dma_start3A_1570, %dma_start3A_1560, %select_n3A_1542, %dma_start3A_1571, %select_n3A_1558] : memref<50x4x128x8x128xf32, #tpu.memory_space<hbm>> -> memref<50x1x1x8x16xf32, #tpu.memory_space<hbm>>
      %dma_start3A_1573 = tpu.memref_squeeze %dma_start3A_1572 : memref<50x1x1x8x16xf32, #tpu.memory_space<hbm>> -> memref<50x8x16xf32, #tpu.memory_space<hbm>>
      %dma_start3A_1574 = arith.constant 0 : i32
      %dma_start3A_1575 = arith.constant 0 : i32
      %dma_start3A_1576 = arith.constant 0 : i32
      %dma_start3A_1577 = tpu.memref_slice %arg7[%dma_start3A_1559, %dma_start3A_1574, %dma_start3A_1575, %dma_start3A_1576] : memref<2x50x32x17xf32, #tpu.memory_space<vmem>> -> memref<1x50x8x16xf32, #tpu.memory_space<vmem>>
      %dma_start3A_1578 = tpu.memref_squeeze %dma_start3A_1577 : memref<1x50x8x16xf32, #tpu.memory_space<vmem>> -> memref<50x8x16xf32, #tpu.memory_space<vmem>>
      tpu.enqueue_dma source(%dma_start3A_1578 : memref<50x8x16xf32, #tpu.memory_space<vmem>>) target(%dma_start3A_1573 : memref<50x8x16xf32, #tpu.memory_space<hbm>>) target_semaphore(%arg13 : memref<!tpu.dma_semaphore, #tpu.memory_space<semaphore_mem>>)
      %mul3A_1579 = arith.constant 16 : i32
      %mul3A_1580 = arith.muli %add3A_1274, %mul3A_1579 : i32
      %add3A_1581 = arith.addi %mul3A_2, %mul3A_1580 : i32
      %jit3A_1582 = arith.constant 128 : i32
      %div3A_1583 = arith.divsi %add3A_1581, %jit3A_1582 : i32
      %sign3A_1584 = arith.constant 0 : i32
      %sign3A_1585 = arith.cmpi sgt, %add3A_1581, %sign3A_1584 : i32
      %sign3A_1586 = arith.extui %sign3A_1585 : i1 to i32
      %sign3A_1587 = arith.constant 0 : i32
      %sign3A_1588 = arith.cmpi slt, %add3A_1581, %sign3A_1587 : i32
      %sign3A_1589 = arith.extui %sign3A_1588 : i1 to i32
      %sign3A_1590 = arith.subi %sign3A_1586, %sign3A_1589 : i32
      %sign3A_1591 = arith.constant 0 : i32
      %sign3A_1592 = arith.cmpi sgt, %jit3A_1582, %sign3A_1591 : i32
      %sign3A_1593 = arith.extui %sign3A_1592 : i1 to i32
      %sign3A_1594 = arith.constant 0 : i32
      %sign3A_1595 = arith.cmpi slt, %jit3A_1582, %sign3A_1594 : i32
      %sign3A_1596 = arith.extui %sign3A_1595 : i1 to i32
      %sign3A_1597 = arith.subi %sign3A_1593, %sign3A_1596 : i32
      %ne3A_1598 = arith.cmpi ne, %sign3A_1590, %sign3A_1597 : i32
      %rem3A_1599 = arith.remsi %add3A_1581, %jit3A_1582 : i32
      %ne3A_1600 = arith.constant 0 : i32
      %ne3A_1601 = arith.cmpi ne, %rem3A_1599, %ne3A_1600 : i32
      %and3A_1602 = arith.andi %ne3A_1598, %ne3A_1601 : i1
      %sub3A_1603 = arith.constant 1 : i32
      %sub3A_1604 = arith.subi %div3A_1583, %sub3A_1603 : i32
      %select_n3A_1605 = arith.select %and3A_1602, %sub3A_1604, %div3A_1583 : i32
      %jit3A_1606 = arith.constant 128 : i32
      %eq3A_1607 = arith.constant 0 : i32
      %eq3A_1608 = arith.cmpi eq, %jit3A_1606, %eq3A_1607 : i32
      %jit3A_1609 = arith.constant 1 : i32
      %select_n3A_1610 = arith.select %eq3A_1608, %jit3A_1609, %jit3A_1606 : i32
      %rem3A_1611 = arith.remsi %add3A_1581, %select_n3A_1610 : i32
      %ne3A_1612 = arith.constant 0 : i32
      %ne3A_1613 = arith.cmpi ne, %rem3A_1611, %ne3A_1612 : i32
      %lt3A_1614 = arith.constant 0 : i32
      %lt3A_1615 = arith.cmpi slt, %rem3A_1611, %lt3A_1614 : i32
      %lt3A_1616 = arith.constant 0 : i32
      %lt3A_1617 = arith.cmpi slt, %select_n3A_1610, %lt3A_1616 : i32
      %ne3A_1618 = arith.xori %lt3A_1615, %lt3A_1617 : i1
      %and3A_1619 = arith.andi %ne3A_1618, %ne3A_1613 : i1
      %add3A_1620 = arith.addi %rem3A_1611, %select_n3A_1610 : i32
      %select_n3A_1621 = arith.select %and3A_1619, %add3A_1620, %rem3A_1611 : i32
      %dma_start3A_1622 = arith.constant 1 : i32
      %dma_start3A_1623 = arith.constant 1 : i32
      %dma_start3A_1624 = arith.constant 0 : i32
      %dma_start3A_1625 = arith.constant 8 : i32
      %dma_start3A_1626 = arith.constant 0 : i32
      %dma_start3A_1627 = tpu.memref_slice %arg7[%dma_start3A_1622, %dma_start3A_1624, %dma_start3A_1625, %dma_start3A_1626] : memref<2x50x32x17xf32, #tpu.memory_space<vmem>> -> memref<1x50x8x16xf32, #tpu.memory_space<vmem>>
      %dma_start3A_1628 = tpu.memref_squeeze %dma_start3A_1627 : memref<1x50x8x16xf32, #tpu.memory_space<vmem>> -> memref<50x8x16xf32, #tpu.memory_space<vmem>>
      %dma_start3A_1629 = arith.constant 0 : i32
      %dma_start3A_1630 = arith.constant 0 : i32
      %dma_start3A_1631 = tpu.memref_slice %arg4[%dma_start3A_1629, %dma_start3A_1623, %select_n3A_1605, %dma_start3A_1630, %select_n3A_1621] : memref<50x4x128x8x128xf32, #tpu.memory_space<hbm>> -> memref<50x1x1x8x16xf32, #tpu.memory_space<hbm>>
      %dma_start3A_1632 = tpu.memref_squeeze %dma_start3A_1631 : memref<50x1x1x8x16xf32, #tpu.memory_space<hbm>> -> memref<50x8x16xf32, #tpu.memory_space<hbm>>
      %dma_start3A_1633 = arith.constant 0 : i32
      %dma_start3A_1634 = arith.constant 0 : i32
      %dma_start3A_1635 = tpu.memref_slice %arg4[%dma_start3A_1633, %dma_start3A_1623, %select_n3A_1605, %dma_start3A_1634, %select_n3A_1621] : memref<50x4x128x8x128xf32, #tpu.memory_space<hbm>> -> memref<50x1x1x8x16xf32, #tpu.memory_space<hbm>>
      %dma_start3A_1636 = tpu.memref_squeeze %dma_start3A_1635 : memref<50x1x1x8x16xf32, #tpu.memory_space<hbm>> -> memref<50x8x16xf32, #tpu.memory_space<hbm>>
      %dma_start3A_1637 = arith.constant 0 : i32
      %dma_start3A_1638 = arith.constant 8 : i32
      %dma_start3A_1639 = arith.constant 0 : i32
      %dma_start3A_1640 = tpu.memref_slice %arg7[%dma_start3A_1622, %dma_start3A_1637, %dma_start3A_1638, %dma_start3A_1639] : memref<2x50x32x17xf32, #tpu.memory_space<vmem>> -> memref<1x50x8x16xf32, #tpu.memory_space<vmem>>
      %dma_start3A_1641 = tpu.memref_squeeze %dma_start3A_1640 : memref<1x50x8x16xf32, #tpu.memory_space<vmem>> -> memref<50x8x16xf32, #tpu.memory_space<vmem>>
      tpu.enqueue_dma source(%dma_start3A_1641 : memref<50x8x16xf32, #tpu.memory_space<vmem>>) target(%dma_start3A_1636 : memref<50x8x16xf32, #tpu.memory_space<hbm>>) target_semaphore(%arg13 : memref<!tpu.dma_semaphore, #tpu.memory_space<semaphore_mem>>)
      %mul3A_1642 = arith.constant 16 : i32
      %mul3A_1643 = arith.muli %add3A_1274, %mul3A_1642 : i32
      %add3A_1644 = arith.addi %mul3A_2, %mul3A_1643 : i32
      %jit3A_1645 = arith.constant 128 : i32
      %div3A_1646 = arith.divsi %add3A_1644, %jit3A_1645 : i32
      %sign3A_1647 = arith.constant 0 : i32
      %sign3A_1648 = arith.cmpi sgt, %add3A_1644, %sign3A_1647 : i32
      %sign3A_1649 = arith.extui %sign3A_1648 : i1 to i32
      %sign3A_1650 = arith.constant 0 : i32
      %sign3A_1651 = arith.cmpi slt, %add3A_1644, %sign3A_1650 : i32
      %sign3A_1652 = arith.extui %sign3A_1651 : i1 to i32
      %sign3A_1653 = arith.subi %sign3A_1649, %sign3A_1652 : i32
      %sign3A_1654 = arith.constant 0 : i32
      %sign3A_1655 = arith.cmpi sgt, %jit3A_1645, %sign3A_1654 : i32
      %sign3A_1656 = arith.extui %sign3A_1655 : i1 to i32
      %sign3A_1657 = arith.constant 0 : i32
      %sign3A_1658 = arith.cmpi slt, %jit3A_1645, %sign3A_1657 : i32
      %sign3A_1659 = arith.extui %sign3A_1658 : i1 to i32
      %sign3A_1660 = arith.subi %sign3A_1656, %sign3A_1659 : i32
      %ne3A_1661 = arith.cmpi ne, %sign3A_1653, %sign3A_1660 : i32
      %rem3A_1662 = arith.remsi %add3A_1644, %jit3A_1645 : i32
      %ne3A_1663 = arith.constant 0 : i32
      %ne3A_1664 = arith.cmpi ne, %rem3A_1662, %ne3A_1663 : i32
      %and3A_1665 = arith.andi %ne3A_1661, %ne3A_1664 : i1
      %sub3A_1666 = arith.constant 1 : i32
      %sub3A_1667 = arith.subi %div3A_1646, %sub3A_1666 : i32
      %select_n3A_1668 = arith.select %and3A_1665, %sub3A_1667, %div3A_1646 : i32
      %jit3A_1669 = arith.constant 128 : i32
      %eq3A_1670 = arith.constant 0 : i32
      %eq3A_1671 = arith.cmpi eq, %jit3A_1669, %eq3A_1670 : i32
      %jit3A_1672 = arith.constant 1 : i32
      %select_n3A_1673 = arith.select %eq3A_1671, %jit3A_1672, %jit3A_1669 : i32
      %rem3A_1674 = arith.remsi %add3A_1644, %select_n3A_1673 : i32
      %ne3A_1675 = arith.constant 0 : i32
      %ne3A_1676 = arith.cmpi ne, %rem3A_1674, %ne3A_1675 : i32
      %lt3A_1677 = arith.constant 0 : i32
      %lt3A_1678 = arith.cmpi slt, %rem3A_1674, %lt3A_1677 : i32
      %lt3A_1679 = arith.constant 0 : i32
      %lt3A_1680 = arith.cmpi slt, %select_n3A_1673, %lt3A_1679 : i32
      %ne3A_1681 = arith.xori %lt3A_1678, %lt3A_1680 : i1
      %and3A_1682 = arith.andi %ne3A_1681, %ne3A_1676 : i1
      %add3A_1683 = arith.addi %rem3A_1674, %select_n3A_1673 : i32
      %select_n3A_1684 = arith.select %and3A_1682, %add3A_1683, %rem3A_1674 : i32
      %dma_start3A_1685 = arith.constant 1 : i32
      %dma_start3A_1686 = arith.constant 2 : i32
      %dma_start3A_1687 = arith.constant 0 : i32
      %dma_start3A_1688 = arith.constant 16 : i32
      %dma_start3A_1689 = arith.constant 0 : i32
      %dma_start3A_1690 = tpu.memref_slice %arg7[%dma_start3A_1685, %dma_start3A_1687, %dma_start3A_1688, %dma_start3A_1689] : memref<2x50x32x17xf32, #tpu.memory_space<vmem>> -> memref<1x50x8x16xf32, #tpu.memory_space<vmem>>
      %dma_start3A_1691 = tpu.memref_squeeze %dma_start3A_1690 : memref<1x50x8x16xf32, #tpu.memory_space<vmem>> -> memref<50x8x16xf32, #tpu.memory_space<vmem>>
      %dma_start3A_1692 = arith.constant 0 : i32
      %dma_start3A_1693 = arith.constant 0 : i32
      %dma_start3A_1694 = tpu.memref_slice %arg4[%dma_start3A_1692, %dma_start3A_1686, %select_n3A_1668, %dma_start3A_1693, %select_n3A_1684] : memref<50x4x128x8x128xf32, #tpu.memory_space<hbm>> -> memref<50x1x1x8x16xf32, #tpu.memory_space<hbm>>
      %dma_start3A_1695 = tpu.memref_squeeze %dma_start3A_1694 : memref<50x1x1x8x16xf32, #tpu.memory_space<hbm>> -> memref<50x8x16xf32, #tpu.memory_space<hbm>>
      %dma_start3A_1696 = arith.constant 0 : i32
      %dma_start3A_1697 = arith.constant 0 : i32
      %dma_start3A_1698 = tpu.memref_slice %arg4[%dma_start3A_1696, %dma_start3A_1686, %select_n3A_1668, %dma_start3A_1697, %select_n3A_1684] : memref<50x4x128x8x128xf32, #tpu.memory_space<hbm>> -> memref<50x1x1x8x16xf32, #tpu.memory_space<hbm>>
      %dma_start3A_1699 = tpu.memref_squeeze %dma_start3A_1698 : memref<50x1x1x8x16xf32, #tpu.memory_space<hbm>> -> memref<50x8x16xf32, #tpu.memory_space<hbm>>
      %dma_start3A_1700 = arith.constant 0 : i32
      %dma_start3A_1701 = arith.constant 16 : i32
      %dma_start3A_1702 = arith.constant 0 : i32
      %dma_start3A_1703 = tpu.memref_slice %arg7[%dma_start3A_1685, %dma_start3A_1700, %dma_start3A_1701, %dma_start3A_1702] : memref<2x50x32x17xf32, #tpu.memory_space<vmem>> -> memref<1x50x8x16xf32, #tpu.memory_space<vmem>>
      %dma_start3A_1704 = tpu.memref_squeeze %dma_start3A_1703 : memref<1x50x8x16xf32, #tpu.memory_space<vmem>> -> memref<50x8x16xf32, #tpu.memory_space<vmem>>
      tpu.enqueue_dma source(%dma_start3A_1704 : memref<50x8x16xf32, #tpu.memory_space<vmem>>) target(%dma_start3A_1699 : memref<50x8x16xf32, #tpu.memory_space<hbm>>) target_semaphore(%arg13 : memref<!tpu.dma_semaphore, #tpu.memory_space<semaphore_mem>>)
      %mul3A_1705 = arith.constant 16 : i32
      %mul3A_1706 = arith.muli %add3A_1274, %mul3A_1705 : i32
      %add3A_1707 = arith.addi %mul3A_2, %mul3A_1706 : i32
      %jit3A_1708 = arith.constant 128 : i32
      %div3A_1709 = arith.divsi %add3A_1707, %jit3A_1708 : i32
      %sign3A_1710 = arith.constant 0 : i32
      %sign3A_1711 = arith.cmpi sgt, %add3A_1707, %sign3A_1710 : i32
      %sign3A_1712 = arith.extui %sign3A_1711 : i1 to i32
      %sign3A_1713 = arith.constant 0 : i32
      %sign3A_1714 = arith.cmpi slt, %add3A_1707, %sign3A_1713 : i32
      %sign3A_1715 = arith.extui %sign3A_1714 : i1 to i32
      %sign3A_1716 = arith.subi %sign3A_1712, %sign3A_1715 : i32
      %sign3A_1717 = arith.constant 0 : i32
      %sign3A_1718 = arith.cmpi sgt, %jit3A_1708, %sign3A_1717 : i32
      %sign3A_1719 = arith.extui %sign3A_1718 : i1 to i32
      %sign3A_1720 = arith.constant 0 : i32
      %sign3A_1721 = arith.cmpi slt, %jit3A_1708, %sign3A_1720 : i32
      %sign3A_1722 = arith.extui %sign3A_1721 : i1 to i32
      %sign3A_1723 = arith.subi %sign3A_1719, %sign3A_1722 : i32
      %ne3A_1724 = arith.cmpi ne, %sign3A_1716, %sign3A_1723 : i32
      %rem3A_1725 = arith.remsi %add3A_1707, %jit3A_1708 : i32
      %ne3A_1726 = arith.constant 0 : i32
      %ne3A_1727 = arith.cmpi ne, %rem3A_1725, %ne3A_1726 : i32
      %and3A_1728 = arith.andi %ne3A_1724, %ne3A_1727 : i1
      %sub3A_1729 = arith.constant 1 : i32
      %sub3A_1730 = arith.subi %div3A_1709, %sub3A_1729 : i32
      %select_n3A_1731 = arith.select %and3A_1728, %sub3A_1730, %div3A_1709 : i32
      %jit3A_1732 = arith.constant 128 : i32
      %eq3A_1733 = arith.constant 0 : i32
      %eq3A_1734 = arith.cmpi eq, %jit3A_1732, %eq3A_1733 : i32
      %jit3A_1735 = arith.constant 1 : i32
      %select_n3A_1736 = arith.select %eq3A_1734, %jit3A_1735, %jit3A_1732 : i32
      %rem3A_1737 = arith.remsi %add3A_1707, %select_n3A_1736 : i32
      %ne3A_1738 = arith.constant 0 : i32
      %ne3A_1739 = arith.cmpi ne, %rem3A_1737, %ne3A_1738 : i32
      %lt3A_1740 = arith.constant 0 : i32
      %lt3A_1741 = arith.cmpi slt, %rem3A_1737, %lt3A_1740 : i32
      %lt3A_1742 = arith.constant 0 : i32
      %lt3A_1743 = arith.cmpi slt, %select_n3A_1736, %lt3A_1742 : i32
      %ne3A_1744 = arith.xori %lt3A_1741, %lt3A_1743 : i1
      %and3A_1745 = arith.andi %ne3A_1744, %ne3A_1739 : i1
      %add3A_1746 = arith.addi %rem3A_1737, %select_n3A_1736 : i32
      %select_n3A_1747 = arith.select %and3A_1745, %add3A_1746, %rem3A_1737 : i32
      %dma_start3A_1748 = arith.constant 1 : i32
      %dma_start3A_1749 = arith.constant 3 : i32
      %dma_start3A_1750 = arith.constant 0 : i32
      %dma_start3A_1751 = arith.constant 24 : i32
      %dma_start3A_1752 = arith.constant 0 : i32
      %dma_start3A_1753 = tpu.memref_slice %arg7[%dma_start3A_1748, %dma_start3A_1750, %dma_start3A_1751, %dma_start3A_1752] : memref<2x50x32x17xf32, #tpu.memory_space<vmem>> -> memref<1x50x8x16xf32, #tpu.memory_space<vmem>>
      %dma_start3A_1754 = tpu.memref_squeeze %dma_start3A_1753 : memref<1x50x8x16xf32, #tpu.memory_space<vmem>> -> memref<50x8x16xf32, #tpu.memory_space<vmem>>
      %dma_start3A_1755 = arith.constant 0 : i32
      %dma_start3A_1756 = arith.constant 0 : i32
      %dma_start3A_1757 = tpu.memref_slice %arg4[%dma_start3A_1755, %dma_start3A_1749, %select_n3A_1731, %dma_start3A_1756, %select_n3A_1747] : memref<50x4x128x8x128xf32, #tpu.memory_space<hbm>> -> memref<50x1x1x8x16xf32, #tpu.memory_space<hbm>>
      %dma_start3A_1758 = tpu.memref_squeeze %dma_start3A_1757 : memref<50x1x1x8x16xf32, #tpu.memory_space<hbm>> -> memref<50x8x16xf32, #tpu.memory_space<hbm>>
      %dma_start3A_1759 = arith.constant 0 : i32
      %dma_start3A_1760 = arith.constant 0 : i32
      %dma_start3A_1761 = tpu.memref_slice %arg4[%dma_start3A_1759, %dma_start3A_1749, %select_n3A_1731, %dma_start3A_1760, %select_n3A_1747] : memref<50x4x128x8x128xf32, #tpu.memory_space<hbm>> -> memref<50x1x1x8x16xf32, #tpu.memory_space<hbm>>
      %dma_start3A_1762 = tpu.memref_squeeze %dma_start3A_1761 : memref<50x1x1x8x16xf32, #tpu.memory_space<hbm>> -> memref<50x8x16xf32, #tpu.memory_space<hbm>>
      %dma_start3A_1763 = arith.constant 0 : i32
      %dma_start3A_1764 = arith.constant 24 : i32
      %dma_start3A_1765 = arith.constant 0 : i32
      %dma_start3A_1766 = tpu.memref_slice %arg7[%dma_start3A_1748, %dma_start3A_1763, %dma_start3A_1764, %dma_start3A_1765] : memref<2x50x32x17xf32, #tpu.memory_space<vmem>> -> memref<1x50x8x16xf32, #tpu.memory_space<vmem>>
      %dma_start3A_1767 = tpu.memref_squeeze %dma_start3A_1766 : memref<1x50x8x16xf32, #tpu.memory_space<vmem>> -> memref<50x8x16xf32, #tpu.memory_space<vmem>>
      tpu.enqueue_dma source(%dma_start3A_1767 : memref<50x8x16xf32, #tpu.memory_space<vmem>>) target(%dma_start3A_1762 : memref<50x8x16xf32, #tpu.memory_space<hbm>>) target_semaphore(%arg13 : memref<!tpu.dma_semaphore, #tpu.memory_space<semaphore_mem>>)
      %add3A_1768 = arith.constant 2 : i32
      %add3A_1769 = arith.addi %add3A_1274, %add3A_1768 : i32
      %lt3A_1770 = arith.constant 32 : i32
      %lt3A_1771 = arith.cmpi slt, %add3A_1769, %lt3A_1770 : i32
      %convert_element_type3A_1772 = arith.extui %lt3A_1771 : i1 to i32
      %cond3A_1773 = arith.constant 0 : i32
      %cond3A_1774 = arith.cmpi ne, %convert_element_type3A_1772, %cond3A_1773 : i32
      scf.if %cond3A_1774 {
        %add3A_1775 = arith.constant 2 : i32
        %add3A_1776 = arith.addi %add3A_1274, %add3A_1775 : i32
        %mul3A_1777 = arith.constant 16 : i32
        %mul3A_1778 = arith.muli %add3A_1776, %mul3A_1777 : i32
        %add3A_1779 = arith.addi %mul3A_2, %mul3A_1778 : i32
        %dma_start3A_1780 = arith.constant 1 : i32
        %dma_start3A_1781 = arith.constant 0 : i32
        %dma_start3A_1782 = arith.constant 0 : i32
        %dma_start3A_1783 = tpu.memref_slice %arg5[%dma_start3A_1780, %dma_start3A_1781, %dma_start3A_1782] : memref<2x16x50xi32, #tpu.memory_space<vmem>> -> memref<1x16x50xi32, #tpu.memory_space<vmem>>
        %dma_start3A_1784 = tpu.memref_squeeze %dma_start3A_1783 : memref<1x16x50xi32, #tpu.memory_space<vmem>> -> memref<16x50xi32, #tpu.memory_space<vmem>>
        %dma_start3A_1785 = arith.constant 0 : i32
        %dma_start3A_1786 = tpu.memref_slice %arg2[%add3A_1779, %dma_start3A_1785] : memref<16384x50xi32, #tpu.memory_space<hbm>> -> memref<16x50xi32, #tpu.memory_space<hbm>>
        %dma_start3A_1787 = arith.constant 0 : i32
        %dma_start3A_1788 = arith.constant 0 : i32
        %dma_start3A_1789 = tpu.memref_slice %arg5[%dma_start3A_1780, %dma_start3A_1787, %dma_start3A_1788] : memref<2x16x50xi32, #tpu.memory_space<vmem>> -> memref<1x16x50xi32, #tpu.memory_space<vmem>>
        %dma_start3A_1790 = tpu.memref_squeeze %dma_start3A_1789 : memref<1x16x50xi32, #tpu.memory_space<vmem>> -> memref<16x50xi32, #tpu.memory_space<vmem>>
        %dma_start3A_1791 = arith.constant 0 : i32
        %dma_start3A_1792 = tpu.memref_slice %arg2[%add3A_1779, %dma_start3A_1791] : memref<16384x50xi32, #tpu.memory_space<hbm>> -> memref<16x50xi32, #tpu.memory_space<hbm>>
        tpu.enqueue_dma source(%dma_start3A_1792 : memref<16x50xi32, #tpu.memory_space<hbm>>) target(%dma_start3A_1790 : memref<16x50xi32, #tpu.memory_space<vmem>>) target_semaphore(%arg9 : memref<!tpu.dma_semaphore, #tpu.memory_space<semaphore_mem>>)
      } else {
      }
    }
    %scan3A_282 = arith.constant 16 : i32
    %add3A_283 = arith.constant 480 : i32
    %add3A_284 = arith.addi %mul3A_2, %add3A_283 : i32
    %jit3A = arith.constant 128 : i32
    %div3A = arith.divsi %add3A_284, %jit3A : i32
    %sign3A = arith.constant 0 : i32
    %sign3A_285 = arith.cmpi sgt, %add3A_284, %sign3A : i32
    %sign3A_286 = arith.extui %sign3A_285 : i1 to i32
    %sign3A_287 = arith.constant 0 : i32
    %sign3A_288 = arith.cmpi slt, %add3A_284, %sign3A_287 : i32
    %sign3A_289 = arith.extui %sign3A_288 : i1 to i32
    %sign3A_290 = arith.subi %sign3A_286, %sign3A_289 : i32
    %sign3A_291 = arith.constant 0 : i32
    %sign3A_292 = arith.cmpi sgt, %jit3A, %sign3A_291 : i32
    %sign3A_293 = arith.extui %sign3A_292 : i1 to i32
    %sign3A_294 = arith.constant 0 : i32
    %sign3A_295 = arith.cmpi slt, %jit3A, %sign3A_294 : i32
    %sign3A_296 = arith.extui %sign3A_295 : i1 to i32
    %sign3A_297 = arith.subi %sign3A_293, %sign3A_296 : i32
    %ne3A = arith.cmpi ne, %sign3A_290, %sign3A_297 : i32
    %rem3A = arith.remsi %add3A_284, %jit3A : i32
    %ne3A_298 = arith.constant 0 : i32
    %ne3A_299 = arith.cmpi ne, %rem3A, %ne3A_298 : i32
    %and3A = arith.andi %ne3A, %ne3A_299 : i1
    %sub3A = arith.constant 1 : i32
    %sub3A_300 = arith.subi %div3A, %sub3A : i32
    %select_n3A = arith.select %and3A, %sub3A_300, %div3A : i32
    %jit3A_301 = arith.constant 128 : i32
    %eq3A = arith.constant 0 : i32
    %eq3A_302 = arith.cmpi eq, %jit3A_301, %eq3A : i32
    %jit3A_303 = arith.constant 1 : i32
    %select_n3A_304 = arith.select %eq3A_302, %jit3A_303, %jit3A_301 : i32
    %rem3A_305 = arith.remsi %add3A_284, %select_n3A_304 : i32
    %ne3A_306 = arith.constant 0 : i32
    %ne3A_307 = arith.cmpi ne, %rem3A_305, %ne3A_306 : i32
    %lt3A = arith.constant 0 : i32
    %lt3A_308 = arith.cmpi slt, %rem3A_305, %lt3A : i32
    %lt3A_309 = arith.constant 0 : i32
    %lt3A_310 = arith.cmpi slt, %select_n3A_304, %lt3A_309 : i32
    %ne3A_311 = arith.xori %lt3A_308, %lt3A_310 : i1
    %and3A_312 = arith.andi %ne3A_311, %ne3A_307 : i1
    %add3A_313 = arith.addi %rem3A_305, %select_n3A_304 : i32
    %select_n3A_314 = arith.select %and3A_312, %add3A_313, %rem3A_305 : i32
    %dma_wait3A_315 = arith.constant 0 : i32
    %dma_wait3A_316 = arith.constant 0 : i32
    %dma_wait3A_317 = arith.constant 0 : i32
    %dma_wait3A_318 = arith.constant 0 : i32
    %dma_wait3A_319 = arith.constant 0 : i32
    %dma_wait3A_320 = tpu.memref_slice %arg7[%dma_wait3A_315, %dma_wait3A_317, %dma_wait3A_318, %dma_wait3A_319] : memref<2x50x32x17xf32, #tpu.memory_space<vmem>> -> memref<1x50x8x16xf32, #tpu.memory_space<vmem>>
    %dma_wait3A_321 = tpu.memref_squeeze %dma_wait3A_320 : memref<1x50x8x16xf32, #tpu.memory_space<vmem>> -> memref<50x8x16xf32, #tpu.memory_space<vmem>>
    %dma_wait3A_322 = arith.constant 0 : i32
    %dma_wait3A_323 = arith.constant 0 : i32
    %dma_wait3A_324 = tpu.memref_slice %arg4[%dma_wait3A_322, %dma_wait3A_316, %select_n3A, %dma_wait3A_323, %select_n3A_314] : memref<50x4x128x8x128xf32, #tpu.memory_space<hbm>> -> memref<50x1x1x8x16xf32, #tpu.memory_space<hbm>>
    %dma_wait3A_325 = tpu.memref_squeeze %dma_wait3A_324 : memref<50x1x1x8x16xf32, #tpu.memory_space<hbm>> -> memref<50x8x16xf32, #tpu.memory_space<hbm>>
    %dma_wait3A_326 = arith.constant 0 : i32
    %dma_wait3A_327 = arith.constant 0 : i32
    %dma_wait3A_328 = tpu.memref_slice %arg4[%dma_wait3A_326, %dma_wait3A_316, %select_n3A, %dma_wait3A_327, %select_n3A_314] : memref<50x4x128x8x128xf32, #tpu.memory_space<hbm>> -> memref<50x1x1x8x16xf32, #tpu.memory_space<hbm>>
    %dma_wait3A_329 = tpu.memref_squeeze %dma_wait3A_328 : memref<50x1x1x8x16xf32, #tpu.memory_space<hbm>> -> memref<50x8x16xf32, #tpu.memory_space<hbm>>
    %dma_wait3A_330 = arith.constant 0 : i32
    %dma_wait3A_331 = arith.constant 0 : i32
    %dma_wait3A_332 = arith.constant 0 : i32
    %dma_wait3A_333 = tpu.memref_slice %arg7[%dma_wait3A_315, %dma_wait3A_330, %dma_wait3A_331, %dma_wait3A_332] : memref<2x50x32x17xf32, #tpu.memory_space<vmem>> -> memref<1x50x8x16xf32, #tpu.memory_space<vmem>>
    %dma_wait3A_334 = tpu.memref_squeeze %dma_wait3A_333 : memref<1x50x8x16xf32, #tpu.memory_space<vmem>> -> memref<50x8x16xf32, #tpu.memory_space<vmem>>
    tpu.wait_dma2 semaphore(%arg12 : memref<!tpu.dma_semaphore, #tpu.memory_space<semaphore_mem>>) src(%dma_wait3A_334 : memref<50x8x16xf32, #tpu.memory_space<vmem>>) dst(%dma_wait3A_329 : memref<50x8x16xf32, #tpu.memory_space<hbm>>)
    %add3A_335 = arith.constant 496 : i32
    %add3A_336 = arith.addi %mul3A_2, %add3A_335 : i32
    %jit3A_337 = arith.constant 128 : i32
    %div3A_338 = arith.divsi %add3A_336, %jit3A_337 : i32
    %sign3A_339 = arith.constant 0 : i32
    %sign3A_340 = arith.cmpi sgt, %add3A_336, %sign3A_339 : i32
    %sign3A_341 = arith.extui %sign3A_340 : i1 to i32
    %sign3A_342 = arith.constant 0 : i32
    %sign3A_343 = arith.cmpi slt, %add3A_336, %sign3A_342 : i32
    %sign3A_344 = arith.extui %sign3A_343 : i1 to i32
    %sign3A_345 = arith.subi %sign3A_341, %sign3A_344 : i32
    %sign3A_346 = arith.constant 0 : i32
    %sign3A_347 = arith.cmpi sgt, %jit3A_337, %sign3A_346 : i32
    %sign3A_348 = arith.extui %sign3A_347 : i1 to i32
    %sign3A_349 = arith.constant 0 : i32
    %sign3A_350 = arith.cmpi slt, %jit3A_337, %sign3A_349 : i32
    %sign3A_351 = arith.extui %sign3A_350 : i1 to i32
    %sign3A_352 = arith.subi %sign3A_348, %sign3A_351 : i32
    %ne3A_353 = arith.cmpi ne, %sign3A_345, %sign3A_352 : i32
    %rem3A_354 = arith.remsi %add3A_336, %jit3A_337 : i32
    %ne3A_355 = arith.constant 0 : i32
    %ne3A_356 = arith.cmpi ne, %rem3A_354, %ne3A_355 : i32
    %and3A_357 = arith.andi %ne3A_353, %ne3A_356 : i1
    %sub3A_358 = arith.constant 1 : i32
    %sub3A_359 = arith.subi %div3A_338, %sub3A_358 : i32
    %select_n3A_360 = arith.select %and3A_357, %sub3A_359, %div3A_338 : i32
    %jit3A_361 = arith.constant 128 : i32
    %eq3A_362 = arith.constant 0 : i32
    %eq3A_363 = arith.cmpi eq, %jit3A_361, %eq3A_362 : i32
    %jit3A_364 = arith.constant 1 : i32
    %select_n3A_365 = arith.select %eq3A_363, %jit3A_364, %jit3A_361 : i32
    %rem3A_366 = arith.remsi %add3A_336, %select_n3A_365 : i32
    %ne3A_367 = arith.constant 0 : i32
    %ne3A_368 = arith.cmpi ne, %rem3A_366, %ne3A_367 : i32
    %lt3A_369 = arith.constant 0 : i32
    %lt3A_370 = arith.cmpi slt, %rem3A_366, %lt3A_369 : i32
    %lt3A_371 = arith.constant 0 : i32
    %lt3A_372 = arith.cmpi slt, %select_n3A_365, %lt3A_371 : i32
    %ne3A_373 = arith.xori %lt3A_370, %lt3A_372 : i1
    %and3A_374 = arith.andi %ne3A_373, %ne3A_368 : i1
    %add3A_375 = arith.addi %rem3A_366, %select_n3A_365 : i32
    %select_n3A_376 = arith.select %and3A_374, %add3A_375, %rem3A_366 : i32
    %dma_wait3A_377 = arith.constant 1 : i32
    %dma_wait3A_378 = arith.constant 0 : i32
    %dma_wait3A_379 = arith.constant 0 : i32
    %dma_wait3A_380 = arith.constant 0 : i32
    %dma_wait3A_381 = arith.constant 0 : i32
    %dma_wait3A_382 = tpu.memref_slice %arg7[%dma_wait3A_377, %dma_wait3A_379, %dma_wait3A_380, %dma_wait3A_381] : memref<2x50x32x17xf32, #tpu.memory_space<vmem>> -> memref<1x50x8x16xf32, #tpu.memory_space<vmem>>
    %dma_wait3A_383 = tpu.memref_squeeze %dma_wait3A_382 : memref<1x50x8x16xf32, #tpu.memory_space<vmem>> -> memref<50x8x16xf32, #tpu.memory_space<vmem>>
    %dma_wait3A_384 = arith.constant 0 : i32
    %dma_wait3A_385 = arith.constant 0 : i32
    %dma_wait3A_386 = tpu.memref_slice %arg4[%dma_wait3A_384, %dma_wait3A_378, %select_n3A_360, %dma_wait3A_385, %select_n3A_376] : memref<50x4x128x8x128xf32, #tpu.memory_space<hbm>> -> memref<50x1x1x8x16xf32, #tpu.memory_space<hbm>>
    %dma_wait3A_387 = tpu.memref_squeeze %dma_wait3A_386 : memref<50x1x1x8x16xf32, #tpu.memory_space<hbm>> -> memref<50x8x16xf32, #tpu.memory_space<hbm>>
    %dma_wait3A_388 = arith.constant 0 : i32
    %dma_wait3A_389 = arith.constant 0 : i32
    %dma_wait3A_390 = tpu.memref_slice %arg4[%dma_wait3A_388, %dma_wait3A_378, %select_n3A_360, %dma_wait3A_389, %select_n3A_376] : memref<50x4x128x8x128xf32, #tpu.memory_space<hbm>> -> memref<50x1x1x8x16xf32, #tpu.memory_space<hbm>>
    %dma_wait3A_391 = tpu.memref_squeeze %dma_wait3A_390 : memref<50x1x1x8x16xf32, #tpu.memory_space<hbm>> -> memref<50x8x16xf32, #tpu.memory_space<hbm>>
    %dma_wait3A_392 = arith.constant 0 : i32
    %dma_wait3A_393 = arith.constant 0 : i32
    %dma_wait3A_394 = arith.constant 0 : i32
    %dma_wait3A_395 = tpu.memref_slice %arg7[%dma_wait3A_377, %dma_wait3A_392, %dma_wait3A_393, %dma_wait3A_394] : memref<2x50x32x17xf32, #tpu.memory_space<vmem>> -> memref<1x50x8x16xf32, #tpu.memory_space<vmem>>
    %dma_wait3A_396 = tpu.memref_squeeze %dma_wait3A_395 : memref<1x50x8x16xf32, #tpu.memory_space<vmem>> -> memref<50x8x16xf32, #tpu.memory_space<vmem>>
    tpu.wait_dma2 semaphore(%arg13 : memref<!tpu.dma_semaphore, #tpu.memory_space<semaphore_mem>>) src(%dma_wait3A_396 : memref<50x8x16xf32, #tpu.memory_space<vmem>>) dst(%dma_wait3A_391 : memref<50x8x16xf32, #tpu.memory_space<hbm>>)
    %add3A_397 = arith.constant 480 : i32
    %add3A_398 = arith.addi %mul3A_2, %add3A_397 : i32
    %jit3A_399 = arith.constant 128 : i32
    %div3A_400 = arith.divsi %add3A_398, %jit3A_399 : i32
    %sign3A_401 = arith.constant 0 : i32
    %sign3A_402 = arith.cmpi sgt, %add3A_398, %sign3A_401 : i32
    %sign3A_403 = arith.extui %sign3A_402 : i1 to i32
    %sign3A_404 = arith.constant 0 : i32
    %sign3A_405 = arith.cmpi slt, %add3A_398, %sign3A_404 : i32
    %sign3A_406 = arith.extui %sign3A_405 : i1 to i32
    %sign3A_407 = arith.subi %sign3A_403, %sign3A_406 : i32
    %sign3A_408 = arith.constant 0 : i32
    %sign3A_409 = arith.cmpi sgt, %jit3A_399, %sign3A_408 : i32
    %sign3A_410 = arith.extui %sign3A_409 : i1 to i32
    %sign3A_411 = arith.constant 0 : i32
    %sign3A_412 = arith.cmpi slt, %jit3A_399, %sign3A_411 : i32
    %sign3A_413 = arith.extui %sign3A_412 : i1 to i32
    %sign3A_414 = arith.subi %sign3A_410, %sign3A_413 : i32
    %ne3A_415 = arith.cmpi ne, %sign3A_407, %sign3A_414 : i32
    %rem3A_416 = arith.remsi %add3A_398, %jit3A_399 : i32
    %ne3A_417 = arith.constant 0 : i32
    %ne3A_418 = arith.cmpi ne, %rem3A_416, %ne3A_417 : i32
    %and3A_419 = arith.andi %ne3A_415, %ne3A_418 : i1
    %sub3A_420 = arith.constant 1 : i32
    %sub3A_421 = arith.subi %div3A_400, %sub3A_420 : i32
    %select_n3A_422 = arith.select %and3A_419, %sub3A_421, %div3A_400 : i32
    %jit3A_423 = arith.constant 128 : i32
    %eq3A_424 = arith.constant 0 : i32
    %eq3A_425 = arith.cmpi eq, %jit3A_423, %eq3A_424 : i32
    %jit3A_426 = arith.constant 1 : i32
    %select_n3A_427 = arith.select %eq3A_425, %jit3A_426, %jit3A_423 : i32
    %rem3A_428 = arith.remsi %add3A_398, %select_n3A_427 : i32
    %ne3A_429 = arith.constant 0 : i32
    %ne3A_430 = arith.cmpi ne, %rem3A_428, %ne3A_429 : i32
    %lt3A_431 = arith.constant 0 : i32
    %lt3A_432 = arith.cmpi slt, %rem3A_428, %lt3A_431 : i32
    %lt3A_433 = arith.constant 0 : i32
    %lt3A_434 = arith.cmpi slt, %select_n3A_427, %lt3A_433 : i32
    %ne3A_435 = arith.xori %lt3A_432, %lt3A_434 : i1
    %and3A_436 = arith.andi %ne3A_435, %ne3A_430 : i1
    %add3A_437 = arith.addi %rem3A_428, %select_n3A_427 : i32
    %select_n3A_438 = arith.select %and3A_436, %add3A_437, %rem3A_428 : i32
    %dma_wait3A_439 = arith.constant 0 : i32
    %dma_wait3A_440 = arith.constant 1 : i32
    %dma_wait3A_441 = arith.constant 0 : i32
    %dma_wait3A_442 = arith.constant 8 : i32
    %dma_wait3A_443 = arith.constant 0 : i32
    %dma_wait3A_444 = tpu.memref_slice %arg7[%dma_wait3A_439, %dma_wait3A_441, %dma_wait3A_442, %dma_wait3A_443] : memref<2x50x32x17xf32, #tpu.memory_space<vmem>> -> memref<1x50x8x16xf32, #tpu.memory_space<vmem>>
    %dma_wait3A_445 = tpu.memref_squeeze %dma_wait3A_444 : memref<1x50x8x16xf32, #tpu.memory_space<vmem>> -> memref<50x8x16xf32, #tpu.memory_space<vmem>>
    %dma_wait3A_446 = arith.constant 0 : i32
    %dma_wait3A_447 = arith.constant 0 : i32
    %dma_wait3A_448 = tpu.memref_slice %arg4[%dma_wait3A_446, %dma_wait3A_440, %select_n3A_422, %dma_wait3A_447, %select_n3A_438] : memref<50x4x128x8x128xf32, #tpu.memory_space<hbm>> -> memref<50x1x1x8x16xf32, #tpu.memory_space<hbm>>
    %dma_wait3A_449 = tpu.memref_squeeze %dma_wait3A_448 : memref<50x1x1x8x16xf32, #tpu.memory_space<hbm>> -> memref<50x8x16xf32, #tpu.memory_space<hbm>>
    %dma_wait3A_450 = arith.constant 0 : i32
    %dma_wait3A_451 = arith.constant 0 : i32
    %dma_wait3A_452 = tpu.memref_slice %arg4[%dma_wait3A_450, %dma_wait3A_440, %select_n3A_422, %dma_wait3A_451, %select_n3A_438] : memref<50x4x128x8x128xf32, #tpu.memory_space<hbm>> -> memref<50x1x1x8x16xf32, #tpu.memory_space<hbm>>
    %dma_wait3A_453 = tpu.memref_squeeze %dma_wait3A_452 : memref<50x1x1x8x16xf32, #tpu.memory_space<hbm>> -> memref<50x8x16xf32, #tpu.memory_space<hbm>>
    %dma_wait3A_454 = arith.constant 0 : i32
    %dma_wait3A_455 = arith.constant 8 : i32
    %dma_wait3A_456 = arith.constant 0 : i32
    %dma_wait3A_457 = tpu.memref_slice %arg7[%dma_wait3A_439, %dma_wait3A_454, %dma_wait3A_455, %dma_wait3A_456] : memref<2x50x32x17xf32, #tpu.memory_space<vmem>> -> memref<1x50x8x16xf32, #tpu.memory_space<vmem>>
    %dma_wait3A_458 = tpu.memref_squeeze %dma_wait3A_457 : memref<1x50x8x16xf32, #tpu.memory_space<vmem>> -> memref<50x8x16xf32, #tpu.memory_space<vmem>>
    tpu.wait_dma2 semaphore(%arg12 : memref<!tpu.dma_semaphore, #tpu.memory_space<semaphore_mem>>) src(%dma_wait3A_458 : memref<50x8x16xf32, #tpu.memory_space<vmem>>) dst(%dma_wait3A_453 : memref<50x8x16xf32, #tpu.memory_space<hbm>>)
    %add3A_459 = arith.constant 496 : i32
    %add3A_460 = arith.addi %mul3A_2, %add3A_459 : i32
    %jit3A_461 = arith.constant 128 : i32
    %div3A_462 = arith.divsi %add3A_460, %jit3A_461 : i32
    %sign3A_463 = arith.constant 0 : i32
    %sign3A_464 = arith.cmpi sgt, %add3A_460, %sign3A_463 : i32
    %sign3A_465 = arith.extui %sign3A_464 : i1 to i32
    %sign3A_466 = arith.constant 0 : i32
    %sign3A_467 = arith.cmpi slt, %add3A_460, %sign3A_466 : i32
    %sign3A_468 = arith.extui %sign3A_467 : i1 to i32
    %sign3A_469 = arith.subi %sign3A_465, %sign3A_468 : i32
    %sign3A_470 = arith.constant 0 : i32
    %sign3A_471 = arith.cmpi sgt, %jit3A_461, %sign3A_470 : i32
    %sign3A_472 = arith.extui %sign3A_471 : i1 to i32
    %sign3A_473 = arith.constant 0 : i32
    %sign3A_474 = arith.cmpi slt, %jit3A_461, %sign3A_473 : i32
    %sign3A_475 = arith.extui %sign3A_474 : i1 to i32
    %sign3A_476 = arith.subi %sign3A_472, %sign3A_475 : i32
    %ne3A_477 = arith.cmpi ne, %sign3A_469, %sign3A_476 : i32
    %rem3A_478 = arith.remsi %add3A_460, %jit3A_461 : i32
    %ne3A_479 = arith.constant 0 : i32
    %ne3A_480 = arith.cmpi ne, %rem3A_478, %ne3A_479 : i32
    %and3A_481 = arith.andi %ne3A_477, %ne3A_480 : i1
    %sub3A_482 = arith.constant 1 : i32
    %sub3A_483 = arith.subi %div3A_462, %sub3A_482 : i32
    %select_n3A_484 = arith.select %and3A_481, %sub3A_483, %div3A_462 : i32
    %jit3A_485 = arith.constant 128 : i32
    %eq3A_486 = arith.constant 0 : i32
    %eq3A_487 = arith.cmpi eq, %jit3A_485, %eq3A_486 : i32
    %jit3A_488 = arith.constant 1 : i32
    %select_n3A_489 = arith.select %eq3A_487, %jit3A_488, %jit3A_485 : i32
    %rem3A_490 = arith.remsi %add3A_460, %select_n3A_489 : i32
    %ne3A_491 = arith.constant 0 : i32
    %ne3A_492 = arith.cmpi ne, %rem3A_490, %ne3A_491 : i32
    %lt3A_493 = arith.constant 0 : i32
    %lt3A_494 = arith.cmpi slt, %rem3A_490, %lt3A_493 : i32
    %lt3A_495 = arith.constant 0 : i32
    %lt3A_496 = arith.cmpi slt, %select_n3A_489, %lt3A_495 : i32
    %ne3A_497 = arith.xori %lt3A_494, %lt3A_496 : i1
    %and3A_498 = arith.andi %ne3A_497, %ne3A_492 : i1
    %add3A_499 = arith.addi %rem3A_490, %select_n3A_489 : i32
    %select_n3A_500 = arith.select %and3A_498, %add3A_499, %rem3A_490 : i32
    %dma_wait3A_501 = arith.constant 1 : i32
    %dma_wait3A_502 = arith.constant 1 : i32
    %dma_wait3A_503 = arith.constant 0 : i32
    %dma_wait3A_504 = arith.constant 8 : i32
    %dma_wait3A_505 = arith.constant 0 : i32
    %dma_wait3A_506 = tpu.memref_slice %arg7[%dma_wait3A_501, %dma_wait3A_503, %dma_wait3A_504, %dma_wait3A_505] : memref<2x50x32x17xf32, #tpu.memory_space<vmem>> -> memref<1x50x8x16xf32, #tpu.memory_space<vmem>>
    %dma_wait3A_507 = tpu.memref_squeeze %dma_wait3A_506 : memref<1x50x8x16xf32, #tpu.memory_space<vmem>> -> memref<50x8x16xf32, #tpu.memory_space<vmem>>
    %dma_wait3A_508 = arith.constant 0 : i32
    %dma_wait3A_509 = arith.constant 0 : i32
    %dma_wait3A_510 = tpu.memref_slice %arg4[%dma_wait3A_508, %dma_wait3A_502, %select_n3A_484, %dma_wait3A_509, %select_n3A_500] : memref<50x4x128x8x128xf32, #tpu.memory_space<hbm>> -> memref<50x1x1x8x16xf32, #tpu.memory_space<hbm>>
    %dma_wait3A_511 = tpu.memref_squeeze %dma_wait3A_510 : memref<50x1x1x8x16xf32, #tpu.memory_space<hbm>> -> memref<50x8x16xf32, #tpu.memory_space<hbm>>
    %dma_wait3A_512 = arith.constant 0 : i32
    %dma_wait3A_513 = arith.constant 0 : i32
    %dma_wait3A_514 = tpu.memref_slice %arg4[%dma_wait3A_512, %dma_wait3A_502, %select_n3A_484, %dma_wait3A_513, %select_n3A_500] : memref<50x4x128x8x128xf32, #tpu.memory_space<hbm>> -> memref<50x1x1x8x16xf32, #tpu.memory_space<hbm>>
    %dma_wait3A_515 = tpu.memref_squeeze %dma_wait3A_514 : memref<50x1x1x8x16xf32, #tpu.memory_space<hbm>> -> memref<50x8x16xf32, #tpu.memory_space<hbm>>
    %dma_wait3A_516 = arith.constant 0 : i32
    %dma_wait3A_517 = arith.constant 8 : i32
    %dma_wait3A_518 = arith.constant 0 : i32
    %dma_wait3A_519 = tpu.memref_slice %arg7[%dma_wait3A_501, %dma_wait3A_516, %dma_wait3A_517, %dma_wait3A_518] : memref<2x50x32x17xf32, #tpu.memory_space<vmem>> -> memref<1x50x8x16xf32, #tpu.memory_space<vmem>>
    %dma_wait3A_520 = tpu.memref_squeeze %dma_wait3A_519 : memref<1x50x8x16xf32, #tpu.memory_space<vmem>> -> memref<50x8x16xf32, #tpu.memory_space<vmem>>
    tpu.wait_dma2 semaphore(%arg13 : memref<!tpu.dma_semaphore, #tpu.memory_space<semaphore_mem>>) src(%dma_wait3A_520 : memref<50x8x16xf32, #tpu.memory_space<vmem>>) dst(%dma_wait3A_515 : memref<50x8x16xf32, #tpu.memory_space<hbm>>)
    %add3A_521 = arith.constant 480 : i32
    %add3A_522 = arith.addi %mul3A_2, %add3A_521 : i32
    %jit3A_523 = arith.constant 128 : i32
    %div3A_524 = arith.divsi %add3A_522, %jit3A_523 : i32
    %sign3A_525 = arith.constant 0 : i32
    %sign3A_526 = arith.cmpi sgt, %add3A_522, %sign3A_525 : i32
    %sign3A_527 = arith.extui %sign3A_526 : i1 to i32
    %sign3A_528 = arith.constant 0 : i32
    %sign3A_529 = arith.cmpi slt, %add3A_522, %sign3A_528 : i32
    %sign3A_530 = arith.extui %sign3A_529 : i1 to i32
    %sign3A_531 = arith.subi %sign3A_527, %sign3A_530 : i32
    %sign3A_532 = arith.constant 0 : i32
    %sign3A_533 = arith.cmpi sgt, %jit3A_523, %sign3A_532 : i32
    %sign3A_534 = arith.extui %sign3A_533 : i1 to i32
    %sign3A_535 = arith.constant 0 : i32
    %sign3A_536 = arith.cmpi slt, %jit3A_523, %sign3A_535 : i32
    %sign3A_537 = arith.extui %sign3A_536 : i1 to i32
    %sign3A_538 = arith.subi %sign3A_534, %sign3A_537 : i32
    %ne3A_539 = arith.cmpi ne, %sign3A_531, %sign3A_538 : i32
    %rem3A_540 = arith.remsi %add3A_522, %jit3A_523 : i32
    %ne3A_541 = arith.constant 0 : i32
    %ne3A_542 = arith.cmpi ne, %rem3A_540, %ne3A_541 : i32
    %and3A_543 = arith.andi %ne3A_539, %ne3A_542 : i1
    %sub3A_544 = arith.constant 1 : i32
    %sub3A_545 = arith.subi %div3A_524, %sub3A_544 : i32
    %select_n3A_546 = arith.select %and3A_543, %sub3A_545, %div3A_524 : i32
    %jit3A_547 = arith.constant 128 : i32
    %eq3A_548 = arith.constant 0 : i32
    %eq3A_549 = arith.cmpi eq, %jit3A_547, %eq3A_548 : i32
    %jit3A_550 = arith.constant 1 : i32
    %select_n3A_551 = arith.select %eq3A_549, %jit3A_550, %jit3A_547 : i32
    %rem3A_552 = arith.remsi %add3A_522, %select_n3A_551 : i32
    %ne3A_553 = arith.constant 0 : i32
    %ne3A_554 = arith.cmpi ne, %rem3A_552, %ne3A_553 : i32
    %lt3A_555 = arith.constant 0 : i32
    %lt3A_556 = arith.cmpi slt, %rem3A_552, %lt3A_555 : i32
    %lt3A_557 = arith.constant 0 : i32
    %lt3A_558 = arith.cmpi slt, %select_n3A_551, %lt3A_557 : i32
    %ne3A_559 = arith.xori %lt3A_556, %lt3A_558 : i1
    %and3A_560 = arith.andi %ne3A_559, %ne3A_554 : i1
    %add3A_561 = arith.addi %rem3A_552, %select_n3A_551 : i32
    %select_n3A_562 = arith.select %and3A_560, %add3A_561, %rem3A_552 : i32
    %dma_wait3A_563 = arith.constant 0 : i32
    %dma_wait3A_564 = arith.constant 2 : i32
    %dma_wait3A_565 = arith.constant 0 : i32
    %dma_wait3A_566 = arith.constant 16 : i32
    %dma_wait3A_567 = arith.constant 0 : i32
    %dma_wait3A_568 = tpu.memref_slice %arg7[%dma_wait3A_563, %dma_wait3A_565, %dma_wait3A_566, %dma_wait3A_567] : memref<2x50x32x17xf32, #tpu.memory_space<vmem>> -> memref<1x50x8x16xf32, #tpu.memory_space<vmem>>
    %dma_wait3A_569 = tpu.memref_squeeze %dma_wait3A_568 : memref<1x50x8x16xf32, #tpu.memory_space<vmem>> -> memref<50x8x16xf32, #tpu.memory_space<vmem>>
    %dma_wait3A_570 = arith.constant 0 : i32
    %dma_wait3A_571 = arith.constant 0 : i32
    %dma_wait3A_572 = tpu.memref_slice %arg4[%dma_wait3A_570, %dma_wait3A_564, %select_n3A_546, %dma_wait3A_571, %select_n3A_562] : memref<50x4x128x8x128xf32, #tpu.memory_space<hbm>> -> memref<50x1x1x8x16xf32, #tpu.memory_space<hbm>>
    %dma_wait3A_573 = tpu.memref_squeeze %dma_wait3A_572 : memref<50x1x1x8x16xf32, #tpu.memory_space<hbm>> -> memref<50x8x16xf32, #tpu.memory_space<hbm>>
    %dma_wait3A_574 = arith.constant 0 : i32
    %dma_wait3A_575 = arith.constant 0 : i32
    %dma_wait3A_576 = tpu.memref_slice %arg4[%dma_wait3A_574, %dma_wait3A_564, %select_n3A_546, %dma_wait3A_575, %select_n3A_562] : memref<50x4x128x8x128xf32, #tpu.memory_space<hbm>> -> memref<50x1x1x8x16xf32, #tpu.memory_space<hbm>>
    %dma_wait3A_577 = tpu.memref_squeeze %dma_wait3A_576 : memref<50x1x1x8x16xf32, #tpu.memory_space<hbm>> -> memref<50x8x16xf32, #tpu.memory_space<hbm>>
    %dma_wait3A_578 = arith.constant 0 : i32
    %dma_wait3A_579 = arith.constant 16 : i32
    %dma_wait3A_580 = arith.constant 0 : i32
    %dma_wait3A_581 = tpu.memref_slice %arg7[%dma_wait3A_563, %dma_wait3A_578, %dma_wait3A_579, %dma_wait3A_580] : memref<2x50x32x17xf32, #tpu.memory_space<vmem>> -> memref<1x50x8x16xf32, #tpu.memory_space<vmem>>
    %dma_wait3A_582 = tpu.memref_squeeze %dma_wait3A_581 : memref<1x50x8x16xf32, #tpu.memory_space<vmem>> -> memref<50x8x16xf32, #tpu.memory_space<vmem>>
    tpu.wait_dma2 semaphore(%arg12 : memref<!tpu.dma_semaphore, #tpu.memory_space<semaphore_mem>>) src(%dma_wait3A_582 : memref<50x8x16xf32, #tpu.memory_space<vmem>>) dst(%dma_wait3A_577 : memref<50x8x16xf32, #tpu.memory_space<hbm>>)
    %add3A_583 = arith.constant 496 : i32
    %add3A_584 = arith.addi %mul3A_2, %add3A_583 : i32
    %jit3A_585 = arith.constant 128 : i32
    %div3A_586 = arith.divsi %add3A_584, %jit3A_585 : i32
    %sign3A_587 = arith.constant 0 : i32
    %sign3A_588 = arith.cmpi sgt, %add3A_584, %sign3A_587 : i32
    %sign3A_589 = arith.extui %sign3A_588 : i1 to i32
    %sign3A_590 = arith.constant 0 : i32
    %sign3A_591 = arith.cmpi slt, %add3A_584, %sign3A_590 : i32
    %sign3A_592 = arith.extui %sign3A_591 : i1 to i32
    %sign3A_593 = arith.subi %sign3A_589, %sign3A_592 : i32
    %sign3A_594 = arith.constant 0 : i32
    %sign3A_595 = arith.cmpi sgt, %jit3A_585, %sign3A_594 : i32
    %sign3A_596 = arith.extui %sign3A_595 : i1 to i32
    %sign3A_597 = arith.constant 0 : i32
    %sign3A_598 = arith.cmpi slt, %jit3A_585, %sign3A_597 : i32
    %sign3A_599 = arith.extui %sign3A_598 : i1 to i32
    %sign3A_600 = arith.subi %sign3A_596, %sign3A_599 : i32
    %ne3A_601 = arith.cmpi ne, %sign3A_593, %sign3A_600 : i32
    %rem3A_602 = arith.remsi %add3A_584, %jit3A_585 : i32
    %ne3A_603 = arith.constant 0 : i32
    %ne3A_604 = arith.cmpi ne, %rem3A_602, %ne3A_603 : i32
    %and3A_605 = arith.andi %ne3A_601, %ne3A_604 : i1
    %sub3A_606 = arith.constant 1 : i32
    %sub3A_607 = arith.subi %div3A_586, %sub3A_606 : i32
    %select_n3A_608 = arith.select %and3A_605, %sub3A_607, %div3A_586 : i32
    %jit3A_609 = arith.constant 128 : i32
    %eq3A_610 = arith.constant 0 : i32
    %eq3A_611 = arith.cmpi eq, %jit3A_609, %eq3A_610 : i32
    %jit3A_612 = arith.constant 1 : i32
    %select_n3A_613 = arith.select %eq3A_611, %jit3A_612, %jit3A_609 : i32
    %rem3A_614 = arith.remsi %add3A_584, %select_n3A_613 : i32
    %ne3A_615 = arith.constant 0 : i32
    %ne3A_616 = arith.cmpi ne, %rem3A_614, %ne3A_615 : i32
    %lt3A_617 = arith.constant 0 : i32
    %lt3A_618 = arith.cmpi slt, %rem3A_614, %lt3A_617 : i32
    %lt3A_619 = arith.constant 0 : i32
    %lt3A_620 = arith.cmpi slt, %select_n3A_613, %lt3A_619 : i32
    %ne3A_621 = arith.xori %lt3A_618, %lt3A_620 : i1
    %and3A_622 = arith.andi %ne3A_621, %ne3A_616 : i1
    %add3A_623 = arith.addi %rem3A_614, %select_n3A_613 : i32
    %select_n3A_624 = arith.select %and3A_622, %add3A_623, %rem3A_614 : i32
    %dma_wait3A_625 = arith.constant 1 : i32
    %dma_wait3A_626 = arith.constant 2 : i32
    %dma_wait3A_627 = arith.constant 0 : i32
    %dma_wait3A_628 = arith.constant 16 : i32
    %dma_wait3A_629 = arith.constant 0 : i32
    %dma_wait3A_630 = tpu.memref_slice %arg7[%dma_wait3A_625, %dma_wait3A_627, %dma_wait3A_628, %dma_wait3A_629] : memref<2x50x32x17xf32, #tpu.memory_space<vmem>> -> memref<1x50x8x16xf32, #tpu.memory_space<vmem>>
    %dma_wait3A_631 = tpu.memref_squeeze %dma_wait3A_630 : memref<1x50x8x16xf32, #tpu.memory_space<vmem>> -> memref<50x8x16xf32, #tpu.memory_space<vmem>>
    %dma_wait3A_632 = arith.constant 0 : i32
    %dma_wait3A_633 = arith.constant 0 : i32
    %dma_wait3A_634 = tpu.memref_slice %arg4[%dma_wait3A_632, %dma_wait3A_626, %select_n3A_608, %dma_wait3A_633, %select_n3A_624] : memref<50x4x128x8x128xf32, #tpu.memory_space<hbm>> -> memref<50x1x1x8x16xf32, #tpu.memory_space<hbm>>
    %dma_wait3A_635 = tpu.memref_squeeze %dma_wait3A_634 : memref<50x1x1x8x16xf32, #tpu.memory_space<hbm>> -> memref<50x8x16xf32, #tpu.memory_space<hbm>>
    %dma_wait3A_636 = arith.constant 0 : i32
    %dma_wait3A_637 = arith.constant 0 : i32
    %dma_wait3A_638 = tpu.memref_slice %arg4[%dma_wait3A_636, %dma_wait3A_626, %select_n3A_608, %dma_wait3A_637, %select_n3A_624] : memref<50x4x128x8x128xf32, #tpu.memory_space<hbm>> -> memref<50x1x1x8x16xf32, #tpu.memory_space<hbm>>
    %dma_wait3A_639 = tpu.memref_squeeze %dma_wait3A_638 : memref<50x1x1x8x16xf32, #tpu.memory_space<hbm>> -> memref<50x8x16xf32, #tpu.memory_space<hbm>>
    %dma_wait3A_640 = arith.constant 0 : i32
    %dma_wait3A_641 = arith.constant 16 : i32
    %dma_wait3A_642 = arith.constant 0 : i32
    %dma_wait3A_643 = tpu.memref_slice %arg7[%dma_wait3A_625, %dma_wait3A_640, %dma_wait3A_641, %dma_wait3A_642] : memref<2x50x32x17xf32, #tpu.memory_space<vmem>> -> memref<1x50x8x16xf32, #tpu.memory_space<vmem>>
    %dma_wait3A_644 = tpu.memref_squeeze %dma_wait3A_643 : memref<1x50x8x16xf32, #tpu.memory_space<vmem>> -> memref<50x8x16xf32, #tpu.memory_space<vmem>>
    tpu.wait_dma2 semaphore(%arg13 : memref<!tpu.dma_semaphore, #tpu.memory_space<semaphore_mem>>) src(%dma_wait3A_644 : memref<50x8x16xf32, #tpu.memory_space<vmem>>) dst(%dma_wait3A_639 : memref<50x8x16xf32, #tpu.memory_space<hbm>>)
    %add3A_645 = arith.constant 480 : i32
    %add3A_646 = arith.addi %mul3A_2, %add3A_645 : i32
    %jit3A_647 = arith.constant 128 : i32
    %div3A_648 = arith.divsi %add3A_646, %jit3A_647 : i32
    %sign3A_649 = arith.constant 0 : i32
    %sign3A_650 = arith.cmpi sgt, %add3A_646, %sign3A_649 : i32
    %sign3A_651 = arith.extui %sign3A_650 : i1 to i32
    %sign3A_652 = arith.constant 0 : i32
    %sign3A_653 = arith.cmpi slt, %add3A_646, %sign3A_652 : i32
    %sign3A_654 = arith.extui %sign3A_653 : i1 to i32
    %sign3A_655 = arith.subi %sign3A_651, %sign3A_654 : i32
    %sign3A_656 = arith.constant 0 : i32
    %sign3A_657 = arith.cmpi sgt, %jit3A_647, %sign3A_656 : i32
    %sign3A_658 = arith.extui %sign3A_657 : i1 to i32
    %sign3A_659 = arith.constant 0 : i32
    %sign3A_660 = arith.cmpi slt, %jit3A_647, %sign3A_659 : i32
    %sign3A_661 = arith.extui %sign3A_660 : i1 to i32
    %sign3A_662 = arith.subi %sign3A_658, %sign3A_661 : i32
    %ne3A_663 = arith.cmpi ne, %sign3A_655, %sign3A_662 : i32
    %rem3A_664 = arith.remsi %add3A_646, %jit3A_647 : i32
    %ne3A_665 = arith.constant 0 : i32
    %ne3A_666 = arith.cmpi ne, %rem3A_664, %ne3A_665 : i32
    %and3A_667 = arith.andi %ne3A_663, %ne3A_666 : i1
    %sub3A_668 = arith.constant 1 : i32
    %sub3A_669 = arith.subi %div3A_648, %sub3A_668 : i32
    %select_n3A_670 = arith.select %and3A_667, %sub3A_669, %div3A_648 : i32
    %jit3A_671 = arith.constant 128 : i32
    %eq3A_672 = arith.constant 0 : i32
    %eq3A_673 = arith.cmpi eq, %jit3A_671, %eq3A_672 : i32
    %jit3A_674 = arith.constant 1 : i32
    %select_n3A_675 = arith.select %eq3A_673, %jit3A_674, %jit3A_671 : i32
    %rem3A_676 = arith.remsi %add3A_646, %select_n3A_675 : i32
    %ne3A_677 = arith.constant 0 : i32
    %ne3A_678 = arith.cmpi ne, %rem3A_676, %ne3A_677 : i32
    %lt3A_679 = arith.constant 0 : i32
    %lt3A_680 = arith.cmpi slt, %rem3A_676, %lt3A_679 : i32
    %lt3A_681 = arith.constant 0 : i32
    %lt3A_682 = arith.cmpi slt, %select_n3A_675, %lt3A_681 : i32
    %ne3A_683 = arith.xori %lt3A_680, %lt3A_682 : i1
    %and3A_684 = arith.andi %ne3A_683, %ne3A_678 : i1
    %add3A_685 = arith.addi %rem3A_676, %select_n3A_675 : i32
    %select_n3A_686 = arith.select %and3A_684, %add3A_685, %rem3A_676 : i32
    %dma_wait3A_687 = arith.constant 0 : i32
    %dma_wait3A_688 = arith.constant 3 : i32
    %dma_wait3A_689 = arith.constant 0 : i32
    %dma_wait3A_690 = arith.constant 24 : i32
    %dma_wait3A_691 = arith.constant 0 : i32
    %dma_wait3A_692 = tpu.memref_slice %arg7[%dma_wait3A_687, %dma_wait3A_689, %dma_wait3A_690, %dma_wait3A_691] : memref<2x50x32x17xf32, #tpu.memory_space<vmem>> -> memref<1x50x8x16xf32, #tpu.memory_space<vmem>>
    %dma_wait3A_693 = tpu.memref_squeeze %dma_wait3A_692 : memref<1x50x8x16xf32, #tpu.memory_space<vmem>> -> memref<50x8x16xf32, #tpu.memory_space<vmem>>
    %dma_wait3A_694 = arith.constant 0 : i32
    %dma_wait3A_695 = arith.constant 0 : i32
    %dma_wait3A_696 = tpu.memref_slice %arg4[%dma_wait3A_694, %dma_wait3A_688, %select_n3A_670, %dma_wait3A_695, %select_n3A_686] : memref<50x4x128x8x128xf32, #tpu.memory_space<hbm>> -> memref<50x1x1x8x16xf32, #tpu.memory_space<hbm>>
    %dma_wait3A_697 = tpu.memref_squeeze %dma_wait3A_696 : memref<50x1x1x8x16xf32, #tpu.memory_space<hbm>> -> memref<50x8x16xf32, #tpu.memory_space<hbm>>
    %dma_wait3A_698 = arith.constant 0 : i32
    %dma_wait3A_699 = arith.constant 0 : i32
    %dma_wait3A_700 = tpu.memref_slice %arg4[%dma_wait3A_698, %dma_wait3A_688, %select_n3A_670, %dma_wait3A_699, %select_n3A_686] : memref<50x4x128x8x128xf32, #tpu.memory_space<hbm>> -> memref<50x1x1x8x16xf32, #tpu.memory_space<hbm>>
    %dma_wait3A_701 = tpu.memref_squeeze %dma_wait3A_700 : memref<50x1x1x8x16xf32, #tpu.memory_space<hbm>> -> memref<50x8x16xf32, #tpu.memory_space<hbm>>
    %dma_wait3A_702 = arith.constant 0 : i32
    %dma_wait3A_703 = arith.constant 24 : i32
    %dma_wait3A_704 = arith.constant 0 : i32
    %dma_wait3A_705 = tpu.memref_slice %arg7[%dma_wait3A_687, %dma_wait3A_702, %dma_wait3A_703, %dma_wait3A_704] : memref<2x50x32x17xf32, #tpu.memory_space<vmem>> -> memref<1x50x8x16xf32, #tpu.memory_space<vmem>>
    %dma_wait3A_706 = tpu.memref_squeeze %dma_wait3A_705 : memref<1x50x8x16xf32, #tpu.memory_space<vmem>> -> memref<50x8x16xf32, #tpu.memory_space<vmem>>
    tpu.wait_dma2 semaphore(%arg12 : memref<!tpu.dma_semaphore, #tpu.memory_space<semaphore_mem>>) src(%dma_wait3A_706 : memref<50x8x16xf32, #tpu.memory_space<vmem>>) dst(%dma_wait3A_701 : memref<50x8x16xf32, #tpu.memory_space<hbm>>)
    %add3A_707 = arith.constant 496 : i32
    %add3A_708 = arith.addi %mul3A_2, %add3A_707 : i32
    %jit3A_709 = arith.constant 128 : i32
    %div3A_710 = arith.divsi %add3A_708, %jit3A_709 : i32
    %sign3A_711 = arith.constant 0 : i32
    %sign3A_712 = arith.cmpi sgt, %add3A_708, %sign3A_711 : i32
    %sign3A_713 = arith.extui %sign3A_712 : i1 to i32
    %sign3A_714 = arith.constant 0 : i32
    %sign3A_715 = arith.cmpi slt, %add3A_708, %sign3A_714 : i32
    %sign3A_716 = arith.extui %sign3A_715 : i1 to i32
    %sign3A_717 = arith.subi %sign3A_713, %sign3A_716 : i32
    %sign3A_718 = arith.constant 0 : i32
    %sign3A_719 = arith.cmpi sgt, %jit3A_709, %sign3A_718 : i32
    %sign3A_720 = arith.extui %sign3A_719 : i1 to i32
    %sign3A_721 = arith.constant 0 : i32
    %sign3A_722 = arith.cmpi slt, %jit3A_709, %sign3A_721 : i32
    %sign3A_723 = arith.extui %sign3A_722 : i1 to i32
    %sign3A_724 = arith.subi %sign3A_720, %sign3A_723 : i32
    %ne3A_725 = arith.cmpi ne, %sign3A_717, %sign3A_724 : i32
    %rem3A_726 = arith.remsi %add3A_708, %jit3A_709 : i32
    %ne3A_727 = arith.constant 0 : i32
    %ne3A_728 = arith.cmpi ne, %rem3A_726, %ne3A_727 : i32
    %and3A_729 = arith.andi %ne3A_725, %ne3A_728 : i1
    %sub3A_730 = arith.constant 1 : i32
    %sub3A_731 = arith.subi %div3A_710, %sub3A_730 : i32
    %select_n3A_732 = arith.select %and3A_729, %sub3A_731, %div3A_710 : i32
    %jit3A_733 = arith.constant 128 : i32
    %eq3A_734 = arith.constant 0 : i32
    %eq3A_735 = arith.cmpi eq, %jit3A_733, %eq3A_734 : i32
    %jit3A_736 = arith.constant 1 : i32
    %select_n3A_737 = arith.select %eq3A_735, %jit3A_736, %jit3A_733 : i32
    %rem3A_738 = arith.remsi %add3A_708, %select_n3A_737 : i32
    %ne3A_739 = arith.constant 0 : i32
    %ne3A_740 = arith.cmpi ne, %rem3A_738, %ne3A_739 : i32
    %lt3A_741 = arith.constant 0 : i32
    %lt3A_742 = arith.cmpi slt, %rem3A_738, %lt3A_741 : i32
    %lt3A_743 = arith.constant 0 : i32
    %lt3A_744 = arith.cmpi slt, %select_n3A_737, %lt3A_743 : i32
    %ne3A_745 = arith.xori %lt3A_742, %lt3A_744 : i1
    %and3A_746 = arith.andi %ne3A_745, %ne3A_740 : i1
    %add3A_747 = arith.addi %rem3A_738, %select_n3A_737 : i32
    %select_n3A_748 = arith.select %and3A_746, %add3A_747, %rem3A_738 : i32
    %dma_wait3A_749 = arith.constant 1 : i32
    %dma_wait3A_750 = arith.constant 3 : i32
    %dma_wait3A_751 = arith.constant 0 : i32
    %dma_wait3A_752 = arith.constant 24 : i32
    %dma_wait3A_753 = arith.constant 0 : i32
    %dma_wait3A_754 = tpu.memref_slice %arg7[%dma_wait3A_749, %dma_wait3A_751, %dma_wait3A_752, %dma_wait3A_753] : memref<2x50x32x17xf32, #tpu.memory_space<vmem>> -> memref<1x50x8x16xf32, #tpu.memory_space<vmem>>
    %dma_wait3A_755 = tpu.memref_squeeze %dma_wait3A_754 : memref<1x50x8x16xf32, #tpu.memory_space<vmem>> -> memref<50x8x16xf32, #tpu.memory_space<vmem>>
    %dma_wait3A_756 = arith.constant 0 : i32
    %dma_wait3A_757 = arith.constant 0 : i32
    %dma_wait3A_758 = tpu.memref_slice %arg4[%dma_wait3A_756, %dma_wait3A_750, %select_n3A_732, %dma_wait3A_757, %select_n3A_748] : memref<50x4x128x8x128xf32, #tpu.memory_space<hbm>> -> memref<50x1x1x8x16xf32, #tpu.memory_space<hbm>>
    %dma_wait3A_759 = tpu.memref_squeeze %dma_wait3A_758 : memref<50x1x1x8x16xf32, #tpu.memory_space<hbm>> -> memref<50x8x16xf32, #tpu.memory_space<hbm>>
    %dma_wait3A_760 = arith.constant 0 : i32
    %dma_wait3A_761 = arith.constant 0 : i32
    %dma_wait3A_762 = tpu.memref_slice %arg4[%dma_wait3A_760, %dma_wait3A_750, %select_n3A_732, %dma_wait3A_761, %select_n3A_748] : memref<50x4x128x8x128xf32, #tpu.memory_space<hbm>> -> memref<50x1x1x8x16xf32, #tpu.memory_space<hbm>>
    %dma_wait3A_763 = tpu.memref_squeeze %dma_wait3A_762 : memref<50x1x1x8x16xf32, #tpu.memory_space<hbm>> -> memref<50x8x16xf32, #tpu.memory_space<hbm>>
    %dma_wait3A_764 = arith.constant 0 : i32
    %dma_wait3A_765 = arith.constant 24 : i32
    %dma_wait3A_766 = arith.constant 0 : i32
    %dma_wait3A_767 = tpu.memref_slice %arg7[%dma_wait3A_749, %dma_wait3A_764, %dma_wait3A_765, %dma_wait3A_766] : memref<2x50x32x17xf32, #tpu.memory_space<vmem>> -> memref<1x50x8x16xf32, #tpu.memory_space<vmem>>
    %dma_wait3A_768 = tpu.memref_squeeze %dma_wait3A_767 : memref<1x50x8x16xf32, #tpu.memory_space<vmem>> -> memref<50x8x16xf32, #tpu.memory_space<vmem>>
    tpu.wait_dma2 semaphore(%arg13 : memref<!tpu.dma_semaphore, #tpu.memory_space<semaphore_mem>>) src(%dma_wait3A_768 : memref<50x8x16xf32, #tpu.memory_space<vmem>>) dst(%dma_wait3A_763 : memref<50x8x16xf32, #tpu.memory_space<hbm>>)
    return
  }
}

</mosaic_0001>

<sc_bundles>
// kernel: kernel.3.cloned.1.call-start
scs
__scs_entry_jumppad:
0x0: {  	(pc) =	sbr.rel $0x88, $3  }
0x1: {  	(tag) =	ssettag $0x0;
	lr =	simm.s32 $0x1  }
0x2: {  	[smem:$0x3F9F] =	sst lr;
	_ =	strace $0xD0000000  }
0x3: {  	_ = 	snop  }
0x4: {  	_ = 	snop  }
0x5: {  	_ = 	snop  }
0x6: {  	_ = 	snop  }
0x7: {  	_ = 	snop  }
__scs_overlays_trampoline_lowered:
0x8: {  	[smem:$0x3FAE] =	sst s0  }
0x9: {  	[smem:$0x3FAF] =	sst s1  }
0xa: {  	[smem:$0x3FB0] =	sst s2  }
0xb: {  	[smem:$0x3FB1] =	sst s3  }
0xc: {  	[smem:$0x3FB2] =	sst s4  }
0xd: {  	[smem:$0x3FB3] =	sst s5  }
0xe: {  	[smem:$0x3FB4] =	sst s6  }
0xf: {  	[smem:$0x3FB5] =	sst s7  }
0x10: {  	[smem:$0x3FB6] =	sst s8  }
0x11: {  	[smem:$0x3FB7] =	sst s9;
	s0 =	simm.s32 @!p0 $0x0  }
0x12: {  	s1 =	sld [smem:$0x3F9D];
	s0 =	simm.s32 @p0 $0x1  }
0x13: {  	[smem:$0x3FB8] =	sst s0;
	s0 =	simm.s32 @!p1 $0x0  }
0x14: {  	s2 =	sld [smem:$0x3F9C];
	s0 =	simm.s32 @p1 $0x1  }
0x15: {  	[smem:$0x3FB9] =	sst s0;
	s0 =	simm.s32 @!p2 $0x0  }
0x16: {  	s3 =	sld [smem:$0x3FDB];
	s0 =	simm.s32 @p2 $0x1  }
0x17: {  	s4 =	simm.s32 $0x1BF5;
	[smem:$0x3FBB] =	sst s0  }
0x18: {  	s0 =	sld [smem:$0x3F9E];
	_ =	swait.ge [sflag:s4], $0x0  }
0x19: {  	s7 =	sld [smem:$0x3F9F]  }
0x1a: {  	s8 =	sadd.s32 $0xFFFFE003, lr  }
0x1b: {  	s9 =	sadd.s32 $0xFFFFFEF7, lr;
	s5 =	simm.s32 $0xFFFFFFFF;
	p2 =	slt.u32 s8, $0xFFFFF086  }
0x1c: {  	p1 =	slt.u32 s9, $0xF7A;
	s5 =	simm.s32 @!p2 $0x0  }
0x1d: {  	s5 =	simm.s32 @p1 $0x1;
	p0 =	seq.s32 s7, s2  }
0x1e: {  	s7 =	smul.u32 @!p0 $0xF7A, s2;
	p2 =	seq.s32 @!p0 s5, $0x0  }
0x1f: {  	s9 =	smul.u32 $0xF7A, s1;
	s8 =	simm.s32 @!p0 $0x1BF5;
	p2 =	por !p2, p0  }
0x20: {  	[sflag:s8] =	ssyncset.s32 @!p0 $0xFFFFF086;
	s6 =	sadd.s32 @!p0 s3, s7;
	s7 =	simm.s32 @!p0 $0x108  }
0x21: {  	s3 =	sadd.s32 s3, s9;
	s6 =	sadd.s32 @!p0 $0x88, s6;
	s7 =	simm.s32 @p2 $0x1082  }
0x22: {  	[simem:s7], [sflag:s8] =	dma.local @!p0 [hbm:s6], $0xF7A  }
0x23: {  	s9 =	sor.u32 $0xD0000000, s2;
	s6 =	simm.s32 $0x108;
	_ =	swait.ge @!p0 [sflag:s8], $0x0  }
0x24: {  	s3 =	sadd.s32 $0x88, s3;
	s6 =	simm.s32 @!p1 $0x1082;
	[sflag:s4] =	ssyncset.s32 $0xFFFFF086  }
0x25: {  	[simem:s6], [sflag:s4] =	dma.local [hbm:s3], $0xF7A  }
0x26: {  	[smem:$0x3F9F] =	sst s1;
	(tag) =	ssettag s2;
	_ =	strace s9  }
0x27: {  	s1 =	sld [smem:$0x3FAF]  }
0x28: {  	s2 =	sld [smem:$0x3FB0]  }
0x29: {  	s4 =	sld [smem:$0x3FB2]  }
0x2a: {  	p0 =	seq.s32 s5, $0x0;
	s5 =	sld [smem:$0x3FB3]  }
0x2b: {  	s6 =	sld [smem:$0x3FB4]  }
0x2c: {  	s7 =	sld [smem:$0x3FB5]  }
0x2d: {  	s3 =	simm.s32 $0x108;
	s8 =	sld [smem:$0x3FB6]  }
0x2e: {  	s3 =	simm.s32 @!p0 $0x1082;
	s9 =	sld [smem:$0x3FB7]  }
0x2f: {  	lr =	sadd.s32 s0, s3;
	s0 =	sld [smem:$0x3FAE]  }
0x30: {  	s3 =	sld [smem:$0x3FB1]  }
0x31: {  	[smem:$0x3FBA] =	sst s10  }
0x32: {  	s10 =	sld [smem:$0x3FB8];
	_ =	sdelay $0x3  }
0x33: {  	p0 =	seq.s32 s10, $0x1;
	s10 =	sld [smem:$0x3FBA];
	_ =	sdelay $0x3  }
0x34: {  	[smem:$0x3FBA] =	sst s10  }
0x35: {  	s10 =	sld [smem:$0x3FB9];
	_ =	sdelay $0x3  }
0x36: {  	p1 =	seq.s32 s10, $0x1;
	s10 =	sld [smem:$0x3FBA];
	_ =	sdelay $0x3  }
0x37: {  	[smem:$0x3FBA] =	sst s10  }
0x38: {  	s10 =	sld [smem:$0x3FBB]  }
0x39: {  	_ = 	snop;
	(pc) =	sbr.ind lr, $3  }
0x3a: {  	_ = 	snop  }
0x3b: {  	_ = 	snop  }
0x3c: {  	p2 =	seq.s32 s10, $0x1;
	s10 =	sld [smem:$0x3FBA]  }
0x3d: {  	_ =	shalt  }
0x3e: {  	_ =	shalt  }
0x3f: {  	_ =	shalt  }
0x40: {  	_ =	shalt  }
0x41: {  	_ =	shalt  }
0x42: {  	_ =	shalt  }
0x43: {  	_ =	shalt  }
0x44: {  	_ =	shalt  }
0x45: {  	_ =	shalt  }
0x46: {  	_ =	shalt  }
0x47: {  	_ =	shalt  }
0x48: {  	_ =	shalt  }
0x49: {  	_ =	shalt  }
0x4a: {  	_ =	shalt  }
0x4b: {  	_ =	shalt  }
0x4c: {  	_ =	shalt  }
0x4d: {  	_ =	shalt  }
0x4e: {  	_ =	shalt  }
0x4f: {  	_ =	shalt  }
0x50: {  	_ =	shalt  }
0x51: {  	_ =	shalt  }
0x52: {  	_ =	shalt  }
0x53: {  	_ =	shalt  }
0x54: {  	_ =	shalt  }
0x55: {  	_ =	shalt  }
0x56: {  	_ =	shalt  }
0x57: {  	_ =	shalt  }
0x58: {  	_ =	shalt  }
0x59: {  	_ =	shalt  }
0x5a: {  	_ =	shalt  }
0x5b: {  	_ =	shalt  }
0x5c: {  	_ =	shalt  }
0x5d: {  	_ =	shalt  }
0x5e: {  	_ =	shalt  }
0x5f: {  	_ =	shalt  }
0x60: {  	_ =	shalt  }
0x61: {  	_ =	shalt  }
0x62: {  	_ =	shalt  }
0x63: {  	_ =	shalt  }
0x64: {  	_ =	shalt  }
0x65: {  	_ =	shalt  }
0x66: {  	_ =	shalt  }
0x67: {  	_ =	shalt  }
0x68: {  	_ =	shalt  }
0x69: {  	_ =	shalt  }
0x6a: {  	_ =	shalt  }
0x6b: {  	_ =	shalt  }
0x6c: {  	_ =	shalt  }
0x6d: {  	_ =	shalt  }
0x6e: {  	_ =	shalt  }
0x6f: {  	_ =	shalt  }
0x70: {  	_ =	shalt  }
0x71: {  	_ =	shalt  }
0x72: {  	_ =	shalt  }
0x73: {  	_ =	shalt  }
0x74: {  	_ =	shalt  }
0x75: {  	_ =	shalt  }
0x76: {  	_ =	shalt  }
0x77: {  	_ =	shalt  }
0x78: {  	_ =	shalt  }
0x79: {  	_ =	shalt  }
0x7a: {  	_ =	shalt  }
0x7b: {  	_ =	shalt  }
0x7c: {  	_ =	shalt  }
0x7d: {  	_ =	shalt  }
0x7e: {  	_ =	shalt  }
0x7f: {  	_ =	shalt  }
0x80: {  	_ =	shalt  }
0x81: {  	_ =	shalt  }
0x82: {  	_ =	shalt  }
0x83: {  	_ =	shalt  }
0x84: {  	_ =	shalt  }
0x85: {  	_ =	shalt  }
0x86: {  	_ =	shalt  }
0x87: {  	_ =	shalt  }
.Lfunc_end0:
.L_simem_size_0:
called_computation_lowered:
.L_overlay_start_0:
0x88: {  	s2 =	sld [smem:$0x3FD9]  }
0x89: {  	s3 =	sld [smem:$0x3FFE];
	_ =	sdelay $0x1  }
0x8a: {  	s1 =	srdreg.scid  }
0x8b: {  	s0 =	sand.u32 $0x1, s1  }
0x8c: {  	s17 =	sshll.u32 s0, $0xA;
	s2 =	sadd.s32 s3, s2  }
0x8d: {  	s2 =	sadd.s32 s2, s17  }
0x8e: {  	[smem:$0x3FC6] =	sst s2  }
0x8f: {  	_ = 	snop  }
0x90: {  	s2 =	sld [smem:$0x3FD0];
	(tm) =	ssettm $0x1  }
0x91: {  	s18 =	sld [smem:$0x3FFB];
	_ =	sdelay $0x3  }
0x92: {  	_ =	strace s18  }
0x93: {  	s3 =	sld [smem:$0x3FFC];
	_ =	sdelay $0x3  }
0x94: {  	_ =	strace s3  }
0x95: {  	s3 =	sld [smem:$0x3FFD];
	_ =	sdelay $0x3  }
0x96: {  	_ =	strace s3  }
0x97: {  	_ =	strace $0x8FFFFFFF  }
0x98: {  	s19 =	sld [smem:$0x3FDB];
	_ =	sdelay $0x1  }
0x99: {  	s4 =	simm.s32 $_scs_section_size  }
0x9a: {  	s5 =	simm.s32 $_size__tile_overlayer_lowered;
	s6 =	simm.s32 $_tile_overlayer_lowered  }
0x9b: {  	s22 =	simm.s32 $0x1BFF;
	s21 =	sshll.u32 s6, $0x1;
	s3 =	sadd.s32 s4, s19  }
0x9c: {  	s7 =	simm.s32 $0x0;
	s20 =	sshll.u32 s5, $0x1;
	s5 =	sadd.s32 s21, s3  }
0x9d: {  	[timem:s7], [sflag:s22] =	dma.local [hbm:s5], s20  }
0x9e: {  	_ =	swait.ge [sflag:s22], s20  }
0x9f: {  	s4 =	ssub.s32 $0x0, s20;
	[sflag:s22] =	ssyncset.done $0x0  }
0xa0: {  	[sflag:s22] =	ssyncadd.s32 s4;
	_ =	sdelay $0x1  }
0xa1: {  	s23 =	simm.s32 $0x1B8B  }
0xa2: {  	_ =	swait.ge [sflag:s23], $0x1  }
0xa3: {  	[sflag:s23] =	ssyncset.done $0x0  }
0xa4: {  	s25 =	simm.s32 $0x1B8E;
	s24 =	sld [smem:$0x3FFE];
	[sflag:s23] =	ssyncadd.s32 $0xFFFFFFFF  }
0xa5: {  	s26 =	simm.s32 $execute0_lowered;
	[smem:$0x3FD2] =	sst s25  }
0xa6: {  	s5 =	sshll.u32 s26, $0x1;
	_ =	strace $0x80000046;
	[dreg:$0x1] =	wrdreg $0xFFFFFFFF  }
0xa7: {  	s28 =	simm.s32 $_size_execute0_lowered;
	s3 =	sadd.s32 s3, s5;
	[dreg:$0x0] =	wrdreg $0x0  }
0xa8: {  	s5 =	sshll.u32 s28, $0x1;
	[dreg:$0x2] =	wrdreg s3  }
0xa9: {  	[dreg:$0x3] =	wrdreg s5  }
0xaa: {  	[dreg:$0x4] =	wrdreg $0xC0  }
0xab: {  	_ =	task [dreg:s7], $0x5FFFF  }
0xac: {  	[dreg:$0x1] =	wrdreg $0xFFFFFFFF  }
0xad: {  	[dreg:$0x0] =	wrdreg $0x60  }
0xae: {  	[dreg:$0x2] =	wrdreg s24  }
0xaf: {  	[dreg:$0x3] =	wrdreg s2  }
0xb0: {  	[dreg:$0x4] =	wrdreg $0x9  }
0xb1: {  	_ =	task.clear_ibuf [dreg:s7], $0x5FFFF;
	_ =	strace $0x90000046  }
0xb2: {  	s29 =	simm.s32 $0x9;
	_ =	strace $0x80000048  }
0xb3: {  	_ =	swait.ge [sflag:s29], $0x1  }
0xb4: {  	[sflag:s29] =	ssyncadd.s32 $0xFFFFFFFF  }
0xb5: {  	_ =	strace $0x90000048  }
0xb6: {  	_ =	sfence  }
0xb7: {  	s30 =	sld [smem:$0x0];
	_ =	sdelay $0x2  }
0xb8: {  	s31 =	sshll.u32 s1, $0xD;
	s1 =	sshrl.u32 s1, $0x2  }
0xb9: {  	s3 =	sand.u32 $0x4000, s31;
	s1 =	sadd.s32 s1, s30  }
0xba: {  	s0 =	sor.u32 s3, s0;
	s1 =	sshll.u32 s1, $0x11  }
0xbb: {  	s0 =	sor.u32 s1, s0  }
0xbc: {  	s0 =	sadd.s32 $0x8F2B, s0  }
0xbd: {  	[sflag:s0] =	ssyncadd.remote.s32 $0x1  }
0xbe: {  	_ =	sfence.sel $0xFFFF  }
0xbf: {  	[dreg:$0x0] =	wrdreg $0xFFFFFFFF;
	(pc) =	sbr.abs _section_cstart, $3  }
0xc0: {  	[dreg:$0x1] =	wrdreg $0xFFFFFFFF  }
0xc1: {  	_ =	task.clear_ibuf [dreg:s7], $0x2FFFF;
	_ =	strace $0x9FFFFFFF  }
0xc2: {  	(tm) =	ssettm $0x7FFFFFFF  }
0xc3: {  	_ =	shalt  }
tec
execute0_lowered:
.L_overlay_start_1:
0x0: {  	(tag) =	ssettag $0x1  }
0x1: {  	s0 =	srdreg.scid;
	v0 =	vlaneseq.u32  }
0x2: {  	s2 =	stileid.u32;
	s1 =	rddreg [dreg:$0x0];
	v0 =	vmul.u32 $0x18, v0  }
0x3: {  	s15 =	simm.s32 $0x380;
	s17 =	simm.s32 $0x32;
	s19 =	simm.s32 $0x3  }
0x4: {  	s20 =	simm.s32 $0x2;
	s18 =	simm.s32 $0x6C8;
	s14 =	simm.s32 $0xCF00;
	v1 =	vadd.s32 $0x180, v0  }
0x5: {  	s16 =	simm.s32 $0x6;
	s0 =	sand.u32 $0x1, s0;
	s3 =	sshll.u32 s2, $0xA;
	v2 =	vor.u32 $0x1, v0;
	v3 =	vadd.s32 $0x181, v0;
	v4 =	vor.u32 $0x2, v0  }
0x6: {  	s2 =	rddreg [dreg:$0x1];
	s5 =	sadd.s32 $0x600, s1;
	s7 =	sadd.s32 $0xF42A00, s1;
	v5 =	vadd.s32 $0x182, v0;
	v6 =	vor.u32 $0x3, v0;
	v7 =	vadd.s32 $0x183, v0  }
0x7: {  	s1 =	simm.s32 $0x0;
	s4 =	sshll.u32 s0, $0x9;
	s0 =	ssub.s32 $0x2, s0;
	v8 =	vor.u32 $0x4, v0;
	v9 =	vadd.s32 $0x184, v0;
	v10 =	vor.u32 $0x5, v0  }
0x8: {  	s10 =	sadd.s32 $0x4000, s2;
	s11 =	sadd.s32 $0x8000, s2;
	s3 =	sor.u32 s4, s3;
	v11 =	vadd.s32 $0x185, v0;
	v12 =	vor.u32 $0x6, v0;
	v13 =	vadd.s32 $0x186, v0  }
0x9: {  	s12 =	sadd.s32 $0xC000, s2;
	s8 =	sshrl.u32 s0, $0x1;
	v14 =	vor.u32 $0x7, v0;
	v15 =	vadd.s32 $0x187, v0;
	v16 =	vadd.s32 $0x8, v0;
	s6 =	smul.u32 $0x7, s3  }
.Ltmp0:
0xa: {  	s4 =	simm.s32 $0x0;
	v17 =	vadd.s32 $0x188, v0;
	v18 =	vadd.s32 $0x9, v0;
	v19 =	vadd.s32 $0x189, v0;
	s0 =	ssub.s32 s0, s8;
	(pc) =	sbr.rel .LBB2_1-.Ltmp0, $4  }
0xb: {  	v20 =	vadd.s32 $0xA, v0;
	v21 =	vadd.s32 $0x18A, v0;
	v22 =	vadd.s32 $0xB, v0;
	[smem:$0x7FF] =	sst s4;
	s9 =	sor.u32 $0x20, s3;
	s0 =	smax.u32 s0, $0x1  }
0xc: {  	v23 =	vadd.s32 $0x18B, v0;
	v24 =	vadd.s32 $0xC, v0;
	v25 =	vadd.s32 $0x18C, v0;
	_ =	strace $0x80000047;
	s6 =	sadd.s32 s5, s6;
	[dreg:$0x5] =	wrdreg s0  }
0xd: {  	v26 =	vadd.s32 $0xD, v0;
	v27 =	vadd.s32 $0x18D, v0;
	v28 =	vadd.s32 $0xE, v0;
	s13 =	sor.u32 $0x30, s3;
	[dreg:$0x3] =	wrdreg s6;
	s31 =	sadd.s32 $0x70, s6  }
0xe: {  	v29 =	vadd.s32 $0x18E, v0;
	v30 =	vadd.s32 $0xF, v0;
	v31 =	vadd.s32 $0x18F, v0;
	s8 =	simm.s32 $0xC8C0;
	s6 =	simm.s32 $0x4;
	[dreg:$0x4] =	wrdreg s31  }
.LBB2_24:
0xf: {  	s0 =	simm.s32 $0x5  }
0x10: {  	_ =	swait.ge [sflag:s0], $0x1900  }
0x11: {  	[sflag:s0] =	ssyncset.done $0x0  }
0x12: {  	[sflag:s0] =	ssyncadd.s32 $0xFFFFE700  }
0x13: {  	_ =	swait.ge [sflag:s16], $0x1900  }
0x14: {  	[sflag:s16] =	ssyncset.done $0x0  }
0x15: {  	[sflag:s16] =	ssyncadd.s32 $0xFFFFE700  }
0x16: {  	_ =	swait.ge [sflag:s0], $0x1900  }
0x17: {  	[sflag:s0] =	ssyncset.done $0x0  }
0x18: {  	[sflag:s0] =	ssyncadd.s32 $0xFFFFE700  }
0x19: {  	_ =	swait.ge [sflag:s16], $0x1900  }
0x1a: {  	[sflag:s16] =	ssyncset.done $0x0  }
0x1b: {  	[sflag:s16] =	ssyncadd.s32 $0xFFFFE700  }
0x1c: {  	_ =	swait.ge [sflag:s0], $0x1900  }
0x1d: {  	[sflag:s0] =	ssyncset.done $0x0  }
0x1e: {  	[sflag:s0] =	ssyncadd.s32 $0xFFFFE700  }
0x1f: {  	_ =	swait.ge [sflag:s16], $0x1900  }
0x20: {  	[sflag:s16] =	ssyncset.done $0x0  }
0x21: {  	[sflag:s16] =	ssyncadd.s32 $0xFFFFE700  }
0x22: {  	_ =	swait.ge [sflag:s0], $0x1900  }
0x23: {  	[sflag:s0] =	ssyncset.done $0x0  }
0x24: {  	[sflag:s0] =	ssyncadd.s32 $0xFFFFE700  }
0x25: {  	_ =	swait.ge [sflag:s16], $0x1900  }
0x26: {  	s1 =	rddreg [dreg:$0x6]  }
0x27: {  	s31 =	rddreg [dreg:$0x5];
	s1 =	sadd.s32 $0x1, s1  }
0x28: {  	p0 =	sne.s32 s1, s31  }
.Ltmp1:
0x29: {  	_ = 	snop;
	(pc) =	sbr.rel @!p0 .LBB2_25-.Ltmp1, $3  }
0x2a: {  	_ =	sdelay $0x1  }
0x2b: {  	[sflag:s16] =	ssyncset.done $0x0  }
0x2c: {  	[sflag:s16] =	ssyncadd.s32 $0xFFFFE700  }
.LBB2_1:
0x2d: {  	[dreg:$0x6] =	wrdreg s1  }
0x2e: {  	s0 =	rddreg [dreg:$0x3]  }
0x2f: {  	[tilespmem:s4], [sflag:$0x1] =	stream.linear.gather [hbm4b:s0+s4], $0x380, $0x38;
	[tilespmem:$0x1FB00] =	vst v63  }
0x30: {  	s30 =	rddreg [dreg:$0x4];
	s31 =	simm.s32 $0x1  }
0x31: {  	[tilespmem:s15], [sflag:$0x2] =	stream.linear.gather [hbm4b:s30+s4], $0x380, $0x38;
	[tilespmem:$0x1FB00] =	vst v63  }
0x32: {  	_ =	swait.ge [sflag:s31], $0x380  }
0x33: {  	[sflag:s31] =	ssyncset.done $0x0  }
0x34: {  	s1 =	simm.s32 $0x700;
	[sflag:s31] =	ssyncadd.s32 $0xFFFFFC80  }
0x35: {  	[tilespmem:s1], [sflag:$0x3] =	stream.indirect.gather [hbm4b:s7+s17], $0x20, s4, s17, $0xb8;
	[tilespmem:$0x1FB00] =	vst v63  }
0x36: {  	s21 =	simm.s32 $0x38;
	s22 =	simm.s32 $0xD40  }
0x37: {  	[tilespmem:s22], [sflag:$0x3] =	stream.indirect.gather [hbm4b:s7+s17], $0x20, s21, s17, $0xb8;
	[tilespmem:$0x1FB00] =	vst v63  }
0x38: {  	s23 =	simm.s32 $0x70;
	s24 =	simm.s32 $0x1380  }
0x39: {  	[tilespmem:s24], [sflag:$0x3] =	stream.indirect.gather [hbm4b:s7+s17], $0x20, s23, s17, $0xb8;
	[tilespmem:$0x1FB00] =	vst v63  }
0x3a: {  	s25 =	simm.s32 $0xA8;
	s26 =	simm.s32 $0x19C0  }
0x3b: {  	[tilespmem:s26], [sflag:$0x3] =	stream.indirect.gather [hbm4b:s7+s17], $0x20, s25, s17, $0xb8;
	[tilespmem:$0x1FB00] =	vst v63  }
0x3c: {  	s28 =	simm.s32 $0xE0;
	s29 =	simm.s32 $0x2000  }
0x3d: {  	[tilespmem:s29], [sflag:$0x3] =	stream.indirect.gather [hbm4b:s7+s17], $0x20, s28, s17, $0xb8;
	[tilespmem:$0x1FB00] =	vst v63  }
0x3e: {  	s30 =	simm.s32 $0x118;
	s31 =	simm.s32 $0x2640  }
0x3f: {  	[tilespmem:s31], [sflag:$0x3] =	stream.indirect.gather [hbm4b:s7+s17], $0x20, s30, s17, $0xb8;
	[tilespmem:$0x1FB00] =	vst v63  }
0x40: {  	s21 =	simm.s32 $0x150;
	s22 =	simm.s32 $0x2C80  }
0x41: {  	[tilespmem:s22], [sflag:$0x3] =	stream.indirect.gather [hbm4b:s7+s17], $0x20, s21, s17, $0xb8;
	[tilespmem:$0x1FB00] =	vst v63  }
0x42: {  	s23 =	simm.s32 $0x188;
	s24 =	simm.s32 $0x32C0  }
0x43: {  	[tilespmem:s24], [sflag:$0x3] =	stream.indirect.gather [hbm4b:s7+s17], $0x20, s23, s17, $0xb8;
	[tilespmem:$0x1FB00] =	vst v63  }
0x44: {  	s25 =	simm.s32 $0x1C0;
	s26 =	simm.s32 $0x3900  }
0x45: {  	[tilespmem:s26], [sflag:$0x3] =	stream.indirect.gather [hbm4b:s7+s17], $0x20, s25, s17, $0xb8;
	[tilespmem:$0x1FB00] =	vst v63  }
0x46: {  	s28 =	simm.s32 $0x1F8;
	s29 =	simm.s32 $0x3F40  }
0x47: {  	[tilespmem:s29], [sflag:$0x3] =	stream.indirect.gather [hbm4b:s7+s17], $0x20, s28, s17, $0xb8;
	[tilespmem:$0x1FB00] =	vst v63  }
0x48: {  	s30 =	simm.s32 $0x230;
	s31 =	simm.s32 $0x4580  }
0x49: {  	[tilespmem:s31], [sflag:$0x3] =	stream.indirect.gather [hbm4b:s7+s17], $0x20, s30, s17, $0xb8;
	[tilespmem:$0x1FB00] =	vst v63  }
0x4a: {  	s21 =	simm.s32 $0x268;
	s22 =	simm.s32 $0x4BC0  }
0x4b: {  	[tilespmem:s22], [sflag:$0x3] =	stream.indirect.gather [hbm4b:s7+s17], $0x20, s21, s17, $0xb8;
	[tilespmem:$0x1FB00] =	vst v63  }
0x4c: {  	s23 =	simm.s32 $0x2A0;
	s24 =	simm.s32 $0x5200  }
0x4d: {  	[tilespmem:s24], [sflag:$0x3] =	stream.indirect.gather [hbm4b:s7+s17], $0x20, s23, s17, $0xb8;
	[tilespmem:$0x1FB00] =	vst v63  }
0x4e: {  	s25 =	simm.s32 $0x2D8;
	s26 =	simm.s32 $0x5840  }
0x4f: {  	[tilespmem:s26], [sflag:$0x3] =	stream.indirect.gather [hbm4b:s7+s17], $0x20, s25, s17, $0xb8;
	[tilespmem:$0x1FB00] =	vst v63  }
0x50: {  	s28 =	simm.s32 $0x310;
	s29 =	simm.s32 $0x5E80  }
0x51: {  	[tilespmem:s29], [sflag:$0x3] =	stream.indirect.gather [hbm4b:s7+s17], $0x20, s28, s17, $0xb8;
	[tilespmem:$0x1FB00] =	vst v63  }
0x52: {  	s30 =	simm.s32 $0x348;
	s31 =	simm.s32 $0x64C0;
	s21 =	simm.s32 $0x0  }
0x53: {  	[tilespmem:s31], [sflag:$0x3] =	stream.indirect.gather [hbm4b:s7+s17], $0x20, s30, s17, $0xb8;
	[tilespmem:$0x1FB00] =	vst v63  }
.LBB2_2:
0x54: {  	_ =	swait.ge [sflag:s19], $0x640  }
0x55: {  	[sflag:s19] =	ssyncset.done $0x0  }
0x56: {  	[sflag:s19] =	ssyncadd.s32 $0xFFFFF9C0  }
0x57: {  	_ =	swait.ge [sflag:s19], $0x640  }
0x58: {  	[sflag:s19] =	ssyncset.done $0x0  }
0x59: {  	[sflag:s19] =	ssyncadd.s32 $0xFFFFF9C0  }
0x5a: {  	_ =	swait.ge [sflag:s19], $0x640  }
0x5b: {  	[sflag:s19] =	ssyncset.done $0x0  }
0x5c: {  	[sflag:s19] =	ssyncadd.s32 $0xFFFFF9C0  }
0x5d: {  	_ =	swait.ge [sflag:s19], $0x640  }
0x5e: {  	[sflag:s19] =	ssyncset.done $0x0  }
0x5f: {  	[sflag:s19] =	ssyncadd.s32 $0xFFFFF9C0  }
0x60: {  	_ =	swait.ge [sflag:s19], $0x640  }
0x61: {  	[sflag:s19] =	ssyncset.done $0x0  }
0x62: {  	[sflag:s19] =	ssyncadd.s32 $0xFFFFF9C0  }
0x63: {  	_ =	swait.ge [sflag:s19], $0x640  }
0x64: {  	[sflag:s19] =	ssyncset.done $0x0  }
0x65: {  	[sflag:s19] =	ssyncadd.s32 $0xFFFFF9C0  }
0x66: {  	_ =	swait.ge [sflag:s19], $0x640  }
0x67: {  	[sflag:s19] =	ssyncset.done $0x0  }
0x68: {  	[sflag:s19] =	ssyncadd.s32 $0xFFFFF9C0  }
0x69: {  	_ =	swait.ge [sflag:s19], $0x640  }
0x6a: {  	[sflag:s19] =	ssyncset.done $0x0  }
0x6b: {  	[sflag:s19] =	ssyncadd.s32 $0xFFFFF9C0  }
0x6c: {  	_ =	swait.ge [sflag:s19], $0x640  }
0x6d: {  	[sflag:s19] =	ssyncset.done $0x0  }
0x6e: {  	[sflag:s19] =	ssyncadd.s32 $0xFFFFF9C0  }
0x6f: {  	_ =	swait.ge [sflag:s19], $0x640  }
0x70: {  	[sflag:s19] =	ssyncset.done $0x0  }
0x71: {  	[sflag:s19] =	ssyncadd.s32 $0xFFFFF9C0  }
0x72: {  	_ =	swait.ge [sflag:s19], $0x640  }
0x73: {  	[sflag:s19] =	ssyncset.done $0x0  }
0x74: {  	[sflag:s19] =	ssyncadd.s32 $0xFFFFF9C0  }
0x75: {  	_ =	swait.ge [sflag:s19], $0x640  }
0x76: {  	[sflag:s19] =	ssyncset.done $0x0  }
0x77: {  	[sflag:s19] =	ssyncadd.s32 $0xFFFFF9C0  }
0x78: {  	_ =	swait.ge [sflag:s19], $0x640  }
0x79: {  	[sflag:s19] =	ssyncset.done $0x0  }
0x7a: {  	[sflag:s19] =	ssyncadd.s32 $0xFFFFF9C0  }
0x7b: {  	_ =	swait.ge [sflag:s19], $0x640  }
0x7c: {  	[sflag:s19] =	ssyncset.done $0x0  }
0x7d: {  	[sflag:s19] =	ssyncadd.s32 $0xFFFFF9C0  }
0x7e: {  	_ =	swait.ge [sflag:s19], $0x640  }
0x7f: {  	[sflag:s19] =	ssyncset.done $0x0  }
0x80: {  	[sflag:s19] =	ssyncadd.s32 $0xFFFFF9C0  }
0x81: {  	_ =	swait.ge [sflag:s19], $0x640  }
0x82: {  	[sflag:s19] =	ssyncset.done $0x0  }
0x83: {  	[sflag:s19] =	ssyncadd.s32 $0xFFFFF9C0  }
0x84: {  	_ =	swait.ge [sflag:s20], $0x380  }
0x85: {  	[sflag:s20] =	ssyncset.done $0x0  }
0x86: {  	s0 =	simm.s32 $0x6B00;
	[sflag:s20] =	ssyncadd.s32 $0xFFFFFC80  }
0x87: {  	[tilespmem:s0], [sflag:$0x4] =	stream.indirect.gather [hbm4b:s7+s17], $0x20, s15, s17, $0xb8;
	[tilespmem:$0x1FB00] =	vst v63  }
0x88: {  	s24 =	simm.s32 $0x3B8;
	s1 =	simm.s32 $0x7140  }
0x89: {  	[tilespmem:s1], [sflag:$0x4] =	stream.indirect.gather [hbm4b:s7+s17], $0x20, s24, s17, $0xb8;
	[tilespmem:$0x1FB00] =	vst v63  }
0x8a: {  	s25 =	simm.s32 $0x3F0;
	s26 =	simm.s32 $0x7780  }
0x8b: {  	[tilespmem:s26], [sflag:$0x4] =	stream.indirect.gather [hbm4b:s7+s17], $0x20, s25, s17, $0xb8;
	[tilespmem:$0x1FB00] =	vst v63  }
0x8c: {  	s28 =	simm.s32 $0x428;
	s29 =	simm.s32 $0x7DC0  }
0x8d: {  	[tilespmem:s29], [sflag:$0x4] =	stream.indirect.gather [hbm4b:s7+s17], $0x20, s28, s17, $0xb8;
	[tilespmem:$0x1FB00] =	vst v63  }
0x8e: {  	s30 =	simm.s32 $0x460;
	s31 =	simm.s32 $0x8400  }
0x8f: {  	[tilespmem:s31], [sflag:$0x4] =	stream.indirect.gather [hbm4b:s7+s17], $0x20, s30, s17, $0xb8;
	[tilespmem:$0x1FB00] =	vst v63  }
0x90: {  	s22 =	simm.s32 $0x8A40;
	s1 =	simm.s32 $0x498  }
0x91: {  	[tilespmem:s22], [sflag:$0x4] =	stream.indirect.gather [hbm4b:s7+s17], $0x20, s1, s17, $0xb8;
	[tilespmem:$0x1FB00] =	vst v63  }
0x92: {  	s23 =	simm.s32 $0x4D0;
	s24 =	simm.s32 $0x9080  }
0x93: {  	[tilespmem:s24], [sflag:$0x4] =	stream.indirect.gather [hbm4b:s7+s17], $0x20, s23, s17, $0xb8;
	[tilespmem:$0x1FB00] =	vst v63  }
0x94: {  	s25 =	simm.s32 $0x508;
	s26 =	simm.s32 $0x96C0  }
0x95: {  	[tilespmem:s26], [sflag:$0x4] =	stream.indirect.gather [hbm4b:s7+s17], $0x20, s25, s17, $0xb8;
	[tilespmem:$0x1FB00] =	vst v63  }
0x96: {  	s28 =	simm.s32 $0x540;
	s29 =	simm.s32 $0x9D00  }
0x97: {  	[tilespmem:s29], [sflag:$0x4] =	stream.indirect.gather [hbm4b:s7+s17], $0x20, s28, s17, $0xb8;
	[tilespmem:$0x1FB00] =	vst v63  }
0x98: {  	s30 =	simm.s32 $0x578;
	s31 =	simm.s32 $0xA340  }
0x99: {  	[tilespmem:s31], [sflag:$0x4] =	stream.indirect.gather [hbm4b:s7+s17], $0x20, s30, s17, $0xb8;
	[tilespmem:$0x1FB00] =	vst v63  }
0x9a: {  	s1 =	simm.s32 $0x5B0;
	s22 =	simm.s32 $0xA980  }
0x9b: {  	[tilespmem:s22], [sflag:$0x4] =	stream.indirect.gather [hbm4b:s7+s17], $0x20, s1, s17, $0xb8;
	[tilespmem:$0x1FB00] =	vst v63  }
0x9c: {  	s23 =	simm.s32 $0x5E8;
	s24 =	simm.s32 $0xAFC0  }
0x9d: {  	[tilespmem:s24], [sflag:$0x4] =	stream.indirect.gather [hbm4b:s7+s17], $0x20, s23, s17, $0xb8;
	[tilespmem:$0x1FB00] =	vst v63  }
0x9e: {  	s25 =	simm.s32 $0x620;
	s26 =	simm.s32 $0xB600  }
0x9f: {  	[tilespmem:s26], [sflag:$0x4] =	stream.indirect.gather [hbm4b:s7+s17], $0x20, s25, s17, $0xb8;
	[tilespmem:$0x1FB00] =	vst v63  }
0xa0: {  	s28 =	simm.s32 $0x658;
	s29 =	simm.s32 $0xBC40  }
0xa1: {  	[tilespmem:s29], [sflag:$0x4] =	stream.indirect.gather [hbm4b:s7+s17], $0x20, s28, s17, $0xb8;
	[tilespmem:$0x1FB00] =	vst v63  }
0xa2: {  	p0 =	seq.s32 s21, $0x0;
	s30 =	simm.s32 $0x690;
	s31 =	simm.s32 $0xC280  }
0xa3: {  	[tilespmem:s31], [sflag:$0x4] =	stream.indirect.gather [hbm4b:s7+s17], $0x20, s30, s17, $0xb8;
	[tilespmem:$0x1FB00] =	vst v63  }
0xa4: {  	s22 =	simm.s32 @!p0 $0x5  }
0xa5: {  	[tilespmem:s8], [sflag:$0x4] =	stream.indirect.gather [hbm4b:s7+s17], $0x20, s18, s17, $0xb8;
	[tilespmem:$0x1FB00] =	vst v63  }
0xa6: {  	_ =	swait.ge @!p0 [sflag:s22], $0x1900  }
0xa7: {  	[sflag:s22] =	ssyncset.done @!p0 $0x0  }
0xa8: {  	[sflag:s22] =	ssyncadd.s32 @!p0 $0xFFFFE700  }
0xa9: {  	_ =	swait.ge @!p0 [sflag:s22], $0x1900  }
0xaa: {  	[sflag:s22] =	ssyncset.done @!p0 $0x0  }
0xab: {  	[sflag:s22] =	ssyncadd.s32 @!p0 $0xFFFFE700  }
0xac: {  	s23 =	simm.s32 $0x0;
	_ =	swait.ge @!p0 [sflag:s22], $0x1900  }
0xad: {  	v32 =	vmov s23;
	[sflag:s22] =	ssyncset.done @!p0 $0x0  }
0xae: {  	v32 =	vmul.u32 $0x300, v32;
	[sflag:s22] =	ssyncadd.s32 @!p0 $0xFFFFE700  }
0xaf: {  	_ =	swait.ge @!p0 [sflag:s22], $0x1900  }
0xb0: {  	v32 =	vbroadcast v32, $0x0;
	[sflag:s22] =	ssyncset.done @!p0 $0x0  }
0xb1: {  	s25 =	simm.s32 $0x0;
	[sflag:s22] =	ssyncadd.s32 @!p0 $0xFFFFE700  }
0xb2: {  	v34 =	vadd.s32 v0, v32;
	v33 =	vld [tilespmem:s25+$0x700];
	_ =	sdelay $0x4  }
0xb3: {  	[tilespmem:v34+s14+$0x0] =	vst.idx.msk $0xffff, v33  }
0xb4: {  	v62 =	vadd.s32 v1, v32;
	v33 =	vld [tilespmem:s25+$0x710];
	_ =	sdelay $0x4  }
0xb5: {  	[tilespmem:v62+s14+$0x0] =	vst.idx.msk $0xffff, v33  }
0xb6: {  	v63 =	vadd.s32 v2, v32;
	v33 =	vld [tilespmem:s25+$0xD40];
	_ =	sdelay $0x4  }
0xb7: {  	[tilespmem:v63+s14+$0x0] =	vst.idx.msk $0xffff, v33  }
0xb8: {  	v36 =	vadd.s32 v3, v32;
	v33 =	vld [tilespmem:s25+$0xD50];
	_ =	sdelay $0x4  }
0xb9: {  	[tilespmem:v36+s14+$0x0] =	vst.idx.msk $0xffff, v33  }
0xba: {  	v37 =	vadd.s32 v4, v32;
	v33 =	vld [tilespmem:s25+$0x1380];
	_ =	sdelay $0x4  }
0xbb: {  	[tilespmem:v37+s14+$0x0] =	vst.idx.msk $0xffff, v33  }
0xbc: {  	v38 =	vadd.s32 v5, v32;
	v33 =	vld [tilespmem:s25+$0x1390];
	_ =	sdelay $0x4  }
0xbd: {  	[tilespmem:v38+s14+$0x0] =	vst.idx.msk $0xffff, v33  }
0xbe: {  	v39 =	vadd.s32 v6, v32;
	v33 =	vld [tilespmem:s25+$0x19C0];
	_ =	sdelay $0x4  }
0xbf: {  	[tilespmem:v39+s14+$0x0] =	vst.idx.msk $0xffff, v33  }
0xc0: {  	v40 =	vadd.s32 v7, v32;
	v33 =	vld [tilespmem:s25+$0x19D0];
	_ =	sdelay $0x4  }
0xc1: {  	[tilespmem:v40+s14+$0x0] =	vst.idx.msk $0xffff, v33  }
0xc2: {  	v41 =	vadd.s32 v8, v32;
	v33 =	vld [tilespmem:s25+$0x2000];
	_ =	sdelay $0x4  }
0xc3: {  	[tilespmem:v41+s14+$0x0] =	vst.idx.msk $0xffff, v33  }
0xc4: {  	v42 =	vadd.s32 v9, v32;
	v33 =	vld [tilespmem:s25+$0x2010];
	_ =	sdelay $0x4  }
0xc5: {  	[tilespmem:v42+s14+$0x0] =	vst.idx.msk $0xffff, v33  }
0xc6: {  	v43 =	vadd.s32 v10, v32;
	v33 =	vld [tilespmem:s25+$0x2640];
	_ =	sdelay $0x4  }
0xc7: {  	[tilespmem:v43+s14+$0x0] =	vst.idx.msk $0xffff, v33  }
0xc8: {  	v44 =	vadd.s32 v11, v32;
	v33 =	vld [tilespmem:s25+$0x2650];
	_ =	sdelay $0x4  }
0xc9: {  	[tilespmem:v44+s14+$0x0] =	vst.idx.msk $0xffff, v33  }
0xca: {  	v45 =	vadd.s32 v12, v32;
	v33 =	vld [tilespmem:s25+$0x2C80];
	_ =	sdelay $0x4  }
0xcb: {  	[tilespmem:v45+s14+$0x0] =	vst.idx.msk $0xffff, v33  }
0xcc: {  	v46 =	vadd.s32 v13, v32;
	v33 =	vld [tilespmem:s25+$0x2C90];
	_ =	sdelay $0x4  }
0xcd: {  	[tilespmem:v46+s14+$0x0] =	vst.idx.msk $0xffff, v33  }
0xce: {  	v47 =	vadd.s32 v14, v32;
	v33 =	vld [tilespmem:s25+$0x32C0];
	_ =	sdelay $0x4  }
0xcf: {  	[tilespmem:v47+s14+$0x0] =	vst.idx.msk $0xffff, v33  }
0xd0: {  	v48 =	vadd.s32 v15, v32;
	v33 =	vld [tilespmem:s25+$0x32D0];
	_ =	sdelay $0x4  }
0xd1: {  	[tilespmem:v48+s14+$0x0] =	vst.idx.msk $0xffff, v33  }
0xd2: {  	v49 =	vadd.s32 v16, v32;
	v33 =	vld [tilespmem:s25+$0x3900];
	_ =	sdelay $0x4  }
0xd3: {  	[tilespmem:v49+s14+$0x0] =	vst.idx.msk $0xffff, v33  }
0xd4: {  	v50 =	vadd.s32 v17, v32;
	v33 =	vld [tilespmem:s25+$0x3910];
	_ =	sdelay $0x4  }
0xd5: {  	[tilespmem:v50+s14+$0x0] =	vst.idx.msk $0xffff, v33  }
0xd6: {  	v51 =	vadd.s32 v18, v32;
	v33 =	vld [tilespmem:s25+$0x3F40];
	_ =	sdelay $0x4  }
0xd7: {  	[tilespmem:v51+s14+$0x0] =	vst.idx.msk $0xffff, v33  }
0xd8: {  	v52 =	vadd.s32 v19, v32;
	v33 =	vld [tilespmem:s25+$0x3F50];
	_ =	sdelay $0x4  }
0xd9: {  	[tilespmem:v52+s14+$0x0] =	vst.idx.msk $0xffff, v33  }
0xda: {  	v53 =	vadd.s32 v20, v32;
	v33 =	vld [tilespmem:s25+$0x4580];
	_ =	sdelay $0x4  }
0xdb: {  	[tilespmem:v53+s14+$0x0] =	vst.idx.msk $0xffff, v33  }
0xdc: {  	v54 =	vadd.s32 v21, v32;
	v33 =	vld [tilespmem:s25+$0x4590];
	_ =	sdelay $0x4  }
0xdd: {  	[tilespmem:v54+s14+$0x0] =	vst.idx.msk $0xffff, v33  }
0xde: {  	v55 =	vadd.s32 v22, v32;
	v33 =	vld [tilespmem:s25+$0x4BC0];
	_ =	sdelay $0x4  }
0xdf: {  	[tilespmem:v55+s14+$0x0] =	vst.idx.msk $0xffff, v33  }
0xe0: {  	v56 =	vadd.s32 v23, v32;
	v33 =	vld [tilespmem:s25+$0x4BD0];
	_ =	sdelay $0x4  }
0xe1: {  	[tilespmem:v56+s14+$0x0] =	vst.idx.msk $0xffff, v33  }
0xe2: {  	v57 =	vadd.s32 v24, v32;
	v33 =	vld [tilespmem:s25+$0x5200];
	_ =	sdelay $0x4  }
0xe3: {  	[tilespmem:v57+s14+$0x0] =	vst.idx.msk $0xffff, v33  }
0xe4: {  	v58 =	vadd.s32 v25, v32;
	v33 =	vld [tilespmem:s25+$0x5210];
	_ =	sdelay $0x4  }
0xe5: {  	[tilespmem:v58+s14+$0x0] =	vst.idx.msk $0xffff, v33  }
0xe6: {  	v59 =	vadd.s32 v26, v32;
	v33 =	vld [tilespmem:s25+$0x5840];
	_ =	sdelay $0x4  }
0xe7: {  	[tilespmem:v59+s14+$0x0] =	vst.idx.msk $0xffff, v33  }
0xe8: {  	v60 =	vadd.s32 v27, v32;
	v33 =	vld [tilespmem:s25+$0x5850];
	_ =	sdelay $0x4  }
0xe9: {  	[tilespmem:v60+s14+$0x0] =	vst.idx.msk $0xffff, v33  }
0xea: {  	v61 =	vadd.s32 v28, v32;
	v33 =	vld [tilespmem:s25+$0x5E80];
	_ =	sdelay $0x4  }
0xeb: {  	[tilespmem:v61+s14+$0x0] =	vst.idx.msk $0xffff, v33  }
0xec: {  	v62 =	vadd.s32 v29, v32;
	v33 =	vld [tilespmem:s25+$0x5E90];
	_ =	sdelay $0x4  }
0xed: {  	[tilespmem:v62+s14+$0x0] =	vst.idx.msk $0xffff, v33  }
0xee: {  	v63 =	vadd.s32 v30, v32;
	v33 =	vld [tilespmem:s25+$0x64C0];
	_ =	sdelay $0x4  }
0xef: {  	[tilespmem:v63+s14+$0x0] =	vst.idx.msk $0xffff, v33  }
0xf0: {  	s23 =	simm.s32 $0x1;
	v34 =	vadd.s32 v31, v32;
	v33 =	vld [tilespmem:s25+$0x64D0]  }
0xf1: {  	s24 =	simm.s32 $0x80;
	s22 =	sshll.u32 s21, $0x5;
	v32 =	vmov s23;
	s25 =	simm.s32 $0x100  }
.LBB2_3:
0xf2: {  	p0 =	sne.s32 s25, $0x1880;
	v32 =	vmul.u32 $0x300, v32;
	_ =	sdelay $0x1  }
0xf3: {  	v32 =	vbroadcast v32, $0x0  }
0xf4: {  	s26 =	sshra.s32 s24, $0x2;
	s24 =	smov.u32 s25;
	[tilespmem:v34+s14+$0x0] =	vst.idx.msk $0xffff, v33  }
0xf5: {  	v33 =	vld [tilespmem:s26+$0x700];
	v34 =	vadd.s32 v0, v32;
	_ =	sdelay $0x4  }
0xf6: {  	[tilespmem:v34+s14+$0x0] =	vst.idx.msk $0xffff, v33  }
0xf7: {  	v34 =	vadd.s32 v1, v32;
	v33 =	vld [tilespmem:s26+$0x710];
	_ =	sdelay $0x4  }
0xf8: {  	[tilespmem:v34+s14+$0x0] =	vst.idx.msk $0xffff, v33  }
0xf9: {  	v34 =	vadd.s32 v2, v32;
	v33 =	vld [tilespmem:s26+$0xD40];
	_ =	sdelay $0x4  }
0xfa: {  	[tilespmem:v34+s14+$0x0] =	vst.idx.msk $0xffff, v33  }
0xfb: {  	v34 =	vadd.s32 v3, v32;
	v33 =	vld [tilespmem:s26+$0xD50];
	_ =	sdelay $0x4  }
0xfc: {  	[tilespmem:v34+s14+$0x0] =	vst.idx.msk $0xffff, v33  }
0xfd: {  	v34 =	vadd.s32 v4, v32;
	v33 =	vld [tilespmem:s26+$0x1380];
	_ =	sdelay $0x4  }
0xfe: {  	[tilespmem:v34+s14+$0x0] =	vst.idx.msk $0xffff, v33  }
0xff: {  	v34 =	vadd.s32 v5, v32;
	v33 =	vld [tilespmem:s26+$0x1390];
	_ =	sdelay $0x4  }
0x100: {  	[tilespmem:v34+s14+$0x0] =	vst.idx.msk $0xffff, v33  }
0x101: {  	v34 =	vadd.s32 v6, v32;
	v33 =	vld [tilespmem:s26+$0x19C0];
	_ =	sdelay $0x4  }
0x102: {  	[tilespmem:v34+s14+$0x0] =	vst.idx.msk $0xffff, v33  }
0x103: {  	v34 =	vadd.s32 v7, v32;
	v33 =	vld [tilespmem:s26+$0x19D0];
	_ =	sdelay $0x4  }
0x104: {  	[tilespmem:v34+s14+$0x0] =	vst.idx.msk $0xffff, v33  }
0x105: {  	v34 =	vadd.s32 v8, v32;
	v33 =	vld [tilespmem:s26+$0x2000];
	_ =	sdelay $0x4  }
0x106: {  	[tilespmem:v34+s14+$0x0] =	vst.idx.msk $0xffff, v33  }
0x107: {  	v34 =	vadd.s32 v9, v32;
	v33 =	vld [tilespmem:s26+$0x2010];
	_ =	sdelay $0x4  }
0x108: {  	[tilespmem:v34+s14+$0x0] =	vst.idx.msk $0xffff, v33  }
0x109: {  	v34 =	vadd.s32 v10, v32;
	v33 =	vld [tilespmem:s26+$0x2640];
	_ =	sdelay $0x4  }
0x10a: {  	[tilespmem:v34+s14+$0x0] =	vst.idx.msk $0xffff, v33  }
0x10b: {  	v34 =	vadd.s32 v11, v32;
	v33 =	vld [tilespmem:s26+$0x2650];
	_ =	sdelay $0x4  }
0x10c: {  	[tilespmem:v34+s14+$0x0] =	vst.idx.msk $0xffff, v33  }
0x10d: {  	v34 =	vadd.s32 v12, v32;
	v33 =	vld [tilespmem:s26+$0x2C80];
	_ =	sdelay $0x4  }
0x10e: {  	[tilespmem:v34+s14+$0x0] =	vst.idx.msk $0xffff, v33  }
0x10f: {  	v34 =	vadd.s32 v13, v32;
	v33 =	vld [tilespmem:s26+$0x2C90];
	_ =	sdelay $0x4  }
0x110: {  	[tilespmem:v34+s14+$0x0] =	vst.idx.msk $0xffff, v33  }
0x111: {  	v34 =	vadd.s32 v14, v32;
	v33 =	vld [tilespmem:s26+$0x32C0];
	_ =	sdelay $0x4  }
0x112: {  	[tilespmem:v34+s14+$0x0] =	vst.idx.msk $0xffff, v33  }
0x113: {  	v34 =	vadd.s32 v15, v32;
	v33 =	vld [tilespmem:s26+$0x32D0];
	_ =	sdelay $0x4  }
0x114: {  	[tilespmem:v34+s14+$0x0] =	vst.idx.msk $0xffff, v33  }
0x115: {  	v34 =	vadd.s32 v16, v32;
	v33 =	vld [tilespmem:s26+$0x3900];
	_ =	sdelay $0x4  }
0x116: {  	[tilespmem:v34+s14+$0x0] =	vst.idx.msk $0xffff, v33  }
0x117: {  	v34 =	vadd.s32 v17, v32;
	v33 =	vld [tilespmem:s26+$0x3910];
	_ =	sdelay $0x4  }
0x118: {  	[tilespmem:v34+s14+$0x0] =	vst.idx.msk $0xffff, v33  }
0x119: {  	v34 =	vadd.s32 v18, v32;
	v33 =	vld [tilespmem:s26+$0x3F40];
	_ =	sdelay $0x4  }
0x11a: {  	[tilespmem:v34+s14+$0x0] =	vst.idx.msk $0xffff, v33  }
0x11b: {  	v34 =	vadd.s32 v19, v32;
	v33 =	vld [tilespmem:s26+$0x3F50];
	_ =	sdelay $0x4  }
0x11c: {  	[tilespmem:v34+s14+$0x0] =	vst.idx.msk $0xffff, v33  }
0x11d: {  	v34 =	vadd.s32 v20, v32;
	v33 =	vld [tilespmem:s26+$0x4580];
	_ =	sdelay $0x4  }
0x11e: {  	[tilespmem:v34+s14+$0x0] =	vst.idx.msk $0xffff, v33  }
0x11f: {  	v34 =	vadd.s32 v21, v32;
	v33 =	vld [tilespmem:s26+$0x4590];
	_ =	sdelay $0x4  }
0x120: {  	[tilespmem:v34+s14+$0x0] =	vst.idx.msk $0xffff, v33  }
0x121: {  	v34 =	vadd.s32 v22, v32;
	v33 =	vld [tilespmem:s26+$0x4BC0];
	_ =	sdelay $0x4  }
0x122: {  	[tilespmem:v34+s14+$0x0] =	vst.idx.msk $0xffff, v33  }
0x123: {  	v34 =	vadd.s32 v23, v32;
	v33 =	vld [tilespmem:s26+$0x4BD0];
	_ =	sdelay $0x4  }
0x124: {  	[tilespmem:v34+s14+$0x0] =	vst.idx.msk $0xffff, v33  }
0x125: {  	v34 =	vadd.s32 v24, v32;
	v33 =	vld [tilespmem:s26+$0x5200];
	_ =	sdelay $0x4  }
0x126: {  	[tilespmem:v34+s14+$0x0] =	vst.idx.msk $0xffff, v33  }
0x127: {  	v34 =	vadd.s32 v25, v32;
	v33 =	vld [tilespmem:s26+$0x5210];
	_ =	sdelay $0x4  }
0x128: {  	[tilespmem:v34+s14+$0x0] =	vst.idx.msk $0xffff, v33  }
0x129: {  	v34 =	vadd.s32 v26, v32;
	v33 =	vld [tilespmem:s26+$0x5840];
	_ =	sdelay $0x4  }
0x12a: {  	[tilespmem:v34+s14+$0x0] =	vst.idx.msk $0xffff, v33  }
0x12b: {  	v34 =	vadd.s32 v27, v32;
	v33 =	vld [tilespmem:s26+$0x5850];
	_ =	sdelay $0x4  }
0x12c: {  	[tilespmem:v34+s14+$0x0] =	vst.idx.msk $0xffff, v33  }
0x12d: {  	v34 =	vadd.s32 v28, v32;
	v33 =	vld [tilespmem:s26+$0x5E80];
	_ =	sdelay $0x4  }
0x12e: {  	[tilespmem:v34+s14+$0x0] =	vst.idx.msk $0xffff, v33  }
0x12f: {  	v34 =	vadd.s32 v29, v32;
	v33 =	vld [tilespmem:s26+$0x5E90];
	_ =	sdelay $0x4  }
0x130: {  	[tilespmem:v34+s14+$0x0] =	vst.idx.msk $0xffff, v33  }
0x131: {  	v34 =	vadd.s32 v30, v32;
	v33 =	vld [tilespmem:s26+$0x64C0];
	_ =	sdelay $0x2  }
.Ltmp2:
0x132: {  	(pc) =	sbr.rel @p0 .LBB2_3-.Ltmp2, $4  }
0x133: {  	_ = 	snop  }
0x134: {  	[tilespmem:v34+s14+$0x0] =	vst.idx.msk $0xffff, v33  }
0x135: {  	s23 =	sadd.s32 $0x1, s23;
	v34 =	vadd.s32 v31, v32;
	v33 =	vld [tilespmem:s26+$0x64D0]  }
0x136: {  	s25 =	sadd.s32 $0x80, s25;
	v32 =	vmov s23  }
0x137: {  	_ = 	snop  }
0x138: {  	v32 =	vmul.u32 $0x300, v32;
	_ =	sdelay $0x1  }
0x139: {  	v32 =	vbroadcast v32, $0x0  }
0x13a: {  	s25 =	sshra.s32 s24, $0x2;
	[tilespmem:v34+s14+$0x0] =	vst.idx.msk $0xffff, v33  }
0x13b: {  	v33 =	vld [tilespmem:s25+$0x700];
	v61 =	vadd.s32 v0, v32;
	_ =	sdelay $0x4  }
0x13c: {  	[tilespmem:v61+s14+$0x0] =	vst.idx.msk $0xffff, v33  }
0x13d: {  	v62 =	vadd.s32 v1, v32;
	v33 =	vld [tilespmem:s25+$0x710];
	_ =	sdelay $0x4  }
0x13e: {  	[tilespmem:v62+s14+$0x0] =	vst.idx.msk $0xffff, v33  }
0x13f: {  	v63 =	vadd.s32 v2, v32;
	v33 =	vld [tilespmem:s25+$0xD40];
	_ =	sdelay $0x4  }
0x140: {  	[tilespmem:v63+s14+$0x0] =	vst.idx.msk $0xffff, v33  }
0x141: {  	v36 =	vadd.s32 v3, v32;
	v33 =	vld [tilespmem:s25+$0xD50];
	_ =	sdelay $0x4  }
0x142: {  	[tilespmem:v36+s14+$0x0] =	vst.idx.msk $0xffff, v33  }
0x143: {  	v37 =	vadd.s32 v4, v32;
	v33 =	vld [tilespmem:s25+$0x1380];
	_ =	sdelay $0x4  }
0x144: {  	[tilespmem:v37+s14+$0x0] =	vst.idx.msk $0xffff, v33  }
0x145: {  	v38 =	vadd.s32 v5, v32;
	v33 =	vld [tilespmem:s25+$0x1390];
	_ =	sdelay $0x4  }
0x146: {  	[tilespmem:v38+s14+$0x0] =	vst.idx.msk $0xffff, v33  }
0x147: {  	v39 =	vadd.s32 v6, v32;
	v33 =	vld [tilespmem:s25+$0x19C0];
	_ =	sdelay $0x4  }
0x148: {  	[tilespmem:v39+s14+$0x0] =	vst.idx.msk $0xffff, v33  }
0x149: {  	v40 =	vadd.s32 v7, v32;
	v33 =	vld [tilespmem:s25+$0x19D0];
	_ =	sdelay $0x4  }
0x14a: {  	[tilespmem:v40+s14+$0x0] =	vst.idx.msk $0xffff, v33  }
0x14b: {  	v41 =	vadd.s32 v8, v32;
	v33 =	vld [tilespmem:s25+$0x2000];
	_ =	sdelay $0x4  }
0x14c: {  	[tilespmem:v41+s14+$0x0] =	vst.idx.msk $0xffff, v33  }
0x14d: {  	v42 =	vadd.s32 v9, v32;
	v33 =	vld [tilespmem:s25+$0x2010];
	_ =	sdelay $0x4  }
0x14e: {  	[tilespmem:v42+s14+$0x0] =	vst.idx.msk $0xffff, v33  }
0x14f: {  	v43 =	vadd.s32 v10, v32;
	v33 =	vld [tilespmem:s25+$0x2640];
	_ =	sdelay $0x4  }
0x150: {  	[tilespmem:v43+s14+$0x0] =	vst.idx.msk $0xffff, v33  }
0x151: {  	v44 =	vadd.s32 v11, v32;
	v33 =	vld [tilespmem:s25+$0x2650];
	_ =	sdelay $0x4  }
0x152: {  	[tilespmem:v44+s14+$0x0] =	vst.idx.msk $0xffff, v33  }
0x153: {  	v45 =	vadd.s32 v12, v32;
	v33 =	vld [tilespmem:s25+$0x2C80];
	_ =	sdelay $0x4  }
0x154: {  	[tilespmem:v45+s14+$0x0] =	vst.idx.msk $0xffff, v33  }
0x155: {  	v46 =	vadd.s32 v13, v32;
	v33 =	vld [tilespmem:s25+$0x2C90];
	_ =	sdelay $0x4  }
0x156: {  	[tilespmem:v46+s14+$0x0] =	vst.idx.msk $0xffff, v33  }
0x157: {  	v47 =	vadd.s32 v14, v32;
	v33 =	vld [tilespmem:s25+$0x32C0];
	_ =	sdelay $0x4  }
0x158: {  	[tilespmem:v47+s14+$0x0] =	vst.idx.msk $0xffff, v33  }
0x159: {  	v48 =	vadd.s32 v15, v32;
	v33 =	vld [tilespmem:s25+$0x32D0];
	_ =	sdelay $0x4  }
0x15a: {  	[tilespmem:v48+s14+$0x0] =	vst.idx.msk $0xffff, v33  }
0x15b: {  	v49 =	vadd.s32 v16, v32;
	v33 =	vld [tilespmem:s25+$0x3900];
	_ =	sdelay $0x4  }
0x15c: {  	[tilespmem:v49+s14+$0x0] =	vst.idx.msk $0xffff, v33  }
0x15d: {  	v50 =	vadd.s32 v17, v32;
	v33 =	vld [tilespmem:s25+$0x3910];
	_ =	sdelay $0x4  }
0x15e: {  	[tilespmem:v50+s14+$0x0] =	vst.idx.msk $0xffff, v33  }
0x15f: {  	v51 =	vadd.s32 v18, v32;
	v33 =	vld [tilespmem:s25+$0x3F40];
	_ =	sdelay $0x4  }
0x160: {  	[tilespmem:v51+s14+$0x0] =	vst.idx.msk $0xffff, v33  }
0x161: {  	v52 =	vadd.s32 v19, v32;
	v33 =	vld [tilespmem:s25+$0x3F50];
	_ =	sdelay $0x4  }
0x162: {  	[tilespmem:v52+s14+$0x0] =	vst.idx.msk $0xffff, v33  }
0x163: {  	v53 =	vadd.s32 v20, v32;
	v33 =	vld [tilespmem:s25+$0x4580];
	_ =	sdelay $0x4  }
0x164: {  	[tilespmem:v53+s14+$0x0] =	vst.idx.msk $0xffff, v33  }
0x165: {  	v54 =	vadd.s32 v21, v32;
	v33 =	vld [tilespmem:s25+$0x4590];
	_ =	sdelay $0x4  }
0x166: {  	[tilespmem:v54+s14+$0x0] =	vst.idx.msk $0xffff, v33  }
0x167: {  	v55 =	vadd.s32 v22, v32;
	v33 =	vld [tilespmem:s25+$0x4BC0];
	_ =	sdelay $0x4  }
0x168: {  	[tilespmem:v55+s14+$0x0] =	vst.idx.msk $0xffff, v33  }
0x169: {  	v56 =	vadd.s32 v23, v32;
	v33 =	vld [tilespmem:s25+$0x4BD0];
	_ =	sdelay $0x4  }
0x16a: {  	[tilespmem:v56+s14+$0x0] =	vst.idx.msk $0xffff, v33  }
0x16b: {  	v57 =	vadd.s32 v24, v32;
	v33 =	vld [tilespmem:s25+$0x5200];
	_ =	sdelay $0x4  }
0x16c: {  	[tilespmem:v57+s14+$0x0] =	vst.idx.msk $0xffff, v33  }
0x16d: {  	v58 =	vadd.s32 v25, v32;
	v33 =	vld [tilespmem:s25+$0x5210];
	_ =	sdelay $0x4  }
0x16e: {  	[tilespmem:v58+s14+$0x0] =	vst.idx.msk $0xffff, v33  }
0x16f: {  	v59 =	vadd.s32 v26, v32;
	v33 =	vld [tilespmem:s25+$0x5840];
	_ =	sdelay $0x4  }
0x170: {  	[tilespmem:v59+s14+$0x0] =	vst.idx.msk $0xffff, v33  }
0x171: {  	v60 =	vadd.s32 v27, v32;
	v33 =	vld [tilespmem:s25+$0x5850];
	_ =	sdelay $0x4  }
0x172: {  	[tilespmem:v60+s14+$0x0] =	vst.idx.msk $0xffff, v33  }
0x173: {  	v61 =	vadd.s32 v28, v32;
	v33 =	vld [tilespmem:s25+$0x5E80];
	_ =	sdelay $0x4  }
0x174: {  	[tilespmem:v61+s14+$0x0] =	vst.idx.msk $0xffff, v33  }
0x175: {  	v62 =	vadd.s32 v29, v32;
	v33 =	vld [tilespmem:s25+$0x5E90];
	_ =	sdelay $0x4  }
0x176: {  	[tilespmem:v62+s14+$0x0] =	vst.idx.msk $0xffff, v33  }
0x177: {  	v63 =	vadd.s32 v30, v32;
	v33 =	vld [tilespmem:s25+$0x64C0];
	_ =	sdelay $0x1  }
0x178: {  	s24 =	sor.u32 s3, s22;
	s23 =	sand.u32 $0x60, s22  }
0x179: {  	p0 =	seq.s32 s24, $0x0;
	p1 =	sne.s32 s23, $0x0  }
0x17a: {  	p0 =	por !p0, !p1  }
0x17b: {  	s26 =	simm.s32 $0x1;
	p0 =	por !p0, !p0;
	[tilespmem:v63+s14+$0x0] =	vst.idx.msk $0xffff, v33  }
0x17c: {  	s1 =	sshrl.u32 s24, $0x7;
	s26 =	simm.s32 @!p0 $0x0;
	v32 =	vadd.s32 v31, v32;
	v33 =	vld [tilespmem:s25+$0x64D0]  }
0x17d: {  	s25 =	ssub.s32 s1, s26  }
0x17e: {  	s25 =	sshll.u32 s25, $0xA  }
0x17f: {  	s25 =	sor.u32 s23, s25  }
0x180: {  	s0 =	sshrl.u32 s25, $0x3  }
0x181: {  	s1 =	simm.s32 $0xCF00;
	s28 =	sadd.s32 s2, s0;
	[tilespmem:v32+s14+$0x0] =	vst.idx.msk $0xffff, v33  }
0x182: {  	[hbm4b:s28+s4] =	stream.linear.scatter [tilespmem:s1], [sflag:$0x5], $0x10, $0x38;
	[tilespmem:$0x1FB00] =	vst v63  }
0x183: {  	s0 =	simm.s32 $0xCF18;
	s29 =	sadd.s32 $0x10, s28  }
0x184: {  	[hbm4b:s29+s4] =	stream.linear.scatter [tilespmem:s0], [sflag:$0x5], $0x10, $0x38;
	[tilespmem:$0x1FB00] =	vst v63  }
0x185: {  	s1 =	simm.s32 $0xCF30;
	s29 =	sadd.s32 $0x20, s28  }
0x186: {  	[hbm4b:s29+s4] =	stream.linear.scatter [tilespmem:s1], [sflag:$0x5], $0x10, $0x38;
	[tilespmem:$0x1FB00] =	vst v63  }
0x187: {  	s0 =	simm.s32 $0xCF48;
	s29 =	sadd.s32 $0x30, s28  }
0x188: {  	[hbm4b:s29+s4] =	stream.linear.scatter [tilespmem:s0], [sflag:$0x5], $0x10, $0x38;
	[tilespmem:$0x1FB00] =	vst v63  }
0x189: {  	s1 =	simm.s32 $0xCF60;
	s29 =	sadd.s32 $0x40, s28  }
0x18a: {  	[hbm4b:s29+s4] =	stream.linear.scatter [tilespmem:s1], [sflag:$0x5], $0x10, $0x38;
	[tilespmem:$0x1FB00] =	vst v63  }
0x18b: {  	s30 =	simm.s32 $0xCFA8;
	s0 =	simm.s32 $0xCF78;
	s29 =	sadd.s32 $0x50, s28  }
0x18c: {  	[hbm4b:s29+s4] =	stream.linear.scatter [tilespmem:s0], [sflag:$0x5], $0x10, $0x38;
	[tilespmem:$0x1FB00] =	vst v63  }
0x18d: {  	s26 =	simm.s32 $0x300;
	s1 =	simm.s32 $0xCF90;
	s29 =	sadd.s32 $0x60, s28  }
0x18e: {  	[hbm4b:s29+s4] =	stream.linear.scatter [tilespmem:s1], [sflag:$0x5], $0x10, $0x38;
	[tilespmem:$0x1FB00] =	vst v63  }
0x18f: {  	s31 =	sadd.s32 $0x70, s28;
	s28 =	sadd.s32 $0x10000, s28;
	s29 =	simm.s32 $0x1800  }
.LBB2_5:
0x190: {  	[hbm4b:s31+s4] =	stream.linear.scatter [tilespmem:s30], [sflag:$0x5], $0x10, $0x38;
	[tilespmem:$0x1FB00] =	vst v63  }
0x191: {  	s30 =	smov.u32 s26;
	s26 =	smov.u32 s29  }
0x192: {  	s1 =	sadd.s32 $0xC00, s29;
	s26 =	sshra.s32 s26, $0x2;
	s31 =	sadd.s32 $0xCF00, s30  }
0x193: {  	[hbm4b:s28+s4] =	stream.linear.scatter [tilespmem:s31], [sflag:$0x5], $0x10, $0x38;
	[tilespmem:$0x1FB00] =	vst v63  }
0x194: {  	p0 =	sne.s32 s29, $0x24C00;
	s29 =	sadd.s32 $0xCF18, s30;
	s31 =	sadd.s32 $0x10, s28  }
0x195: {  	[hbm4b:s31+s4] =	stream.linear.scatter [tilespmem:s29], [sflag:$0x5], $0x10, $0x38;
	[tilespmem:$0x1FB00] =	vst v63  }
0x196: {  	s29 =	sadd.s32 $0xCF30, s30;
	s31 =	sadd.s32 $0x20, s28  }
0x197: {  	[hbm4b:s31+s4] =	stream.linear.scatter [tilespmem:s29], [sflag:$0x5], $0x10, $0x38;
	[tilespmem:$0x1FB00] =	vst v63  }
0x198: {  	s29 =	sadd.s32 $0xCF48, s30;
	s31 =	sadd.s32 $0x30, s28  }
0x199: {  	[hbm4b:s31+s4] =	stream.linear.scatter [tilespmem:s29], [sflag:$0x5], $0x10, $0x38;
	[tilespmem:$0x1FB00] =	vst v63  }
0x19a: {  	s29 =	sadd.s32 $0xCF60, s30;
	s31 =	sadd.s32 $0x40, s28  }
0x19b: {  	[hbm4b:s31+s4] =	stream.linear.scatter [tilespmem:s29], [sflag:$0x5], $0x10, $0x38;
	[tilespmem:$0x1FB00] =	vst v63  }
.Ltmp3:
0x19c: {  	s29 =	sadd.s32 $0xCF78, s30;
	s31 =	sadd.s32 $0x50, s28;
	(pc) =	sbr.rel @p0 .LBB2_5-.Ltmp3, $4  }
0x19d: {  	[hbm4b:s31+s4] =	stream.linear.scatter [tilespmem:s29], [sflag:$0x5], $0x10, $0x38;
	[tilespmem:$0x1FB00] =	vst v63  }
0x19e: {  	s29 =	sadd.s32 $0xCF90, s30;
	s31 =	sadd.s32 $0x60, s28;
	s30 =	sadd.s32 $0xCFA8, s30  }
0x19f: {  	[hbm4b:s31+s4] =	stream.linear.scatter [tilespmem:s29], [sflag:$0x5], $0x10, $0x38;
	[tilespmem:$0x1FB00] =	vst v63  }
0x1a0: {  	s31 =	sadd.s32 $0x70, s28;
	s28 =	sadd.s32 $0x10000, s28;
	s29 =	smov.u32 s1  }
0x1a1: {  	[hbm4b:s31+s4] =	stream.linear.scatter [tilespmem:s30], [sflag:$0x5], $0x10, $0x38;
	[tilespmem:$0x1FB00] =	vst v63  }
0x1a2: {  	s1 =	sadd.s32 $0xCF00, s26  }
0x1a3: {  	[hbm4b:s28+s4] =	stream.linear.scatter [tilespmem:s1], [sflag:$0x5], $0x10, $0x38;
	[tilespmem:$0x1FB00] =	vst v63  }
0x1a4: {  	s0 =	sadd.s32 $0xCF18, s26;
	s29 =	sadd.s32 $0x10, s28  }
0x1a5: {  	[hbm4b:s29+s4] =	stream.linear.scatter [tilespmem:s0], [sflag:$0x5], $0x10, $0x38;
	[tilespmem:$0x1FB00] =	vst v63  }
0x1a6: {  	s0 =	sadd.s32 $0xCF30, s26;
	s29 =	sadd.s32 $0x20, s28  }
0x1a7: {  	[hbm4b:s29+s4] =	stream.linear.scatter [tilespmem:s0], [sflag:$0x5], $0x10, $0x38;
	[tilespmem:$0x1FB00] =	vst v63  }
0x1a8: {  	s0 =	sadd.s32 $0xCF48, s26;
	s29 =	sadd.s32 $0x30, s28  }
0x1a9: {  	[hbm4b:s29+s4] =	stream.linear.scatter [tilespmem:s0], [sflag:$0x5], $0x10, $0x38;
	[tilespmem:$0x1FB00] =	vst v63  }
0x1aa: {  	s0 =	sadd.s32 $0xCF60, s26;
	s29 =	sadd.s32 $0x40, s28  }
0x1ab: {  	[hbm4b:s29+s4] =	stream.linear.scatter [tilespmem:s0], [sflag:$0x5], $0x10, $0x38;
	[tilespmem:$0x1FB00] =	vst v63  }
0x1ac: {  	s0 =	sadd.s32 $0xCF78, s26;
	s29 =	sadd.s32 $0x50, s28  }
0x1ad: {  	[hbm4b:s29+s4] =	stream.linear.scatter [tilespmem:s0], [sflag:$0x5], $0x10, $0x38;
	[tilespmem:$0x1FB00] =	vst v63  }
0x1ae: {  	s0 =	sadd.s32 $0xCF90, s26;
	s29 =	sadd.s32 $0x60, s28  }
0x1af: {  	[hbm4b:s29+s4] =	stream.linear.scatter [tilespmem:s0], [sflag:$0x5], $0x10, $0x38;
	[tilespmem:$0x1FB00] =	vst v63  }
0x1b0: {  	s26 =	sadd.s32 $0xCFA8, s26;
	s0 =	sadd.s32 $0x70, s28  }
0x1b1: {  	[hbm4b:s0+s4] =	stream.linear.scatter [tilespmem:s26], [sflag:$0x5], $0x10, $0x38;
	[tilespmem:$0x1FB00] =	vst v63  }
0x1b2: {  	s26 =	sadd.s32 $0x20000, s25  }
0x1b3: {  	s1 =	sshrl.u32 s26, $0x3  }
0x1b4: {  	s0 =	simm.s32 $0xCFC0;
	s1 =	sadd.s32 s2, s1  }
0x1b5: {  	[hbm4b:s1+s4] =	stream.linear.scatter [tilespmem:s0], [sflag:$0x5], $0x10, $0x38;
	[tilespmem:$0x1FB00] =	vst v63  }
0x1b6: {  	s0 =	simm.s32 $0xCFD8;
	s28 =	sadd.s32 $0x10, s1  }
0x1b7: {  	[hbm4b:s28+s4] =	stream.linear.scatter [tilespmem:s0], [sflag:$0x5], $0x10, $0x38;
	[tilespmem:$0x1FB00] =	vst v63  }
0x1b8: {  	s0 =	simm.s32 $0xCFF0;
	s28 =	sadd.s32 $0x20, s1  }
0x1b9: {  	[hbm4b:s28+s4] =	stream.linear.scatter [tilespmem:s0], [sflag:$0x5], $0x10, $0x38;
	[tilespmem:$0x1FB00] =	vst v63  }
0x1ba: {  	s0 =	simm.s32 $0xD008;
	s28 =	sadd.s32 $0x30, s1  }
0x1bb: {  	[hbm4b:s28+s4] =	stream.linear.scatter [tilespmem:s0], [sflag:$0x5], $0x10, $0x38;
	[tilespmem:$0x1FB00] =	vst v63  }
0x1bc: {  	s0 =	simm.s32 $0xD020;
	s28 =	sadd.s32 $0x40, s1  }
0x1bd: {  	[hbm4b:s28+s4] =	stream.linear.scatter [tilespmem:s0], [sflag:$0x5], $0x10, $0x38;
	[tilespmem:$0x1FB00] =	vst v63  }
0x1be: {  	s30 =	simm.s32 $0xD068;
	s0 =	simm.s32 $0xD038;
	s28 =	sadd.s32 $0x50, s1  }
0x1bf: {  	[hbm4b:s28+s4] =	stream.linear.scatter [tilespmem:s0], [sflag:$0x5], $0x10, $0x38;
	[tilespmem:$0x1FB00] =	vst v63  }
0x1c0: {  	s29 =	simm.s32 $0x1800;
	s0 =	simm.s32 $0xD050;
	s28 =	sadd.s32 $0x60, s1  }
0x1c1: {  	[hbm4b:s28+s4] =	stream.linear.scatter [tilespmem:s0], [sflag:$0x5], $0x10, $0x38;
	[tilespmem:$0x1FB00] =	vst v63  }
0x1c2: {  	s26 =	simm.s32 $0x300;
	s31 =	sadd.s32 $0x70, s1;
	s28 =	sadd.s32 $0x10000, s1  }
.LBB2_7:
0x1c3: {  	[hbm4b:s31+s4] =	stream.linear.scatter [tilespmem:s30], [sflag:$0x5], $0x10, $0x38;
	[tilespmem:$0x1FB00] =	vst v63  }
0x1c4: {  	s1 =	smov.u32 s26;
	s26 =	smov.u32 s29  }
0x1c5: {  	s0 =	sadd.s32 $0xC00, s29;
	s26 =	sshra.s32 s26, $0x2;
	s30 =	sadd.s32 $0xCFC0, s1  }
0x1c6: {  	[hbm4b:s28+s4] =	stream.linear.scatter [tilespmem:s30], [sflag:$0x5], $0x10, $0x38;
	[tilespmem:$0x1FB00] =	vst v63  }
0x1c7: {  	p0 =	sne.s32 s29, $0x24C00;
	s29 =	sadd.s32 $0xCFD8, s1;
	s30 =	sadd.s32 $0x10, s28  }
0x1c8: {  	[hbm4b:s30+s4] =	stream.linear.scatter [tilespmem:s29], [sflag:$0x5], $0x10, $0x38;
	[tilespmem:$0x1FB00] =	vst v63  }
0x1c9: {  	s29 =	sadd.s32 $0xCFF0, s1;
	s30 =	sadd.s32 $0x20, s28  }
0x1ca: {  	[hbm4b:s30+s4] =	stream.linear.scatter [tilespmem:s29], [sflag:$0x5], $0x10, $0x38;
	[tilespmem:$0x1FB00] =	vst v63  }
0x1cb: {  	s29 =	sadd.s32 $0xD008, s1;
	s30 =	sadd.s32 $0x30, s28  }
0x1cc: {  	[hbm4b:s30+s4] =	stream.linear.scatter [tilespmem:s29], [sflag:$0x5], $0x10, $0x38;
	[tilespmem:$0x1FB00] =	vst v63  }
0x1cd: {  	s29 =	sadd.s32 $0xD020, s1;
	s30 =	sadd.s32 $0x40, s28  }
0x1ce: {  	[hbm4b:s30+s4] =	stream.linear.scatter [tilespmem:s29], [sflag:$0x5], $0x10, $0x38;
	[tilespmem:$0x1FB00] =	vst v63  }
.Ltmp4:
0x1cf: {  	s29 =	sadd.s32 $0xD038, s1;
	s30 =	sadd.s32 $0x50, s28;
	(pc) =	sbr.rel @p0 .LBB2_7-.Ltmp4, $4  }
0x1d0: {  	[hbm4b:s30+s4] =	stream.linear.scatter [tilespmem:s29], [sflag:$0x5], $0x10, $0x38;
	[tilespmem:$0x1FB00] =	vst v63  }
0x1d1: {  	s31 =	sadd.s32 $0x70, s28;
	s29 =	sadd.s32 $0xD050, s1;
	s30 =	sadd.s32 $0x60, s28  }
0x1d2: {  	[hbm4b:s30+s4] =	stream.linear.scatter [tilespmem:s29], [sflag:$0x5], $0x10, $0x38;
	[tilespmem:$0x1FB00] =	vst v63  }
0x1d3: {  	s28 =	sadd.s32 $0x10000, s28;
	s30 =	sadd.s32 $0xD068, s1;
	s29 =	smov.u32 s0  }
0x1d4: {  	[hbm4b:s31+s4] =	stream.linear.scatter [tilespmem:s30], [sflag:$0x5], $0x10, $0x38;
	[tilespmem:$0x1FB00] =	vst v63  }
0x1d5: {  	s0 =	sadd.s32 $0xCFC0, s26  }
0x1d6: {  	[hbm4b:s28+s4] =	stream.linear.scatter [tilespmem:s0], [sflag:$0x5], $0x10, $0x38;
	[tilespmem:$0x1FB00] =	vst v63  }
0x1d7: {  	s1 =	sadd.s32 $0x10, s28;
	s0 =	sadd.s32 $0xCFD8, s26  }
0x1d8: {  	[hbm4b:s1+s4] =	stream.linear.scatter [tilespmem:s0], [sflag:$0x5], $0x10, $0x38;
	[tilespmem:$0x1FB00] =	vst v63  }
0x1d9: {  	s0 =	sadd.s32 $0xCFF0, s26;
	s1 =	sadd.s32 $0x20, s28  }
0x1da: {  	[hbm4b:s1+s4] =	stream.linear.scatter [tilespmem:s0], [sflag:$0x5], $0x10, $0x38;
	[tilespmem:$0x1FB00] =	vst v63  }
0x1db: {  	s0 =	sadd.s32 $0xD008, s26;
	s1 =	sadd.s32 $0x30, s28  }
0x1dc: {  	[hbm4b:s1+s4] =	stream.linear.scatter [tilespmem:s0], [sflag:$0x5], $0x10, $0x38;
	[tilespmem:$0x1FB00] =	vst v63  }
0x1dd: {  	s0 =	sadd.s32 $0xD020, s26;
	s1 =	sadd.s32 $0x40, s28  }
0x1de: {  	[hbm4b:s1+s4] =	stream.linear.scatter [tilespmem:s0], [sflag:$0x5], $0x10, $0x38;
	[tilespmem:$0x1FB00] =	vst v63  }
0x1df: {  	s0 =	sadd.s32 $0xD038, s26;
	s1 =	sadd.s32 $0x50, s28  }
0x1e0: {  	[hbm4b:s1+s4] =	stream.linear.scatter [tilespmem:s0], [sflag:$0x5], $0x10, $0x38;
	[tilespmem:$0x1FB00] =	vst v63  }
0x1e1: {  	s0 =	sadd.s32 $0xD050, s26;
	s1 =	sadd.s32 $0x60, s28  }
0x1e2: {  	[hbm4b:s1+s4] =	stream.linear.scatter [tilespmem:s0], [sflag:$0x5], $0x10, $0x38;
	[tilespmem:$0x1FB00] =	vst v63  }
0x1e3: {  	s1 =	sadd.s32 $0xD068, s26;
	s26 =	sadd.s32 $0x70, s28  }
0x1e4: {  	[hbm4b:s26+s4] =	stream.linear.scatter [tilespmem:s1], [sflag:$0x5], $0x10, $0x38;
	[tilespmem:$0x1FB00] =	vst v63  }
0x1e5: {  	s1 =	sadd.s32 $0x40000, s25  }
0x1e6: {  	s0 =	sshrl.u32 s1, $0x3  }
0x1e7: {  	s26 =	simm.s32 $0xD080;
	s0 =	sadd.s32 s2, s0  }
0x1e8: {  	[hbm4b:s0+s4] =	stream.linear.scatter [tilespmem:s26], [sflag:$0x5], $0x10, $0x38;
	[tilespmem:$0x1FB00] =	vst v63  }
0x1e9: {  	s1 =	simm.s32 $0xD098;
	s26 =	sadd.s32 $0x10, s0  }
0x1ea: {  	[hbm4b:s26+s4] =	stream.linear.scatter [tilespmem:s1], [sflag:$0x5], $0x10, $0x38;
	[tilespmem:$0x1FB00] =	vst v63  }
0x1eb: {  	s1 =	simm.s32 $0xD0B0;
	s26 =	sadd.s32 $0x20, s0  }
0x1ec: {  	[hbm4b:s26+s4] =	stream.linear.scatter [tilespmem:s1], [sflag:$0x5], $0x10, $0x38;
	[tilespmem:$0x1FB00] =	vst v63  }
0x1ed: {  	s1 =	simm.s32 $0xD0C8;
	s26 =	sadd.s32 $0x30, s0  }
0x1ee: {  	[hbm4b:s26+s4] =	stream.linear.scatter [tilespmem:s1], [sflag:$0x5], $0x10, $0x38;
	[tilespmem:$0x1FB00] =	vst v63  }
0x1ef: {  	s1 =	simm.s32 $0xD0E0;
	s26 =	sadd.s32 $0x40, s0  }
0x1f0: {  	[hbm4b:s26+s4] =	stream.linear.scatter [tilespmem:s1], [sflag:$0x5], $0x10, $0x38;
	[tilespmem:$0x1FB00] =	vst v63  }
0x1f1: {  	s29 =	simm.s32 $0x1800;
	s1 =	simm.s32 $0xD0F8;
	s26 =	sadd.s32 $0x50, s0  }
0x1f2: {  	[hbm4b:s26+s4] =	stream.linear.scatter [tilespmem:s1], [sflag:$0x5], $0x10, $0x38;
	[tilespmem:$0x1FB00] =	vst v63  }
0x1f3: {  	s30 =	simm.s32 $0xD128;
	s1 =	simm.s32 $0xD110;
	s26 =	sadd.s32 $0x60, s0  }
0x1f4: {  	[hbm4b:s26+s4] =	stream.linear.scatter [tilespmem:s1], [sflag:$0x5], $0x10, $0x38;
	[tilespmem:$0x1FB00] =	vst v63  }
0x1f5: {  	s31 =	sadd.s32 $0x70, s0;
	s28 =	sadd.s32 $0x10000, s0;
	s26 =	simm.s32 $0x300  }
.LBB2_9:
0x1f6: {  	[hbm4b:s31+s4] =	stream.linear.scatter [tilespmem:s30], [sflag:$0x5], $0x10, $0x38;
	[tilespmem:$0x1FB00] =	vst v63  }
0x1f7: {  	s0 =	smov.u32 s26;
	s1 =	smov.u32 s29  }
0x1f8: {  	s26 =	sshra.s32 s1, $0x2;
	s1 =	sadd.s32 $0xC00, s29;
	s30 =	sadd.s32 $0xD080, s0  }
0x1f9: {  	[hbm4b:s28+s4] =	stream.linear.scatter [tilespmem:s30], [sflag:$0x5], $0x10, $0x38;
	[tilespmem:$0x1FB00] =	vst v63  }
0x1fa: {  	p0 =	sne.s32 s29, $0x24C00;
	s29 =	sadd.s32 $0xD098, s0;
	s30 =	sadd.s32 $0x10, s28  }
0x1fb: {  	[hbm4b:s30+s4] =	stream.linear.scatter [tilespmem:s29], [sflag:$0x5], $0x10, $0x38;
	[tilespmem:$0x1FB00] =	vst v63  }
0x1fc: {  	s29 =	sadd.s32 $0xD0B0, s0;
	s30 =	sadd.s32 $0x20, s28  }
0x1fd: {  	[hbm4b:s30+s4] =	stream.linear.scatter [tilespmem:s29], [sflag:$0x5], $0x10, $0x38;
	[tilespmem:$0x1FB00] =	vst v63  }
0x1fe: {  	s29 =	sadd.s32 $0xD0C8, s0;
	s30 =	sadd.s32 $0x30, s28  }
0x1ff: {  	[hbm4b:s30+s4] =	stream.linear.scatter [tilespmem:s29], [sflag:$0x5], $0x10, $0x38;
	[tilespmem:$0x1FB00] =	vst v63  }
0x200: {  	s29 =	sadd.s32 $0xD0E0, s0;
	s30 =	sadd.s32 $0x40, s28  }
0x201: {  	[hbm4b:s30+s4] =	stream.linear.scatter [tilespmem:s29], [sflag:$0x5], $0x10, $0x38;
	[tilespmem:$0x1FB00] =	vst v63  }
.Ltmp5:
0x202: {  	s29 =	sadd.s32 $0xD0F8, s0;
	s30 =	sadd.s32 $0x50, s28;
	(pc) =	sbr.rel @p0 .LBB2_9-.Ltmp5, $4  }
0x203: {  	[hbm4b:s30+s4] =	stream.linear.scatter [tilespmem:s29], [sflag:$0x5], $0x10, $0x38;
	[tilespmem:$0x1FB00] =	vst v63  }
0x204: {  	s31 =	sadd.s32 $0x70, s28;
	s29 =	sadd.s32 $0xD110, s0;
	s30 =	sadd.s32 $0x60, s28  }
0x205: {  	[hbm4b:s30+s4] =	stream.linear.scatter [tilespmem:s29], [sflag:$0x5], $0x10, $0x38;
	[tilespmem:$0x1FB00] =	vst v63  }
0x206: {  	s28 =	sadd.s32 $0x10000, s28;
	s30 =	sadd.s32 $0xD128, s0;
	s29 =	smov.u32 s1  }
0x207: {  	[hbm4b:s31+s4] =	stream.linear.scatter [tilespmem:s30], [sflag:$0x5], $0x10, $0x38;
	[tilespmem:$0x1FB00] =	vst v63  }
0x208: {  	s0 =	sadd.s32 $0xD080, s26  }
0x209: {  	[hbm4b:s28+s4] =	stream.linear.scatter [tilespmem:s0], [sflag:$0x5], $0x10, $0x38;
	[tilespmem:$0x1FB00] =	vst v63  }
0x20a: {  	s31 =	sadd.s32 $0xD098, s26;
	s1 =	sadd.s32 $0x10, s28  }
0x20b: {  	[hbm4b:s1+s4] =	stream.linear.scatter [tilespmem:s31], [sflag:$0x5], $0x10, $0x38;
	[tilespmem:$0x1FB00] =	vst v63  }
0x20c: {  	s1 =	sadd.s32 $0xD0B0, s26;
	s31 =	sadd.s32 $0x20, s28  }
0x20d: {  	[hbm4b:s31+s4] =	stream.linear.scatter [tilespmem:s1], [sflag:$0x5], $0x10, $0x38;
	[tilespmem:$0x1FB00] =	vst v63  }
0x20e: {  	s1 =	sadd.s32 $0xD0C8, s26;
	s31 =	sadd.s32 $0x30, s28  }
0x20f: {  	[hbm4b:s31+s4] =	stream.linear.scatter [tilespmem:s1], [sflag:$0x5], $0x10, $0x38;
	[tilespmem:$0x1FB00] =	vst v63  }
0x210: {  	s1 =	sadd.s32 $0xD0E0, s26;
	s31 =	sadd.s32 $0x40, s28  }
0x211: {  	[hbm4b:s31+s4] =	stream.linear.scatter [tilespmem:s1], [sflag:$0x5], $0x10, $0x38;
	[tilespmem:$0x1FB00] =	vst v63  }
0x212: {  	s1 =	sadd.s32 $0xD0F8, s26;
	s31 =	sadd.s32 $0x50, s28  }
0x213: {  	[hbm4b:s31+s4] =	stream.linear.scatter [tilespmem:s1], [sflag:$0x5], $0x10, $0x38;
	[tilespmem:$0x1FB00] =	vst v63  }
0x214: {  	s1 =	sadd.s32 $0xD110, s26;
	s31 =	sadd.s32 $0x60, s28  }
0x215: {  	[hbm4b:s31+s4] =	stream.linear.scatter [tilespmem:s1], [sflag:$0x5], $0x10, $0x38;
	[tilespmem:$0x1FB00] =	vst v63  }
0x216: {  	s1 =	sadd.s32 $0x60000, s25  }
0x217: {  	s26 =	sadd.s32 $0xD128, s26;
	s31 =	sadd.s32 $0x70, s28;
	s0 =	sshrl.u32 s1, $0x3  }
0x218: {  	[hbm4b:s31+s4] =	stream.linear.scatter [tilespmem:s26], [sflag:$0x5], $0x10, $0x38;
	[tilespmem:$0x1FB00] =	vst v63  }
0x219: {  	s25 =	simm.s32 $0xD140;
	s0 =	sadd.s32 s2, s0  }
0x21a: {  	[hbm4b:s0+s4] =	stream.linear.scatter [tilespmem:s25], [sflag:$0x5], $0x10, $0x38;
	[tilespmem:$0x1FB00] =	vst v63  }
0x21b: {  	s26 =	simm.s32 $0xD158;
	s31 =	sadd.s32 $0x10, s0  }
0x21c: {  	[hbm4b:s31+s4] =	stream.linear.scatter [tilespmem:s26], [sflag:$0x5], $0x10, $0x38;
	[tilespmem:$0x1FB00] =	vst v63  }
0x21d: {  	s26 =	simm.s32 $0xD170;
	s31 =	sadd.s32 $0x20, s0  }
0x21e: {  	[hbm4b:s31+s4] =	stream.linear.scatter [tilespmem:s26], [sflag:$0x5], $0x10, $0x38;
	[tilespmem:$0x1FB00] =	vst v63  }
0x21f: {  	s26 =	simm.s32 $0xD188;
	s31 =	sadd.s32 $0x30, s0  }
0x220: {  	[hbm4b:s31+s4] =	stream.linear.scatter [tilespmem:s26], [sflag:$0x5], $0x10, $0x38;
	[tilespmem:$0x1FB00] =	vst v63  }
0x221: {  	s26 =	simm.s32 $0xD1A0;
	s31 =	sadd.s32 $0x40, s0  }
0x222: {  	[hbm4b:s31+s4] =	stream.linear.scatter [tilespmem:s26], [sflag:$0x5], $0x10, $0x38;
	[tilespmem:$0x1FB00] =	vst v63  }
0x223: {  	s29 =	simm.s32 $0xD1E8;
	s26 =	simm.s32 $0xD1B8;
	s31 =	sadd.s32 $0x50, s0  }
0x224: {  	[hbm4b:s31+s4] =	stream.linear.scatter [tilespmem:s26], [sflag:$0x5], $0x10, $0x38;
	[tilespmem:$0x1FB00] =	vst v63  }
0x225: {  	s28 =	simm.s32 $0x1800;
	s26 =	simm.s32 $0xD1D0;
	s31 =	sadd.s32 $0x60, s0  }
0x226: {  	[hbm4b:s31+s4] =	stream.linear.scatter [tilespmem:s26], [sflag:$0x5], $0x10, $0x38;
	[tilespmem:$0x1FB00] =	vst v63  }
0x227: {  	s30 =	sadd.s32 $0x70, s0;
	s25 =	simm.s32 $0x300;
	s26 =	sadd.s32 $0x10000, s0  }
.LBB2_11:
0x228: {  	[hbm4b:s30+s4] =	stream.linear.scatter [tilespmem:s29], [sflag:$0x5], $0x10, $0x38;
	[tilespmem:$0x1FB00] =	vst v63  }
0x229: {  	s0 =	smov.u32 s25;
	s1 =	smov.u32 s28  }
0x22a: {  	s25 =	sshra.s32 s1, $0x2;
	s1 =	sadd.s32 $0xC00, s28;
	s29 =	sadd.s32 $0xD140, s0  }
0x22b: {  	[hbm4b:s26+s4] =	stream.linear.scatter [tilespmem:s29], [sflag:$0x5], $0x10, $0x38;
	[tilespmem:$0x1FB00] =	vst v63  }
0x22c: {  	p0 =	sne.s32 s28, $0x24C00;
	s28 =	sadd.s32 $0xD158, s0;
	s29 =	sadd.s32 $0x10, s26  }
0x22d: {  	[hbm4b:s29+s4] =	stream.linear.scatter [tilespmem:s28], [sflag:$0x5], $0x10, $0x38;
	[tilespmem:$0x1FB00] =	vst v63  }
0x22e: {  	s28 =	sadd.s32 $0xD170, s0;
	s29 =	sadd.s32 $0x20, s26  }
0x22f: {  	[hbm4b:s29+s4] =	stream.linear.scatter [tilespmem:s28], [sflag:$0x5], $0x10, $0x38;
	[tilespmem:$0x1FB00] =	vst v63  }
0x230: {  	s28 =	sadd.s32 $0xD188, s0;
	s29 =	sadd.s32 $0x30, s26  }
0x231: {  	[hbm4b:s29+s4] =	stream.linear.scatter [tilespmem:s28], [sflag:$0x5], $0x10, $0x38;
	[tilespmem:$0x1FB00] =	vst v63  }
0x232: {  	s28 =	sadd.s32 $0xD1A0, s0;
	s29 =	sadd.s32 $0x40, s26  }
0x233: {  	[hbm4b:s29+s4] =	stream.linear.scatter [tilespmem:s28], [sflag:$0x5], $0x10, $0x38;
	[tilespmem:$0x1FB00] =	vst v63  }
.Ltmp6:
0x234: {  	s28 =	sadd.s32 $0xD1B8, s0;
	s29 =	sadd.s32 $0x50, s26;
	(pc) =	sbr.rel @p0 .LBB2_11-.Ltmp6, $4  }
0x235: {  	[hbm4b:s29+s4] =	stream.linear.scatter [tilespmem:s28], [sflag:$0x5], $0x10, $0x38;
	[tilespmem:$0x1FB00] =	vst v63  }
0x236: {  	s30 =	sadd.s32 $0x70, s26;
	s28 =	sadd.s32 $0xD1D0, s0;
	s29 =	sadd.s32 $0x60, s26  }
0x237: {  	[hbm4b:s29+s4] =	stream.linear.scatter [tilespmem:s28], [sflag:$0x5], $0x10, $0x38;
	[tilespmem:$0x1FB00] =	vst v63  }
0x238: {  	s26 =	sadd.s32 $0x10000, s26;
	s29 =	sadd.s32 $0xD1E8, s0;
	s28 =	smov.u32 s1  }
0x239: {  	[hbm4b:s30+s4] =	stream.linear.scatter [tilespmem:s29], [sflag:$0x5], $0x10, $0x38;
	[tilespmem:$0x1FB00] =	vst v63  }
0x23a: {  	s0 =	sadd.s32 $0xD140, s25  }
0x23b: {  	[hbm4b:s26+s4] =	stream.linear.scatter [tilespmem:s0], [sflag:$0x5], $0x10, $0x38;
	[tilespmem:$0x1FB00] =	vst v63  }
0x23c: {  	s29 =	sadd.s32 $0xD158, s25;
	s1 =	sadd.s32 $0x10, s26  }
0x23d: {  	[hbm4b:s1+s4] =	stream.linear.scatter [tilespmem:s29], [sflag:$0x5], $0x10, $0x38;
	[tilespmem:$0x1FB00] =	vst v63  }
0x23e: {  	s30 =	sadd.s32 $0xD170, s25;
	s31 =	sadd.s32 $0x20, s26  }
0x23f: {  	[hbm4b:s31+s4] =	stream.linear.scatter [tilespmem:s30], [sflag:$0x5], $0x10, $0x38;
	[tilespmem:$0x1FB00] =	vst v63  }
0x240: {  	s1 =	sadd.s32 $0xD188, s25;
	s29 =	sadd.s32 $0x30, s26  }
0x241: {  	[hbm4b:s29+s4] =	stream.linear.scatter [tilespmem:s1], [sflag:$0x5], $0x10, $0x38;
	[tilespmem:$0x1FB00] =	vst v63  }
0x242: {  	s30 =	sadd.s32 $0xD1A0, s25;
	s31 =	sadd.s32 $0x40, s26  }
0x243: {  	[hbm4b:s31+s4] =	stream.linear.scatter [tilespmem:s30], [sflag:$0x5], $0x10, $0x38;
	[tilespmem:$0x1FB00] =	vst v63  }
0x244: {  	p0 =	seq.s32 s21, $0xF;
	s1 =	sadd.s32 $0xD1B8, s25;
	s29 =	sadd.s32 $0x50, s26  }
0x245: {  	[hbm4b:s29+s4] =	stream.linear.scatter [tilespmem:s1], [sflag:$0x5], $0x10, $0x38;
	[tilespmem:$0x1FB00] =	vst v63  }
0x246: {  	s0 =	sadd.s32 @!p0 s22, s9;
	s30 =	sadd.s32 $0xD1D0, s25;
	s31 =	sadd.s32 $0x60, s26  }
0x247: {  	[hbm4b:s31+s4] =	stream.linear.scatter [tilespmem:s30], [sflag:$0x5], $0x10, $0x38;
	[tilespmem:$0x1FB00] =	vst v63  }
0x248: {  	s0 =	smul.u32 @!p0 $0x7, s0;
	s25 =	sadd.s32 $0xD1E8, s25;
	s29 =	sadd.s32 $0x70, s26  }
0x249: {  	[hbm4b:s29+s4] =	stream.linear.scatter [tilespmem:s25], [sflag:$0x5], $0x10, $0x38;
	[tilespmem:$0x1FB00] =	vst v63  }
0x24a: {  	s0 =	sadd.s32 @!p0 s5, s0;
	s1 =	simm.s32 @!p0 $0x0  }
0x24b: {  	[tilespmem:s1], [sflag:$0x1] =	stream.linear.gather @!p0 [hbm4b:s0+s1], $0x380, $0x38;
	[tilespmem:$0x1FB00] =	vst v63  }
0x24c: {  	_ =	swait.ge [sflag:s6], $0x640  }
0x24d: {  	[sflag:s6] =	ssyncset.done $0x0  }
0x24e: {  	[sflag:s6] =	ssyncadd.s32 $0xFFFFF9C0  }
0x24f: {  	_ =	swait.ge [sflag:s6], $0x640  }
0x250: {  	[sflag:s6] =	ssyncset.done $0x0  }
0x251: {  	[sflag:s6] =	ssyncadd.s32 $0xFFFFF9C0  }
0x252: {  	_ =	swait.ge [sflag:s6], $0x640  }
0x253: {  	[sflag:s6] =	ssyncset.done $0x0  }
0x254: {  	[sflag:s6] =	ssyncadd.s32 $0xFFFFF9C0  }
0x255: {  	_ =	swait.ge [sflag:s6], $0x640  }
0x256: {  	[sflag:s6] =	ssyncset.done $0x0  }
0x257: {  	[sflag:s6] =	ssyncadd.s32 $0xFFFFF9C0  }
0x258: {  	_ =	swait.ge [sflag:s6], $0x640  }
0x259: {  	[sflag:s6] =	ssyncset.done $0x0  }
0x25a: {  	[sflag:s6] =	ssyncadd.s32 $0xFFFFF9C0  }
0x25b: {  	_ =	swait.ge [sflag:s6], $0x640  }
0x25c: {  	[sflag:s6] =	ssyncset.done $0x0  }
0x25d: {  	[sflag:s6] =	ssyncadd.s32 $0xFFFFF9C0  }
0x25e: {  	_ =	swait.ge [sflag:s6], $0x640  }
0x25f: {  	[sflag:s6] =	ssyncset.done $0x0  }
0x260: {  	[sflag:s6] =	ssyncadd.s32 $0xFFFFF9C0  }
0x261: {  	_ =	swait.ge [sflag:s6], $0x640  }
0x262: {  	[sflag:s6] =	ssyncset.done $0x0  }
0x263: {  	[sflag:s6] =	ssyncadd.s32 $0xFFFFF9C0  }
0x264: {  	_ =	swait.ge [sflag:s6], $0x640  }
0x265: {  	[sflag:s6] =	ssyncset.done $0x0  }
0x266: {  	[sflag:s6] =	ssyncadd.s32 $0xFFFFF9C0  }
0x267: {  	_ =	swait.ge [sflag:s6], $0x640  }
0x268: {  	[sflag:s6] =	ssyncset.done $0x0  }
0x269: {  	[sflag:s6] =	ssyncadd.s32 $0xFFFFF9C0  }
0x26a: {  	_ =	swait.ge [sflag:s6], $0x640  }
0x26b: {  	[sflag:s6] =	ssyncset.done $0x0  }
0x26c: {  	[sflag:s6] =	ssyncadd.s32 $0xFFFFF9C0  }
0x26d: {  	_ =	swait.ge [sflag:s6], $0x640  }
0x26e: {  	[sflag:s6] =	ssyncset.done $0x0  }
0x26f: {  	[sflag:s6] =	ssyncadd.s32 $0xFFFFF9C0  }
0x270: {  	_ =	swait.ge [sflag:s6], $0x640  }
0x271: {  	[sflag:s6] =	ssyncset.done $0x0  }
0x272: {  	[sflag:s6] =	ssyncadd.s32 $0xFFFFF9C0  }
0x273: {  	_ =	swait.ge [sflag:s6], $0x640  }
0x274: {  	[sflag:s6] =	ssyncset.done $0x0  }
0x275: {  	[sflag:s6] =	ssyncadd.s32 $0xFFFFF9C0  }
0x276: {  	_ =	swait.ge [sflag:s6], $0x640  }
0x277: {  	[sflag:s6] =	ssyncset.done $0x0  }
0x278: {  	[sflag:s6] =	ssyncadd.s32 $0xFFFFF9C0  }
0x279: {  	_ =	swait.ge [sflag:s6], $0x640  }
0x27a: {  	[sflag:s6] =	ssyncset.done $0x0  }
0x27b: {  	s0 =	simm.s32 @!p0 $0x1;
	[sflag:s6] =	ssyncadd.s32 $0xFFFFF9C0  }
0x27c: {  	_ =	swait.ge @!p0 [sflag:s0], $0x380  }
0x27d: {  	[sflag:s0] =	ssyncset.done @!p0 $0x0  }
0x27e: {  	s25 =	simm.s32 @!p0 $0x700;
	[sflag:s0] =	ssyncadd.s32 @!p0 $0xFFFFFC80;
	s0 =	simm.s32 @!p0 $0x32  }
0x27f: {  	[tilespmem:s25], [sflag:$0x3] =	stream.indirect.gather @!p0 [hbm4b:s7+s0], $0x20, s1, s0, $0xb8;
	[tilespmem:$0x1FB00] =	vst v63  }
0x280: {  	s1 =	simm.s32 @!p0 $0x38;
	s25 =	simm.s32 @!p0 $0xD40  }
0x281: {  	[tilespmem:s25], [sflag:$0x3] =	stream.indirect.gather @!p0 [hbm4b:s7+s0], $0x20, s1, s0, $0xb8;
	[tilespmem:$0x1FB00] =	vst v63  }
0x282: {  	s1 =	simm.s32 @!p0 $0x70;
	s25 =	simm.s32 @!p0 $0x1380  }
0x283: {  	[tilespmem:s25], [sflag:$0x3] =	stream.indirect.gather @!p0 [hbm4b:s7+s0], $0x20, s1, s0, $0xb8;
	[tilespmem:$0x1FB00] =	vst v63  }
0x284: {  	s1 =	simm.s32 @!p0 $0xA8;
	s25 =	simm.s32 @!p0 $0x19C0  }
0x285: {  	[tilespmem:s25], [sflag:$0x3] =	stream.indirect.gather @!p0 [hbm4b:s7+s0], $0x20, s1, s0, $0xb8;
	[tilespmem:$0x1FB00] =	vst v63  }
0x286: {  	s1 =	simm.s32 @!p0 $0xE0;
	s25 =	simm.s32 @!p0 $0x2000  }
0x287: {  	[tilespmem:s25], [sflag:$0x3] =	stream.indirect.gather @!p0 [hbm4b:s7+s0], $0x20, s1, s0, $0xb8;
	[tilespmem:$0x1FB00] =	vst v63  }
0x288: {  	s1 =	simm.s32 @!p0 $0x118;
	s25 =	simm.s32 @!p0 $0x2640  }
0x289: {  	[tilespmem:s25], [sflag:$0x3] =	stream.indirect.gather @!p0 [hbm4b:s7+s0], $0x20, s1, s0, $0xb8;
	[tilespmem:$0x1FB00] =	vst v63  }
0x28a: {  	s1 =	simm.s32 @!p0 $0x150;
	s25 =	simm.s32 @!p0 $0x2C80  }
0x28b: {  	[tilespmem:s25], [sflag:$0x3] =	stream.indirect.gather @!p0 [hbm4b:s7+s0], $0x20, s1, s0, $0xb8;
	[tilespmem:$0x1FB00] =	vst v63  }
0x28c: {  	s1 =	simm.s32 @!p0 $0x188;
	s25 =	simm.s32 @!p0 $0x32C0  }
0x28d: {  	[tilespmem:s25], [sflag:$0x3] =	stream.indirect.gather @!p0 [hbm4b:s7+s0], $0x20, s1, s0, $0xb8;
	[tilespmem:$0x1FB00] =	vst v63  }
0x28e: {  	s1 =	simm.s32 @!p0 $0x1C0;
	s25 =	simm.s32 @!p0 $0x3900  }
0x28f: {  	[tilespmem:s25], [sflag:$0x3] =	stream.indirect.gather @!p0 [hbm4b:s7+s0], $0x20, s1, s0, $0xb8;
	[tilespmem:$0x1FB00] =	vst v63  }
0x290: {  	s1 =	simm.s32 @!p0 $0x1F8;
	s25 =	simm.s32 @!p0 $0x3F40  }
0x291: {  	[tilespmem:s25], [sflag:$0x3] =	stream.indirect.gather @!p0 [hbm4b:s7+s0], $0x20, s1, s0, $0xb8;
	[tilespmem:$0x1FB00] =	vst v63  }
0x292: {  	s1 =	simm.s32 @!p0 $0x230;
	s25 =	simm.s32 @!p0 $0x4580  }
0x293: {  	[tilespmem:s25], [sflag:$0x3] =	stream.indirect.gather @!p0 [hbm4b:s7+s0], $0x20, s1, s0, $0xb8;
	[tilespmem:$0x1FB00] =	vst v63  }
0x294: {  	s1 =	simm.s32 @!p0 $0x268;
	s25 =	simm.s32 @!p0 $0x4BC0  }
0x295: {  	[tilespmem:s25], [sflag:$0x3] =	stream.indirect.gather @!p0 [hbm4b:s7+s0], $0x20, s1, s0, $0xb8;
	[tilespmem:$0x1FB00] =	vst v63  }
0x296: {  	s1 =	simm.s32 @!p0 $0x2A0;
	s25 =	simm.s32 @!p0 $0x5200  }
0x297: {  	[tilespmem:s25], [sflag:$0x3] =	stream.indirect.gather @!p0 [hbm4b:s7+s0], $0x20, s1, s0, $0xb8;
	[tilespmem:$0x1FB00] =	vst v63  }
0x298: {  	s1 =	simm.s32 @!p0 $0x2D8;
	s25 =	simm.s32 @!p0 $0x5840  }
0x299: {  	[tilespmem:s25], [sflag:$0x3] =	stream.indirect.gather @!p0 [hbm4b:s7+s0], $0x20, s1, s0, $0xb8;
	[tilespmem:$0x1FB00] =	vst v63  }
0x29a: {  	p1 =	seq.s32 @!p0 s21, $0x0;
	s1 =	simm.s32 @!p0 $0x310;
	s25 =	simm.s32 @!p0 $0x5E80  }
0x29b: {  	[tilespmem:s25], [sflag:$0x3] =	stream.indirect.gather @!p0 [hbm4b:s7+s0], $0x20, s1, s0, $0xb8;
	[tilespmem:$0x1FB00] =	vst v63  }
0x29c: {  	p1 =	por p0, !p1;
	s1 =	simm.s32 @!p0 $0x348;
	s25 =	simm.s32 @!p0 $0x64C0  }
0x29d: {  	[tilespmem:s25], [sflag:$0x3] =	stream.indirect.gather @!p0 [hbm4b:s7+s0], $0x20, s1, s0, $0xb8;
	[tilespmem:$0x1FB00] =	vst v63  }
0x29e: {  	_ =	swait.ge @p1 [sflag:s16], $0x1900  }
0x29f: {  	[sflag:s16] =	ssyncset.done @p1 $0x0  }
0x2a0: {  	[sflag:s16] =	ssyncadd.s32 @p1 $0xFFFFE700  }
0x2a1: {  	_ =	swait.ge @p1 [sflag:s16], $0x1900  }
0x2a2: {  	[sflag:s16] =	ssyncset.done @p1 $0x0  }
0x2a3: {  	s30 =	simm.s32 $0x0;
	[sflag:s16] =	ssyncadd.s32 @p1 $0xFFFFE700  }
0x2a4: {  	v32 =	vmov s30;
	_ =	swait.ge @p1 [sflag:s16], $0x1900  }
0x2a5: {  	v32 =	vmul.u32 $0x300, v32;
	[sflag:s16] =	ssyncset.done @p1 $0x0  }
0x2a6: {  	[sflag:s16] =	ssyncadd.s32 @p1 $0xFFFFE700  }
0x2a7: {  	v32 =	vadd.s32 $0x9600, v32;
	_ =	swait.ge @p1 [sflag:s16], $0x1900  }
0x2a8: {  	v32 =	vbroadcast v32, $0x0;
	[sflag:s16] =	ssyncset.done @p1 $0x0  }
0x2a9: {  	s31 =	simm.s32 $0x0;
	[sflag:s16] =	ssyncadd.s32 @p1 $0xFFFFE700  }
0x2aa: {  	v34 =	vadd.s32 v0, v32;
	v33 =	vld [tilespmem:s31+$0x6B00];
	_ =	sdelay $0x4  }
0x2ab: {  	[tilespmem:v34+s14+$0x0] =	vst.idx.msk $0xffff, v33  }
0x2ac: {  	v62 =	vadd.s32 v1, v32;
	v33 =	vld [tilespmem:s31+$0x6B10];
	_ =	sdelay $0x4  }
0x2ad: {  	[tilespmem:v62+s14+$0x0] =	vst.idx.msk $0xffff, v33  }
0x2ae: {  	v63 =	vadd.s32 v2, v32;
	v33 =	vld [tilespmem:s31+$0x7140];
	_ =	sdelay $0x4  }
0x2af: {  	[tilespmem:v63+s14+$0x0] =	vst.idx.msk $0xffff, v33  }
0x2b0: {  	v36 =	vadd.s32 v3, v32;
	v33 =	vld [tilespmem:s31+$0x7150];
	_ =	sdelay $0x4  }
0x2b1: {  	[tilespmem:v36+s14+$0x0] =	vst.idx.msk $0xffff, v33  }
0x2b2: {  	v37 =	vadd.s32 v4, v32;
	v33 =	vld [tilespmem:s31+$0x7780];
	_ =	sdelay $0x4  }
0x2b3: {  	[tilespmem:v37+s14+$0x0] =	vst.idx.msk $0xffff, v33  }
0x2b4: {  	v38 =	vadd.s32 v5, v32;
	v33 =	vld [tilespmem:s31+$0x7790];
	_ =	sdelay $0x4  }
0x2b5: {  	[tilespmem:v38+s14+$0x0] =	vst.idx.msk $0xffff, v33  }
0x2b6: {  	v39 =	vadd.s32 v6, v32;
	v33 =	vld [tilespmem:s31+$0x7DC0];
	_ =	sdelay $0x4  }
0x2b7: {  	[tilespmem:v39+s14+$0x0] =	vst.idx.msk $0xffff, v33  }
0x2b8: {  	v40 =	vadd.s32 v7, v32;
	v33 =	vld [tilespmem:s31+$0x7DD0];
	_ =	sdelay $0x4  }
0x2b9: {  	[tilespmem:v40+s14+$0x0] =	vst.idx.msk $0xffff, v33  }
0x2ba: {  	v41 =	vadd.s32 v8, v32;
	v33 =	vld [tilespmem:s31+$0x8400];
	_ =	sdelay $0x4  }
0x2bb: {  	[tilespmem:v41+s14+$0x0] =	vst.idx.msk $0xffff, v33  }
0x2bc: {  	v42 =	vadd.s32 v9, v32;
	v33 =	vld [tilespmem:s31+$0x8410];
	_ =	sdelay $0x4  }
0x2bd: {  	[tilespmem:v42+s14+$0x0] =	vst.idx.msk $0xffff, v33  }
0x2be: {  	v43 =	vadd.s32 v10, v32;
	v33 =	vld [tilespmem:s31+$0x8A40];
	_ =	sdelay $0x4  }
0x2bf: {  	[tilespmem:v43+s14+$0x0] =	vst.idx.msk $0xffff, v33  }
0x2c0: {  	v44 =	vadd.s32 v11, v32;
	v33 =	vld [tilespmem:s31+$0x8A50];
	_ =	sdelay $0x4  }
0x2c1: {  	[tilespmem:v44+s14+$0x0] =	vst.idx.msk $0xffff, v33  }
0x2c2: {  	v45 =	vadd.s32 v12, v32;
	v33 =	vld [tilespmem:s31+$0x9080];
	_ =	sdelay $0x4  }
0x2c3: {  	[tilespmem:v45+s14+$0x0] =	vst.idx.msk $0xffff, v33  }
0x2c4: {  	v46 =	vadd.s32 v13, v32;
	v33 =	vld [tilespmem:s31+$0x9090];
	_ =	sdelay $0x4  }
0x2c5: {  	[tilespmem:v46+s14+$0x0] =	vst.idx.msk $0xffff, v33  }
0x2c6: {  	v47 =	vadd.s32 v14, v32;
	v33 =	vld [tilespmem:s31+$0x96C0];
	_ =	sdelay $0x4  }
0x2c7: {  	[tilespmem:v47+s14+$0x0] =	vst.idx.msk $0xffff, v33  }
0x2c8: {  	v48 =	vadd.s32 v15, v32;
	v33 =	vld [tilespmem:s31+$0x96D0];
	_ =	sdelay $0x4  }
0x2c9: {  	[tilespmem:v48+s14+$0x0] =	vst.idx.msk $0xffff, v33  }
0x2ca: {  	v49 =	vadd.s32 v16, v32;
	v33 =	vld [tilespmem:s31+$0x9D00];
	_ =	sdelay $0x4  }
0x2cb: {  	[tilespmem:v49+s14+$0x0] =	vst.idx.msk $0xffff, v33  }
0x2cc: {  	v50 =	vadd.s32 v17, v32;
	v33 =	vld [tilespmem:s31+$0x9D10];
	_ =	sdelay $0x4  }
0x2cd: {  	[tilespmem:v50+s14+$0x0] =	vst.idx.msk $0xffff, v33  }
0x2ce: {  	v51 =	vadd.s32 v18, v32;
	v33 =	vld [tilespmem:s31+$0xA340];
	_ =	sdelay $0x4  }
0x2cf: {  	[tilespmem:v51+s14+$0x0] =	vst.idx.msk $0xffff, v33  }
0x2d0: {  	v52 =	vadd.s32 v19, v32;
	v33 =	vld [tilespmem:s31+$0xA350];
	_ =	sdelay $0x4  }
0x2d1: {  	[tilespmem:v52+s14+$0x0] =	vst.idx.msk $0xffff, v33  }
0x2d2: {  	v53 =	vadd.s32 v20, v32;
	v33 =	vld [tilespmem:s31+$0xA980];
	_ =	sdelay $0x4  }
0x2d3: {  	[tilespmem:v53+s14+$0x0] =	vst.idx.msk $0xffff, v33  }
0x2d4: {  	v54 =	vadd.s32 v21, v32;
	v33 =	vld [tilespmem:s31+$0xA990];
	_ =	sdelay $0x4  }
0x2d5: {  	[tilespmem:v54+s14+$0x0] =	vst.idx.msk $0xffff, v33  }
0x2d6: {  	v55 =	vadd.s32 v22, v32;
	v33 =	vld [tilespmem:s31+$0xAFC0];
	_ =	sdelay $0x4  }
0x2d7: {  	[tilespmem:v55+s14+$0x0] =	vst.idx.msk $0xffff, v33  }
0x2d8: {  	v56 =	vadd.s32 v23, v32;
	v33 =	vld [tilespmem:s31+$0xAFD0];
	_ =	sdelay $0x4  }
0x2d9: {  	[tilespmem:v56+s14+$0x0] =	vst.idx.msk $0xffff, v33  }
0x2da: {  	v57 =	vadd.s32 v24, v32;
	v33 =	vld [tilespmem:s31+$0xB600];
	_ =	sdelay $0x4  }
0x2db: {  	[tilespmem:v57+s14+$0x0] =	vst.idx.msk $0xffff, v33  }
0x2dc: {  	v58 =	vadd.s32 v25, v32;
	v33 =	vld [tilespmem:s31+$0xB610];
	_ =	sdelay $0x4  }
0x2dd: {  	[tilespmem:v58+s14+$0x0] =	vst.idx.msk $0xffff, v33  }
0x2de: {  	v59 =	vadd.s32 v26, v32;
	v33 =	vld [tilespmem:s31+$0xBC40];
	_ =	sdelay $0x4  }
0x2df: {  	[tilespmem:v59+s14+$0x0] =	vst.idx.msk $0xffff, v33  }
0x2e0: {  	v60 =	vadd.s32 v27, v32;
	v33 =	vld [tilespmem:s31+$0xBC50];
	_ =	sdelay $0x4  }
0x2e1: {  	[tilespmem:v60+s14+$0x0] =	vst.idx.msk $0xffff, v33  }
0x2e2: {  	v61 =	vadd.s32 v28, v32;
	v33 =	vld [tilespmem:s31+$0xC280];
	_ =	sdelay $0x4  }
0x2e3: {  	[tilespmem:v61+s14+$0x0] =	vst.idx.msk $0xffff, v33  }
0x2e4: {  	v62 =	vadd.s32 v29, v32;
	v33 =	vld [tilespmem:s31+$0xC290];
	_ =	sdelay $0x4  }
0x2e5: {  	[tilespmem:v62+s14+$0x0] =	vst.idx.msk $0xffff, v33  }
0x2e6: {  	v63 =	vadd.s32 v30, v32;
	v33 =	vld [tilespmem:s31+$0xC8C0];
	_ =	sdelay $0x4  }
0x2e7: {  	s26 =	simm.s32 $0x1;
	[tilespmem:v63+s14+$0x0] =	vst.idx.msk $0xffff, v33  }
0x2e8: {  	s28 =	simm.s32 $0x100;
	v35 =	vmov s26;
	s25 =	simm.s32 $0x80;
	v34 =	vadd.s32 v31, v32;
	v33 =	vld [tilespmem:s31+$0xC8D0]  }
.LBB2_13:
0x2e9: {  	p1 =	sne.s32 s28, $0x1880;
	v32 =	vmul.u32 $0x300, v35;
	_ =	sdelay $0x1  }
0x2ea: {  	v32 =	vadd.s32 $0x9600, v32  }
0x2eb: {  	v32 =	vbroadcast v32, $0x0  }
0x2ec: {  	s29 =	sshra.s32 s25, $0x2;
	s25 =	smov.u32 s28;
	[tilespmem:v34+s14+$0x0] =	vst.idx.msk $0xffff, v33  }
0x2ed: {  	v33 =	vld [tilespmem:s29+$0x6B00];
	v34 =	vadd.s32 v0, v32;
	_ =	sdelay $0x4  }
0x2ee: {  	[tilespmem:v34+s14+$0x0] =	vst.idx.msk $0xffff, v33  }
0x2ef: {  	v34 =	vadd.s32 v1, v32;
	v33 =	vld [tilespmem:s29+$0x6B10];
	_ =	sdelay $0x4  }
0x2f0: {  	[tilespmem:v34+s14+$0x0] =	vst.idx.msk $0xffff, v33  }
0x2f1: {  	v34 =	vadd.s32 v2, v32;
	v33 =	vld [tilespmem:s29+$0x7140];
	_ =	sdelay $0x4  }
0x2f2: {  	[tilespmem:v34+s14+$0x0] =	vst.idx.msk $0xffff, v33  }
0x2f3: {  	v34 =	vadd.s32 v3, v32;
	v33 =	vld [tilespmem:s29+$0x7150];
	_ =	sdelay $0x4  }
0x2f4: {  	[tilespmem:v34+s14+$0x0] =	vst.idx.msk $0xffff, v33  }
0x2f5: {  	v34 =	vadd.s32 v4, v32;
	v33 =	vld [tilespmem:s29+$0x7780];
	_ =	sdelay $0x4  }
0x2f6: {  	[tilespmem:v34+s14+$0x0] =	vst.idx.msk $0xffff, v33  }
0x2f7: {  	v34 =	vadd.s32 v5, v32;
	v33 =	vld [tilespmem:s29+$0x7790];
	_ =	sdelay $0x4  }
0x2f8: {  	[tilespmem:v34+s14+$0x0] =	vst.idx.msk $0xffff, v33  }
0x2f9: {  	v34 =	vadd.s32 v6, v32;
	v33 =	vld [tilespmem:s29+$0x7DC0];
	_ =	sdelay $0x4  }
0x2fa: {  	[tilespmem:v34+s14+$0x0] =	vst.idx.msk $0xffff, v33  }
0x2fb: {  	v34 =	vadd.s32 v7, v32;
	v33 =	vld [tilespmem:s29+$0x7DD0];
	_ =	sdelay $0x4  }
0x2fc: {  	[tilespmem:v34+s14+$0x0] =	vst.idx.msk $0xffff, v33  }
0x2fd: {  	v34 =	vadd.s32 v8, v32;
	v33 =	vld [tilespmem:s29+$0x8400];
	_ =	sdelay $0x4  }
0x2fe: {  	[tilespmem:v34+s14+$0x0] =	vst.idx.msk $0xffff, v33  }
0x2ff: {  	v34 =	vadd.s32 v9, v32;
	v33 =	vld [tilespmem:s29+$0x8410];
	_ =	sdelay $0x4  }
0x300: {  	[tilespmem:v34+s14+$0x0] =	vst.idx.msk $0xffff, v33  }
0x301: {  	v34 =	vadd.s32 v10, v32;
	v33 =	vld [tilespmem:s29+$0x8A40];
	_ =	sdelay $0x4  }
0x302: {  	[tilespmem:v34+s14+$0x0] =	vst.idx.msk $0xffff, v33  }
0x303: {  	v34 =	vadd.s32 v11, v32;
	v33 =	vld [tilespmem:s29+$0x8A50];
	_ =	sdelay $0x4  }
0x304: {  	[tilespmem:v34+s14+$0x0] =	vst.idx.msk $0xffff, v33  }
0x305: {  	v34 =	vadd.s32 v12, v32;
	v33 =	vld [tilespmem:s29+$0x9080];
	_ =	sdelay $0x4  }
0x306: {  	[tilespmem:v34+s14+$0x0] =	vst.idx.msk $0xffff, v33  }
0x307: {  	v34 =	vadd.s32 v13, v32;
	v33 =	vld [tilespmem:s29+$0x9090];
	_ =	sdelay $0x4  }
0x308: {  	[tilespmem:v34+s14+$0x0] =	vst.idx.msk $0xffff, v33  }
0x309: {  	v34 =	vadd.s32 v14, v32;
	v33 =	vld [tilespmem:s29+$0x96C0];
	_ =	sdelay $0x4  }
0x30a: {  	[tilespmem:v34+s14+$0x0] =	vst.idx.msk $0xffff, v33  }
0x30b: {  	v34 =	vadd.s32 v15, v32;
	v33 =	vld [tilespmem:s29+$0x96D0];
	_ =	sdelay $0x4  }
0x30c: {  	[tilespmem:v34+s14+$0x0] =	vst.idx.msk $0xffff, v33  }
0x30d: {  	v34 =	vadd.s32 v16, v32;
	v33 =	vld [tilespmem:s29+$0x9D00];
	_ =	sdelay $0x4  }
0x30e: {  	[tilespmem:v34+s14+$0x0] =	vst.idx.msk $0xffff, v33  }
0x30f: {  	v34 =	vadd.s32 v17, v32;
	v33 =	vld [tilespmem:s29+$0x9D10];
	_ =	sdelay $0x4  }
0x310: {  	[tilespmem:v34+s14+$0x0] =	vst.idx.msk $0xffff, v33  }
0x311: {  	v34 =	vadd.s32 v18, v32;
	v33 =	vld [tilespmem:s29+$0xA340];
	_ =	sdelay $0x4  }
0x312: {  	[tilespmem:v34+s14+$0x0] =	vst.idx.msk $0xffff, v33  }
0x313: {  	v34 =	vadd.s32 v19, v32;
	v33 =	vld [tilespmem:s29+$0xA350];
	_ =	sdelay $0x4  }
0x314: {  	[tilespmem:v34+s14+$0x0] =	vst.idx.msk $0xffff, v33  }
0x315: {  	v34 =	vadd.s32 v20, v32;
	v33 =	vld [tilespmem:s29+$0xA980];
	_ =	sdelay $0x4  }
0x316: {  	[tilespmem:v34+s14+$0x0] =	vst.idx.msk $0xffff, v33  }
0x317: {  	v34 =	vadd.s32 v21, v32;
	v33 =	vld [tilespmem:s29+$0xA990];
	_ =	sdelay $0x4  }
0x318: {  	[tilespmem:v34+s14+$0x0] =	vst.idx.msk $0xffff, v33  }
0x319: {  	v34 =	vadd.s32 v22, v32;
	v33 =	vld [tilespmem:s29+$0xAFC0];
	_ =	sdelay $0x4  }
0x31a: {  	[tilespmem:v34+s14+$0x0] =	vst.idx.msk $0xffff, v33  }
0x31b: {  	v34 =	vadd.s32 v23, v32;
	v33 =	vld [tilespmem:s29+$0xAFD0];
	_ =	sdelay $0x4  }
0x31c: {  	[tilespmem:v34+s14+$0x0] =	vst.idx.msk $0xffff, v33  }
0x31d: {  	v34 =	vadd.s32 v24, v32;
	v33 =	vld [tilespmem:s29+$0xB600];
	_ =	sdelay $0x4  }
0x31e: {  	[tilespmem:v34+s14+$0x0] =	vst.idx.msk $0xffff, v33  }
0x31f: {  	v34 =	vadd.s32 v25, v32;
	v33 =	vld [tilespmem:s29+$0xB610];
	_ =	sdelay $0x4  }
0x320: {  	[tilespmem:v34+s14+$0x0] =	vst.idx.msk $0xffff, v33  }
0x321: {  	v34 =	vadd.s32 v26, v32;
	v33 =	vld [tilespmem:s29+$0xBC40];
	_ =	sdelay $0x4  }
0x322: {  	[tilespmem:v34+s14+$0x0] =	vst.idx.msk $0xffff, v33  }
0x323: {  	v34 =	vadd.s32 v27, v32;
	v33 =	vld [tilespmem:s29+$0xBC50];
	_ =	sdelay $0x4  }
0x324: {  	[tilespmem:v34+s14+$0x0] =	vst.idx.msk $0xffff, v33  }
0x325: {  	v34 =	vadd.s32 v28, v32;
	v33 =	vld [tilespmem:s29+$0xC280];
	_ =	sdelay $0x4  }
0x326: {  	[tilespmem:v34+s14+$0x0] =	vst.idx.msk $0xffff, v33  }
0x327: {  	v34 =	vadd.s32 v29, v32;
	v33 =	vld [tilespmem:s29+$0xC290];
	_ =	sdelay $0x4  }
0x328: {  	[tilespmem:v34+s14+$0x0] =	vst.idx.msk $0xffff, v33  }
0x329: {  	v34 =	vadd.s32 v30, v32;
	v33 =	vld [tilespmem:s29+$0xC8C0];
	_ =	sdelay $0x1  }
.Ltmp7:
0x32a: {  	(pc) =	sbr.rel @p1 .LBB2_13-.Ltmp7, $3  }
0x32b: {  	_ =	sdelay $0x1  }
0x32c: {  	s26 =	sadd.s32 $0x1, s26;
	[tilespmem:v34+s14+$0x0] =	vst.idx.msk $0xffff, v33  }
0x32d: {  	s28 =	sadd.s32 $0x80, s28;
	v35 =	vmov s26;
	v34 =	vadd.s32 v31, v32;
	v33 =	vld [tilespmem:s29+$0xC8D0]  }
0x32e: {  	v32 =	vmul.u32 $0x300, v35;
	_ =	sdelay $0x1  }
0x32f: {  	v32 =	vadd.s32 $0x9600, v32  }
0x330: {  	v32 =	vbroadcast v32, $0x0  }
0x331: {  	s25 =	sshra.s32 s25, $0x2;
	[tilespmem:v34+s14+$0x0] =	vst.idx.msk $0xffff, v33  }
0x332: {  	v33 =	vld [tilespmem:s25+$0x6B00];
	v61 =	vadd.s32 v0, v32;
	_ =	sdelay $0x4  }
0x333: {  	[tilespmem:v61+s14+$0x0] =	vst.idx.msk $0xffff, v33  }
0x334: {  	v62 =	vadd.s32 v1, v32;
	v33 =	vld [tilespmem:s25+$0x6B10];
	_ =	sdelay $0x4  }
0x335: {  	[tilespmem:v62+s14+$0x0] =	vst.idx.msk $0xffff, v33  }
0x336: {  	v63 =	vadd.s32 v2, v32;
	v33 =	vld [tilespmem:s25+$0x7140];
	_ =	sdelay $0x4  }
0x337: {  	[tilespmem:v63+s14+$0x0] =	vst.idx.msk $0xffff, v33  }
0x338: {  	v36 =	vadd.s32 v3, v32;
	v33 =	vld [tilespmem:s25+$0x7150];
	_ =	sdelay $0x4  }
0x339: {  	[tilespmem:v36+s14+$0x0] =	vst.idx.msk $0xffff, v33  }
0x33a: {  	v37 =	vadd.s32 v4, v32;
	v33 =	vld [tilespmem:s25+$0x7780];
	_ =	sdelay $0x4  }
0x33b: {  	[tilespmem:v37+s14+$0x0] =	vst.idx.msk $0xffff, v33  }
0x33c: {  	v38 =	vadd.s32 v5, v32;
	v33 =	vld [tilespmem:s25+$0x7790];
	_ =	sdelay $0x4  }
0x33d: {  	[tilespmem:v38+s14+$0x0] =	vst.idx.msk $0xffff, v33  }
0x33e: {  	v39 =	vadd.s32 v6, v32;
	v33 =	vld [tilespmem:s25+$0x7DC0];
	_ =	sdelay $0x4  }
0x33f: {  	[tilespmem:v39+s14+$0x0] =	vst.idx.msk $0xffff, v33  }
0x340: {  	v40 =	vadd.s32 v7, v32;
	v33 =	vld [tilespmem:s25+$0x7DD0];
	_ =	sdelay $0x4  }
0x341: {  	[tilespmem:v40+s14+$0x0] =	vst.idx.msk $0xffff, v33  }
0x342: {  	v41 =	vadd.s32 v8, v32;
	v33 =	vld [tilespmem:s25+$0x8400];
	_ =	sdelay $0x4  }
0x343: {  	[tilespmem:v41+s14+$0x0] =	vst.idx.msk $0xffff, v33  }
0x344: {  	v42 =	vadd.s32 v9, v32;
	v33 =	vld [tilespmem:s25+$0x8410];
	_ =	sdelay $0x4  }
0x345: {  	[tilespmem:v42+s14+$0x0] =	vst.idx.msk $0xffff, v33  }
0x346: {  	v43 =	vadd.s32 v10, v32;
	v33 =	vld [tilespmem:s25+$0x8A40];
	_ =	sdelay $0x4  }
0x347: {  	[tilespmem:v43+s14+$0x0] =	vst.idx.msk $0xffff, v33  }
0x348: {  	v44 =	vadd.s32 v11, v32;
	v33 =	vld [tilespmem:s25+$0x8A50];
	_ =	sdelay $0x4  }
0x349: {  	[tilespmem:v44+s14+$0x0] =	vst.idx.msk $0xffff, v33  }
0x34a: {  	v45 =	vadd.s32 v12, v32;
	v33 =	vld [tilespmem:s25+$0x9080];
	_ =	sdelay $0x4  }
0x34b: {  	[tilespmem:v45+s14+$0x0] =	vst.idx.msk $0xffff, v33  }
0x34c: {  	v46 =	vadd.s32 v13, v32;
	v33 =	vld [tilespmem:s25+$0x9090];
	_ =	sdelay $0x4  }
0x34d: {  	[tilespmem:v46+s14+$0x0] =	vst.idx.msk $0xffff, v33  }
0x34e: {  	v47 =	vadd.s32 v14, v32;
	v33 =	vld [tilespmem:s25+$0x96C0];
	_ =	sdelay $0x4  }
0x34f: {  	[tilespmem:v47+s14+$0x0] =	vst.idx.msk $0xffff, v33  }
0x350: {  	v48 =	vadd.s32 v15, v32;
	v33 =	vld [tilespmem:s25+$0x96D0];
	_ =	sdelay $0x4  }
0x351: {  	[tilespmem:v48+s14+$0x0] =	vst.idx.msk $0xffff, v33  }
0x352: {  	v49 =	vadd.s32 v16, v32;
	v33 =	vld [tilespmem:s25+$0x9D00];
	_ =	sdelay $0x4  }
0x353: {  	[tilespmem:v49+s14+$0x0] =	vst.idx.msk $0xffff, v33  }
0x354: {  	v50 =	vadd.s32 v17, v32;
	v33 =	vld [tilespmem:s25+$0x9D10];
	_ =	sdelay $0x4  }
0x355: {  	[tilespmem:v50+s14+$0x0] =	vst.idx.msk $0xffff, v33  }
0x356: {  	v51 =	vadd.s32 v18, v32;
	v33 =	vld [tilespmem:s25+$0xA340];
	_ =	sdelay $0x4  }
0x357: {  	[tilespmem:v51+s14+$0x0] =	vst.idx.msk $0xffff, v33  }
0x358: {  	v52 =	vadd.s32 v19, v32;
	v33 =	vld [tilespmem:s25+$0xA350];
	_ =	sdelay $0x4  }
0x359: {  	[tilespmem:v52+s14+$0x0] =	vst.idx.msk $0xffff, v33  }
0x35a: {  	v53 =	vadd.s32 v20, v32;
	v33 =	vld [tilespmem:s25+$0xA980];
	_ =	sdelay $0x4  }
0x35b: {  	[tilespmem:v53+s14+$0x0] =	vst.idx.msk $0xffff, v33  }
0x35c: {  	v54 =	vadd.s32 v21, v32;
	v33 =	vld [tilespmem:s25+$0xA990];
	_ =	sdelay $0x4  }
0x35d: {  	[tilespmem:v54+s14+$0x0] =	vst.idx.msk $0xffff, v33  }
0x35e: {  	v55 =	vadd.s32 v22, v32;
	v33 =	vld [tilespmem:s25+$0xAFC0];
	_ =	sdelay $0x4  }
0x35f: {  	[tilespmem:v55+s14+$0x0] =	vst.idx.msk $0xffff, v33  }
0x360: {  	v56 =	vadd.s32 v23, v32;
	v33 =	vld [tilespmem:s25+$0xAFD0];
	_ =	sdelay $0x4  }
0x361: {  	[tilespmem:v56+s14+$0x0] =	vst.idx.msk $0xffff, v33  }
0x362: {  	v57 =	vadd.s32 v24, v32;
	v33 =	vld [tilespmem:s25+$0xB600];
	_ =	sdelay $0x4  }
0x363: {  	[tilespmem:v57+s14+$0x0] =	vst.idx.msk $0xffff, v33  }
0x364: {  	v58 =	vadd.s32 v25, v32;
	v33 =	vld [tilespmem:s25+$0xB610];
	_ =	sdelay $0x4  }
0x365: {  	[tilespmem:v58+s14+$0x0] =	vst.idx.msk $0xffff, v33  }
0x366: {  	v59 =	vadd.s32 v26, v32;
	v33 =	vld [tilespmem:s25+$0xBC40];
	_ =	sdelay $0x4  }
0x367: {  	[tilespmem:v59+s14+$0x0] =	vst.idx.msk $0xffff, v33  }
0x368: {  	v60 =	vadd.s32 v27, v32;
	v33 =	vld [tilespmem:s25+$0xBC50];
	_ =	sdelay $0x4  }
0x369: {  	[tilespmem:v60+s14+$0x0] =	vst.idx.msk $0xffff, v33  }
0x36a: {  	v61 =	vadd.s32 v28, v32;
	v33 =	vld [tilespmem:s25+$0xC280];
	_ =	sdelay $0x4  }
0x36b: {  	[tilespmem:v61+s14+$0x0] =	vst.idx.msk $0xffff, v33  }
0x36c: {  	v62 =	vadd.s32 v29, v32;
	v33 =	vld [tilespmem:s25+$0xC290];
	_ =	sdelay $0x4  }
0x36d: {  	[tilespmem:v62+s14+$0x0] =	vst.idx.msk $0xffff, v33  }
0x36e: {  	v63 =	vadd.s32 v30, v32;
	v33 =	vld [tilespmem:s25+$0xC8C0];
	_ =	sdelay $0x4  }
0x36f: {  	[tilespmem:v63+s14+$0x0] =	vst.idx.msk $0xffff, v33  }
0x370: {  	s0 =	sshll.u32 s24, $0x3;
	v32 =	vadd.s32 v31, v32;
	v33 =	vld [tilespmem:s25+$0xC8D0]  }
0x371: {  	s0 =	sand.u32 $0x1FC00, s0  }
0x372: {  	s0 =	sor.u32 s0, s23  }
0x373: {  	s0 =	sshrl.u32 s0, $0x3  }
0x374: {  	s23 =	sor.u32 $0x2, s0  }
0x375: {  	s1 =	simm.s32 $0x16500;
	s0 =	sadd.s32 s2, s23;
	[tilespmem:v32+s14+$0x0] =	vst.idx.msk $0xffff, v33  }
0x376: {  	[hbm4b:s0+s4] =	stream.linear.scatter [tilespmem:s1], [sflag:$0x6], $0x10, $0x38;
	[tilespmem:$0x1FB00] =	vst v63  }
0x377: {  	s26 =	sadd.s32 $0x10, s0;
	s25 =	simm.s32 $0x16518  }
0x378: {  	[hbm4b:s26+s4] =	stream.linear.scatter [tilespmem:s25], [sflag:$0x6], $0x10, $0x38;
	[tilespmem:$0x1FB00] =	vst v63  }
0x379: {  	s30 =	simm.s32 $0x16530;
	s24 =	simm.s32 $0x300;
	s31 =	sadd.s32 $0x20, s0  }
0x37a: {  	[hbm4b:s31+s4] =	stream.linear.scatter [tilespmem:s30], [sflag:$0x6], $0x10, $0x38;
	[tilespmem:$0x1FB00] =	vst v63  }
0x37b: {  	s28 =	simm.s32 $0x165A8;
	s25 =	simm.s32 $0x16548;
	s26 =	sadd.s32 $0x30, s0  }
0x37c: {  	[hbm4b:s26+s4] =	stream.linear.scatter [tilespmem:s25], [sflag:$0x6], $0x10, $0x38;
	[tilespmem:$0x1FB00] =	vst v63  }
0x37d: {  	s29 =	sadd.s32 $0x70, s0;
	s30 =	simm.s32 $0x16560;
	s31 =	sadd.s32 $0x40, s0  }
0x37e: {  	[hbm4b:s31+s4] =	stream.linear.scatter [tilespmem:s30], [sflag:$0x6], $0x10, $0x38;
	[tilespmem:$0x1FB00] =	vst v63  }
0x37f: {  	s25 =	simm.s32 $0x16578;
	s26 =	sadd.s32 $0x50, s0;
	s30 =	simm.s32 $0x16590  }
0x380: {  	[hbm4b:s26+s4] =	stream.linear.scatter [tilespmem:s25], [sflag:$0x6], $0x10, $0x38;
	[tilespmem:$0x1FB00] =	vst v63  }
0x381: {  	s31 =	sadd.s32 $0x60, s0;
	s26 =	simm.s32 $0x1800;
	s25 =	sadd.s32 $0x10000, s0  }
0x382: {  	[hbm4b:s31+s4] =	stream.linear.scatter [tilespmem:s30], [sflag:$0x6], $0x10, $0x38;
	[tilespmem:$0x1FB00] =	vst v63  }
.LBB2_15:
0x383: {  	[hbm4b:s29+s4] =	stream.linear.scatter [tilespmem:s28], [sflag:$0x6], $0x10, $0x38;
	[tilespmem:$0x1FB00] =	vst v63  }
0x384: {  	s0 =	smov.u32 s24;
	s1 =	smov.u32 s26  }
0x385: {  	s24 =	sshra.s32 s1, $0x2;
	s1 =	sadd.s32 $0xC00, s26;
	s28 =	sadd.s32 $0x16500, s0  }
0x386: {  	[hbm4b:s25+s4] =	stream.linear.scatter [tilespmem:s28], [sflag:$0x6], $0x10, $0x38;
	[tilespmem:$0x1FB00] =	vst v63  }
0x387: {  	p1 =	sne.s32 s26, $0x24C00;
	s26 =	sadd.s32 $0x16518, s0;
	s28 =	sadd.s32 $0x10, s25  }
0x388: {  	[hbm4b:s28+s4] =	stream.linear.scatter [tilespmem:s26], [sflag:$0x6], $0x10, $0x38;
	[tilespmem:$0x1FB00] =	vst v63  }
0x389: {  	s26 =	sadd.s32 $0x16530, s0;
	s28 =	sadd.s32 $0x20, s25  }
0x38a: {  	[hbm4b:s28+s4] =	stream.linear.scatter [tilespmem:s26], [sflag:$0x6], $0x10, $0x38;
	[tilespmem:$0x1FB00] =	vst v63  }
0x38b: {  	s26 =	sadd.s32 $0x16548, s0;
	s28 =	sadd.s32 $0x30, s25  }
0x38c: {  	[hbm4b:s28+s4] =	stream.linear.scatter [tilespmem:s26], [sflag:$0x6], $0x10, $0x38;
	[tilespmem:$0x1FB00] =	vst v63  }
0x38d: {  	s26 =	sadd.s32 $0x16560, s0;
	s28 =	sadd.s32 $0x40, s25  }
0x38e: {  	[hbm4b:s28+s4] =	stream.linear.scatter [tilespmem:s26], [sflag:$0x6], $0x10, $0x38;
	[tilespmem:$0x1FB00] =	vst v63  }
.Ltmp8:
0x38f: {  	s26 =	sadd.s32 $0x16578, s0;
	s28 =	sadd.s32 $0x50, s25;
	(pc) =	sbr.rel @p1 .LBB2_15-.Ltmp8, $4  }
0x390: {  	[hbm4b:s28+s4] =	stream.linear.scatter [tilespmem:s26], [sflag:$0x6], $0x10, $0x38;
	[tilespmem:$0x1FB00] =	vst v63  }
0x391: {  	s29 =	sadd.s32 $0x70, s25;
	s26 =	sadd.s32 $0x16590, s0;
	s28 =	sadd.s32 $0x60, s25  }
0x392: {  	[hbm4b:s28+s4] =	stream.linear.scatter [tilespmem:s26], [sflag:$0x6], $0x10, $0x38;
	[tilespmem:$0x1FB00] =	vst v63  }
0x393: {  	s25 =	sadd.s32 $0x10000, s25;
	s28 =	sadd.s32 $0x165A8, s0;
	s26 =	smov.u32 s1  }
0x394: {  	[hbm4b:s29+s4] =	stream.linear.scatter [tilespmem:s28], [sflag:$0x6], $0x10, $0x38;
	[tilespmem:$0x1FB00] =	vst v63  }
0x395: {  	s0 =	sadd.s32 $0x16500, s24  }
0x396: {  	[hbm4b:s25+s4] =	stream.linear.scatter [tilespmem:s0], [sflag:$0x6], $0x10, $0x38;
	[tilespmem:$0x1FB00] =	vst v63  }
0x397: {  	s31 =	sadd.s32 $0x16518, s24;
	s1 =	sadd.s32 $0x10, s25  }
0x398: {  	[hbm4b:s1+s4] =	stream.linear.scatter [tilespmem:s31], [sflag:$0x6], $0x10, $0x38;
	[tilespmem:$0x1FB00] =	vst v63  }
0x399: {  	s26 =	sadd.s32 $0x20, s25;
	s1 =	sadd.s32 $0x16530, s24  }
0x39a: {  	[hbm4b:s26+s4] =	stream.linear.scatter [tilespmem:s1], [sflag:$0x6], $0x10, $0x38;
	[tilespmem:$0x1FB00] =	vst v63  }
0x39b: {  	s30 =	sadd.s32 $0x16548, s24;
	s31 =	sadd.s32 $0x30, s25  }
0x39c: {  	[hbm4b:s31+s4] =	stream.linear.scatter [tilespmem:s30], [sflag:$0x6], $0x10, $0x38;
	[tilespmem:$0x1FB00] =	vst v63  }
0x39d: {  	s1 =	sadd.s32 $0x16560, s24;
	s26 =	sadd.s32 $0x40, s25  }
0x39e: {  	[hbm4b:s26+s4] =	stream.linear.scatter [tilespmem:s1], [sflag:$0x6], $0x10, $0x38;
	[tilespmem:$0x1FB00] =	vst v63  }
0x39f: {  	s30 =	sadd.s32 $0x16578, s24;
	s31 =	sadd.s32 $0x50, s25  }
0x3a0: {  	[hbm4b:s31+s4] =	stream.linear.scatter [tilespmem:s30], [sflag:$0x6], $0x10, $0x38;
	[tilespmem:$0x1FB00] =	vst v63  }
0x3a1: {  	s1 =	sadd.s32 $0x16590, s24;
	s26 =	sadd.s32 $0x60, s25  }
0x3a2: {  	[hbm4b:s26+s4] =	stream.linear.scatter [tilespmem:s1], [sflag:$0x6], $0x10, $0x38;
	[tilespmem:$0x1FB00] =	vst v63  }
0x3a3: {  	s30 =	sadd.s32 $0x165A8, s24;
	s31 =	sadd.s32 $0x70, s25  }
0x3a4: {  	[hbm4b:s31+s4] =	stream.linear.scatter [tilespmem:s30], [sflag:$0x6], $0x10, $0x38;
	[tilespmem:$0x1FB00] =	vst v63  }
0x3a5: {  	s0 =	sadd.s32 s23, s10;
	s24 =	simm.s32 $0x165C0  }
0x3a6: {  	[hbm4b:s0+s4] =	stream.linear.scatter [tilespmem:s24], [sflag:$0x6], $0x10, $0x38;
	[tilespmem:$0x1FB00] =	vst v63  }
0x3a7: {  	s25 =	simm.s32 $0x165D8;
	s26 =	sadd.s32 $0x10, s0  }
0x3a8: {  	[hbm4b:s26+s4] =	stream.linear.scatter [tilespmem:s25], [sflag:$0x6], $0x10, $0x38;
	[tilespmem:$0x1FB00] =	vst v63  }
0x3a9: {  	s28 =	simm.s32 $0x16668;
	s30 =	simm.s32 $0x165F0;
	s31 =	sadd.s32 $0x20, s0  }
0x3aa: {  	[hbm4b:s31+s4] =	stream.linear.scatter [tilespmem:s30], [sflag:$0x6], $0x10, $0x38;
	[tilespmem:$0x1FB00] =	vst v63  }
0x3ab: {  	s29 =	sadd.s32 $0x70, s0;
	s25 =	simm.s32 $0x16608;
	s26 =	sadd.s32 $0x30, s0  }
0x3ac: {  	[hbm4b:s26+s4] =	stream.linear.scatter [tilespmem:s25], [sflag:$0x6], $0x10, $0x38;
	[tilespmem:$0x1FB00] =	vst v63  }
0x3ad: {  	s24 =	simm.s32 $0x300;
	s30 =	simm.s32 $0x16620;
	s31 =	sadd.s32 $0x40, s0  }
0x3ae: {  	[hbm4b:s31+s4] =	stream.linear.scatter [tilespmem:s30], [sflag:$0x6], $0x10, $0x38;
	[tilespmem:$0x1FB00] =	vst v63  }
0x3af: {  	s25 =	simm.s32 $0x16638;
	s26 =	sadd.s32 $0x50, s0;
	s30 =	simm.s32 $0x16650  }
0x3b0: {  	[hbm4b:s26+s4] =	stream.linear.scatter [tilespmem:s25], [sflag:$0x6], $0x10, $0x38;
	[tilespmem:$0x1FB00] =	vst v63  }
0x3b1: {  	s31 =	sadd.s32 $0x60, s0;
	s26 =	simm.s32 $0x1800;
	s25 =	sadd.s32 $0x10000, s0  }
0x3b2: {  	[hbm4b:s31+s4] =	stream.linear.scatter [tilespmem:s30], [sflag:$0x6], $0x10, $0x38;
	[tilespmem:$0x1FB00] =	vst v63  }
.LBB2_17:
0x3b3: {  	[hbm4b:s29+s4] =	stream.linear.scatter [tilespmem:s28], [sflag:$0x6], $0x10, $0x38;
	[tilespmem:$0x1FB00] =	vst v63  }
0x3b4: {  	s0 =	smov.u32 s24;
	s1 =	smov.u32 s26  }
0x3b5: {  	s24 =	sshra.s32 s1, $0x2;
	s1 =	sadd.s32 $0xC00, s26;
	s28 =	sadd.s32 $0x165C0, s0  }
0x3b6: {  	[hbm4b:s25+s4] =	stream.linear.scatter [tilespmem:s28], [sflag:$0x6], $0x10, $0x38;
	[tilespmem:$0x1FB00] =	vst v63  }
0x3b7: {  	p1 =	sne.s32 s26, $0x24C00;
	s26 =	sadd.s32 $0x165D8, s0;
	s28 =	sadd.s32 $0x10, s25  }
0x3b8: {  	[hbm4b:s28+s4] =	stream.linear.scatter [tilespmem:s26], [sflag:$0x6], $0x10, $0x38;
	[tilespmem:$0x1FB00] =	vst v63  }
0x3b9: {  	s26 =	sadd.s32 $0x165F0, s0;
	s28 =	sadd.s32 $0x20, s25  }
0x3ba: {  	[hbm4b:s28+s4] =	stream.linear.scatter [tilespmem:s26], [sflag:$0x6], $0x10, $0x38;
	[tilespmem:$0x1FB00] =	vst v63  }
0x3bb: {  	s26 =	sadd.s32 $0x16608, s0;
	s28 =	sadd.s32 $0x30, s25  }
0x3bc: {  	[hbm4b:s28+s4] =	stream.linear.scatter [tilespmem:s26], [sflag:$0x6], $0x10, $0x38;
	[tilespmem:$0x1FB00] =	vst v63  }
0x3bd: {  	s26 =	sadd.s32 $0x16620, s0;
	s28 =	sadd.s32 $0x40, s25  }
0x3be: {  	[hbm4b:s28+s4] =	stream.linear.scatter [tilespmem:s26], [sflag:$0x6], $0x10, $0x38;
	[tilespmem:$0x1FB00] =	vst v63  }
.Ltmp9:
0x3bf: {  	s26 =	sadd.s32 $0x16638, s0;
	s28 =	sadd.s32 $0x50, s25;
	(pc) =	sbr.rel @p1 .LBB2_17-.Ltmp9, $4  }
0x3c0: {  	[hbm4b:s28+s4] =	stream.linear.scatter [tilespmem:s26], [sflag:$0x6], $0x10, $0x38;
	[tilespmem:$0x1FB00] =	vst v63  }
0x3c1: {  	s29 =	sadd.s32 $0x70, s25;
	s26 =	sadd.s32 $0x16650, s0;
	s28 =	sadd.s32 $0x60, s25  }
0x3c2: {  	[hbm4b:s28+s4] =	stream.linear.scatter [tilespmem:s26], [sflag:$0x6], $0x10, $0x38;
	[tilespmem:$0x1FB00] =	vst v63  }
0x3c3: {  	s25 =	sadd.s32 $0x10000, s25;
	s28 =	sadd.s32 $0x16668, s0;
	s26 =	smov.u32 s1  }
0x3c4: {  	[hbm4b:s29+s4] =	stream.linear.scatter [tilespmem:s28], [sflag:$0x6], $0x10, $0x38;
	[tilespmem:$0x1FB00] =	vst v63  }
0x3c5: {  	s0 =	sadd.s32 $0x165C0, s24  }
0x3c6: {  	[hbm4b:s25+s4] =	stream.linear.scatter [tilespmem:s0], [sflag:$0x6], $0x10, $0x38;
	[tilespmem:$0x1FB00] =	vst v63  }
0x3c7: {  	s31 =	sadd.s32 $0x165D8, s24;
	s1 =	sadd.s32 $0x10, s25  }
0x3c8: {  	[hbm4b:s1+s4] =	stream.linear.scatter [tilespmem:s31], [sflag:$0x6], $0x10, $0x38;
	[tilespmem:$0x1FB00] =	vst v63  }
0x3c9: {  	s26 =	sadd.s32 $0x20, s25;
	s1 =	sadd.s32 $0x165F0, s24  }
0x3ca: {  	[hbm4b:s26+s4] =	stream.linear.scatter [tilespmem:s1], [sflag:$0x6], $0x10, $0x38;
	[tilespmem:$0x1FB00] =	vst v63  }
0x3cb: {  	s30 =	sadd.s32 $0x16608, s24;
	s31 =	sadd.s32 $0x30, s25  }
0x3cc: {  	[hbm4b:s31+s4] =	stream.linear.scatter [tilespmem:s30], [sflag:$0x6], $0x10, $0x38;
	[tilespmem:$0x1FB00] =	vst v63  }
0x3cd: {  	s1 =	sadd.s32 $0x16620, s24;
	s26 =	sadd.s32 $0x40, s25  }
0x3ce: {  	[hbm4b:s26+s4] =	stream.linear.scatter [tilespmem:s1], [sflag:$0x6], $0x10, $0x38;
	[tilespmem:$0x1FB00] =	vst v63  }
0x3cf: {  	s30 =	sadd.s32 $0x16638, s24;
	s31 =	sadd.s32 $0x50, s25  }
0x3d0: {  	[hbm4b:s31+s4] =	stream.linear.scatter [tilespmem:s30], [sflag:$0x6], $0x10, $0x38;
	[tilespmem:$0x1FB00] =	vst v63  }
0x3d1: {  	s1 =	sadd.s32 $0x16650, s24;
	s26 =	sadd.s32 $0x60, s25  }
0x3d2: {  	[hbm4b:s26+s4] =	stream.linear.scatter [tilespmem:s1], [sflag:$0x6], $0x10, $0x38;
	[tilespmem:$0x1FB00] =	vst v63  }
0x3d3: {  	s30 =	sadd.s32 $0x16668, s24;
	s31 =	sadd.s32 $0x70, s25  }
0x3d4: {  	[hbm4b:s31+s4] =	stream.linear.scatter [tilespmem:s30], [sflag:$0x6], $0x10, $0x38;
	[tilespmem:$0x1FB00] =	vst v63  }
0x3d5: {  	s0 =	sadd.s32 s23, s11;
	s24 =	simm.s32 $0x16680  }
0x3d6: {  	[hbm4b:s0+s4] =	stream.linear.scatter [tilespmem:s24], [sflag:$0x6], $0x10, $0x38;
	[tilespmem:$0x1FB00] =	vst v63  }
0x3d7: {  	s25 =	simm.s32 $0x16698;
	s26 =	sadd.s32 $0x10, s0  }
0x3d8: {  	[hbm4b:s26+s4] =	stream.linear.scatter [tilespmem:s25], [sflag:$0x6], $0x10, $0x38;
	[tilespmem:$0x1FB00] =	vst v63  }
0x3d9: {  	s28 =	simm.s32 $0x16728;
	s30 =	simm.s32 $0x166B0;
	s31 =	sadd.s32 $0x20, s0  }
0x3da: {  	[hbm4b:s31+s4] =	stream.linear.scatter [tilespmem:s30], [sflag:$0x6], $0x10, $0x38;
	[tilespmem:$0x1FB00] =	vst v63  }
0x3db: {  	s29 =	sadd.s32 $0x70, s0;
	s25 =	simm.s32 $0x166C8;
	s26 =	sadd.s32 $0x30, s0  }
0x3dc: {  	[hbm4b:s26+s4] =	stream.linear.scatter [tilespmem:s25], [sflag:$0x6], $0x10, $0x38;
	[tilespmem:$0x1FB00] =	vst v63  }
0x3dd: {  	s24 =	simm.s32 $0x300;
	s30 =	simm.s32 $0x166E0;
	s31 =	sadd.s32 $0x40, s0  }
0x3de: {  	[hbm4b:s31+s4] =	stream.linear.scatter [tilespmem:s30], [sflag:$0x6], $0x10, $0x38;
	[tilespmem:$0x1FB00] =	vst v63  }
0x3df: {  	s25 =	simm.s32 $0x166F8;
	s26 =	sadd.s32 $0x50, s0;
	s30 =	simm.s32 $0x16710  }
0x3e0: {  	[hbm4b:s26+s4] =	stream.linear.scatter [tilespmem:s25], [sflag:$0x6], $0x10, $0x38;
	[tilespmem:$0x1FB00] =	vst v63  }
0x3e1: {  	s31 =	sadd.s32 $0x60, s0;
	s26 =	simm.s32 $0x1800;
	s25 =	sadd.s32 $0x10000, s0  }
0x3e2: {  	[hbm4b:s31+s4] =	stream.linear.scatter [tilespmem:s30], [sflag:$0x6], $0x10, $0x38;
	[tilespmem:$0x1FB00] =	vst v63  }
.LBB2_19:
0x3e3: {  	[hbm4b:s29+s4] =	stream.linear.scatter [tilespmem:s28], [sflag:$0x6], $0x10, $0x38;
	[tilespmem:$0x1FB00] =	vst v63  }
0x3e4: {  	s0 =	smov.u32 s24;
	s1 =	smov.u32 s26  }
0x3e5: {  	s24 =	sshra.s32 s1, $0x2;
	s1 =	sadd.s32 $0xC00, s26;
	s28 =	sadd.s32 $0x16680, s0  }
0x3e6: {  	[hbm4b:s25+s4] =	stream.linear.scatter [tilespmem:s28], [sflag:$0x6], $0x10, $0x38;
	[tilespmem:$0x1FB00] =	vst v63  }
0x3e7: {  	p1 =	sne.s32 s26, $0x24C00;
	s26 =	sadd.s32 $0x16698, s0;
	s28 =	sadd.s32 $0x10, s25  }
0x3e8: {  	[hbm4b:s28+s4] =	stream.linear.scatter [tilespmem:s26], [sflag:$0x6], $0x10, $0x38;
	[tilespmem:$0x1FB00] =	vst v63  }
0x3e9: {  	s26 =	sadd.s32 $0x166B0, s0;
	s28 =	sadd.s32 $0x20, s25  }
0x3ea: {  	[hbm4b:s28+s4] =	stream.linear.scatter [tilespmem:s26], [sflag:$0x6], $0x10, $0x38;
	[tilespmem:$0x1FB00] =	vst v63  }
0x3eb: {  	s26 =	sadd.s32 $0x166C8, s0;
	s28 =	sadd.s32 $0x30, s25  }
0x3ec: {  	[hbm4b:s28+s4] =	stream.linear.scatter [tilespmem:s26], [sflag:$0x6], $0x10, $0x38;
	[tilespmem:$0x1FB00] =	vst v63  }
0x3ed: {  	s26 =	sadd.s32 $0x166E0, s0;
	s28 =	sadd.s32 $0x40, s25  }
0x3ee: {  	[hbm4b:s28+s4] =	stream.linear.scatter [tilespmem:s26], [sflag:$0x6], $0x10, $0x38;
	[tilespmem:$0x1FB00] =	vst v63  }
.Ltmp10:
0x3ef: {  	s26 =	sadd.s32 $0x166F8, s0;
	s28 =	sadd.s32 $0x50, s25;
	(pc) =	sbr.rel @p1 .LBB2_19-.Ltmp10, $4  }
0x3f0: {  	[hbm4b:s28+s4] =	stream.linear.scatter [tilespmem:s26], [sflag:$0x6], $0x10, $0x38;
	[tilespmem:$0x1FB00] =	vst v63  }
0x3f1: {  	s29 =	sadd.s32 $0x70, s25;
	s26 =	sadd.s32 $0x16710, s0;
	s28 =	sadd.s32 $0x60, s25  }
0x3f2: {  	[hbm4b:s28+s4] =	stream.linear.scatter [tilespmem:s26], [sflag:$0x6], $0x10, $0x38;
	[tilespmem:$0x1FB00] =	vst v63  }
0x3f3: {  	s25 =	sadd.s32 $0x10000, s25;
	s28 =	sadd.s32 $0x16728, s0;
	s26 =	smov.u32 s1  }
0x3f4: {  	[hbm4b:s29+s4] =	stream.linear.scatter [tilespmem:s28], [sflag:$0x6], $0x10, $0x38;
	[tilespmem:$0x1FB00] =	vst v63  }
0x3f5: {  	s0 =	sadd.s32 $0x16680, s24  }
0x3f6: {  	[hbm4b:s25+s4] =	stream.linear.scatter [tilespmem:s0], [sflag:$0x6], $0x10, $0x38;
	[tilespmem:$0x1FB00] =	vst v63  }
0x3f7: {  	s31 =	sadd.s32 $0x16698, s24;
	s1 =	sadd.s32 $0x10, s25  }
0x3f8: {  	[hbm4b:s1+s4] =	stream.linear.scatter [tilespmem:s31], [sflag:$0x6], $0x10, $0x38;
	[tilespmem:$0x1FB00] =	vst v63  }
0x3f9: {  	s26 =	sadd.s32 $0x166B0, s24;
	s29 =	sadd.s32 $0x20, s25  }
0x3fa: {  	[hbm4b:s29+s4] =	stream.linear.scatter [tilespmem:s26], [sflag:$0x6], $0x10, $0x38;
	[tilespmem:$0x1FB00] =	vst v63  }
0x3fb: {  	s30 =	sadd.s32 $0x166C8, s24;
	s31 =	sadd.s32 $0x30, s25  }
0x3fc: {  	[hbm4b:s31+s4] =	stream.linear.scatter [tilespmem:s30], [sflag:$0x6], $0x10, $0x38;
	[tilespmem:$0x1FB00] =	vst v63  }
0x3fd: {  	s26 =	sadd.s32 $0x166E0, s24;
	s29 =	sadd.s32 $0x40, s25  }
0x3fe: {  	[hbm4b:s29+s4] =	stream.linear.scatter [tilespmem:s26], [sflag:$0x6], $0x10, $0x38;
	[tilespmem:$0x1FB00] =	vst v63  }
0x3ff: {  	s30 =	sadd.s32 $0x166F8, s24;
	s31 =	sadd.s32 $0x50, s25  }
0x400: {  	[hbm4b:s31+s4] =	stream.linear.scatter [tilespmem:s30], [sflag:$0x6], $0x10, $0x38;
	[tilespmem:$0x1FB00] =	vst v63  }
0x401: {  	s26 =	sadd.s32 $0x16710, s24;
	s29 =	sadd.s32 $0x60, s25  }
0x402: {  	[hbm4b:s29+s4] =	stream.linear.scatter [tilespmem:s26], [sflag:$0x6], $0x10, $0x38;
	[tilespmem:$0x1FB00] =	vst v63  }
0x403: {  	s30 =	sadd.s32 $0x16728, s24;
	s31 =	sadd.s32 $0x70, s25  }
0x404: {  	[hbm4b:s31+s4] =	stream.linear.scatter [tilespmem:s30], [sflag:$0x6], $0x10, $0x38;
	[tilespmem:$0x1FB00] =	vst v63  }
0x405: {  	s0 =	sadd.s32 s23, s12;
	s24 =	simm.s32 $0x16740  }
0x406: {  	[hbm4b:s0+s4] =	stream.linear.scatter [tilespmem:s24], [sflag:$0x6], $0x10, $0x38;
	[tilespmem:$0x1FB00] =	vst v63  }
0x407: {  	s23 =	sadd.s32 $0x10, s0;
	s25 =	simm.s32 $0x16758  }
0x408: {  	[hbm4b:s23+s4] =	stream.linear.scatter [tilespmem:s25], [sflag:$0x6], $0x10, $0x38;
	[tilespmem:$0x1FB00] =	vst v63  }
0x409: {  	s28 =	sadd.s32 $0x70, s0;
	s26 =	simm.s32 $0x16770;
	s29 =	sadd.s32 $0x20, s0  }
0x40a: {  	[hbm4b:s29+s4] =	stream.linear.scatter [tilespmem:s26], [sflag:$0x6], $0x10, $0x38;
	[tilespmem:$0x1FB00] =	vst v63  }
0x40b: {  	s30 =	simm.s32 $0x16788;
	s31 =	sadd.s32 $0x30, s0;
	s24 =	simm.s32 $0x167A0  }
0x40c: {  	[hbm4b:s31+s4] =	stream.linear.scatter [tilespmem:s30], [sflag:$0x6], $0x10, $0x38;
	[tilespmem:$0x1FB00] =	vst v63  }
0x40d: {  	s25 =	sadd.s32 $0x40, s0;
	s23 =	simm.s32 $0x300;
	s26 =	simm.s32 $0x167B8  }
0x40e: {  	[hbm4b:s25+s4] =	stream.linear.scatter [tilespmem:s24], [sflag:$0x6], $0x10, $0x38;
	[tilespmem:$0x1FB00] =	vst v63  }
0x40f: {  	s29 =	sadd.s32 $0x50, s0;
	s30 =	simm.s32 $0x167D0;
	s31 =	sadd.s32 $0x60, s0  }
0x410: {  	[hbm4b:s29+s4] =	stream.linear.scatter [tilespmem:s26], [sflag:$0x6], $0x10, $0x38;
	[tilespmem:$0x1FB00] =	vst v63  }
0x411: {  	s25 =	simm.s32 $0x1800;
	s24 =	sadd.s32 $0x10000, s0;
	s26 =	simm.s32 $0x167E8  }
0x412: {  	[hbm4b:s31+s4] =	stream.linear.scatter [tilespmem:s30], [sflag:$0x6], $0x10, $0x38;
	[tilespmem:$0x1FB00] =	vst v63  }
.LBB2_21:
0x413: {  	[hbm4b:s28+s4] =	stream.linear.scatter [tilespmem:s26], [sflag:$0x6], $0x10, $0x38;
	[tilespmem:$0x1FB00] =	vst v63  }
0x414: {  	s0 =	smov.u32 s23;
	s1 =	smov.u32 s25  }
0x415: {  	s23 =	sshra.s32 s1, $0x2;
	s1 =	sadd.s32 $0xC00, s25;
	s26 =	sadd.s32 $0x16740, s0  }
0x416: {  	[hbm4b:s24+s4] =	stream.linear.scatter [tilespmem:s26], [sflag:$0x6], $0x10, $0x38;
	[tilespmem:$0x1FB00] =	vst v63  }
0x417: {  	p1 =	sne.s32 s25, $0x24C00;
	s25 =	sadd.s32 $0x16758, s0;
	s26 =	sadd.s32 $0x10, s24  }
0x418: {  	[hbm4b:s26+s4] =	stream.linear.scatter [tilespmem:s25], [sflag:$0x6], $0x10, $0x38;
	[tilespmem:$0x1FB00] =	vst v63  }
0x419: {  	s25 =	sadd.s32 $0x16770, s0;
	s26 =	sadd.s32 $0x20, s24  }
0x41a: {  	[hbm4b:s26+s4] =	stream.linear.scatter [tilespmem:s25], [sflag:$0x6], $0x10, $0x38;
	[tilespmem:$0x1FB00] =	vst v63  }
0x41b: {  	s25 =	sadd.s32 $0x16788, s0;
	s26 =	sadd.s32 $0x30, s24  }
0x41c: {  	[hbm4b:s26+s4] =	stream.linear.scatter [tilespmem:s25], [sflag:$0x6], $0x10, $0x38;
	[tilespmem:$0x1FB00] =	vst v63  }
0x41d: {  	s25 =	sadd.s32 $0x167A0, s0;
	s26 =	sadd.s32 $0x40, s24  }
0x41e: {  	[hbm4b:s26+s4] =	stream.linear.scatter [tilespmem:s25], [sflag:$0x6], $0x10, $0x38;
	[tilespmem:$0x1FB00] =	vst v63  }
.Ltmp11:
0x41f: {  	s25 =	sadd.s32 $0x167B8, s0;
	s26 =	sadd.s32 $0x50, s24;
	(pc) =	sbr.rel @p1 .LBB2_21-.Ltmp11, $4  }
0x420: {  	[hbm4b:s26+s4] =	stream.linear.scatter [tilespmem:s25], [sflag:$0x6], $0x10, $0x38;
	[tilespmem:$0x1FB00] =	vst v63  }
0x421: {  	s28 =	sadd.s32 $0x70, s24;
	s25 =	sadd.s32 $0x167D0, s0;
	s26 =	sadd.s32 $0x60, s24  }
0x422: {  	[hbm4b:s26+s4] =	stream.linear.scatter [tilespmem:s25], [sflag:$0x6], $0x10, $0x38;
	[tilespmem:$0x1FB00] =	vst v63  }
0x423: {  	s24 =	sadd.s32 $0x10000, s24;
	s26 =	sadd.s32 $0x167E8, s0;
	s25 =	smov.u32 s1  }
0x424: {  	[hbm4b:s28+s4] =	stream.linear.scatter [tilespmem:s26], [sflag:$0x6], $0x10, $0x38;
	[tilespmem:$0x1FB00] =	vst v63  }
0x425: {  	s0 =	sadd.s32 $0x16740, s23  }
0x426: {  	[hbm4b:s24+s4] =	stream.linear.scatter [tilespmem:s0], [sflag:$0x6], $0x10, $0x38;
	[tilespmem:$0x1FB00] =	vst v63  }
0x427: {  	s31 =	sadd.s32 $0x16758, s23;
	s1 =	sadd.s32 $0x10, s24  }
0x428: {  	[hbm4b:s1+s4] =	stream.linear.scatter [tilespmem:s31], [sflag:$0x6], $0x10, $0x38;
	[tilespmem:$0x1FB00] =	vst v63  }
0x429: {  	s25 =	sadd.s32 $0x16770, s23;
	s26 =	sadd.s32 $0x20, s24  }
0x42a: {  	[hbm4b:s26+s4] =	stream.linear.scatter [tilespmem:s25], [sflag:$0x6], $0x10, $0x38;
	[tilespmem:$0x1FB00] =	vst v63  }
0x42b: {  	s28 =	sadd.s32 $0x16788, s23;
	s29 =	sadd.s32 $0x30, s24  }
0x42c: {  	[hbm4b:s29+s4] =	stream.linear.scatter [tilespmem:s28], [sflag:$0x6], $0x10, $0x38;
	[tilespmem:$0x1FB00] =	vst v63  }
0x42d: {  	s30 =	sadd.s32 $0x167A0, s23;
	s31 =	sadd.s32 $0x40, s24  }
0x42e: {  	[hbm4b:s31+s4] =	stream.linear.scatter [tilespmem:s30], [sflag:$0x6], $0x10, $0x38;
	[tilespmem:$0x1FB00] =	vst v63  }
0x42f: {  	s25 =	sadd.s32 $0x167B8, s23;
	s26 =	sadd.s32 $0x50, s24  }
0x430: {  	[hbm4b:s26+s4] =	stream.linear.scatter [tilespmem:s25], [sflag:$0x6], $0x10, $0x38;
	[tilespmem:$0x1FB00] =	vst v63  }
.Ltmp12:
0x431: {  	_ = 	snop;
	(pc) =	sbr.rel @p0 .LBB2_24-.Ltmp12, $4  }
0x432: {  	s28 =	sadd.s32 $0x167D0, s23;
	s29 =	sadd.s32 $0x60, s24  }
0x433: {  	[hbm4b:s29+s4] =	stream.linear.scatter [tilespmem:s28], [sflag:$0x6], $0x10, $0x38;
	[tilespmem:$0x1FB00] =	vst v63  }
0x434: {  	s30 =	sadd.s32 $0x167E8, s23;
	s31 =	sadd.s32 $0x70, s24  }
0x435: {  	[hbm4b:s31+s4] =	stream.linear.scatter [tilespmem:s30], [sflag:$0x6], $0x10, $0x38;
	[tilespmem:$0x1FB00] =	vst v63  }
.Ltmp13:
0x436: {  	s0 =	sadd.s32 s22, s13;
	(pc) =	sbr.rel .LBB2_2-.Ltmp13, $3  }
0x437: {  	s0 =	smul.u32 $0x7, s0;
	_ =	sdelay $0x1  }
0x438: {  	s21 =	sadd.s32 $0x1, s21;
	s0 =	sadd.s32 s5, s0  }
0x439: {  	[tilespmem:s15], [sflag:$0x2] =	stream.linear.gather [hbm4b:s0+s4], $0x380, $0x38;
	[tilespmem:$0x1FB00] =	vst v63  }
.LBB2_25:
0x43a: {  	_ =	sfence.sel $0x180000  }
0x43b: {  	[bflag:$0x0] =	sbarrier.arrive $0xFFFF  }
0x43c: {  	_ =	strace $0x90000047  }
0x43d: {  	s0 =	stileid.u32;
	[bflag:$0x2] =	sbarrier.arrive $0xFFFF  }
0x43e: {  	p0 =	sne.s32 s0, $0x0;
	s0 =	rddreg [dreg:$0x2]  }
0x43f: {  	s0 =	sadd.s32 @!p0 $0x100000, s0  }
0x440: {  	[sflag:s0] =	ssyncadd.tile.s32 @!p0 $0x1;
	_ =	shalt  }
.Lfunc_end2:
_tile_overlayer_lowered:
.L_overlay_start_2:
0x441: {  	(tag) =	ssettag $0x2  }
0x442: {  	s0 =	rddreg [dreg:$0x0];
	s2 =	stileid.u32  }
0x443: {  	s1 =	rddreg [dreg:$0x1];
	p0 =	sne.s32 s2, $0x0  }
0x444: {  	s3 =	rddreg [dreg:$0x2];
	[bflag:$0x3] =	sbarrier.arrive $0xFFFF;
	s2 =	simm.s32 @!p0 $0x1C07  }
0x445: {  	[timem:s3], [sflag:s2] =	dma.local @!p0 [hbm:s0], s1  }
0x446: {  	s0 =	simm.s32 @!p0 $0x7  }
0x447: {  	_ =	swait.ge @!p0 [sflag:s0], s1  }
0x448: {  	s1 =	ssub.s32 @!p0 $0x0, s1;
	[sflag:s0] =	ssyncset.done @!p0 $0x0  }
0x449: {  	[sflag:s0] =	ssyncadd.s32 @!p0 s1  }
0x44a: {  	[bflag:$0x3] =	sbarrier.arrive $0xFFFF  }
0x44b: {  	_ =	shalt  }

</sc_bundles>
